<compile_context>
chip_gen: v7x
topology: tpu7x:2x2x1
jax: 0.10.2.dev20260603
libtpu: 0.0.44.dev20260713+nightly
codegen_flags: <defaults>
</compile_context>

<pallas_src>
import functools

import jax
import jax.numpy as jnp
from jax import lax
from jax.experimental import pallas as pl
from jax.experimental.pallas import tpu as pltpu
from jax.experimental.pallas import tpu_sc as plsc

N = 10000
E = 160000
D_IN = 256
D_HID = 512
CH = 128
NCH = D_HID // CH
NC = 2
NS = 16
K = 125
KP = 80
EPT = E // NS
NB_P = EPT // KP
NB_D = E // (NC * NS) // K
RPT = N // NS
ALPHA = 0.1

_mesh = plsc.VectorSubcoreMesh(core_axis_name="c", subcore_axis_name="s")


CH_D = 128


@functools.partial(
    pl.kernel,
    mesh=_mesh,
    out_type=jax.ShapeDtypeStruct((NC, NS, RPT, CH_D), jnp.float32),
    scratch_types=[
        pltpu.VMEM((NB_D, K), jnp.int32),
        pltpu.VMEM((K, CH_D), jnp.float32),
        pltpu.VMEM((K, CH_D), jnp.float32),
        pltpu.VMEM_SHARED((N, CH_D), jnp.float32),
        pltpu.SemaphoreType.DMA,
    ],
)
def _deg_kernel(col_hbm, deg_out, col_v, ones_v, zer_v, acc, sem):
    cid = lax.axis_index("c")
    sid = lax.axis_index("s")
    wid = cid * NS + sid
    pltpu.sync_copy(col_hbm.at[wid], col_v)

    def _fill(i, carry):
        for j in range(CH_D // 16):
            ones_v[i, pl.ds(j * 16, 16)] = jnp.ones((16,), jnp.float32)
            zer_v[i, pl.ds(j * 16, 16)] = jnp.zeros((16,), jnp.float32)
        return carry

    lax.fori_loop(0, K, _fill, 0)

    def _zero(z, carry):
        pltpu.sync_copy(zer_v, acc.at[pl.ds(sid * RPT + z * K, K)])
        return carry

    lax.fori_loop(0, RPT // K, _zero, 0)
    plsc.subcore_barrier()

    def _scatter(b, carry):
        pltpu.sync_copy(ones_v, acc.at[col_v.at[b]], add=True)
        return carry

    lax.fori_loop(0, NB_D, _scatter, 0)
    plsc.subcore_barrier()
    pltpu.sync_copy(acc.at[pl.ds(sid * RPT, RPT)], deg_out.at[cid, sid])


@functools.partial(
    pl.kernel,
    mesh=_mesh,
    out_type=[jax.ShapeDtypeStruct((NS, RPT, CH), jnp.float32)] * NCH,
    scratch_types=[
        pltpu.VMEM((EPT,), jnp.int32),
        pltpu.VMEM((NB_P, KP), jnp.int32),
        pltpu.VMEM((KP, CH), jnp.float32),
        pltpu.VMEM((KP, CH), jnp.float32),
        pltpu.VMEM_SHARED((N, CH), jnp.float32),
        pltpu.SemaphoreType.DMA,
        pltpu.SemaphoreType.DMA,
        pltpu.SemaphoreType.DMA,
        pltpu.SemaphoreType.DMA,
    ],
)
def _prop_kernel(row_hbm, col_hbm, hs0, hs1, hs2, hs3,
                 a0, a1, a2, a3, row_v, col_v, buf0, buf1, acc,
                 sem0, sem1, ssem0, ssem1):
    cid = lax.axis_index("c")
    sid = lax.axis_index("s")
    pltpu.sync_copy(row_hbm.at[pl.ds(sid * EPT, EPT)], row_v)
    pltpu.sync_copy(col_hbm.at[sid], col_v)

    def _ridx(b):
        return row_v.at[pl.ds(b * KP, KP)]

    def _zero_own_rows():
        def _fill_zer(i, carry):
            for j in range(CH // 16):
                buf0[i, pl.ds(j * 16, 16)] = jnp.zeros((16,), jnp.float32)
            return carry

        lax.fori_loop(0, KP, _fill_zer, 0)

        def _zero(z, carry):
            pltpu.sync_copy(buf0, acc.at[pl.ds(sid * RPT + z * KP, KP)])
            return carry

        lax.fori_loop(0, RPT // KP, _zero, 0)
        rem = RPT - (RPT // KP) * KP
        if rem:
            pltpu.sync_copy(buf0.at[pl.ds(0, rem)],
                            acc.at[pl.ds(sid * RPT + RPT - rem, rem)])

    hs_list = [hs0, hs1, hs2, hs3]
    out_list = [a0, a1, a2, a3]
    CPC = NCH // NC
    for c in range(NCH):
        @pl.when(cid == c // CPC)
        def _(c=c):
            hs = hs_list[c]
            if c % CPC == 0:
                _zero_own_rows()
            plsc.subcore_barrier()

            pltpu.async_copy(hs.at[_ridx(0)], buf0, sem0)

            def _edge_pair(g, carry):
                b0 = 2 * g
                pltpu.make_async_copy(hs.at[_ridx(b0)], buf0, sem0).wait()
                pltpu.async_copy(hs.at[_ridx(b0 + 1)], buf1, sem1)
                pltpu.sync_copy(buf0, acc.at[col_v.at[b0]], add=True)
                pltpu.async_copy(hs.at[_ridx(b0 + 2)], buf0, sem0)
                pltpu.make_async_copy(hs.at[_ridx(b0 + 1)], buf1, sem1).wait()
                pltpu.sync_copy(buf1, acc.at[col_v.at[b0 + 1]], add=True)
                return carry

            lax.fori_loop(0, NB_P // 2, _edge_pair, 0)
            pltpu.make_async_copy(hs.at[_ridx(NB_P - 1)], buf0, sem0).wait()
            pltpu.sync_copy(buf0, acc.at[col_v.at[NB_P - 1]], add=True)
            plsc.subcore_barrier()
            pltpu.sync_copy(acc.at[pl.ds(sid * RPT, RPT)], out_list[c].at[sid])
            if c % CPC != CPC - 1:
                _zero_own_rows()


_BM = 1000
_GM = N // _BM


def _tc_mm_body(x_ref, w_ref, b_ref, h_ref):
    h_ref[...] = lax.dot_general(x_ref[...], w_ref[...], (((1,), (1,)), ((), ())),
                                 preferred_element_type=jnp.float32) + b_ref[...]


def _tc_mm(x, w, b2):
    return pl.pallas_call(
        _tc_mm_body,
        grid=(_GM,),
        in_specs=[
            pl.BlockSpec((_BM, D_IN), lambda m: (m, 0)),
            pl.BlockSpec((D_HID, D_IN), lambda m: (0, 0)),
            pl.BlockSpec((1, D_HID), lambda m: (0, 0)),
        ],
        out_specs=pl.BlockSpec((_BM, D_HID), lambda m: (m, 0)),
        out_shape=jax.ShapeDtypeStruct((N, D_HID), jnp.float32),
    )(x, w, b2)


def _tc_scale_body(deg_ref, h_ref, dinv_ref, *hs_refs):
    deg = jnp.sum(deg_ref[...], axis=0)[:, 0:1] + 1.0
    dinv = lax.rsqrt(deg)
    dinv_ref[...] = dinv
    hs = h_ref[...] * dinv
    for c in range(NCH):
        hs_refs[c][...] = hs[:, c * CH:(c + 1) * CH]


def _tc_scale(deg, h):
    return pl.pallas_call(
        _tc_scale_body,
        grid=(_GM,),
        in_specs=[
            pl.BlockSpec((NC, _BM, CH_D), lambda m: (0, m, 0)),
            pl.BlockSpec((_BM, D_HID), lambda m: (m, 0)),
        ],
        out_specs=[
            pl.BlockSpec((_BM, 1), lambda m: (m, 0)),
        ] + [pl.BlockSpec((_BM, CH), lambda m: (m, 0))] * NCH,
        out_shape=[
            jax.ShapeDtypeStruct((N, 1), jnp.float32),
        ] + [jax.ShapeDtypeStruct((N, CH), jnp.float32)] * NCH,
    )(deg, h)


def _mix_body(dinv_ref, h_ref, a0, a1, a2, a3, out_ref, *hs_refs):
    dinv = dinv_ref[...]
    agg = jnp.concatenate([a0[...], a1[...], a2[...], a3[...]], axis=1)
    out = (1.0 - ALPHA) * dinv * agg + ((1.0 - ALPHA) * dinv * dinv + ALPHA) * h_ref[...]
    out_ref[...] = out
    if hs_refs:
        hs = dinv * out
        for c in range(NCH):
            hs_refs[c][...] = hs[:, c * CH:(c + 1) * CH]


def _mix(dinv, h, aggs, want_hs):
    n_hs = NCH if want_hs else 0
    return pl.pallas_call(
        _mix_body,
        grid=(_GM,),
        in_specs=[
            pl.BlockSpec((_BM, 1), lambda m: (m, 0)),
            pl.BlockSpec((_BM, D_HID), lambda m: (m, 0)),
        ] + [pl.BlockSpec((_BM, CH), lambda m: (m, 0))] * NCH,
        out_specs=[pl.BlockSpec((_BM, D_HID), lambda m: (m, 0))]
        + [pl.BlockSpec((_BM, CH), lambda m: (m, 0))] * n_hs,
        out_shape=[jax.ShapeDtypeStruct((N, D_HID), jnp.float32)]
        + [jax.ShapeDtypeStruct((N, CH), jnp.float32)] * n_hs,
    )(dinv, h, *aggs)


def kernel(x, edge_index, W, b):
    ei = edge_index.astype(jnp.int32)
    row = ei[0]
    col = ei[1].reshape(NS, NB_P, KP)
    col_d = ei[1].reshape(NC * NS, NB_D, K)

    deg_p = _deg_kernel(col_d)
    h = _tc_mm(x, W, b.reshape(1, D_HID))
    dinv, *hs = _tc_scale(deg_p.reshape(NC, N, CH_D), h)
    agg1 = _prop_kernel(row, col, *hs)
    x1, *hs2 = _mix(dinv, h, [a.reshape(N, CH) for a in agg1], want_hs=True)
    agg2 = _prop_kernel(row, col, *hs2)
    (x2,) = _mix(dinv, x1, [a.reshape(N, CH) for a in agg2], want_hs=False)
    return (x1, x2)

# --- scband reference (transcript-rebuilt; emitter-appended) ---
"""Pipeline reference for scband-appnpencoder-84731114816419 (READ-ONLY COPY).

The authoritative reference and input builder live on the scoring server;
editing this copy changes nothing except your own understanding.
"""

import jax, jax.numpy as jnp
import numpy as np

N = 10000
E = 160000
IN_CH = 256
HID = 512
ALPHA = 0.1


def _appnp_step(x, edge_index, alpha=ALPHA):
    # PyG APPNP with K=1: gcn_norm with self-loops, one propagation, then residual mix
    n = x.shape[0]
    row = edge_index[0]
    col = edge_index[1]
    loop = jnp.arange(n, dtype=row.dtype)
    row = jnp.concatenate([row, loop])
    col = jnp.concatenate([col, loop])
    ones = jnp.ones(row.shape[0], dtype=x.dtype)
    deg = jnp.zeros((n,), dtype=x.dtype).at[col].add(ones)
    deg_inv_sqrt = jnp.where(deg > 0, deg ** -0.5, 0.0)
    norm = deg_inv_sqrt[row] * deg_inv_sqrt[col]
    h = x
    msg = norm[:, None] * jnp.take(x, row, axis=0)
    agg = jnp.zeros_like(x).at[col].add(msg)
    return agg * (1.0 - alpha) + alpha * h


def setup_inputs(seed: int = 0) -> dict:
    key = jax.random.key(seed)
    k1, k2, k3, k4 = jax.random.split(key, 4)
    x = jax.random.normal(k1, (N, IN_CH), dtype=jnp.float32)
    edge_index = jax.random.randint(k2, (2, E), 0, N)
    W = jax.random.normal(k3, (HID, IN_CH), dtype=jnp.float32) * (1.0 / np.sqrt(IN_CH))
    b = jax.random.normal(k4, (HID,), dtype=jnp.float32) * 0.01
    return {"x": x, "edge_index": edge_index, "W": W, "b": b}


def reference(x, edge_index, W, b):
    # lin1
    h = x @ W.T + b
    # dropout is identity in eval mode
    x1 = _appnp_step(h, edge_index)
    x2 = _appnp_step(x1, edge_index)
    return (x1, x2)

if __name__ == "__main__":
    import jax
    _d = setup_inputs()
    print(jax.jit(kernel)(*tuple(_d.values())))

</pallas_src>

<mosaic_0001>
#map = affine_map<(d0, d1) -> (0, 0, 0)>
#map1 = affine_map<(d0, d1) -> (0, 0, 0, 0)>
module attributes {stable_mosaic.version = 14 : i64} {
  func.func @_deg_kernel(%arg0: i32, %arg1: i32, %arg2: memref<32x40x125xi32, #tpu.memory_space<hbm>>, %arg3: memref<2x16x625x128xf32, #tpu.memory_space<hbm>>, %arg4: memref<40x125xi32, #tpu.memory_space<vmem>>, %arg5: memref<125x128xf32, #tpu.memory_space<vmem>>, %arg6: memref<125x128xf32, #tpu.memory_space<vmem>>, %arg7: memref<10000x128xf32, #tpu.memory_space<vmem_shared>>, %arg8: memref<!tpu.dma_semaphore, #tpu.memory_space<semaphore_mem>>) attributes {dimension_semantics = [#tpu.dimension_semantics<core_parallel>, #tpu.dimension_semantics<subcore_parallel>], iteration_bounds = array<i64: 2, 16>, scalar_prefetch = 0 : i64, scratch_operands = 5 : i64, tpu.core_type = #tpu.core_type<sc_vector_subcore>, window_params = [{transform_indices = #map}, {transform_indices = #map1}]} {
    %mul3A = arith.constant 16 : i32
    %mul3A_0 = arith.muli %arg0, %mul3A : i32
    %add3A = arith.addi %mul3A_0, %arg1 : i32
    "tpu.region"() ({
      %run_scoped3A = tpu.sem_alloc : memref<!tpu.dma_semaphore, #tpu.memory_space<semaphore_mem>>
      %dma_start3A = arith.constant 0 : i32
      %dma_start3A_21 = arith.constant 0 : i32
      %dma_start3A_22 = tpu.memref_slice %arg2[%add3A, %dma_start3A, %dma_start3A_21] : memref<32x40x125xi32, #tpu.memory_space<hbm>> -> memref<1x40x125xi32, #tpu.memory_space<hbm>>
      %dma_start3A_23 = tpu.memref_squeeze %dma_start3A_22 : memref<1x40x125xi32, #tpu.memory_space<hbm>> -> memref<40x125xi32, #tpu.memory_space<hbm>>
      %dma_start3A_24 = arith.constant 0 : i32
      %dma_start3A_25 = arith.constant 0 : i32
      %dma_start3A_26 = tpu.memref_slice %arg2[%add3A, %dma_start3A_24, %dma_start3A_25] : memref<32x40x125xi32, #tpu.memory_space<hbm>> -> memref<1x40x125xi32, #tpu.memory_space<hbm>>
      %dma_start3A_27 = tpu.memref_squeeze %dma_start3A_26 : memref<1x40x125xi32, #tpu.memory_space<hbm>> -> memref<40x125xi32, #tpu.memory_space<hbm>>
      tpu.enqueue_dma source(%dma_start3A_27 : memref<40x125xi32, #tpu.memory_space<hbm>>) target(%arg4 : memref<40x125xi32, #tpu.memory_space<vmem>>) target_semaphore(%run_scoped3A : memref<!tpu.dma_semaphore, #tpu.memory_space<semaphore_mem>>)
      %dma_wait3A = arith.constant 0 : i32
      %dma_wait3A_28 = arith.constant 0 : i32
      %dma_wait3A_29 = tpu.memref_slice %arg2[%add3A, %dma_wait3A, %dma_wait3A_28] : memref<32x40x125xi32, #tpu.memory_space<hbm>> -> memref<1x40x125xi32, #tpu.memory_space<hbm>>
      %dma_wait3A_30 = tpu.memref_squeeze %dma_wait3A_29 : memref<1x40x125xi32, #tpu.memory_space<hbm>> -> memref<40x125xi32, #tpu.memory_space<hbm>>
      %dma_wait3A_31 = arith.constant 0 : i32
      %dma_wait3A_32 = arith.constant 0 : i32
      %dma_wait3A_33 = tpu.memref_slice %arg2[%add3A, %dma_wait3A_31, %dma_wait3A_32] : memref<32x40x125xi32, #tpu.memory_space<hbm>> -> memref<1x40x125xi32, #tpu.memory_space<hbm>>
      %dma_wait3A_34 = tpu.memref_squeeze %dma_wait3A_33 : memref<1x40x125xi32, #tpu.memory_space<hbm>> -> memref<40x125xi32, #tpu.memory_space<hbm>>
      tpu.wait_dma2 semaphore(%run_scoped3A : memref<!tpu.dma_semaphore, #tpu.memory_space<semaphore_mem>>) src(%dma_wait3A_34 : memref<40x125xi32, #tpu.memory_space<hbm>>) dst(%arg4 : memref<40x125xi32, #tpu.memory_space<vmem>>)
      tpu.yield
    }) : () -> ()
    %scan3A = arith.constant 0 : i32
    %scan3A_1 = arith.constant 0 : i32
    %scan3A_2 = arith.constant 125 : i32
    %scan3A_3 = arith.addi %scan3A_1, %scan3A_2 : i32
    %scan3A_4 = arith.constant 1 : i32
    scf.for %scan3A_21 = %scan3A_1 to %scan3A_3 step %scan3A_4  : i32 {
      %broadcast_in_dim3A = arith.constant 1.000000e+00 : f32
      %broadcast_in_dim3A_22 = vector.broadcast %broadcast_in_dim3A : f32 to vector<16xf32>
      %swap3A = arith.index_cast %scan3A_21 : i32 to index
      %swap3A_23 = arith.constant 0 : index
      %swap3A_24 = tpu.vector_load %arg5[%swap3A, %swap3A_23] {strides = array<i32>} : memref<125x128xf32, #tpu.memory_space<vmem>>, vector<1x16xf32>,
      %swap3A_25 = vector.shape_cast %swap3A_24 : vector<1x16xf32> to vector<16xf32>
      %swap3A_26 = vector.shape_cast %broadcast_in_dim3A_22 : vector<16xf32> to vector<1x16xf32>
      tpu.vector_store %arg5[%swap3A, %swap3A_23], %swap3A_26 {strides = array<i32>} : memref<125x128xf32, #tpu.memory_space<vmem>>, vector<1x16xf32>,
      %broadcast_in_dim3A_27 = arith.constant 0.000000e+00 : f32
      %broadcast_in_dim3A_28 = vector.broadcast %broadcast_in_dim3A_27 : f32 to vector<16xf32>
      %swap3A_29 = arith.index_cast %scan3A_21 : i32 to index
      %swap3A_30 = arith.constant 0 : index
      %swap3A_31 = tpu.vector_load %arg6[%swap3A_29, %swap3A_30] {strides = array<i32>} : memref<125x128xf32, #tpu.memory_space<vmem>>, vector<1x16xf32>,
      %swap3A_32 = vector.shape_cast %swap3A_31 : vector<1x16xf32> to vector<16xf32>
      %swap3A_33 = vector.shape_cast %broadcast_in_dim3A_28 : vector<16xf32> to vector<1x16xf32>
      tpu.vector_store %arg6[%swap3A_29, %swap3A_30], %swap3A_33 {strides = array<i32>} : memref<125x128xf32, #tpu.memory_space<vmem>>, vector<1x16xf32>,
      %broadcast_in_dim3A_34 = arith.constant 1.000000e+00 : f32
      %broadcast_in_dim3A_35 = vector.broadcast %broadcast_in_dim3A_34 : f32 to vector<16xf32>
      %swap3A_36 = arith.index_cast %scan3A_21 : i32 to index
      %swap3A_37 = arith.constant 16 : index
      %swap3A_38 = tpu.vector_load %arg5[%swap3A_36, %swap3A_37] {strides = array<i32>} : memref<125x128xf32, #tpu.memory_space<vmem>>, vector<1x16xf32>,
      %swap3A_39 = vector.shape_cast %swap3A_38 : vector<1x16xf32> to vector<16xf32>
      %swap3A_40 = vector.shape_cast %broadcast_in_dim3A_35 : vector<16xf32> to vector<1x16xf32>
      tpu.vector_store %arg5[%swap3A_36, %swap3A_37], %swap3A_40 {strides = array<i32>} : memref<125x128xf32, #tpu.memory_space<vmem>>, vector<1x16xf32>,
      %broadcast_in_dim3A_41 = arith.constant 0.000000e+00 : f32
      %broadcast_in_dim3A_42 = vector.broadcast %broadcast_in_dim3A_41 : f32 to vector<16xf32>
      %swap3A_43 = arith.index_cast %scan3A_21 : i32 to index
      %swap3A_44 = arith.constant 16 : index
      %swap3A_45 = tpu.vector_load %arg6[%swap3A_43, %swap3A_44] {strides = array<i32>} : memref<125x128xf32, #tpu.memory_space<vmem>>, vector<1x16xf32>,
      %swap3A_46 = vector.shape_cast %swap3A_45 : vector<1x16xf32> to vector<16xf32>
      %swap3A_47 = vector.shape_cast %broadcast_in_dim3A_42 : vector<16xf32> to vector<1x16xf32>
      tpu.vector_store %arg6[%swap3A_43, %swap3A_44], %swap3A_47 {strides = array<i32>} : memref<125x128xf32, #tpu.memory_space<vmem>>, vector<1x16xf32>,
      %broadcast_in_dim3A_48 = arith.constant 1.000000e+00 : f32
      %broadcast_in_dim3A_49 = vector.broadcast %broadcast_in_dim3A_48 : f32 to vector<16xf32>
      %swap3A_50 = arith.index_cast %scan3A_21 : i32 to index
      %swap3A_51 = arith.constant 32 : index
      %swap3A_52 = tpu.vector_load %arg5[%swap3A_50, %swap3A_51] {strides = array<i32>} : memref<125x128xf32, #tpu.memory_space<vmem>>, vector<1x16xf32>,
      %swap3A_53 = vector.shape_cast %swap3A_52 : vector<1x16xf32> to vector<16xf32>
      %swap3A_54 = vector.shape_cast %broadcast_in_dim3A_49 : vector<16xf32> to vector<1x16xf32>
      tpu.vector_store %arg5[%swap3A_50, %swap3A_51], %swap3A_54 {strides = array<i32>} : memref<125x128xf32, #tpu.memory_space<vmem>>, vector<1x16xf32>,
      %broadcast_in_dim3A_55 = arith.constant 0.000000e+00 : f32
      %broadcast_in_dim3A_56 = vector.broadcast %broadcast_in_dim3A_55 : f32 to vector<16xf32>
      %swap3A_57 = arith.index_cast %scan3A_21 : i32 to index
      %swap3A_58 = arith.constant 32 : index
      %swap3A_59 = tpu.vector_load %arg6[%swap3A_57, %swap3A_58] {strides = array<i32>} : memref<125x128xf32, #tpu.memory_space<vmem>>, vector<1x16xf32>,
      %swap3A_60 = vector.shape_cast %swap3A_59 : vector<1x16xf32> to vector<16xf32>
      %swap3A_61 = vector.shape_cast %broadcast_in_dim3A_56 : vector<16xf32> to vector<1x16xf32>
      tpu.vector_store %arg6[%swap3A_57, %swap3A_58], %swap3A_61 {strides = array<i32>} : memref<125x128xf32, #tpu.memory_space<vmem>>, vector<1x16xf32>,
      %broadcast_in_dim3A_62 = arith.constant 1.000000e+00 : f32
      %broadcast_in_dim3A_63 = vector.broadcast %broadcast_in_dim3A_62 : f32 to vector<16xf32>
      %swap3A_64 = arith.index_cast %scan3A_21 : i32 to index
      %swap3A_65 = arith.constant 48 : index
      %swap3A_66 = tpu.vector_load %arg5[%swap3A_64, %swap3A_65] {strides = array<i32>} : memref<125x128xf32, #tpu.memory_space<vmem>>, vector<1x16xf32>,
      %swap3A_67 = vector.shape_cast %swap3A_66 : vector<1x16xf32> to vector<16xf32>
      %swap3A_68 = vector.shape_cast %broadcast_in_dim3A_63 : vector<16xf32> to vector<1x16xf32>
      tpu.vector_store %arg5[%swap3A_64, %swap3A_65], %swap3A_68 {strides = array<i32>} : memref<125x128xf32, #tpu.memory_space<vmem>>, vector<1x16xf32>,
      %broadcast_in_dim3A_69 = arith.constant 0.000000e+00 : f32
      %broadcast_in_dim3A_70 = vector.broadcast %broadcast_in_dim3A_69 : f32 to vector<16xf32>
      %swap3A_71 = arith.index_cast %scan3A_21 : i32 to index
      %swap3A_72 = arith.constant 48 : index
      %swap3A_73 = tpu.vector_load %arg6[%swap3A_71, %swap3A_72] {strides = array<i32>} : memref<125x128xf32, #tpu.memory_space<vmem>>, vector<1x16xf32>,
      %swap3A_74 = vector.shape_cast %swap3A_73 : vector<1x16xf32> to vector<16xf32>
      %swap3A_75 = vector.shape_cast %broadcast_in_dim3A_70 : vector<16xf32> to vector<1x16xf32>
      tpu.vector_store %arg6[%swap3A_71, %swap3A_72], %swap3A_75 {strides = array<i32>} : memref<125x128xf32, #tpu.memory_space<vmem>>, vector<1x16xf32>,
      %broadcast_in_dim3A_76 = arith.constant 1.000000e+00 : f32
      %broadcast_in_dim3A_77 = vector.broadcast %broadcast_in_dim3A_76 : f32 to vector<16xf32>
      %swap3A_78 = arith.index_cast %scan3A_21 : i32 to index
      %swap3A_79 = arith.constant 64 : index
      %swap3A_80 = tpu.vector_load %arg5[%swap3A_78, %swap3A_79] {strides = array<i32>} : memref<125x128xf32, #tpu.memory_space<vmem>>, vector<1x16xf32>,
      %swap3A_81 = vector.shape_cast %swap3A_80 : vector<1x16xf32> to vector<16xf32>
      %swap3A_82 = vector.shape_cast %broadcast_in_dim3A_77 : vector<16xf32> to vector<1x16xf32>
      tpu.vector_store %arg5[%swap3A_78, %swap3A_79], %swap3A_82 {strides = array<i32>} : memref<125x128xf32, #tpu.memory_space<vmem>>, vector<1x16xf32>,
      %broadcast_in_dim3A_83 = arith.constant 0.000000e+00 : f32
      %broadcast_in_dim3A_84 = vector.broadcast %broadcast_in_dim3A_83 : f32 to vector<16xf32>
      %swap3A_85 = arith.index_cast %scan3A_21 : i32 to index
      %swap3A_86 = arith.constant 64 : index
      %swap3A_87 = tpu.vector_load %arg6[%swap3A_85, %swap3A_86] {strides = array<i32>} : memref<125x128xf32, #tpu.memory_space<vmem>>, vector<1x16xf32>,
      %swap3A_88 = vector.shape_cast %swap3A_87 : vector<1x16xf32> to vector<16xf32>
      %swap3A_89 = vector.shape_cast %broadcast_in_dim3A_84 : vector<16xf32> to vector<1x16xf32>
      tpu.vector_store %arg6[%swap3A_85, %swap3A_86], %swap3A_89 {strides = array<i32>} : memref<125x128xf32, #tpu.memory_space<vmem>>, vector<1x16xf32>,
      %broadcast_in_dim3A_90 = arith.constant 1.000000e+00 : f32
      %broadcast_in_dim3A_91 = vector.broadcast %broadcast_in_dim3A_90 : f32 to vector<16xf32>
      %swap3A_92 = arith.index_cast %scan3A_21 : i32 to index
      %swap3A_93 = arith.constant 80 : index
      %swap3A_94 = tpu.vector_load %arg5[%swap3A_92, %swap3A_93] {strides = array<i32>} : memref<125x128xf32, #tpu.memory_space<vmem>>, vector<1x16xf32>,
      %swap3A_95 = vector.shape_cast %swap3A_94 : vector<1x16xf32> to vector<16xf32>
      %swap3A_96 = vector.shape_cast %broadcast_in_dim3A_91 : vector<16xf32> to vector<1x16xf32>
      tpu.vector_store %arg5[%swap3A_92, %swap3A_93], %swap3A_96 {strides = array<i32>} : memref<125x128xf32, #tpu.memory_space<vmem>>, vector<1x16xf32>,
      %broadcast_in_dim3A_97 = arith.constant 0.000000e+00 : f32
      %broadcast_in_dim3A_98 = vector.broadcast %broadcast_in_dim3A_97 : f32 to vector<16xf32>
      %swap3A_99 = arith.index_cast %scan3A_21 : i32 to index
      %swap3A_100 = arith.constant 80 : index
      %swap3A_101 = tpu.vector_load %arg6[%swap3A_99, %swap3A_100] {strides = array<i32>} : memref<125x128xf32, #tpu.memory_space<vmem>>, vector<1x16xf32>,
      %swap3A_102 = vector.shape_cast %swap3A_101 : vector<1x16xf32> to vector<16xf32>
      %swap3A_103 = vector.shape_cast %broadcast_in_dim3A_98 : vector<16xf32> to vector<1x16xf32>
      tpu.vector_store %arg6[%swap3A_99, %swap3A_100], %swap3A_103 {strides = array<i32>} : memref<125x128xf32, #tpu.memory_space<vmem>>, vector<1x16xf32>,
      %broadcast_in_dim3A_104 = arith.constant 1.000000e+00 : f32
      %broadcast_in_dim3A_105 = vector.broadcast %broadcast_in_dim3A_104 : f32 to vector<16xf32>
      %swap3A_106 = arith.index_cast %scan3A_21 : i32 to index
      %swap3A_107 = arith.constant 96 : index
      %swap3A_108 = tpu.vector_load %arg5[%swap3A_106, %swap3A_107] {strides = array<i32>} : memref<125x128xf32, #tpu.memory_space<vmem>>, vector<1x16xf32>,
      %swap3A_109 = vector.shape_cast %swap3A_108 : vector<1x16xf32> to vector<16xf32>
      %swap3A_110 = vector.shape_cast %broadcast_in_dim3A_105 : vector<16xf32> to vector<1x16xf32>
      tpu.vector_store %arg5[%swap3A_106, %swap3A_107], %swap3A_110 {strides = array<i32>} : memref<125x128xf32, #tpu.memory_space<vmem>>, vector<1x16xf32>,
      %broadcast_in_dim3A_111 = arith.constant 0.000000e+00 : f32
      %broadcast_in_dim3A_112 = vector.broadcast %broadcast_in_dim3A_111 : f32 to vector<16xf32>
      %swap3A_113 = arith.index_cast %scan3A_21 : i32 to index
      %swap3A_114 = arith.constant 96 : index
      %swap3A_115 = tpu.vector_load %arg6[%swap3A_113, %swap3A_114] {strides = array<i32>} : memref<125x128xf32, #tpu.memory_space<vmem>>, vector<1x16xf32>,
      %swap3A_116 = vector.shape_cast %swap3A_115 : vector<1x16xf32> to vector<16xf32>
      %swap3A_117 = vector.shape_cast %broadcast_in_dim3A_112 : vector<16xf32> to vector<1x16xf32>
      tpu.vector_store %arg6[%swap3A_113, %swap3A_114], %swap3A_117 {strides = array<i32>} : memref<125x128xf32, #tpu.memory_space<vmem>>, vector<1x16xf32>,
      %broadcast_in_dim3A_118 = arith.constant 1.000000e+00 : f32
      %broadcast_in_dim3A_119 = vector.broadcast %broadcast_in_dim3A_118 : f32 to vector<16xf32>
      %swap3A_120 = arith.index_cast %scan3A_21 : i32 to index
      %swap3A_121 = arith.constant 112 : index
      %swap3A_122 = tpu.vector_load %arg5[%swap3A_120, %swap3A_121] {strides = array<i32>} : memref<125x128xf32, #tpu.memory_space<vmem>>, vector<1x16xf32>,
      %swap3A_123 = vector.shape_cast %swap3A_122 : vector<1x16xf32> to vector<16xf32>
      %swap3A_124 = vector.shape_cast %broadcast_in_dim3A_119 : vector<16xf32> to vector<1x16xf32>
      tpu.vector_store %arg5[%swap3A_120, %swap3A_121], %swap3A_124 {strides = array<i32>} : memref<125x128xf32, #tpu.memory_space<vmem>>, vector<1x16xf32>,
      %broadcast_in_dim3A_125 = arith.constant 0.000000e+00 : f32
      %broadcast_in_dim3A_126 = vector.broadcast %broadcast_in_dim3A_125 : f32 to vector<16xf32>
      %swap3A_127 = arith.index_cast %scan3A_21 : i32 to index
      %swap3A_128 = arith.constant 112 : index
      %swap3A_129 = tpu.vector_load %arg6[%swap3A_127, %swap3A_128] {strides = array<i32>} : memref<125x128xf32, #tpu.memory_space<vmem>>, vector<1x16xf32>,
      %swap3A_130 = vector.shape_cast %swap3A_129 : vector<1x16xf32> to vector<16xf32>
      %swap3A_131 = vector.shape_cast %broadcast_in_dim3A_126 : vector<16xf32> to vector<1x16xf32>
      tpu.vector_store %arg6[%swap3A_127, %swap3A_128], %swap3A_131 {strides = array<i32>} : memref<125x128xf32, #tpu.memory_space<vmem>>, vector<1x16xf32>,
    }
    %scan3A_5 = arith.constant 125 : i32
    %scan3A_6 = arith.constant 0 : i32
    %scan3A_7 = arith.constant 0 : i32
    %scan3A_8 = arith.constant 5 : i32
    %scan3A_9 = arith.addi %scan3A_7, %scan3A_8 : i32
    %scan3A_10 = arith.constant 1 : i32
    scf.for %scan3A_21 = %scan3A_7 to %scan3A_9 step %scan3A_10  : i32 {
      %mul3A_22 = arith.constant 625 : i32
      %mul3A_23 = arith.muli %arg1, %mul3A_22 : i32
      %mul3A_24 = arith.constant 125 : i32
      %mul3A_25 = arith.muli %scan3A_21, %mul3A_24 : i32
      %add3A_26 = arith.addi %mul3A_23, %mul3A_25 : i32
      "tpu.region"() ({
        %run_scoped3A = tpu.sem_alloc : memref<!tpu.dma_semaphore, #tpu.memory_space<semaphore_mem>>
        %dma_start3A = arith.constant 0 : i32
        %dma_start3A_27 = tpu.memref_slice %arg7[%add3A_26, %dma_start3A] : memref<10000x128xf32, #tpu.memory_space<vmem_shared>> -> memref<125x128xf32, #tpu.memory_space<vmem_shared>>
        %dma_start3A_28 = arith.constant 0 : i32
        %dma_start3A_29 = tpu.memref_slice %arg7[%add3A_26, %dma_start3A_28] : memref<10000x128xf32, #tpu.memory_space<vmem_shared>> -> memref<125x128xf32, #tpu.memory_space<vmem_shared>>
        tpu.enqueue_dma source(%arg6 : memref<125x128xf32, #tpu.memory_space<vmem>>) target(%dma_start3A_29 : memref<125x128xf32, #tpu.memory_space<vmem_shared>>) target_semaphore(%run_scoped3A : memref<!tpu.dma_semaphore, #tpu.memory_space<semaphore_mem>>)
        %dma_wait3A = arith.constant 0 : i32
        %dma_wait3A_30 = tpu.memref_slice %arg7[%add3A_26, %dma_wait3A] : memref<10000x128xf32, #tpu.memory_space<vmem_shared>> -> memref<125x128xf32, #tpu.memory_space<vmem_shared>>
        %dma_wait3A_31 = arith.constant 0 : i32
        %dma_wait3A_32 = tpu.memref_slice %arg7[%add3A_26, %dma_wait3A_31] : memref<10000x128xf32, #tpu.memory_space<vmem_shared>> -> memref<125x128xf32, #tpu.memory_space<vmem_shared>>
        tpu.wait_dma2 semaphore(%run_scoped3A : memref<!tpu.dma_semaphore, #tpu.memory_space<semaphore_mem>>) src(%arg6 : memref<125x128xf32, #tpu.memory_space<vmem>>) dst(%dma_wait3A_32 : memref<125x128xf32, #tpu.memory_space<vmem_shared>>)
        tpu.yield
      }) : () -> ()
    }
    %scan3A_11 = arith.constant 5 : i32
    %barrier3A = arith.constant 0 : index
    tpu.barrier barrier_id(%barrier3A)
    %scan3A_12 = arith.constant 0 : i32
    %scan3A_13 = arith.constant 0 : i32
    %scan3A_14 = arith.constant 40 : i32
    %scan3A_15 = arith.addi %scan3A_13, %scan3A_14 : i32
    %scan3A_16 = arith.constant 1 : i32
    scf.for %scan3A_21 = %scan3A_13 to %scan3A_15 step %scan3A_16  : i32 {
      "tpu.region"() ({
        %run_scoped3A = tpu.sem_alloc : memref<!tpu.dma_semaphore, #tpu.memory_space<semaphore_mem>>
        %dma_start3A = arith.constant 0 : i32
        %dma_start3A_22 = tpu.memref_slice %arg4[%scan3A_21, %dma_start3A] : memref<40x125xi32, #tpu.memory_space<vmem>> -> memref<1x125xi32, #tpu.memory_space<vmem>>
        %dma_start3A_23 = tpu.memref_squeeze %dma_start3A_22 : memref<1x125xi32, #tpu.memory_space<vmem>> -> memref<125xi32, #tpu.memory_space<vmem>>
        %dma_start3A_24 = arith.constant 0 : i32
        %dma_start3A_25 = arith.constant 0 : i32
        %dma_start3A_26 = tpu.memref_slice %arg7[%dma_start3A_24, %dma_start3A_25] : memref<10000x128xf32, #tpu.memory_space<vmem_shared>> -> memref<10000x128xf32, #tpu.memory_space<vmem_shared>>
        tpu.enqueue_indirect_dma source(%arg5 : memref<125x128xf32, #tpu.memory_space<vmem>>) target(%dma_start3A_26 : memref<10000x128xf32, #tpu.memory_space<vmem_shared>>) offsets(%dma_start3A_23 : memref<125xi32, #tpu.memory_space<vmem>>) semaphore(%run_scoped3A : memref<!tpu.dma_semaphore, #tpu.memory_space<semaphore_mem>>) {add = true}
        %dma_wait3A = arith.constant 0 : i32
        %dma_wait3A_27 = tpu.memref_slice %arg4[%scan3A_21, %dma_wait3A] : memref<40x125xi32, #tpu.memory_space<vmem>> -> memref<1x125xi32, #tpu.memory_space<vmem>>
        %dma_wait3A_28 = tpu.memref_squeeze %dma_wait3A_27 : memref<1x125xi32, #tpu.memory_space<vmem>> -> memref<125xi32, #tpu.memory_space<vmem>>
        %dma_wait3A_29 = arith.constant 0 : i32
        %dma_wait3A_30 = arith.constant 0 : i32
        %dma_wait3A_31 = tpu.memref_slice %arg7[%dma_wait3A_29, %dma_wait3A_30] : memref<10000x128xf32, #tpu.memory_space<vmem_shared>> -> memref<10000x128xf32, #tpu.memory_space<vmem_shared>>
        tpu.wait_indirect_dma semaphore(%run_scoped3A : memref<!tpu.dma_semaphore, #tpu.memory_space<semaphore_mem>>) src(%arg5 : memref<125x128xf32, #tpu.memory_space<vmem>>) dst(%dma_wait3A_31 : memref<10000x128xf32, #tpu.memory_space<vmem_shared>>)
        tpu.yield
      }) : () -> ()
    }
    %scan3A_17 = arith.constant 40 : i32
    %barrier3A_18 = arith.constant 0 : index
    tpu.barrier barrier_id(%barrier3A_18)
    %mul3A_19 = arith.constant 625 : i32
    %mul3A_20 = arith.muli %arg1, %mul3A_19 : i32
    "tpu.region"() ({
      %run_scoped3A = tpu.sem_alloc : memref<!tpu.dma_semaphore, #tpu.memory_space<semaphore_mem>>
      %dma_start3A = arith.constant 0 : i32
      %dma_start3A_21 = arith.constant 0 : i32
      %dma_start3A_22 = tpu.memref_slice %arg3[%arg0, %arg1, %dma_start3A, %dma_start3A_21] : memref<2x16x625x128xf32, #tpu.memory_space<hbm>> -> memref<1x1x625x128xf32, #tpu.memory_space<hbm>>
      %dma_start3A_23 = tpu.memref_squeeze %dma_start3A_22 : memref<1x1x625x128xf32, #tpu.memory_space<hbm>> -> memref<625x128xf32, #tpu.memory_space<hbm>>
      %dma_start3A_24 = arith.constant 0 : i32
      %dma_start3A_25 = tpu.memref_slice %arg7[%mul3A_20, %dma_start3A_24] : memref<10000x128xf32, #tpu.memory_space<vmem_shared>> -> memref<625x128xf32, #tpu.memory_space<vmem_shared>>
      tpu.enqueue_dma source(%dma_start3A_25 : memref<625x128xf32, #tpu.memory_space<vmem_shared>>) target(%dma_start3A_23 : memref<625x128xf32, #tpu.memory_space<hbm>>) target_semaphore(%run_scoped3A : memref<!tpu.dma_semaphore, #tpu.memory_space<semaphore_mem>>)
      %dma_wait3A = arith.constant 0 : i32
      %dma_wait3A_26 = arith.constant 0 : i32
      %dma_wait3A_27 = tpu.memref_slice %arg3[%arg0, %arg1, %dma_wait3A, %dma_wait3A_26] : memref<2x16x625x128xf32, #tpu.memory_space<hbm>> -> memref<1x1x625x128xf32, #tpu.memory_space<hbm>>
      %dma_wait3A_28 = tpu.memref_squeeze %dma_wait3A_27 : memref<1x1x625x128xf32, #tpu.memory_space<hbm>> -> memref<625x128xf32, #tpu.memory_space<hbm>>
      %dma_wait3A_29 = arith.constant 0 : i32
      %dma_wait3A_30 = tpu.memref_slice %arg7[%mul3A_20, %dma_wait3A_29] : memref<10000x128xf32, #tpu.memory_space<vmem_shared>> -> memref<625x128xf32, #tpu.memory_space<vmem_shared>>
      tpu.wait_dma2 semaphore(%run_scoped3A : memref<!tpu.dma_semaphore, #tpu.memory_space<semaphore_mem>>) src(%dma_wait3A_30 : memref<625x128xf32, #tpu.memory_space<vmem_shared>>) dst(%dma_wait3A_28 : memref<625x128xf32, #tpu.memory_space<hbm>>)
      tpu.yield
    }) : () -> ()
    return
  }
}

#map = affine_map<(d0, d1) -> (0)>
#map1 = affine_map<(d0, d1) -> (0, 0, 0)>
#map2 = affine_map<(d0, d1) -> (0, 0)>
module attributes {stable_mosaic.version = 14 : i64} {
  func.func @_prop_kernel(%arg0: i32, %arg1: i32, %arg2: memref<160000xi32, #tpu.memory_space<hbm>>, %arg3: memref<16x125x80xi32, #tpu.memory_space<hbm>>, %arg4: memref<10000x128xf32, #tpu.memory_space<hbm>>, %arg5: memref<10000x128xf32, #tpu.memory_space<hbm>>, %arg6: memref<10000x128xf32, #tpu.memory_space<hbm>>, %arg7: memref<10000x128xf32, #tpu.memory_space<hbm>>, %arg8: memref<16x625x128xf32, #tpu.memory_space<hbm>>, %arg9: memref<16x625x128xf32, #tpu.memory_space<hbm>>, %arg10: memref<16x625x128xf32, #tpu.memory_space<hbm>>, %arg11: memref<16x625x128xf32, #tpu.memory_space<hbm>>, %arg12: memref<10000xi32, #tpu.memory_space<vmem>>, %arg13: memref<125x80xi32, #tpu.memory_space<vmem>>, %arg14: memref<80x128xf32, #tpu.memory_space<vmem>>, %arg15: memref<80x128xf32, #tpu.memory_space<vmem>>, %arg16: memref<10000x128xf32, #tpu.memory_space<vmem_shared>>, %arg17: memref<!tpu.dma_semaphore, #tpu.memory_space<semaphore_mem>>, %arg18: memref<!tpu.dma_semaphore, #tpu.memory_space<semaphore_mem>>, %arg19: memref<!tpu.dma_semaphore, #tpu.memory_space<semaphore_mem>>, %arg20: memref<!tpu.dma_semaphore, #tpu.memory_space<semaphore_mem>>) attributes {dimension_semantics = [#tpu.dimension_semantics<core_parallel>, #tpu.dimension_semantics<subcore_parallel>], iteration_bounds = array<i64: 2, 16>, scalar_prefetch = 0 : i64, scratch_operands = 9 : i64, tpu.core_type = #tpu.core_type<sc_vector_subcore>, window_params = [{transform_indices = #map}, {transform_indices = #map1}, {transform_indices = #map2}, {transform_indices = #map2}, {transform_indices = #map2}, {transform_indices = #map2}, {transform_indices = #map1}, {transform_indices = #map1}, {transform_indices = #map1}, {transform_indices = #map1}]} {
    %mul3A = arith.constant 10000 : i32
    %mul3A_0 = arith.muli %arg1, %mul3A : i32
    "tpu.region"() ({
      %run_scoped3A = tpu.sem_alloc : memref<!tpu.dma_semaphore, #tpu.memory_space<semaphore_mem>>
      %dma_start3A = tpu.memref_slice %arg2[%mul3A_0] : memref<160000xi32, #tpu.memory_space<hbm>> -> memref<10000xi32, #tpu.memory_space<hbm>>
      %dma_start3A_18 = tpu.memref_slice %arg2[%mul3A_0] : memref<160000xi32, #tpu.memory_space<hbm>> -> memref<10000xi32, #tpu.memory_space<hbm>>
      tpu.enqueue_dma source(%dma_start3A_18 : memref<10000xi32, #tpu.memory_space<hbm>>) target(%arg12 : memref<10000xi32, #tpu.memory_space<vmem>>) target_semaphore(%run_scoped3A : memref<!tpu.dma_semaphore, #tpu.memory_space<semaphore_mem>>)
      %dma_wait3A = tpu.memref_slice %arg2[%mul3A_0] : memref<160000xi32, #tpu.memory_space<hbm>> -> memref<10000xi32, #tpu.memory_space<hbm>>
      %dma_wait3A_19 = tpu.memref_slice %arg2[%mul3A_0] : memref<160000xi32, #tpu.memory_space<hbm>> -> memref<10000xi32, #tpu.memory_space<hbm>>
      tpu.wait_dma2 semaphore(%run_scoped3A : memref<!tpu.dma_semaphore, #tpu.memory_space<semaphore_mem>>) src(%dma_wait3A_19 : memref<10000xi32, #tpu.memory_space<hbm>>) dst(%arg12 : memref<10000xi32, #tpu.memory_space<vmem>>)
      tpu.yield
    }) : () -> ()
    "tpu.region"() ({
      %run_scoped3A = tpu.sem_alloc : memref<!tpu.dma_semaphore, #tpu.memory_space<semaphore_mem>>
      %dma_start3A = arith.constant 0 : i32
      %dma_start3A_18 = arith.constant 0 : i32
      %dma_start3A_19 = tpu.memref_slice %arg3[%arg1, %dma_start3A, %dma_start3A_18] : memref<16x125x80xi32, #tpu.memory_space<hbm>> -> memref<1x125x80xi32, #tpu.memory_space<hbm>>
      %dma_start3A_20 = tpu.memref_squeeze %dma_start3A_19 : memref<1x125x80xi32, #tpu.memory_space<hbm>> -> memref<125x80xi32, #tpu.memory_space<hbm>>
      %dma_start3A_21 = arith.constant 0 : i32
      %dma_start3A_22 = arith.constant 0 : i32
      %dma_start3A_23 = tpu.memref_slice %arg3[%arg1, %dma_start3A_21, %dma_start3A_22] : memref<16x125x80xi32, #tpu.memory_space<hbm>> -> memref<1x125x80xi32, #tpu.memory_space<hbm>>
      %dma_start3A_24 = tpu.memref_squeeze %dma_start3A_23 : memref<1x125x80xi32, #tpu.memory_space<hbm>> -> memref<125x80xi32, #tpu.memory_space<hbm>>
      tpu.enqueue_dma source(%dma_start3A_24 : memref<125x80xi32, #tpu.memory_space<hbm>>) target(%arg13 : memref<125x80xi32, #tpu.memory_space<vmem>>) target_semaphore(%run_scoped3A : memref<!tpu.dma_semaphore, #tpu.memory_space<semaphore_mem>>)
      %dma_wait3A = arith.constant 0 : i32
      %dma_wait3A_25 = arith.constant 0 : i32
      %dma_wait3A_26 = tpu.memref_slice %arg3[%arg1, %dma_wait3A, %dma_wait3A_25] : memref<16x125x80xi32, #tpu.memory_space<hbm>> -> memref<1x125x80xi32, #tpu.memory_space<hbm>>
      %dma_wait3A_27 = tpu.memref_squeeze %dma_wait3A_26 : memref<1x125x80xi32, #tpu.memory_space<hbm>> -> memref<125x80xi32, #tpu.memory_space<hbm>>
      %dma_wait3A_28 = arith.constant 0 : i32
      %dma_wait3A_29 = arith.constant 0 : i32
      %dma_wait3A_30 = tpu.memref_slice %arg3[%arg1, %dma_wait3A_28, %dma_wait3A_29] : memref<16x125x80xi32, #tpu.memory_space<hbm>> -> memref<1x125x80xi32, #tpu.memory_space<hbm>>
      %dma_wait3A_31 = tpu.memref_squeeze %dma_wait3A_30 : memref<1x125x80xi32, #tpu.memory_space<hbm>> -> memref<125x80xi32, #tpu.memory_space<hbm>>
      tpu.wait_dma2 semaphore(%run_scoped3A : memref<!tpu.dma_semaphore, #tpu.memory_space<semaphore_mem>>) src(%dma_wait3A_31 : memref<125x80xi32, #tpu.memory_space<hbm>>) dst(%arg13 : memref<125x80xi32, #tpu.memory_space<vmem>>)
      tpu.yield
    }) : () -> ()
    %eq3A = arith.constant 0 : i32
    %eq3A_1 = arith.cmpi eq, %arg0, %eq3A : i32
    %convert_element_type3A = arith.extui %eq3A_1 : i1 to i32
    %cond3A = arith.constant 0 : i32
    %cond3A_2 = arith.cmpi ne, %convert_element_type3A, %cond3A : i32
    scf.if %cond3A_2 {
      %scan3A = arith.constant 0 : i32
      %scan3A_18 = arith.constant 0 : i32
      %scan3A_19 = arith.constant 80 : i32
      %scan3A_20 = arith.addi %scan3A_18, %scan3A_19 : i32
      %scan3A_21 = arith.constant 1 : i32
      scf.for %scan3A_68 = %scan3A_18 to %scan3A_20 step %scan3A_21  : i32 {
        %broadcast_in_dim3A = arith.constant 0.000000e+00 : f32
        %broadcast_in_dim3A_69 = vector.broadcast %broadcast_in_dim3A : f32 to vector<16xf32>
        %swap3A = arith.index_cast %scan3A_68 : i32 to index
        %swap3A_70 = arith.constant 0 : index
        %swap3A_71 = tpu.vector_load %arg14[%swap3A, %swap3A_70] {strides = array<i32>} : memref<80x128xf32, #tpu.memory_space<vmem>>, vector<1x16xf32>,
        %swap3A_72 = vector.shape_cast %swap3A_71 : vector<1x16xf32> to vector<16xf32>
        %swap3A_73 = vector.shape_cast %broadcast_in_dim3A_69 : vector<16xf32> to vector<1x16xf32>
        tpu.vector_store %arg14[%swap3A, %swap3A_70], %swap3A_73 {strides = array<i32>} : memref<80x128xf32, #tpu.memory_space<vmem>>, vector<1x16xf32>,
        %broadcast_in_dim3A_74 = arith.constant 0.000000e+00 : f32
        %broadcast_in_dim3A_75 = vector.broadcast %broadcast_in_dim3A_74 : f32 to vector<16xf32>
        %swap3A_76 = arith.index_cast %scan3A_68 : i32 to index
        %swap3A_77 = arith.constant 16 : index
        %swap3A_78 = tpu.vector_load %arg14[%swap3A_76, %swap3A_77] {strides = array<i32>} : memref<80x128xf32, #tpu.memory_space<vmem>>, vector<1x16xf32>,
        %swap3A_79 = vector.shape_cast %swap3A_78 : vector<1x16xf32> to vector<16xf32>
        %swap3A_80 = vector.shape_cast %broadcast_in_dim3A_75 : vector<16xf32> to vector<1x16xf32>
        tpu.vector_store %arg14[%swap3A_76, %swap3A_77], %swap3A_80 {strides = array<i32>} : memref<80x128xf32, #tpu.memory_space<vmem>>, vector<1x16xf32>,
        %broadcast_in_dim3A_81 = arith.constant 0.000000e+00 : f32
        %broadcast_in_dim3A_82 = vector.broadcast %broadcast_in_dim3A_81 : f32 to vector<16xf32>
        %swap3A_83 = arith.index_cast %scan3A_68 : i32 to index
        %swap3A_84 = arith.constant 32 : index
        %swap3A_85 = tpu.vector_load %arg14[%swap3A_83, %swap3A_84] {strides = array<i32>} : memref<80x128xf32, #tpu.memory_space<vmem>>, vector<1x16xf32>,
        %swap3A_86 = vector.shape_cast %swap3A_85 : vector<1x16xf32> to vector<16xf32>
        %swap3A_87 = vector.shape_cast %broadcast_in_dim3A_82 : vector<16xf32> to vector<1x16xf32>
        tpu.vector_store %arg14[%swap3A_83, %swap3A_84], %swap3A_87 {strides = array<i32>} : memref<80x128xf32, #tpu.memory_space<vmem>>, vector<1x16xf32>,
        %broadcast_in_dim3A_88 = arith.constant 0.000000e+00 : f32
        %broadcast_in_dim3A_89 = vector.broadcast %broadcast_in_dim3A_88 : f32 to vector<16xf32>
        %swap3A_90 = arith.index_cast %scan3A_68 : i32 to index
        %swap3A_91 = arith.constant 48 : index
        %swap3A_92 = tpu.vector_load %arg14[%swap3A_90, %swap3A_91] {strides = array<i32>} : memref<80x128xf32, #tpu.memory_space<vmem>>, vector<1x16xf32>,
        %swap3A_93 = vector.shape_cast %swap3A_92 : vector<1x16xf32> to vector<16xf32>
        %swap3A_94 = vector.shape_cast %broadcast_in_dim3A_89 : vector<16xf32> to vector<1x16xf32>
        tpu.vector_store %arg14[%swap3A_90, %swap3A_91], %swap3A_94 {strides = array<i32>} : memref<80x128xf32, #tpu.memory_space<vmem>>, vector<1x16xf32>,
        %broadcast_in_dim3A_95 = arith.constant 0.000000e+00 : f32
        %broadcast_in_dim3A_96 = vector.broadcast %broadcast_in_dim3A_95 : f32 to vector<16xf32>
        %swap3A_97 = arith.index_cast %scan3A_68 : i32 to index
        %swap3A_98 = arith.constant 64 : index
        %swap3A_99 = tpu.vector_load %arg14[%swap3A_97, %swap3A_98] {strides = array<i32>} : memref<80x128xf32, #tpu.memory_space<vmem>>, vector<1x16xf32>,
        %swap3A_100 = vector.shape_cast %swap3A_99 : vector<1x16xf32> to vector<16xf32>
        %swap3A_101 = vector.shape_cast %broadcast_in_dim3A_96 : vector<16xf32> to vector<1x16xf32>
        tpu.vector_store %arg14[%swap3A_97, %swap3A_98], %swap3A_101 {strides = array<i32>} : memref<80x128xf32, #tpu.memory_space<vmem>>, vector<1x16xf32>,
        %broadcast_in_dim3A_102 = arith.constant 0.000000e+00 : f32
        %broadcast_in_dim3A_103 = vector.broadcast %broadcast_in_dim3A_102 : f32 to vector<16xf32>
        %swap3A_104 = arith.index_cast %scan3A_68 : i32 to index
        %swap3A_105 = arith.constant 80 : index
        %swap3A_106 = tpu.vector_load %arg14[%swap3A_104, %swap3A_105] {strides = array<i32>} : memref<80x128xf32, #tpu.memory_space<vmem>>, vector<1x16xf32>,
        %swap3A_107 = vector.shape_cast %swap3A_106 : vector<1x16xf32> to vector<16xf32>
        %swap3A_108 = vector.shape_cast %broadcast_in_dim3A_103 : vector<16xf32> to vector<1x16xf32>
        tpu.vector_store %arg14[%swap3A_104, %swap3A_105], %swap3A_108 {strides = array<i32>} : memref<80x128xf32, #tpu.memory_space<vmem>>, vector<1x16xf32>,
        %broadcast_in_dim3A_109 = arith.constant 0.000000e+00 : f32
        %broadcast_in_dim3A_110 = vector.broadcast %broadcast_in_dim3A_109 : f32 to vector<16xf32>
        %swap3A_111 = arith.index_cast %scan3A_68 : i32 to index
        %swap3A_112 = arith.constant 96 : index
        %swap3A_113 = tpu.vector_load %arg14[%swap3A_111, %swap3A_112] {strides = array<i32>} : memref<80x128xf32, #tpu.memory_space<vmem>>, vector<1x16xf32>,
        %swap3A_114 = vector.shape_cast %swap3A_113 : vector<1x16xf32> to vector<16xf32>
        %swap3A_115 = vector.shape_cast %broadcast_in_dim3A_110 : vector<16xf32> to vector<1x16xf32>
        tpu.vector_store %arg14[%swap3A_111, %swap3A_112], %swap3A_115 {strides = array<i32>} : memref<80x128xf32, #tpu.memory_space<vmem>>, vector<1x16xf32>,
        %broadcast_in_dim3A_116 = arith.constant 0.000000e+00 : f32
        %broadcast_in_dim3A_117 = vector.broadcast %broadcast_in_dim3A_116 : f32 to vector<16xf32>
        %swap3A_118 = arith.index_cast %scan3A_68 : i32 to index
        %swap3A_119 = arith.constant 112 : index
        %swap3A_120 = tpu.vector_load %arg14[%swap3A_118, %swap3A_119] {strides = array<i32>} : memref<80x128xf32, #tpu.memory_space<vmem>>, vector<1x16xf32>,
        %swap3A_121 = vector.shape_cast %swap3A_120 : vector<1x16xf32> to vector<16xf32>
        %swap3A_122 = vector.shape_cast %broadcast_in_dim3A_117 : vector<16xf32> to vector<1x16xf32>
        tpu.vector_store %arg14[%swap3A_118, %swap3A_119], %swap3A_122 {strides = array<i32>} : memref<80x128xf32, #tpu.memory_space<vmem>>, vector<1x16xf32>,
      }
      %scan3A_22 = arith.constant 80 : i32
      %scan3A_23 = arith.constant 0 : i32
      %scan3A_24 = arith.constant 0 : i32
      %scan3A_25 = arith.constant 7 : i32
      %scan3A_26 = arith.addi %scan3A_24, %scan3A_25 : i32
      %scan3A_27 = arith.constant 1 : i32
      scf.for %scan3A_68 = %scan3A_24 to %scan3A_26 step %scan3A_27  : i32 {
        %mul3A_69 = arith.constant 625 : i32
        %mul3A_70 = arith.muli %arg1, %mul3A_69 : i32
        %mul3A_71 = arith.constant 80 : i32
        %mul3A_72 = arith.muli %scan3A_68, %mul3A_71 : i32
        %add3A_73 = arith.addi %mul3A_70, %mul3A_72 : i32
        "tpu.region"() ({
          %run_scoped3A_74 = tpu.sem_alloc : memref<!tpu.dma_semaphore, #tpu.memory_space<semaphore_mem>>
          %dma_start3A_75 = arith.constant 0 : i32
          %dma_start3A_76 = tpu.memref_slice %arg16[%add3A_73, %dma_start3A_75] : memref<10000x128xf32, #tpu.memory_space<vmem_shared>> -> memref<80x128xf32, #tpu.memory_space<vmem_shared>>
          %dma_start3A_77 = arith.constant 0 : i32
          %dma_start3A_78 = tpu.memref_slice %arg16[%add3A_73, %dma_start3A_77] : memref<10000x128xf32, #tpu.memory_space<vmem_shared>> -> memref<80x128xf32, #tpu.memory_space<vmem_shared>>
          tpu.enqueue_dma source(%arg14 : memref<80x128xf32, #tpu.memory_space<vmem>>) target(%dma_start3A_78 : memref<80x128xf32, #tpu.memory_space<vmem_shared>>) target_semaphore(%run_scoped3A_74 : memref<!tpu.dma_semaphore, #tpu.memory_space<semaphore_mem>>)
          %dma_wait3A_79 = arith.constant 0 : i32
          %dma_wait3A_80 = tpu.memref_slice %arg16[%add3A_73, %dma_wait3A_79] : memref<10000x128xf32, #tpu.memory_space<vmem_shared>> -> memref<80x128xf32, #tpu.memory_space<vmem_shared>>
          %dma_wait3A_81 = arith.constant 0 : i32
          %dma_wait3A_82 = tpu.memref_slice %arg16[%add3A_73, %dma_wait3A_81] : memref<10000x128xf32, #tpu.memory_space<vmem_shared>> -> memref<80x128xf32, #tpu.memory_space<vmem_shared>>
          tpu.wait_dma2 semaphore(%run_scoped3A_74 : memref<!tpu.dma_semaphore, #tpu.memory_space<semaphore_mem>>) src(%arg14 : memref<80x128xf32, #tpu.memory_space<vmem>>) dst(%dma_wait3A_82 : memref<80x128xf32, #tpu.memory_space<vmem_shared>>)
          tpu.yield
        }) : () -> ()
      }
      %scan3A_28 = arith.constant 7 : i32
      %mul3A_29 = arith.constant 625 : i32
      %mul3A_30 = arith.muli %arg1, %mul3A_29 : i32
      %add3A = arith.constant 625 : i32
      %add3A_31 = arith.addi %mul3A_30, %add3A : i32
      %sub3A = arith.constant 65 : i32
      %sub3A_32 = arith.subi %add3A_31, %sub3A : i32
      "tpu.region"() ({
        %run_scoped3A_68 = tpu.sem_alloc : memref<!tpu.dma_semaphore, #tpu.memory_space<semaphore_mem>>
        %dma_start3A_69 = arith.constant 0 : i32
        %dma_start3A_70 = arith.constant 0 : i32
        %dma_start3A_71 = tpu.memref_slice %arg14[%dma_start3A_69, %dma_start3A_70] : memref<80x128xf32, #tpu.memory_space<vmem>> -> memref<65x128xf32, #tpu.memory_space<vmem>>
        %dma_start3A_72 = arith.constant 0 : i32
        %dma_start3A_73 = tpu.memref_slice %arg16[%sub3A_32, %dma_start3A_72] : memref<10000x128xf32, #tpu.memory_space<vmem_shared>> -> memref<65x128xf32, #tpu.memory_space<vmem_shared>>
        %dma_start3A_74 = arith.constant 0 : i32
        %dma_start3A_75 = tpu.memref_slice %arg16[%sub3A_32, %dma_start3A_74] : memref<10000x128xf32, #tpu.memory_space<vmem_shared>> -> memref<65x128xf32, #tpu.memory_space<vmem_shared>>
        %dma_start3A_76 = arith.constant 0 : i32
        %dma_start3A_77 = arith.constant 0 : i32
        %dma_start3A_78 = tpu.memref_slice %arg14[%dma_start3A_76, %dma_start3A_77] : memref<80x128xf32, #tpu.memory_space<vmem>> -> memref<65x128xf32, #tpu.memory_space<vmem>>
        tpu.enqueue_dma source(%dma_start3A_78 : memref<65x128xf32, #tpu.memory_space<vmem>>) target(%dma_start3A_75 : memref<65x128xf32, #tpu.memory_space<vmem_shared>>) target_semaphore(%run_scoped3A_68 : memref<!tpu.dma_semaphore, #tpu.memory_space<semaphore_mem>>)
        %dma_wait3A_79 = arith.constant 0 : i32
        %dma_wait3A_80 = arith.constant 0 : i32
        %dma_wait3A_81 = tpu.memref_slice %arg14[%dma_wait3A_79, %dma_wait3A_80] : memref<80x128xf32, #tpu.memory_space<vmem>> -> memref<65x128xf32, #tpu.memory_space<vmem>>
        %dma_wait3A_82 = arith.constant 0 : i32
        %dma_wait3A_83 = tpu.memref_slice %arg16[%sub3A_32, %dma_wait3A_82] : memref<10000x128xf32, #tpu.memory_space<vmem_shared>> -> memref<65x128xf32, #tpu.memory_space<vmem_shared>>
        %dma_wait3A_84 = arith.constant 0 : i32
        %dma_wait3A_85 = tpu.memref_slice %arg16[%sub3A_32, %dma_wait3A_84] : memref<10000x128xf32, #tpu.memory_space<vmem_shared>> -> memref<65x128xf32, #tpu.memory_space<vmem_shared>>
        %dma_wait3A_86 = arith.constant 0 : i32
        %dma_wait3A_87 = arith.constant 0 : i32
        %dma_wait3A_88 = tpu.memref_slice %arg14[%dma_wait3A_86, %dma_wait3A_87] : memref<80x128xf32, #tpu.memory_space<vmem>> -> memref<65x128xf32, #tpu.memory_space<vmem>>
        tpu.wait_dma2 semaphore(%run_scoped3A_68 : memref<!tpu.dma_semaphore, #tpu.memory_space<semaphore_mem>>) src(%dma_wait3A_88 : memref<65x128xf32, #tpu.memory_space<vmem>>) dst(%dma_wait3A_85 : memref<65x128xf32, #tpu.memory_space<vmem_shared>>)
        tpu.yield
      }) : () -> ()
      %barrier3A = arith.constant 0 : index
      tpu.barrier barrier_id(%barrier3A)
      %dma_start3A = arith.constant 0 : i32
      %dma_start3A_33 = tpu.memref_slice %arg12[%dma_start3A] : memref<10000xi32, #tpu.memory_space<vmem>> -> memref<80xi32, #tpu.memory_space<vmem>>
      %dma_start3A_34 = arith.constant 0 : i32
      %dma_start3A_35 = arith.constant 0 : i32
      %dma_start3A_36 = tpu.memref_slice %arg4[%dma_start3A_34, %dma_start3A_35] : memref<10000x128xf32, #tpu.memory_space<hbm>> -> memref<10000x128xf32, #tpu.memory_space<hbm>>
      tpu.enqueue_indirect_dma source(%dma_start3A_36 : memref<10000x128xf32, #tpu.memory_space<hbm>>) target(%arg14 : memref<80x128xf32, #tpu.memory_space<vmem>>) offsets(%dma_start3A_33 : memref<80xi32, #tpu.memory_space<vmem>>) semaphore(%arg17 : memref<!tpu.dma_semaphore, #tpu.memory_space<semaphore_mem>>)
      %scan3A_37 = arith.constant 0 : i32
      %scan3A_38 = arith.constant 0 : i32
      %scan3A_39 = arith.constant 62 : i32
      %scan3A_40 = arith.addi %scan3A_38, %scan3A_39 : i32
      %scan3A_41 = arith.constant 1 : i32
      scf.for %scan3A_68 = %scan3A_38 to %scan3A_40 step %scan3A_41  : i32 {
        %mul3A_69 = arith.constant 2 : i32
        %mul3A_70 = arith.muli %mul3A_69, %scan3A_68 : i32
        %mul3A_71 = arith.constant 80 : i32
        %mul3A_72 = arith.muli %mul3A_70, %mul3A_71 : i32
        %dma_wait3A_73 = tpu.memref_slice %arg12[%mul3A_72] : memref<10000xi32, #tpu.memory_space<vmem>> -> memref<80xi32, #tpu.memory_space<vmem>>
        %dma_wait3A_74 = arith.constant 0 : i32
        %dma_wait3A_75 = arith.constant 0 : i32
        %dma_wait3A_76 = tpu.memref_slice %arg4[%dma_wait3A_74, %dma_wait3A_75] : memref<10000x128xf32, #tpu.memory_space<hbm>> -> memref<10000x128xf32, #tpu.memory_space<hbm>>
        tpu.wait_indirect_dma semaphore(%arg17 : memref<!tpu.dma_semaphore, #tpu.memory_space<semaphore_mem>>) src(%dma_wait3A_76 : memref<10000x128xf32, #tpu.memory_space<hbm>>) dst(%arg14 : memref<80x128xf32, #tpu.memory_space<vmem>>)
        %add3A_77 = arith.constant 1 : i32
        %add3A_78 = arith.addi %mul3A_70, %add3A_77 : i32
        %mul3A_79 = arith.constant 80 : i32
        %mul3A_80 = arith.muli %add3A_78, %mul3A_79 : i32
        %dma_start3A_81 = tpu.memref_slice %arg12[%mul3A_80] : memref<10000xi32, #tpu.memory_space<vmem>> -> memref<80xi32, #tpu.memory_space<vmem>>
        %dma_start3A_82 = arith.constant 0 : i32
        %dma_start3A_83 = arith.constant 0 : i32
        %dma_start3A_84 = tpu.memref_slice %arg4[%dma_start3A_82, %dma_start3A_83] : memref<10000x128xf32, #tpu.memory_space<hbm>> -> memref<10000x128xf32, #tpu.memory_space<hbm>>
        tpu.enqueue_indirect_dma source(%dma_start3A_84 : memref<10000x128xf32, #tpu.memory_space<hbm>>) target(%arg15 : memref<80x128xf32, #tpu.memory_space<vmem>>) offsets(%dma_start3A_81 : memref<80xi32, #tpu.memory_space<vmem>>) semaphore(%arg18 : memref<!tpu.dma_semaphore, #tpu.memory_space<semaphore_mem>>)
        "tpu.region"() ({
          %run_scoped3A_103 = tpu.sem_alloc : memref<!tpu.dma_semaphore, #tpu.memory_space<semaphore_mem>>
          %dma_start3A_104 = arith.constant 0 : i32
          %dma_start3A_105 = tpu.memref_slice %arg13[%mul3A_70, %dma_start3A_104] : memref<125x80xi32, #tpu.memory_space<vmem>> -> memref<1x80xi32, #tpu.memory_space<vmem>>
          %dma_start3A_106 = tpu.memref_squeeze %dma_start3A_105 : memref<1x80xi32, #tpu.memory_space<vmem>> -> memref<80xi32, #tpu.memory_space<vmem>>
          %dma_start3A_107 = arith.constant 0 : i32
          %dma_start3A_108 = arith.constant 0 : i32
          %dma_start3A_109 = tpu.memref_slice %arg16[%dma_start3A_107, %dma_start3A_108] : memref<10000x128xf32, #tpu.memory_space<vmem_shared>> -> memref<10000x128xf32, #tpu.memory_space<vmem_shared>>
          tpu.enqueue_indirect_dma source(%arg14 : memref<80x128xf32, #tpu.memory_space<vmem>>) target(%dma_start3A_109 : memref<10000x128xf32, #tpu.memory_space<vmem_shared>>) offsets(%dma_start3A_106 : memref<80xi32, #tpu.memory_space<vmem>>) semaphore(%run_scoped3A_103 : memref<!tpu.dma_semaphore, #tpu.memory_space<semaphore_mem>>) {add = true}
          %dma_wait3A_110 = arith.constant 0 : i32
          %dma_wait3A_111 = tpu.memref_slice %arg13[%mul3A_70, %dma_wait3A_110] : memref<125x80xi32, #tpu.memory_space<vmem>> -> memref<1x80xi32, #tpu.memory_space<vmem>>
          %dma_wait3A_112 = tpu.memref_squeeze %dma_wait3A_111 : memref<1x80xi32, #tpu.memory_space<vmem>> -> memref<80xi32, #tpu.memory_space<vmem>>
          %dma_wait3A_113 = arith.constant 0 : i32
          %dma_wait3A_114 = arith.constant 0 : i32
          %dma_wait3A_115 = tpu.memref_slice %arg16[%dma_wait3A_113, %dma_wait3A_114] : memref<10000x128xf32, #tpu.memory_space<vmem_shared>> -> memref<10000x128xf32, #tpu.memory_space<vmem_shared>>
          tpu.wait_indirect_dma semaphore(%run_scoped3A_103 : memref<!tpu.dma_semaphore, #tpu.memory_space<semaphore_mem>>) src(%arg14 : memref<80x128xf32, #tpu.memory_space<vmem>>) dst(%dma_wait3A_115 : memref<10000x128xf32, #tpu.memory_space<vmem_shared>>)
          tpu.yield
        }) : () -> ()
        %add3A_85 = arith.constant 2 : i32
        %add3A_86 = arith.addi %mul3A_70, %add3A_85 : i32
        %mul3A_87 = arith.constant 80 : i32
        %mul3A_88 = arith.muli %add3A_86, %mul3A_87 : i32
        %dma_start3A_89 = tpu.memref_slice %arg12[%mul3A_88] : memref<10000xi32, #tpu.memory_space<vmem>> -> memref<80xi32, #tpu.memory_space<vmem>>
        %dma_start3A_90 = arith.constant 0 : i32
        %dma_start3A_91 = arith.constant 0 : i32
        %dma_start3A_92 = tpu.memref_slice %arg4[%dma_start3A_90, %dma_start3A_91] : memref<10000x128xf32, #tpu.memory_space<hbm>> -> memref<10000x128xf32, #tpu.memory_space<hbm>>
        tpu.enqueue_indirect_dma source(%dma_start3A_92 : memref<10000x128xf32, #tpu.memory_space<hbm>>) target(%arg14 : memref<80x128xf32, #tpu.memory_space<vmem>>) offsets(%dma_start3A_89 : memref<80xi32, #tpu.memory_space<vmem>>) semaphore(%arg17 : memref<!tpu.dma_semaphore, #tpu.memory_space<semaphore_mem>>)
        %add3A_93 = arith.constant 1 : i32
        %add3A_94 = arith.addi %mul3A_70, %add3A_93 : i32
        %mul3A_95 = arith.constant 80 : i32
        %mul3A_96 = arith.muli %add3A_94, %mul3A_95 : i32
        %dma_wait3A_97 = tpu.memref_slice %arg12[%mul3A_96] : memref<10000xi32, #tpu.memory_space<vmem>> -> memref<80xi32, #tpu.memory_space<vmem>>
        %dma_wait3A_98 = arith.constant 0 : i32
        %dma_wait3A_99 = arith.constant 0 : i32
        %dma_wait3A_100 = tpu.memref_slice %arg4[%dma_wait3A_98, %dma_wait3A_99] : memref<10000x128xf32, #tpu.memory_space<hbm>> -> memref<10000x128xf32, #tpu.memory_space<hbm>>
        tpu.wait_indirect_dma semaphore(%arg18 : memref<!tpu.dma_semaphore, #tpu.memory_space<semaphore_mem>>) src(%dma_wait3A_100 : memref<10000x128xf32, #tpu.memory_space<hbm>>) dst(%arg15 : memref<80x128xf32, #tpu.memory_space<vmem>>)
        %add3A_101 = arith.constant 1 : i32
        %add3A_102 = arith.addi %mul3A_70, %add3A_101 : i32
        "tpu.region"() ({
          %run_scoped3A_103 = tpu.sem_alloc : memref<!tpu.dma_semaphore, #tpu.memory_space<semaphore_mem>>
          %dma_start3A_104 = arith.constant 0 : i32
          %dma_start3A_105 = tpu.memref_slice %arg13[%add3A_102, %dma_start3A_104] : memref<125x80xi32, #tpu.memory_space<vmem>> -> memref<1x80xi32, #tpu.memory_space<vmem>>
          %dma_start3A_106 = tpu.memref_squeeze %dma_start3A_105 : memref<1x80xi32, #tpu.memory_space<vmem>> -> memref<80xi32, #tpu.memory_space<vmem>>
          %dma_start3A_107 = arith.constant 0 : i32
          %dma_start3A_108 = arith.constant 0 : i32
          %dma_start3A_109 = tpu.memref_slice %arg16[%dma_start3A_107, %dma_start3A_108] : memref<10000x128xf32, #tpu.memory_space<vmem_shared>> -> memref<10000x128xf32, #tpu.memory_space<vmem_shared>>
          tpu.enqueue_indirect_dma source(%arg15 : memref<80x128xf32, #tpu.memory_space<vmem>>) target(%dma_start3A_109 : memref<10000x128xf32, #tpu.memory_space<vmem_shared>>) offsets(%dma_start3A_106 : memref<80xi32, #tpu.memory_space<vmem>>) semaphore(%run_scoped3A_103 : memref<!tpu.dma_semaphore, #tpu.memory_space<semaphore_mem>>) {add = true}
          %dma_wait3A_110 = arith.constant 0 : i32
          %dma_wait3A_111 = tpu.memref_slice %arg13[%add3A_102, %dma_wait3A_110] : memref<125x80xi32, #tpu.memory_space<vmem>> -> memref<1x80xi32, #tpu.memory_space<vmem>>
          %dma_wait3A_112 = tpu.memref_squeeze %dma_wait3A_111 : memref<1x80xi32, #tpu.memory_space<vmem>> -> memref<80xi32, #tpu.memory_space<vmem>>
          %dma_wait3A_113 = arith.constant 0 : i32
          %dma_wait3A_114 = arith.constant 0 : i32
          %dma_wait3A_115 = tpu.memref_slice %arg16[%dma_wait3A_113, %dma_wait3A_114] : memref<10000x128xf32, #tpu.memory_space<vmem_shared>> -> memref<10000x128xf32, #tpu.memory_space<vmem_shared>>
          tpu.wait_indirect_dma semaphore(%run_scoped3A_103 : memref<!tpu.dma_semaphore, #tpu.memory_space<semaphore_mem>>) src(%arg15 : memref<80x128xf32, #tpu.memory_space<vmem>>) dst(%dma_wait3A_115 : memref<10000x128xf32, #tpu.memory_space<vmem_shared>>)
          tpu.yield
        }) : () -> ()
      }
      %scan3A_42 = arith.constant 62 : i32
      %dma_wait3A = arith.constant 9920 : i32
      %dma_wait3A_43 = tpu.memref_slice %arg12[%dma_wait3A] : memref<10000xi32, #tpu.memory_space<vmem>> -> memref<80xi32, #tpu.memory_space<vmem>>
      %dma_wait3A_44 = arith.constant 0 : i32
      %dma_wait3A_45 = arith.constant 0 : i32
      %dma_wait3A_46 = tpu.memref_slice %arg4[%dma_wait3A_44, %dma_wait3A_45] : memref<10000x128xf32, #tpu.memory_space<hbm>> -> memref<10000x128xf32, #tpu.memory_space<hbm>>
      tpu.wait_indirect_dma semaphore(%arg17 : memref<!tpu.dma_semaphore, #tpu.memory_space<semaphore_mem>>) src(%dma_wait3A_46 : memref<10000x128xf32, #tpu.memory_space<hbm>>) dst(%arg14 : memref<80x128xf32, #tpu.memory_space<vmem>>)
      %run_scoped3A = arith.constant 124 : i32
      "tpu.region"() ({
        %run_scoped3A_68 = tpu.sem_alloc : memref<!tpu.dma_semaphore, #tpu.memory_space<semaphore_mem>>
        %dma_start3A_69 = arith.constant 0 : i32
        %dma_start3A_70 = tpu.memref_slice %arg13[%run_scoped3A, %dma_start3A_69] : memref<125x80xi32, #tpu.memory_space<vmem>> -> memref<1x80xi32, #tpu.memory_space<vmem>>
        %dma_start3A_71 = tpu.memref_squeeze %dma_start3A_70 : memref<1x80xi32, #tpu.memory_space<vmem>> -> memref<80xi32, #tpu.memory_space<vmem>>
        %dma_start3A_72 = arith.constant 0 : i32
        %dma_start3A_73 = arith.constant 0 : i32
        %dma_start3A_74 = tpu.memref_slice %arg16[%dma_start3A_72, %dma_start3A_73] : memref<10000x128xf32, #tpu.memory_space<vmem_shared>> -> memref<10000x128xf32, #tpu.memory_space<vmem_shared>>
        tpu.enqueue_indirect_dma source(%arg14 : memref<80x128xf32, #tpu.memory_space<vmem>>) target(%dma_start3A_74 : memref<10000x128xf32, #tpu.memory_space<vmem_shared>>) offsets(%dma_start3A_71 : memref<80xi32, #tpu.memory_space<vmem>>) semaphore(%run_scoped3A_68 : memref<!tpu.dma_semaphore, #tpu.memory_space<semaphore_mem>>) {add = true}
        %dma_wait3A_75 = arith.constant 0 : i32
        %dma_wait3A_76 = tpu.memref_slice %arg13[%run_scoped3A, %dma_wait3A_75] : memref<125x80xi32, #tpu.memory_space<vmem>> -> memref<1x80xi32, #tpu.memory_space<vmem>>
        %dma_wait3A_77 = tpu.memref_squeeze %dma_wait3A_76 : memref<1x80xi32, #tpu.memory_space<vmem>> -> memref<80xi32, #tpu.memory_space<vmem>>
        %dma_wait3A_78 = arith.constant 0 : i32
        %dma_wait3A_79 = arith.constant 0 : i32
        %dma_wait3A_80 = tpu.memref_slice %arg16[%dma_wait3A_78, %dma_wait3A_79] : memref<10000x128xf32, #tpu.memory_space<vmem_shared>> -> memref<10000x128xf32, #tpu.memory_space<vmem_shared>>
        tpu.wait_indirect_dma semaphore(%run_scoped3A_68 : memref<!tpu.dma_semaphore, #tpu.memory_space<semaphore_mem>>) src(%arg14 : memref<80x128xf32, #tpu.memory_space<vmem>>) dst(%dma_wait3A_80 : memref<10000x128xf32, #tpu.memory_space<vmem_shared>>)
        tpu.yield
      }) : () -> ()
      %barrier3A_47 = arith.constant 0 : index
      tpu.barrier barrier_id(%barrier3A_47)
      %mul3A_48 = arith.constant 625 : i32
      %mul3A_49 = arith.muli %arg1, %mul3A_48 : i32
      "tpu.region"() ({
        %run_scoped3A_68 = tpu.sem_alloc : memref<!tpu.dma_semaphore, #tpu.memory_space<semaphore_mem>>
        %dma_start3A_69 = arith.constant 0 : i32
        %dma_start3A_70 = arith.constant 0 : i32
        %dma_start3A_71 = tpu.memref_slice %arg8[%arg1, %dma_start3A_69, %dma_start3A_70] : memref<16x625x128xf32, #tpu.memory_space<hbm>> -> memref<1x625x128xf32, #tpu.memory_space<hbm>>
        %dma_start3A_72 = tpu.memref_squeeze %dma_start3A_71 : memref<1x625x128xf32, #tpu.memory_space<hbm>> -> memref<625x128xf32, #tpu.memory_space<hbm>>
        %dma_start3A_73 = arith.constant 0 : i32
        %dma_start3A_74 = tpu.memref_slice %arg16[%mul3A_49, %dma_start3A_73] : memref<10000x128xf32, #tpu.memory_space<vmem_shared>> -> memref<625x128xf32, #tpu.memory_space<vmem_shared>>
        tpu.enqueue_dma source(%dma_start3A_74 : memref<625x128xf32, #tpu.memory_space<vmem_shared>>) target(%dma_start3A_72 : memref<625x128xf32, #tpu.memory_space<hbm>>) target_semaphore(%run_scoped3A_68 : memref<!tpu.dma_semaphore, #tpu.memory_space<semaphore_mem>>)
        %dma_wait3A_75 = arith.constant 0 : i32
        %dma_wait3A_76 = arith.constant 0 : i32
        %dma_wait3A_77 = tpu.memref_slice %arg8[%arg1, %dma_wait3A_75, %dma_wait3A_76] : memref<16x625x128xf32, #tpu.memory_space<hbm>> -> memref<1x625x128xf32, #tpu.memory_space<hbm>>
        %dma_wait3A_78 = tpu.memref_squeeze %dma_wait3A_77 : memref<1x625x128xf32, #tpu.memory_space<hbm>> -> memref<625x128xf32, #tpu.memory_space<hbm>>
        %dma_wait3A_79 = arith.constant 0 : i32
        %dma_wait3A_80 = tpu.memref_slice %arg16[%mul3A_49, %dma_wait3A_79] : memref<10000x128xf32, #tpu.memory_space<vmem_shared>> -> memref<625x128xf32, #tpu.memory_space<vmem_shared>>
        tpu.wait_dma2 semaphore(%run_scoped3A_68 : memref<!tpu.dma_semaphore, #tpu.memory_space<semaphore_mem>>) src(%dma_wait3A_80 : memref<625x128xf32, #tpu.memory_space<vmem_shared>>) dst(%dma_wait3A_78 : memref<625x128xf32, #tpu.memory_space<hbm>>)
        tpu.yield
      }) : () -> ()
      %scan3A_50 = arith.constant 0 : i32
      %scan3A_51 = arith.constant 0 : i32
      %scan3A_52 = arith.constant 80 : i32
      %scan3A_53 = arith.addi %scan3A_51, %scan3A_52 : i32
      %scan3A_54 = arith.constant 1 : i32
      scf.for %scan3A_68 = %scan3A_51 to %scan3A_53 step %scan3A_54  : i32 {
        %broadcast_in_dim3A = arith.constant 0.000000e+00 : f32
        %broadcast_in_dim3A_69 = vector.broadcast %broadcast_in_dim3A : f32 to vector<16xf32>
        %swap3A = arith.index_cast %scan3A_68 : i32 to index
        %swap3A_70 = arith.constant 0 : index
        %swap3A_71 = tpu.vector_load %arg14[%swap3A, %swap3A_70] {strides = array<i32>} : memref<80x128xf32, #tpu.memory_space<vmem>>, vector<1x16xf32>,
        %swap3A_72 = vector.shape_cast %swap3A_71 : vector<1x16xf32> to vector<16xf32>
        %swap3A_73 = vector.shape_cast %broadcast_in_dim3A_69 : vector<16xf32> to vector<1x16xf32>
        tpu.vector_store %arg14[%swap3A, %swap3A_70], %swap3A_73 {strides = array<i32>} : memref<80x128xf32, #tpu.memory_space<vmem>>, vector<1x16xf32>,
        %broadcast_in_dim3A_74 = arith.constant 0.000000e+00 : f32
        %broadcast_in_dim3A_75 = vector.broadcast %broadcast_in_dim3A_74 : f32 to vector<16xf32>
        %swap3A_76 = arith.index_cast %scan3A_68 : i32 to index
        %swap3A_77 = arith.constant 16 : index
        %swap3A_78 = tpu.vector_load %arg14[%swap3A_76, %swap3A_77] {strides = array<i32>} : memref<80x128xf32, #tpu.memory_space<vmem>>, vector<1x16xf32>,
        %swap3A_79 = vector.shape_cast %swap3A_78 : vector<1x16xf32> to vector<16xf32>
        %swap3A_80 = vector.shape_cast %broadcast_in_dim3A_75 : vector<16xf32> to vector<1x16xf32>
        tpu.vector_store %arg14[%swap3A_76, %swap3A_77], %swap3A_80 {strides = array<i32>} : memref<80x128xf32, #tpu.memory_space<vmem>>, vector<1x16xf32>,
        %broadcast_in_dim3A_81 = arith.constant 0.000000e+00 : f32
        %broadcast_in_dim3A_82 = vector.broadcast %broadcast_in_dim3A_81 : f32 to vector<16xf32>
        %swap3A_83 = arith.index_cast %scan3A_68 : i32 to index
        %swap3A_84 = arith.constant 32 : index
        %swap3A_85 = tpu.vector_load %arg14[%swap3A_83, %swap3A_84] {strides = array<i32>} : memref<80x128xf32, #tpu.memory_space<vmem>>, vector<1x16xf32>,
        %swap3A_86 = vector.shape_cast %swap3A_85 : vector<1x16xf32> to vector<16xf32>
        %swap3A_87 = vector.shape_cast %broadcast_in_dim3A_82 : vector<16xf32> to vector<1x16xf32>
        tpu.vector_store %arg14[%swap3A_83, %swap3A_84], %swap3A_87 {strides = array<i32>} : memref<80x128xf32, #tpu.memory_space<vmem>>, vector<1x16xf32>,
        %broadcast_in_dim3A_88 = arith.constant 0.000000e+00 : f32
        %broadcast_in_dim3A_89 = vector.broadcast %broadcast_in_dim3A_88 : f32 to vector<16xf32>
        %swap3A_90 = arith.index_cast %scan3A_68 : i32 to index
        %swap3A_91 = arith.constant 48 : index
        %swap3A_92 = tpu.vector_load %arg14[%swap3A_90, %swap3A_91] {strides = array<i32>} : memref<80x128xf32, #tpu.memory_space<vmem>>, vector<1x16xf32>,
        %swap3A_93 = vector.shape_cast %swap3A_92 : vector<1x16xf32> to vector<16xf32>
        %swap3A_94 = vector.shape_cast %broadcast_in_dim3A_89 : vector<16xf32> to vector<1x16xf32>
        tpu.vector_store %arg14[%swap3A_90, %swap3A_91], %swap3A_94 {strides = array<i32>} : memref<80x128xf32, #tpu.memory_space<vmem>>, vector<1x16xf32>,
        %broadcast_in_dim3A_95 = arith.constant 0.000000e+00 : f32
        %broadcast_in_dim3A_96 = vector.broadcast %broadcast_in_dim3A_95 : f32 to vector<16xf32>
        %swap3A_97 = arith.index_cast %scan3A_68 : i32 to index
        %swap3A_98 = arith.constant 64 : index
        %swap3A_99 = tpu.vector_load %arg14[%swap3A_97, %swap3A_98] {strides = array<i32>} : memref<80x128xf32, #tpu.memory_space<vmem>>, vector<1x16xf32>,
        %swap3A_100 = vector.shape_cast %swap3A_99 : vector<1x16xf32> to vector<16xf32>
        %swap3A_101 = vector.shape_cast %broadcast_in_dim3A_96 : vector<16xf32> to vector<1x16xf32>
        tpu.vector_store %arg14[%swap3A_97, %swap3A_98], %swap3A_101 {strides = array<i32>} : memref<80x128xf32, #tpu.memory_space<vmem>>, vector<1x16xf32>,
        %broadcast_in_dim3A_102 = arith.constant 0.000000e+00 : f32
        %broadcast_in_dim3A_103 = vector.broadcast %broadcast_in_dim3A_102 : f32 to vector<16xf32>
        %swap3A_104 = arith.index_cast %scan3A_68 : i32 to index
        %swap3A_105 = arith.constant 80 : index
        %swap3A_106 = tpu.vector_load %arg14[%swap3A_104, %swap3A_105] {strides = array<i32>} : memref<80x128xf32, #tpu.memory_space<vmem>>, vector<1x16xf32>,
        %swap3A_107 = vector.shape_cast %swap3A_106 : vector<1x16xf32> to vector<16xf32>
        %swap3A_108 = vector.shape_cast %broadcast_in_dim3A_103 : vector<16xf32> to vector<1x16xf32>
        tpu.vector_store %arg14[%swap3A_104, %swap3A_105], %swap3A_108 {strides = array<i32>} : memref<80x128xf32, #tpu.memory_space<vmem>>, vector<1x16xf32>,
        %broadcast_in_dim3A_109 = arith.constant 0.000000e+00 : f32
        %broadcast_in_dim3A_110 = vector.broadcast %broadcast_in_dim3A_109 : f32 to vector<16xf32>
        %swap3A_111 = arith.index_cast %scan3A_68 : i32 to index
        %swap3A_112 = arith.constant 96 : index
        %swap3A_113 = tpu.vector_load %arg14[%swap3A_111, %swap3A_112] {strides = array<i32>} : memref<80x128xf32, #tpu.memory_space<vmem>>, vector<1x16xf32>,
        %swap3A_114 = vector.shape_cast %swap3A_113 : vector<1x16xf32> to vector<16xf32>
        %swap3A_115 = vector.shape_cast %broadcast_in_dim3A_110 : vector<16xf32> to vector<1x16xf32>
        tpu.vector_store %arg14[%swap3A_111, %swap3A_112], %swap3A_115 {strides = array<i32>} : memref<80x128xf32, #tpu.memory_space<vmem>>, vector<1x16xf32>,
        %broadcast_in_dim3A_116 = arith.constant 0.000000e+00 : f32
        %broadcast_in_dim3A_117 = vector.broadcast %broadcast_in_dim3A_116 : f32 to vector<16xf32>
        %swap3A_118 = arith.index_cast %scan3A_68 : i32 to index
        %swap3A_119 = arith.constant 112 : index
        %swap3A_120 = tpu.vector_load %arg14[%swap3A_118, %swap3A_119] {strides = array<i32>} : memref<80x128xf32, #tpu.memory_space<vmem>>, vector<1x16xf32>,
        %swap3A_121 = vector.shape_cast %swap3A_120 : vector<1x16xf32> to vector<16xf32>
        %swap3A_122 = vector.shape_cast %broadcast_in_dim3A_117 : vector<16xf32> to vector<1x16xf32>
        tpu.vector_store %arg14[%swap3A_118, %swap3A_119], %swap3A_122 {strides = array<i32>} : memref<80x128xf32, #tpu.memory_space<vmem>>, vector<1x16xf32>,
      }
      %scan3A_55 = arith.constant 80 : i32
      %scan3A_56 = arith.constant 0 : i32
      %scan3A_57 = arith.constant 0 : i32
      %scan3A_58 = arith.constant 7 : i32
      %scan3A_59 = arith.addi %scan3A_57, %scan3A_58 : i32
      %scan3A_60 = arith.constant 1 : i32
      scf.for %scan3A_68 = %scan3A_57 to %scan3A_59 step %scan3A_60  : i32 {
        %mul3A_69 = arith.constant 625 : i32
        %mul3A_70 = arith.muli %arg1, %mul3A_69 : i32
        %mul3A_71 = arith.constant 80 : i32
        %mul3A_72 = arith.muli %scan3A_68, %mul3A_71 : i32
        %add3A_73 = arith.addi %mul3A_70, %mul3A_72 : i32
        "tpu.region"() ({
          %run_scoped3A_74 = tpu.sem_alloc : memref<!tpu.dma_semaphore, #tpu.memory_space<semaphore_mem>>
          %dma_start3A_75 = arith.constant 0 : i32
          %dma_start3A_76 = tpu.memref_slice %arg16[%add3A_73, %dma_start3A_75] : memref<10000x128xf32, #tpu.memory_space<vmem_shared>> -> memref<80x128xf32, #tpu.memory_space<vmem_shared>>
          %dma_start3A_77 = arith.constant 0 : i32
          %dma_start3A_78 = tpu.memref_slice %arg16[%add3A_73, %dma_start3A_77] : memref<10000x128xf32, #tpu.memory_space<vmem_shared>> -> memref<80x128xf32, #tpu.memory_space<vmem_shared>>
          tpu.enqueue_dma source(%arg14 : memref<80x128xf32, #tpu.memory_space<vmem>>) target(%dma_start3A_78 : memref<80x128xf32, #tpu.memory_space<vmem_shared>>) target_semaphore(%run_scoped3A_74 : memref<!tpu.dma_semaphore, #tpu.memory_space<semaphore_mem>>)
          %dma_wait3A_79 = arith.constant 0 : i32
          %dma_wait3A_80 = tpu.memref_slice %arg16[%add3A_73, %dma_wait3A_79] : memref<10000x128xf32, #tpu.memory_space<vmem_shared>> -> memref<80x128xf32, #tpu.memory_space<vmem_shared>>
          %dma_wait3A_81 = arith.constant 0 : i32
          %dma_wait3A_82 = tpu.memref_slice %arg16[%add3A_73, %dma_wait3A_81] : memref<10000x128xf32, #tpu.memory_space<vmem_shared>> -> memref<80x128xf32, #tpu.memory_space<vmem_shared>>
          tpu.wait_dma2 semaphore(%run_scoped3A_74 : memref<!tpu.dma_semaphore, #tpu.memory_space<semaphore_mem>>) src(%arg14 : memref<80x128xf32, #tpu.memory_space<vmem>>) dst(%dma_wait3A_82 : memref<80x128xf32, #tpu.memory_space<vmem_shared>>)
          tpu.yield
        }) : () -> ()
      }
      %scan3A_61 = arith.constant 7 : i32
      %mul3A_62 = arith.constant 625 : i32
      %mul3A_63 = arith.muli %arg1, %mul3A_62 : i32
      %add3A_64 = arith.constant 625 : i32
      %add3A_65 = arith.addi %mul3A_63, %add3A_64 : i32
      %sub3A_66 = arith.constant 65 : i32
      %sub3A_67 = arith.subi %add3A_65, %sub3A_66 : i32
      "tpu.region"() ({
        %run_scoped3A_68 = tpu.sem_alloc : memref<!tpu.dma_semaphore, #tpu.memory_space<semaphore_mem>>
        %dma_start3A_69 = arith.constant 0 : i32
        %dma_start3A_70 = arith.constant 0 : i32
        %dma_start3A_71 = tpu.memref_slice %arg14[%dma_start3A_69, %dma_start3A_70] : memref<80x128xf32, #tpu.memory_space<vmem>> -> memref<65x128xf32, #tpu.memory_space<vmem>>
        %dma_start3A_72 = arith.constant 0 : i32
        %dma_start3A_73 = tpu.memref_slice %arg16[%sub3A_67, %dma_start3A_72] : memref<10000x128xf32, #tpu.memory_space<vmem_shared>> -> memref<65x128xf32, #tpu.memory_space<vmem_shared>>
        %dma_start3A_74 = arith.constant 0 : i32
        %dma_start3A_75 = tpu.memref_slice %arg16[%sub3A_67, %dma_start3A_74] : memref<10000x128xf32, #tpu.memory_space<vmem_shared>> -> memref<65x128xf32, #tpu.memory_space<vmem_shared>>
        %dma_start3A_76 = arith.constant 0 : i32
        %dma_start3A_77 = arith.constant 0 : i32
        %dma_start3A_78 = tpu.memref_slice %arg14[%dma_start3A_76, %dma_start3A_77] : memref<80x128xf32, #tpu.memory_space<vmem>> -> memref<65x128xf32, #tpu.memory_space<vmem>>
        tpu.enqueue_dma source(%dma_start3A_78 : memref<65x128xf32, #tpu.memory_space<vmem>>) target(%dma_start3A_75 : memref<65x128xf32, #tpu.memory_space<vmem_shared>>) target_semaphore(%run_scoped3A_68 : memref<!tpu.dma_semaphore, #tpu.memory_space<semaphore_mem>>)
        %dma_wait3A_79 = arith.constant 0 : i32
        %dma_wait3A_80 = arith.constant 0 : i32
        %dma_wait3A_81 = tpu.memref_slice %arg14[%dma_wait3A_79, %dma_wait3A_80] : memref<80x128xf32, #tpu.memory_space<vmem>> -> memref<65x128xf32, #tpu.memory_space<vmem>>
        %dma_wait3A_82 = arith.constant 0 : i32
        %dma_wait3A_83 = tpu.memref_slice %arg16[%sub3A_67, %dma_wait3A_82] : memref<10000x128xf32, #tpu.memory_space<vmem_shared>> -> memref<65x128xf32, #tpu.memory_space<vmem_shared>>
        %dma_wait3A_84 = arith.constant 0 : i32
        %dma_wait3A_85 = tpu.memref_slice %arg16[%sub3A_67, %dma_wait3A_84] : memref<10000x128xf32, #tpu.memory_space<vmem_shared>> -> memref<65x128xf32, #tpu.memory_space<vmem_shared>>
        %dma_wait3A_86 = arith.constant 0 : i32
        %dma_wait3A_87 = arith.constant 0 : i32
        %dma_wait3A_88 = tpu.memref_slice %arg14[%dma_wait3A_86, %dma_wait3A_87] : memref<80x128xf32, #tpu.memory_space<vmem>> -> memref<65x128xf32, #tpu.memory_space<vmem>>
        tpu.wait_dma2 semaphore(%run_scoped3A_68 : memref<!tpu.dma_semaphore, #tpu.memory_space<semaphore_mem>>) src(%dma_wait3A_88 : memref<65x128xf32, #tpu.memory_space<vmem>>) dst(%dma_wait3A_85 : memref<65x128xf32, #tpu.memory_space<vmem_shared>>)
        tpu.yield
      }) : () -> ()
    } else {
    }
    %eq3A_3 = arith.constant 0 : i32
    %eq3A_4 = arith.cmpi eq, %arg0, %eq3A_3 : i32
    %convert_element_type3A_5 = arith.extui %eq3A_4 : i1 to i32
    %cond3A_6 = arith.constant 0 : i32
    %cond3A_7 = arith.cmpi ne, %convert_element_type3A_5, %cond3A_6 : i32
    scf.if %cond3A_7 {
      %barrier3A = arith.constant 0 : index
      tpu.barrier barrier_id(%barrier3A)
      %dma_start3A = arith.constant 0 : i32
      %dma_start3A_18 = tpu.memref_slice %arg12[%dma_start3A] : memref<10000xi32, #tpu.memory_space<vmem>> -> memref<80xi32, #tpu.memory_space<vmem>>
      %dma_start3A_19 = arith.constant 0 : i32
      %dma_start3A_20 = arith.constant 0 : i32
      %dma_start3A_21 = tpu.memref_slice %arg5[%dma_start3A_19, %dma_start3A_20] : memref<10000x128xf32, #tpu.memory_space<hbm>> -> memref<10000x128xf32, #tpu.memory_space<hbm>>
      tpu.enqueue_indirect_dma source(%dma_start3A_21 : memref<10000x128xf32, #tpu.memory_space<hbm>>) target(%arg14 : memref<80x128xf32, #tpu.memory_space<vmem>>) offsets(%dma_start3A_18 : memref<80xi32, #tpu.memory_space<vmem>>) semaphore(%arg17 : memref<!tpu.dma_semaphore, #tpu.memory_space<semaphore_mem>>)
      %scan3A = arith.constant 0 : i32
      %scan3A_22 = arith.constant 0 : i32
      %scan3A_23 = arith.constant 62 : i32
      %scan3A_24 = arith.addi %scan3A_22, %scan3A_23 : i32
      %scan3A_25 = arith.constant 1 : i32
      scf.for %scan3A_34 = %scan3A_22 to %scan3A_24 step %scan3A_25  : i32 {
        %mul3A_35 = arith.constant 2 : i32
        %mul3A_36 = arith.muli %mul3A_35, %scan3A_34 : i32
        %mul3A_37 = arith.constant 80 : i32
        %mul3A_38 = arith.muli %mul3A_36, %mul3A_37 : i32
        %dma_wait3A_39 = tpu.memref_slice %arg12[%mul3A_38] : memref<10000xi32, #tpu.memory_space<vmem>> -> memref<80xi32, #tpu.memory_space<vmem>>
        %dma_wait3A_40 = arith.constant 0 : i32
        %dma_wait3A_41 = arith.constant 0 : i32
        %dma_wait3A_42 = tpu.memref_slice %arg5[%dma_wait3A_40, %dma_wait3A_41] : memref<10000x128xf32, #tpu.memory_space<hbm>> -> memref<10000x128xf32, #tpu.memory_space<hbm>>
        tpu.wait_indirect_dma semaphore(%arg17 : memref<!tpu.dma_semaphore, #tpu.memory_space<semaphore_mem>>) src(%dma_wait3A_42 : memref<10000x128xf32, #tpu.memory_space<hbm>>) dst(%arg14 : memref<80x128xf32, #tpu.memory_space<vmem>>)
        %add3A = arith.constant 1 : i32
        %add3A_43 = arith.addi %mul3A_36, %add3A : i32
        %mul3A_44 = arith.constant 80 : i32
        %mul3A_45 = arith.muli %add3A_43, %mul3A_44 : i32
        %dma_start3A_46 = tpu.memref_slice %arg12[%mul3A_45] : memref<10000xi32, #tpu.memory_space<vmem>> -> memref<80xi32, #tpu.memory_space<vmem>>
        %dma_start3A_47 = arith.constant 0 : i32
        %dma_start3A_48 = arith.constant 0 : i32
        %dma_start3A_49 = tpu.memref_slice %arg5[%dma_start3A_47, %dma_start3A_48] : memref<10000x128xf32, #tpu.memory_space<hbm>> -> memref<10000x128xf32, #tpu.memory_space<hbm>>
        tpu.enqueue_indirect_dma source(%dma_start3A_49 : memref<10000x128xf32, #tpu.memory_space<hbm>>) target(%arg15 : memref<80x128xf32, #tpu.memory_space<vmem>>) offsets(%dma_start3A_46 : memref<80xi32, #tpu.memory_space<vmem>>) semaphore(%arg18 : memref<!tpu.dma_semaphore, #tpu.memory_space<semaphore_mem>>)
        "tpu.region"() ({
          %run_scoped3A_68 = tpu.sem_alloc : memref<!tpu.dma_semaphore, #tpu.memory_space<semaphore_mem>>
          %dma_start3A_69 = arith.constant 0 : i32
          %dma_start3A_70 = tpu.memref_slice %arg13[%mul3A_36, %dma_start3A_69] : memref<125x80xi32, #tpu.memory_space<vmem>> -> memref<1x80xi32, #tpu.memory_space<vmem>>
          %dma_start3A_71 = tpu.memref_squeeze %dma_start3A_70 : memref<1x80xi32, #tpu.memory_space<vmem>> -> memref<80xi32, #tpu.memory_space<vmem>>
          %dma_start3A_72 = arith.constant 0 : i32
          %dma_start3A_73 = arith.constant 0 : i32
          %dma_start3A_74 = tpu.memref_slice %arg16[%dma_start3A_72, %dma_start3A_73] : memref<10000x128xf32, #tpu.memory_space<vmem_shared>> -> memref<10000x128xf32, #tpu.memory_space<vmem_shared>>
          tpu.enqueue_indirect_dma source(%arg14 : memref<80x128xf32, #tpu.memory_space<vmem>>) target(%dma_start3A_74 : memref<10000x128xf32, #tpu.memory_space<vmem_shared>>) offsets(%dma_start3A_71 : memref<80xi32, #tpu.memory_space<vmem>>) semaphore(%run_scoped3A_68 : memref<!tpu.dma_semaphore, #tpu.memory_space<semaphore_mem>>) {add = true}
          %dma_wait3A_75 = arith.constant 0 : i32
          %dma_wait3A_76 = tpu.memref_slice %arg13[%mul3A_36, %dma_wait3A_75] : memref<125x80xi32, #tpu.memory_space<vmem>> -> memref<1x80xi32, #tpu.memory_space<vmem>>
          %dma_wait3A_77 = tpu.memref_squeeze %dma_wait3A_76 : memref<1x80xi32, #tpu.memory_space<vmem>> -> memref<80xi32, #tpu.memory_space<vmem>>
          %dma_wait3A_78 = arith.constant 0 : i32
          %dma_wait3A_79 = arith.constant 0 : i32
          %dma_wait3A_80 = tpu.memref_slice %arg16[%dma_wait3A_78, %dma_wait3A_79] : memref<10000x128xf32, #tpu.memory_space<vmem_shared>> -> memref<10000x128xf32, #tpu.memory_space<vmem_shared>>
          tpu.wait_indirect_dma semaphore(%run_scoped3A_68 : memref<!tpu.dma_semaphore, #tpu.memory_space<semaphore_mem>>) src(%arg14 : memref<80x128xf32, #tpu.memory_space<vmem>>) dst(%dma_wait3A_80 : memref<10000x128xf32, #tpu.memory_space<vmem_shared>>)
          tpu.yield
        }) : () -> ()
        %add3A_50 = arith.constant 2 : i32
        %add3A_51 = arith.addi %mul3A_36, %add3A_50 : i32
        %mul3A_52 = arith.constant 80 : i32
        %mul3A_53 = arith.muli %add3A_51, %mul3A_52 : i32
        %dma_start3A_54 = tpu.memref_slice %arg12[%mul3A_53] : memref<10000xi32, #tpu.memory_space<vmem>> -> memref<80xi32, #tpu.memory_space<vmem>>
        %dma_start3A_55 = arith.constant 0 : i32
        %dma_start3A_56 = arith.constant 0 : i32
        %dma_start3A_57 = tpu.memref_slice %arg5[%dma_start3A_55, %dma_start3A_56] : memref<10000x128xf32, #tpu.memory_space<hbm>> -> memref<10000x128xf32, #tpu.memory_space<hbm>>
        tpu.enqueue_indirect_dma source(%dma_start3A_57 : memref<10000x128xf32, #tpu.memory_space<hbm>>) target(%arg14 : memref<80x128xf32, #tpu.memory_space<vmem>>) offsets(%dma_start3A_54 : memref<80xi32, #tpu.memory_space<vmem>>) semaphore(%arg17 : memref<!tpu.dma_semaphore, #tpu.memory_space<semaphore_mem>>)
        %add3A_58 = arith.constant 1 : i32
        %add3A_59 = arith.addi %mul3A_36, %add3A_58 : i32
        %mul3A_60 = arith.constant 80 : i32
        %mul3A_61 = arith.muli %add3A_59, %mul3A_60 : i32
        %dma_wait3A_62 = tpu.memref_slice %arg12[%mul3A_61] : memref<10000xi32, #tpu.memory_space<vmem>> -> memref<80xi32, #tpu.memory_space<vmem>>
        %dma_wait3A_63 = arith.constant 0 : i32
        %dma_wait3A_64 = arith.constant 0 : i32
        %dma_wait3A_65 = tpu.memref_slice %arg5[%dma_wait3A_63, %dma_wait3A_64] : memref<10000x128xf32, #tpu.memory_space<hbm>> -> memref<10000x128xf32, #tpu.memory_space<hbm>>
        tpu.wait_indirect_dma semaphore(%arg18 : memref<!tpu.dma_semaphore, #tpu.memory_space<semaphore_mem>>) src(%dma_wait3A_65 : memref<10000x128xf32, #tpu.memory_space<hbm>>) dst(%arg15 : memref<80x128xf32, #tpu.memory_space<vmem>>)
        %add3A_66 = arith.constant 1 : i32
        %add3A_67 = arith.addi %mul3A_36, %add3A_66 : i32
        "tpu.region"() ({
          %run_scoped3A_68 = tpu.sem_alloc : memref<!tpu.dma_semaphore, #tpu.memory_space<semaphore_mem>>
          %dma_start3A_69 = arith.constant 0 : i32
          %dma_start3A_70 = tpu.memref_slice %arg13[%add3A_67, %dma_start3A_69] : memref<125x80xi32, #tpu.memory_space<vmem>> -> memref<1x80xi32, #tpu.memory_space<vmem>>
          %dma_start3A_71 = tpu.memref_squeeze %dma_start3A_70 : memref<1x80xi32, #tpu.memory_space<vmem>> -> memref<80xi32, #tpu.memory_space<vmem>>
          %dma_start3A_72 = arith.constant 0 : i32
          %dma_start3A_73 = arith.constant 0 : i32
          %dma_start3A_74 = tpu.memref_slice %arg16[%dma_start3A_72, %dma_start3A_73] : memref<10000x128xf32, #tpu.memory_space<vmem_shared>> -> memref<10000x128xf32, #tpu.memory_space<vmem_shared>>
          tpu.enqueue_indirect_dma source(%arg15 : memref<80x128xf32, #tpu.memory_space<vmem>>) target(%dma_start3A_74 : memref<10000x128xf32, #tpu.memory_space<vmem_shared>>) offsets(%dma_start3A_71 : memref<80xi32, #tpu.memory_space<vmem>>) semaphore(%run_scoped3A_68 : memref<!tpu.dma_semaphore, #tpu.memory_space<semaphore_mem>>) {add = true}
          %dma_wait3A_75 = arith.constant 0 : i32
          %dma_wait3A_76 = tpu.memref_slice %arg13[%add3A_67, %dma_wait3A_75] : memref<125x80xi32, #tpu.memory_space<vmem>> -> memref<1x80xi32, #tpu.memory_space<vmem>>
          %dma_wait3A_77 = tpu.memref_squeeze %dma_wait3A_76 : memref<1x80xi32, #tpu.memory_space<vmem>> -> memref<80xi32, #tpu.memory_space<vmem>>
          %dma_wait3A_78 = arith.constant 0 : i32
          %dma_wait3A_79 = arith.constant 0 : i32
          %dma_wait3A_80 = tpu.memref_slice %arg16[%dma_wait3A_78, %dma_wait3A_79] : memref<10000x128xf32, #tpu.memory_space<vmem_shared>> -> memref<10000x128xf32, #tpu.memory_space<vmem_shared>>
          tpu.wait_indirect_dma semaphore(%run_scoped3A_68 : memref<!tpu.dma_semaphore, #tpu.memory_space<semaphore_mem>>) src(%arg15 : memref<80x128xf32, #tpu.memory_space<vmem>>) dst(%dma_wait3A_80 : memref<10000x128xf32, #tpu.memory_space<vmem_shared>>)
          tpu.yield
        }) : () -> ()
      }
      %scan3A_26 = arith.constant 62 : i32
      %dma_wait3A = arith.constant 9920 : i32
      %dma_wait3A_27 = tpu.memref_slice %arg12[%dma_wait3A] : memref<10000xi32, #tpu.memory_space<vmem>> -> memref<80xi32, #tpu.memory_space<vmem>>
      %dma_wait3A_28 = arith.constant 0 : i32
      %dma_wait3A_29 = arith.constant 0 : i32
      %dma_wait3A_30 = tpu.memref_slice %arg5[%dma_wait3A_28, %dma_wait3A_29] : memref<10000x128xf32, #tpu.memory_space<hbm>> -> memref<10000x128xf32, #tpu.memory_space<hbm>>
      tpu.wait_indirect_dma semaphore(%arg17 : memref<!tpu.dma_semaphore, #tpu.memory_space<semaphore_mem>>) src(%dma_wait3A_30 : memref<10000x128xf32, #tpu.memory_space<hbm>>) dst(%arg14 : memref<80x128xf32, #tpu.memory_space<vmem>>)
      %run_scoped3A = arith.constant 124 : i32
      "tpu.region"() ({
        %run_scoped3A_34 = tpu.sem_alloc : memref<!tpu.dma_semaphore, #tpu.memory_space<semaphore_mem>>
        %dma_start3A_35 = arith.constant 0 : i32
        %dma_start3A_36 = tpu.memref_slice %arg13[%run_scoped3A, %dma_start3A_35] : memref<125x80xi32, #tpu.memory_space<vmem>> -> memref<1x80xi32, #tpu.memory_space<vmem>>
        %dma_start3A_37 = tpu.memref_squeeze %dma_start3A_36 : memref<1x80xi32, #tpu.memory_space<vmem>> -> memref<80xi32, #tpu.memory_space<vmem>>
        %dma_start3A_38 = arith.constant 0 : i32
        %dma_start3A_39 = arith.constant 0 : i32
        %dma_start3A_40 = tpu.memref_slice %arg16[%dma_start3A_38, %dma_start3A_39] : memref<10000x128xf32, #tpu.memory_space<vmem_shared>> -> memref<10000x128xf32, #tpu.memory_space<vmem_shared>>
        tpu.enqueue_indirect_dma source(%arg14 : memref<80x128xf32, #tpu.memory_space<vmem>>) target(%dma_start3A_40 : memref<10000x128xf32, #tpu.memory_space<vmem_shared>>) offsets(%dma_start3A_37 : memref<80xi32, #tpu.memory_space<vmem>>) semaphore(%run_scoped3A_34 : memref<!tpu.dma_semaphore, #tpu.memory_space<semaphore_mem>>) {add = true}
        %dma_wait3A_41 = arith.constant 0 : i32
        %dma_wait3A_42 = tpu.memref_slice %arg13[%run_scoped3A, %dma_wait3A_41] : memref<125x80xi32, #tpu.memory_space<vmem>> -> memref<1x80xi32, #tpu.memory_space<vmem>>
        %dma_wait3A_43 = tpu.memref_squeeze %dma_wait3A_42 : memref<1x80xi32, #tpu.memory_space<vmem>> -> memref<80xi32, #tpu.memory_space<vmem>>
        %dma_wait3A_44 = arith.constant 0 : i32
        %dma_wait3A_45 = arith.constant 0 : i32
        %dma_wait3A_46 = tpu.memref_slice %arg16[%dma_wait3A_44, %dma_wait3A_45] : memref<10000x128xf32, #tpu.memory_space<vmem_shared>> -> memref<10000x128xf32, #tpu.memory_space<vmem_shared>>
        tpu.wait_indirect_dma semaphore(%run_scoped3A_34 : memref<!tpu.dma_semaphore, #tpu.memory_space<semaphore_mem>>) src(%arg14 : memref<80x128xf32, #tpu.memory_space<vmem>>) dst(%dma_wait3A_46 : memref<10000x128xf32, #tpu.memory_space<vmem_shared>>)
        tpu.yield
      }) : () -> ()
      %barrier3A_31 = arith.constant 0 : index
      tpu.barrier barrier_id(%barrier3A_31)
      %mul3A_32 = arith.constant 625 : i32
      %mul3A_33 = arith.muli %arg1, %mul3A_32 : i32
      "tpu.region"() ({
        %run_scoped3A_34 = tpu.sem_alloc : memref<!tpu.dma_semaphore, #tpu.memory_space<semaphore_mem>>
        %dma_start3A_35 = arith.constant 0 : i32
        %dma_start3A_36 = arith.constant 0 : i32
        %dma_start3A_37 = tpu.memref_slice %arg9[%arg1, %dma_start3A_35, %dma_start3A_36] : memref<16x625x128xf32, #tpu.memory_space<hbm>> -> memref<1x625x128xf32, #tpu.memory_space<hbm>>
        %dma_start3A_38 = tpu.memref_squeeze %dma_start3A_37 : memref<1x625x128xf32, #tpu.memory_space<hbm>> -> memref<625x128xf32, #tpu.memory_space<hbm>>
        %dma_start3A_39 = arith.constant 0 : i32
        %dma_start3A_40 = tpu.memref_slice %arg16[%mul3A_33, %dma_start3A_39] : memref<10000x128xf32, #tpu.memory_space<vmem_shared>> -> memref<625x128xf32, #tpu.memory_space<vmem_shared>>
        tpu.enqueue_dma source(%dma_start3A_40 : memref<625x128xf32, #tpu.memory_space<vmem_shared>>) target(%dma_start3A_38 : memref<625x128xf32, #tpu.memory_space<hbm>>) target_semaphore(%run_scoped3A_34 : memref<!tpu.dma_semaphore, #tpu.memory_space<semaphore_mem>>)
        %dma_wait3A_41 = arith.constant 0 : i32
        %dma_wait3A_42 = arith.constant 0 : i32
        %dma_wait3A_43 = tpu.memref_slice %arg9[%arg1, %dma_wait3A_41, %dma_wait3A_42] : memref<16x625x128xf32, #tpu.memory_space<hbm>> -> memref<1x625x128xf32, #tpu.memory_space<hbm>>
        %dma_wait3A_44 = tpu.memref_squeeze %dma_wait3A_43 : memref<1x625x128xf32, #tpu.memory_space<hbm>> -> memref<625x128xf32, #tpu.memory_space<hbm>>
        %dma_wait3A_45 = arith.constant 0 : i32
        %dma_wait3A_46 = tpu.memref_slice %arg16[%mul3A_33, %dma_wait3A_45] : memref<10000x128xf32, #tpu.memory_space<vmem_shared>> -> memref<625x128xf32, #tpu.memory_space<vmem_shared>>
        tpu.wait_dma2 semaphore(%run_scoped3A_34 : memref<!tpu.dma_semaphore, #tpu.memory_space<semaphore_mem>>) src(%dma_wait3A_46 : memref<625x128xf32, #tpu.memory_space<vmem_shared>>) dst(%dma_wait3A_44 : memref<625x128xf32, #tpu.memory_space<hbm>>)
        tpu.yield
      }) : () -> ()
    } else {
    }
    %eq3A_8 = arith.constant 1 : i32
    %eq3A_9 = arith.cmpi eq, %arg0, %eq3A_8 : i32
    %convert_element_type3A_10 = arith.extui %eq3A_9 : i1 to i32
    %cond3A_11 = arith.constant 0 : i32
    %cond3A_12 = arith.cmpi ne, %convert_element_type3A_10, %cond3A_11 : i32
    scf.if %cond3A_12 {
      %scan3A = arith.constant 0 : i32
      %scan3A_18 = arith.constant 0 : i32
      %scan3A_19 = arith.constant 80 : i32
      %scan3A_20 = arith.addi %scan3A_18, %scan3A_19 : i32
      %scan3A_21 = arith.constant 1 : i32
      scf.for %scan3A_68 = %scan3A_18 to %scan3A_20 step %scan3A_21  : i32 {
        %broadcast_in_dim3A = arith.constant 0.000000e+00 : f32
        %broadcast_in_dim3A_69 = vector.broadcast %broadcast_in_dim3A : f32 to vector<16xf32>
        %swap3A = arith.index_cast %scan3A_68 : i32 to index
        %swap3A_70 = arith.constant 0 : index
        %swap3A_71 = tpu.vector_load %arg14[%swap3A, %swap3A_70] {strides = array<i32>} : memref<80x128xf32, #tpu.memory_space<vmem>>, vector<1x16xf32>,
        %swap3A_72 = vector.shape_cast %swap3A_71 : vector<1x16xf32> to vector<16xf32>
        %swap3A_73 = vector.shape_cast %broadcast_in_dim3A_69 : vector<16xf32> to vector<1x16xf32>
        tpu.vector_store %arg14[%swap3A, %swap3A_70], %swap3A_73 {strides = array<i32>} : memref<80x128xf32, #tpu.memory_space<vmem>>, vector<1x16xf32>,
        %broadcast_in_dim3A_74 = arith.constant 0.000000e+00 : f32
        %broadcast_in_dim3A_75 = vector.broadcast %broadcast_in_dim3A_74 : f32 to vector<16xf32>
        %swap3A_76 = arith.index_cast %scan3A_68 : i32 to index
        %swap3A_77 = arith.constant 16 : index
        %swap3A_78 = tpu.vector_load %arg14[%swap3A_76, %swap3A_77] {strides = array<i32>} : memref<80x128xf32, #tpu.memory_space<vmem>>, vector<1x16xf32>,
        %swap3A_79 = vector.shape_cast %swap3A_78 : vector<1x16xf32> to vector<16xf32>
        %swap3A_80 = vector.shape_cast %broadcast_in_dim3A_75 : vector<16xf32> to vector<1x16xf32>
        tpu.vector_store %arg14[%swap3A_76, %swap3A_77], %swap3A_80 {strides = array<i32>} : memref<80x128xf32, #tpu.memory_space<vmem>>, vector<1x16xf32>,
        %broadcast_in_dim3A_81 = arith.constant 0.000000e+00 : f32
        %broadcast_in_dim3A_82 = vector.broadcast %broadcast_in_dim3A_81 : f32 to vector<16xf32>
        %swap3A_83 = arith.index_cast %scan3A_68 : i32 to index
        %swap3A_84 = arith.constant 32 : index
        %swap3A_85 = tpu.vector_load %arg14[%swap3A_83, %swap3A_84] {strides = array<i32>} : memref<80x128xf32, #tpu.memory_space<vmem>>, vector<1x16xf32>,
        %swap3A_86 = vector.shape_cast %swap3A_85 : vector<1x16xf32> to vector<16xf32>
        %swap3A_87 = vector.shape_cast %broadcast_in_dim3A_82 : vector<16xf32> to vector<1x16xf32>
        tpu.vector_store %arg14[%swap3A_83, %swap3A_84], %swap3A_87 {strides = array<i32>} : memref<80x128xf32, #tpu.memory_space<vmem>>, vector<1x16xf32>,
        %broadcast_in_dim3A_88 = arith.constant 0.000000e+00 : f32
        %broadcast_in_dim3A_89 = vector.broadcast %broadcast_in_dim3A_88 : f32 to vector<16xf32>
        %swap3A_90 = arith.index_cast %scan3A_68 : i32 to index
        %swap3A_91 = arith.constant 48 : index
        %swap3A_92 = tpu.vector_load %arg14[%swap3A_90, %swap3A_91] {strides = array<i32>} : memref<80x128xf32, #tpu.memory_space<vmem>>, vector<1x16xf32>,
        %swap3A_93 = vector.shape_cast %swap3A_92 : vector<1x16xf32> to vector<16xf32>
        %swap3A_94 = vector.shape_cast %broadcast_in_dim3A_89 : vector<16xf32> to vector<1x16xf32>
        tpu.vector_store %arg14[%swap3A_90, %swap3A_91], %swap3A_94 {strides = array<i32>} : memref<80x128xf32, #tpu.memory_space<vmem>>, vector<1x16xf32>,
        %broadcast_in_dim3A_95 = arith.constant 0.000000e+00 : f32
        %broadcast_in_dim3A_96 = vector.broadcast %broadcast_in_dim3A_95 : f32 to vector<16xf32>
        %swap3A_97 = arith.index_cast %scan3A_68 : i32 to index
        %swap3A_98 = arith.constant 64 : index
        %swap3A_99 = tpu.vector_load %arg14[%swap3A_97, %swap3A_98] {strides = array<i32>} : memref<80x128xf32, #tpu.memory_space<vmem>>, vector<1x16xf32>,
        %swap3A_100 = vector.shape_cast %swap3A_99 : vector<1x16xf32> to vector<16xf32>
        %swap3A_101 = vector.shape_cast %broadcast_in_dim3A_96 : vector<16xf32> to vector<1x16xf32>
        tpu.vector_store %arg14[%swap3A_97, %swap3A_98], %swap3A_101 {strides = array<i32>} : memref<80x128xf32, #tpu.memory_space<vmem>>, vector<1x16xf32>,
        %broadcast_in_dim3A_102 = arith.constant 0.000000e+00 : f32
        %broadcast_in_dim3A_103 = vector.broadcast %broadcast_in_dim3A_102 : f32 to vector<16xf32>
        %swap3A_104 = arith.index_cast %scan3A_68 : i32 to index
        %swap3A_105 = arith.constant 80 : index
        %swap3A_106 = tpu.vector_load %arg14[%swap3A_104, %swap3A_105] {strides = array<i32>} : memref<80x128xf32, #tpu.memory_space<vmem>>, vector<1x16xf32>,
        %swap3A_107 = vector.shape_cast %swap3A_106 : vector<1x16xf32> to vector<16xf32>
        %swap3A_108 = vector.shape_cast %broadcast_in_dim3A_103 : vector<16xf32> to vector<1x16xf32>
        tpu.vector_store %arg14[%swap3A_104, %swap3A_105], %swap3A_108 {strides = array<i32>} : memref<80x128xf32, #tpu.memory_space<vmem>>, vector<1x16xf32>,
        %broadcast_in_dim3A_109 = arith.constant 0.000000e+00 : f32
        %broadcast_in_dim3A_110 = vector.broadcast %broadcast_in_dim3A_109 : f32 to vector<16xf32>
        %swap3A_111 = arith.index_cast %scan3A_68 : i32 to index
        %swap3A_112 = arith.constant 96 : index
        %swap3A_113 = tpu.vector_load %arg14[%swap3A_111, %swap3A_112] {strides = array<i32>} : memref<80x128xf32, #tpu.memory_space<vmem>>, vector<1x16xf32>,
        %swap3A_114 = vector.shape_cast %swap3A_113 : vector<1x16xf32> to vector<16xf32>
        %swap3A_115 = vector.shape_cast %broadcast_in_dim3A_110 : vector<16xf32> to vector<1x16xf32>
        tpu.vector_store %arg14[%swap3A_111, %swap3A_112], %swap3A_115 {strides = array<i32>} : memref<80x128xf32, #tpu.memory_space<vmem>>, vector<1x16xf32>,
        %broadcast_in_dim3A_116 = arith.constant 0.000000e+00 : f32
        %broadcast_in_dim3A_117 = vector.broadcast %broadcast_in_dim3A_116 : f32 to vector<16xf32>
        %swap3A_118 = arith.index_cast %scan3A_68 : i32 to index
        %swap3A_119 = arith.constant 112 : index
        %swap3A_120 = tpu.vector_load %arg14[%swap3A_118, %swap3A_119] {strides = array<i32>} : memref<80x128xf32, #tpu.memory_space<vmem>>, vector<1x16xf32>,
        %swap3A_121 = vector.shape_cast %swap3A_120 : vector<1x16xf32> to vector<16xf32>
        %swap3A_122 = vector.shape_cast %broadcast_in_dim3A_117 : vector<16xf32> to vector<1x16xf32>
        tpu.vector_store %arg14[%swap3A_118, %swap3A_119], %swap3A_122 {strides = array<i32>} : memref<80x128xf32, #tpu.memory_space<vmem>>, vector<1x16xf32>,
      }
      %scan3A_22 = arith.constant 80 : i32
      %scan3A_23 = arith.constant 0 : i32
      %scan3A_24 = arith.constant 0 : i32
      %scan3A_25 = arith.constant 7 : i32
      %scan3A_26 = arith.addi %scan3A_24, %scan3A_25 : i32
      %scan3A_27 = arith.constant 1 : i32
      scf.for %scan3A_68 = %scan3A_24 to %scan3A_26 step %scan3A_27  : i32 {
        %mul3A_69 = arith.constant 625 : i32
        %mul3A_70 = arith.muli %arg1, %mul3A_69 : i32
        %mul3A_71 = arith.constant 80 : i32
        %mul3A_72 = arith.muli %scan3A_68, %mul3A_71 : i32
        %add3A_73 = arith.addi %mul3A_70, %mul3A_72 : i32
        "tpu.region"() ({
          %run_scoped3A_74 = tpu.sem_alloc : memref<!tpu.dma_semaphore, #tpu.memory_space<semaphore_mem>>
          %dma_start3A_75 = arith.constant 0 : i32
          %dma_start3A_76 = tpu.memref_slice %arg16[%add3A_73, %dma_start3A_75] : memref<10000x128xf32, #tpu.memory_space<vmem_shared>> -> memref<80x128xf32, #tpu.memory_space<vmem_shared>>
          %dma_start3A_77 = arith.constant 0 : i32
          %dma_start3A_78 = tpu.memref_slice %arg16[%add3A_73, %dma_start3A_77] : memref<10000x128xf32, #tpu.memory_space<vmem_shared>> -> memref<80x128xf32, #tpu.memory_space<vmem_shared>>
          tpu.enqueue_dma source(%arg14 : memref<80x128xf32, #tpu.memory_space<vmem>>) target(%dma_start3A_78 : memref<80x128xf32, #tpu.memory_space<vmem_shared>>) target_semaphore(%run_scoped3A_74 : memref<!tpu.dma_semaphore, #tpu.memory_space<semaphore_mem>>)
          %dma_wait3A_79 = arith.constant 0 : i32
          %dma_wait3A_80 = tpu.memref_slice %arg16[%add3A_73, %dma_wait3A_79] : memref<10000x128xf32, #tpu.memory_space<vmem_shared>> -> memref<80x128xf32, #tpu.memory_space<vmem_shared>>
          %dma_wait3A_81 = arith.constant 0 : i32
          %dma_wait3A_82 = tpu.memref_slice %arg16[%add3A_73, %dma_wait3A_81] : memref<10000x128xf32, #tpu.memory_space<vmem_shared>> -> memref<80x128xf32, #tpu.memory_space<vmem_shared>>
          tpu.wait_dma2 semaphore(%run_scoped3A_74 : memref<!tpu.dma_semaphore, #tpu.memory_space<semaphore_mem>>) src(%arg14 : memref<80x128xf32, #tpu.memory_space<vmem>>) dst(%dma_wait3A_82 : memref<80x128xf32, #tpu.memory_space<vmem_shared>>)
          tpu.yield
        }) : () -> ()
      }
      %scan3A_28 = arith.constant 7 : i32
      %mul3A_29 = arith.constant 625 : i32
      %mul3A_30 = arith.muli %arg1, %mul3A_29 : i32
      %add3A = arith.constant 625 : i32
      %add3A_31 = arith.addi %mul3A_30, %add3A : i32
      %sub3A = arith.constant 65 : i32
      %sub3A_32 = arith.subi %add3A_31, %sub3A : i32
      "tpu.region"() ({
        %run_scoped3A_68 = tpu.sem_alloc : memref<!tpu.dma_semaphore, #tpu.memory_space<semaphore_mem>>
        %dma_start3A_69 = arith.constant 0 : i32
        %dma_start3A_70 = arith.constant 0 : i32
        %dma_start3A_71 = tpu.memref_slice %arg14[%dma_start3A_69, %dma_start3A_70] : memref<80x128xf32, #tpu.memory_space<vmem>> -> memref<65x128xf32, #tpu.memory_space<vmem>>
        %dma_start3A_72 = arith.constant 0 : i32
        %dma_start3A_73 = tpu.memref_slice %arg16[%sub3A_32, %dma_start3A_72] : memref<10000x128xf32, #tpu.memory_space<vmem_shared>> -> memref<65x128xf32, #tpu.memory_space<vmem_shared>>
        %dma_start3A_74 = arith.constant 0 : i32
        %dma_start3A_75 = tpu.memref_slice %arg16[%sub3A_32, %dma_start3A_74] : memref<10000x128xf32, #tpu.memory_space<vmem_shared>> -> memref<65x128xf32, #tpu.memory_space<vmem_shared>>
        %dma_start3A_76 = arith.constant 0 : i32
        %dma_start3A_77 = arith.constant 0 : i32
        %dma_start3A_78 = tpu.memref_slice %arg14[%dma_start3A_76, %dma_start3A_77] : memref<80x128xf32, #tpu.memory_space<vmem>> -> memref<65x128xf32, #tpu.memory_space<vmem>>
        tpu.enqueue_dma source(%dma_start3A_78 : memref<65x128xf32, #tpu.memory_space<vmem>>) target(%dma_start3A_75 : memref<65x128xf32, #tpu.memory_space<vmem_shared>>) target_semaphore(%run_scoped3A_68 : memref<!tpu.dma_semaphore, #tpu.memory_space<semaphore_mem>>)
        %dma_wait3A_79 = arith.constant 0 : i32
        %dma_wait3A_80 = arith.constant 0 : i32
        %dma_wait3A_81 = tpu.memref_slice %arg14[%dma_wait3A_79, %dma_wait3A_80] : memref<80x128xf32, #tpu.memory_space<vmem>> -> memref<65x128xf32, #tpu.memory_space<vmem>>
        %dma_wait3A_82 = arith.constant 0 : i32
        %dma_wait3A_83 = tpu.memref_slice %arg16[%sub3A_32, %dma_wait3A_82] : memref<10000x128xf32, #tpu.memory_space<vmem_shared>> -> memref<65x128xf32, #tpu.memory_space<vmem_shared>>
        %dma_wait3A_84 = arith.constant 0 : i32
        %dma_wait3A_85 = tpu.memref_slice %arg16[%sub3A_32, %dma_wait3A_84] : memref<10000x128xf32, #tpu.memory_space<vmem_shared>> -> memref<65x128xf32, #tpu.memory_space<vmem_shared>>
        %dma_wait3A_86 = arith.constant 0 : i32
        %dma_wait3A_87 = arith.constant 0 : i32
        %dma_wait3A_88 = tpu.memref_slice %arg14[%dma_wait3A_86, %dma_wait3A_87] : memref<80x128xf32, #tpu.memory_space<vmem>> -> memref<65x128xf32, #tpu.memory_space<vmem>>
        tpu.wait_dma2 semaphore(%run_scoped3A_68 : memref<!tpu.dma_semaphore, #tpu.memory_space<semaphore_mem>>) src(%dma_wait3A_88 : memref<65x128xf32, #tpu.memory_space<vmem>>) dst(%dma_wait3A_85 : memref<65x128xf32, #tpu.memory_space<vmem_shared>>)
        tpu.yield
      }) : () -> ()
      %barrier3A = arith.constant 0 : index
      tpu.barrier barrier_id(%barrier3A)
      %dma_start3A = arith.constant 0 : i32
      %dma_start3A_33 = tpu.memref_slice %arg12[%dma_start3A] : memref<10000xi32, #tpu.memory_space<vmem>> -> memref<80xi32, #tpu.memory_space<vmem>>
      %dma_start3A_34 = arith.constant 0 : i32
      %dma_start3A_35 = arith.constant 0 : i32
      %dma_start3A_36 = tpu.memref_slice %arg6[%dma_start3A_34, %dma_start3A_35] : memref<10000x128xf32, #tpu.memory_space<hbm>> -> memref<10000x128xf32, #tpu.memory_space<hbm>>
      tpu.enqueue_indirect_dma source(%dma_start3A_36 : memref<10000x128xf32, #tpu.memory_space<hbm>>) target(%arg14 : memref<80x128xf32, #tpu.memory_space<vmem>>) offsets(%dma_start3A_33 : memref<80xi32, #tpu.memory_space<vmem>>) semaphore(%arg17 : memref<!tpu.dma_semaphore, #tpu.memory_space<semaphore_mem>>)
      %scan3A_37 = arith.constant 0 : i32
      %scan3A_38 = arith.constant 0 : i32
      %scan3A_39 = arith.constant 62 : i32
      %scan3A_40 = arith.addi %scan3A_38, %scan3A_39 : i32
      %scan3A_41 = arith.constant 1 : i32
      scf.for %scan3A_68 = %scan3A_38 to %scan3A_40 step %scan3A_41  : i32 {
        %mul3A_69 = arith.constant 2 : i32
        %mul3A_70 = arith.muli %mul3A_69, %scan3A_68 : i32
        %mul3A_71 = arith.constant 80 : i32
        %mul3A_72 = arith.muli %mul3A_70, %mul3A_71 : i32
        %dma_wait3A_73 = tpu.memref_slice %arg12[%mul3A_72] : memref<10000xi32, #tpu.memory_space<vmem>> -> memref<80xi32, #tpu.memory_space<vmem>>
        %dma_wait3A_74 = arith.constant 0 : i32
        %dma_wait3A_75 = arith.constant 0 : i32
        %dma_wait3A_76 = tpu.memref_slice %arg6[%dma_wait3A_74, %dma_wait3A_75] : memref<10000x128xf32, #tpu.memory_space<hbm>> -> memref<10000x128xf32, #tpu.memory_space<hbm>>
        tpu.wait_indirect_dma semaphore(%arg17 : memref<!tpu.dma_semaphore, #tpu.memory_space<semaphore_mem>>) src(%dma_wait3A_76 : memref<10000x128xf32, #tpu.memory_space<hbm>>) dst(%arg14 : memref<80x128xf32, #tpu.memory_space<vmem>>)
        %add3A_77 = arith.constant 1 : i32
        %add3A_78 = arith.addi %mul3A_70, %add3A_77 : i32
        %mul3A_79 = arith.constant 80 : i32
        %mul3A_80 = arith.muli %add3A_78, %mul3A_79 : i32
        %dma_start3A_81 = tpu.memref_slice %arg12[%mul3A_80] : memref<10000xi32, #tpu.memory_space<vmem>> -> memref<80xi32, #tpu.memory_space<vmem>>
        %dma_start3A_82 = arith.constant 0 : i32
        %dma_start3A_83 = arith.constant 0 : i32
        %dma_start3A_84 = tpu.memref_slice %arg6[%dma_start3A_82, %dma_start3A_83] : memref<10000x128xf32, #tpu.memory_space<hbm>> -> memref<10000x128xf32, #tpu.memory_space<hbm>>
        tpu.enqueue_indirect_dma source(%dma_start3A_84 : memref<10000x128xf32, #tpu.memory_space<hbm>>) target(%arg15 : memref<80x128xf32, #tpu.memory_space<vmem>>) offsets(%dma_start3A_81 : memref<80xi32, #tpu.memory_space<vmem>>) semaphore(%arg18 : memref<!tpu.dma_semaphore, #tpu.memory_space<semaphore_mem>>)
        "tpu.region"() ({
          %run_scoped3A_103 = tpu.sem_alloc : memref<!tpu.dma_semaphore, #tpu.memory_space<semaphore_mem>>
          %dma_start3A_104 = arith.constant 0 : i32
          %dma_start3A_105 = tpu.memref_slice %arg13[%mul3A_70, %dma_start3A_104] : memref<125x80xi32, #tpu.memory_space<vmem>> -> memref<1x80xi32, #tpu.memory_space<vmem>>
          %dma_start3A_106 = tpu.memref_squeeze %dma_start3A_105 : memref<1x80xi32, #tpu.memory_space<vmem>> -> memref<80xi32, #tpu.memory_space<vmem>>
          %dma_start3A_107 = arith.constant 0 : i32
          %dma_start3A_108 = arith.constant 0 : i32
          %dma_start3A_109 = tpu.memref_slice %arg16[%dma_start3A_107, %dma_start3A_108] : memref<10000x128xf32, #tpu.memory_space<vmem_shared>> -> memref<10000x128xf32, #tpu.memory_space<vmem_shared>>
          tpu.enqueue_indirect_dma source(%arg14 : memref<80x128xf32, #tpu.memory_space<vmem>>) target(%dma_start3A_109 : memref<10000x128xf32, #tpu.memory_space<vmem_shared>>) offsets(%dma_start3A_106 : memref<80xi32, #tpu.memory_space<vmem>>) semaphore(%run_scoped3A_103 : memref<!tpu.dma_semaphore, #tpu.memory_space<semaphore_mem>>) {add = true}
          %dma_wait3A_110 = arith.constant 0 : i32
          %dma_wait3A_111 = tpu.memref_slice %arg13[%mul3A_70, %dma_wait3A_110] : memref<125x80xi32, #tpu.memory_space<vmem>> -> memref<1x80xi32, #tpu.memory_space<vmem>>
          %dma_wait3A_112 = tpu.memref_squeeze %dma_wait3A_111 : memref<1x80xi32, #tpu.memory_space<vmem>> -> memref<80xi32, #tpu.memory_space<vmem>>
          %dma_wait3A_113 = arith.constant 0 : i32
          %dma_wait3A_114 = arith.constant 0 : i32
          %dma_wait3A_115 = tpu.memref_slice %arg16[%dma_wait3A_113, %dma_wait3A_114] : memref<10000x128xf32, #tpu.memory_space<vmem_shared>> -> memref<10000x128xf32, #tpu.memory_space<vmem_shared>>
          tpu.wait_indirect_dma semaphore(%run_scoped3A_103 : memref<!tpu.dma_semaphore, #tpu.memory_space<semaphore_mem>>) src(%arg14 : memref<80x128xf32, #tpu.memory_space<vmem>>) dst(%dma_wait3A_115 : memref<10000x128xf32, #tpu.memory_space<vmem_shared>>)
          tpu.yield
        }) : () -> ()
        %add3A_85 = arith.constant 2 : i32
        %add3A_86 = arith.addi %mul3A_70, %add3A_85 : i32
        %mul3A_87 = arith.constant 80 : i32
        %mul3A_88 = arith.muli %add3A_86, %mul3A_87 : i32
        %dma_start3A_89 = tpu.memref_slice %arg12[%mul3A_88] : memref<10000xi32, #tpu.memory_space<vmem>> -> memref<80xi32, #tpu.memory_space<vmem>>
        %dma_start3A_90 = arith.constant 0 : i32
        %dma_start3A_91 = arith.constant 0 : i32
        %dma_start3A_92 = tpu.memref_slice %arg6[%dma_start3A_90, %dma_start3A_91] : memref<10000x128xf32, #tpu.memory_space<hbm>> -> memref<10000x128xf32, #tpu.memory_space<hbm>>
        tpu.enqueue_indirect_dma source(%dma_start3A_92 : memref<10000x128xf32, #tpu.memory_space<hbm>>) target(%arg14 : memref<80x128xf32, #tpu.memory_space<vmem>>) offsets(%dma_start3A_89 : memref<80xi32, #tpu.memory_space<vmem>>) semaphore(%arg17 : memref<!tpu.dma_semaphore, #tpu.memory_space<semaphore_mem>>)
        %add3A_93 = arith.constant 1 : i32
        %add3A_94 = arith.addi %mul3A_70, %add3A_93 : i32
        %mul3A_95 = arith.constant 80 : i32
        %mul3A_96 = arith.muli %add3A_94, %mul3A_95 : i32
        %dma_wait3A_97 = tpu.memref_slice %arg12[%mul3A_96] : memref<10000xi32, #tpu.memory_space<vmem>> -> memref<80xi32, #tpu.memory_space<vmem>>
        %dma_wait3A_98 = arith.constant 0 : i32
        %dma_wait3A_99 = arith.constant 0 : i32
        %dma_wait3A_100 = tpu.memref_slice %arg6[%dma_wait3A_98, %dma_wait3A_99] : memref<10000x128xf32, #tpu.memory_space<hbm>> -> memref<10000x128xf32, #tpu.memory_space<hbm>>
        tpu.wait_indirect_dma semaphore(%arg18 : memref<!tpu.dma_semaphore, #tpu.memory_space<semaphore_mem>>) src(%dma_wait3A_100 : memref<10000x128xf32, #tpu.memory_space<hbm>>) dst(%arg15 : memref<80x128xf32, #tpu.memory_space<vmem>>)
        %add3A_101 = arith.constant 1 : i32
        %add3A_102 = arith.addi %mul3A_70, %add3A_101 : i32
        "tpu.region"() ({
          %run_scoped3A_103 = tpu.sem_alloc : memref<!tpu.dma_semaphore, #tpu.memory_space<semaphore_mem>>
          %dma_start3A_104 = arith.constant 0 : i32
          %dma_start3A_105 = tpu.memref_slice %arg13[%add3A_102, %dma_start3A_104] : memref<125x80xi32, #tpu.memory_space<vmem>> -> memref<1x80xi32, #tpu.memory_space<vmem>>
          %dma_start3A_106 = tpu.memref_squeeze %dma_start3A_105 : memref<1x80xi32, #tpu.memory_space<vmem>> -> memref<80xi32, #tpu.memory_space<vmem>>
          %dma_start3A_107 = arith.constant 0 : i32
          %dma_start3A_108 = arith.constant 0 : i32
          %dma_start3A_109 = tpu.memref_slice %arg16[%dma_start3A_107, %dma_start3A_108] : memref<10000x128xf32, #tpu.memory_space<vmem_shared>> -> memref<10000x128xf32, #tpu.memory_space<vmem_shared>>
          tpu.enqueue_indirect_dma source(%arg15 : memref<80x128xf32, #tpu.memory_space<vmem>>) target(%dma_start3A_109 : memref<10000x128xf32, #tpu.memory_space<vmem_shared>>) offsets(%dma_start3A_106 : memref<80xi32, #tpu.memory_space<vmem>>) semaphore(%run_scoped3A_103 : memref<!tpu.dma_semaphore, #tpu.memory_space<semaphore_mem>>) {add = true}
          %dma_wait3A_110 = arith.constant 0 : i32
          %dma_wait3A_111 = tpu.memref_slice %arg13[%add3A_102, %dma_wait3A_110] : memref<125x80xi32, #tpu.memory_space<vmem>> -> memref<1x80xi32, #tpu.memory_space<vmem>>
          %dma_wait3A_112 = tpu.memref_squeeze %dma_wait3A_111 : memref<1x80xi32, #tpu.memory_space<vmem>> -> memref<80xi32, #tpu.memory_space<vmem>>
          %dma_wait3A_113 = arith.constant 0 : i32
          %dma_wait3A_114 = arith.constant 0 : i32
          %dma_wait3A_115 = tpu.memref_slice %arg16[%dma_wait3A_113, %dma_wait3A_114] : memref<10000x128xf32, #tpu.memory_space<vmem_shared>> -> memref<10000x128xf32, #tpu.memory_space<vmem_shared>>
          tpu.wait_indirect_dma semaphore(%run_scoped3A_103 : memref<!tpu.dma_semaphore, #tpu.memory_space<semaphore_mem>>) src(%arg15 : memref<80x128xf32, #tpu.memory_space<vmem>>) dst(%dma_wait3A_115 : memref<10000x128xf32, #tpu.memory_space<vmem_shared>>)
          tpu.yield
        }) : () -> ()
      }
      %scan3A_42 = arith.constant 62 : i32
      %dma_wait3A = arith.constant 9920 : i32
      %dma_wait3A_43 = tpu.memref_slice %arg12[%dma_wait3A] : memref<10000xi32, #tpu.memory_space<vmem>> -> memref<80xi32, #tpu.memory_space<vmem>>
      %dma_wait3A_44 = arith.constant 0 : i32
      %dma_wait3A_45 = arith.constant 0 : i32
      %dma_wait3A_46 = tpu.memref_slice %arg6[%dma_wait3A_44, %dma_wait3A_45] : memref<10000x128xf32, #tpu.memory_space<hbm>> -> memref<10000x128xf32, #tpu.memory_space<hbm>>
      tpu.wait_indirect_dma semaphore(%arg17 : memref<!tpu.dma_semaphore, #tpu.memory_space<semaphore_mem>>) src(%dma_wait3A_46 : memref<10000x128xf32, #tpu.memory_space<hbm>>) dst(%arg14 : memref<80x128xf32, #tpu.memory_space<vmem>>)
      %run_scoped3A = arith.constant 124 : i32
      "tpu.region"() ({
        %run_scoped3A_68 = tpu.sem_alloc : memref<!tpu.dma_semaphore, #tpu.memory_space<semaphore_mem>>
        %dma_start3A_69 = arith.constant 0 : i32
        %dma_start3A_70 = tpu.memref_slice %arg13[%run_scoped3A, %dma_start3A_69] : memref<125x80xi32, #tpu.memory_space<vmem>> -> memref<1x80xi32, #tpu.memory_space<vmem>>
        %dma_start3A_71 = tpu.memref_squeeze %dma_start3A_70 : memref<1x80xi32, #tpu.memory_space<vmem>> -> memref<80xi32, #tpu.memory_space<vmem>>
        %dma_start3A_72 = arith.constant 0 : i32
        %dma_start3A_73 = arith.constant 0 : i32
        %dma_start3A_74 = tpu.memref_slice %arg16[%dma_start3A_72, %dma_start3A_73] : memref<10000x128xf32, #tpu.memory_space<vmem_shared>> -> memref<10000x128xf32, #tpu.memory_space<vmem_shared>>
        tpu.enqueue_indirect_dma source(%arg14 : memref<80x128xf32, #tpu.memory_space<vmem>>) target(%dma_start3A_74 : memref<10000x128xf32, #tpu.memory_space<vmem_shared>>) offsets(%dma_start3A_71 : memref<80xi32, #tpu.memory_space<vmem>>) semaphore(%run_scoped3A_68 : memref<!tpu.dma_semaphore, #tpu.memory_space<semaphore_mem>>) {add = true}
        %dma_wait3A_75 = arith.constant 0 : i32
        %dma_wait3A_76 = tpu.memref_slice %arg13[%run_scoped3A, %dma_wait3A_75] : memref<125x80xi32, #tpu.memory_space<vmem>> -> memref<1x80xi32, #tpu.memory_space<vmem>>
        %dma_wait3A_77 = tpu.memref_squeeze %dma_wait3A_76 : memref<1x80xi32, #tpu.memory_space<vmem>> -> memref<80xi32, #tpu.memory_space<vmem>>
        %dma_wait3A_78 = arith.constant 0 : i32
        %dma_wait3A_79 = arith.constant 0 : i32
        %dma_wait3A_80 = tpu.memref_slice %arg16[%dma_wait3A_78, %dma_wait3A_79] : memref<10000x128xf32, #tpu.memory_space<vmem_shared>> -> memref<10000x128xf32, #tpu.memory_space<vmem_shared>>
        tpu.wait_indirect_dma semaphore(%run_scoped3A_68 : memref<!tpu.dma_semaphore, #tpu.memory_space<semaphore_mem>>) src(%arg14 : memref<80x128xf32, #tpu.memory_space<vmem>>) dst(%dma_wait3A_80 : memref<10000x128xf32, #tpu.memory_space<vmem_shared>>)
        tpu.yield
      }) : () -> ()
      %barrier3A_47 = arith.constant 0 : index
      tpu.barrier barrier_id(%barrier3A_47)
      %mul3A_48 = arith.constant 625 : i32
      %mul3A_49 = arith.muli %arg1, %mul3A_48 : i32
      "tpu.region"() ({
        %run_scoped3A_68 = tpu.sem_alloc : memref<!tpu.dma_semaphore, #tpu.memory_space<semaphore_mem>>
        %dma_start3A_69 = arith.constant 0 : i32
        %dma_start3A_70 = arith.constant 0 : i32
        %dma_start3A_71 = tpu.memref_slice %arg10[%arg1, %dma_start3A_69, %dma_start3A_70] : memref<16x625x128xf32, #tpu.memory_space<hbm>> -> memref<1x625x128xf32, #tpu.memory_space<hbm>>
        %dma_start3A_72 = tpu.memref_squeeze %dma_start3A_71 : memref<1x625x128xf32, #tpu.memory_space<hbm>> -> memref<625x128xf32, #tpu.memory_space<hbm>>
        %dma_start3A_73 = arith.constant 0 : i32
        %dma_start3A_74 = tpu.memref_slice %arg16[%mul3A_49, %dma_start3A_73] : memref<10000x128xf32, #tpu.memory_space<vmem_shared>> -> memref<625x128xf32, #tpu.memory_space<vmem_shared>>
        tpu.enqueue_dma source(%dma_start3A_74 : memref<625x128xf32, #tpu.memory_space<vmem_shared>>) target(%dma_start3A_72 : memref<625x128xf32, #tpu.memory_space<hbm>>) target_semaphore(%run_scoped3A_68 : memref<!tpu.dma_semaphore, #tpu.memory_space<semaphore_mem>>)
        %dma_wait3A_75 = arith.constant 0 : i32
        %dma_wait3A_76 = arith.constant 0 : i32
        %dma_wait3A_77 = tpu.memref_slice %arg10[%arg1, %dma_wait3A_75, %dma_wait3A_76] : memref<16x625x128xf32, #tpu.memory_space<hbm>> -> memref<1x625x128xf32, #tpu.memory_space<hbm>>
        %dma_wait3A_78 = tpu.memref_squeeze %dma_wait3A_77 : memref<1x625x128xf32, #tpu.memory_space<hbm>> -> memref<625x128xf32, #tpu.memory_space<hbm>>
        %dma_wait3A_79 = arith.constant 0 : i32
        %dma_wait3A_80 = tpu.memref_slice %arg16[%mul3A_49, %dma_wait3A_79] : memref<10000x128xf32, #tpu.memory_space<vmem_shared>> -> memref<625x128xf32, #tpu.memory_space<vmem_shared>>
        tpu.wait_dma2 semaphore(%run_scoped3A_68 : memref<!tpu.dma_semaphore, #tpu.memory_space<semaphore_mem>>) src(%dma_wait3A_80 : memref<625x128xf32, #tpu.memory_space<vmem_shared>>) dst(%dma_wait3A_78 : memref<625x128xf32, #tpu.memory_space<hbm>>)
        tpu.yield
      }) : () -> ()
      %scan3A_50 = arith.constant 0 : i32
      %scan3A_51 = arith.constant 0 : i32
      %scan3A_52 = arith.constant 80 : i32
      %scan3A_53 = arith.addi %scan3A_51, %scan3A_52 : i32
      %scan3A_54 = arith.constant 1 : i32
      scf.for %scan3A_68 = %scan3A_51 to %scan3A_53 step %scan3A_54  : i32 {
        %broadcast_in_dim3A = arith.constant 0.000000e+00 : f32
        %broadcast_in_dim3A_69 = vector.broadcast %broadcast_in_dim3A : f32 to vector<16xf32>
        %swap3A = arith.index_cast %scan3A_68 : i32 to index
        %swap3A_70 = arith.constant 0 : index
        %swap3A_71 = tpu.vector_load %arg14[%swap3A, %swap3A_70] {strides = array<i32>} : memref<80x128xf32, #tpu.memory_space<vmem>>, vector<1x16xf32>,
        %swap3A_72 = vector.shape_cast %swap3A_71 : vector<1x16xf32> to vector<16xf32>
        %swap3A_73 = vector.shape_cast %broadcast_in_dim3A_69 : vector<16xf32> to vector<1x16xf32>
        tpu.vector_store %arg14[%swap3A, %swap3A_70], %swap3A_73 {strides = array<i32>} : memref<80x128xf32, #tpu.memory_space<vmem>>, vector<1x16xf32>,
        %broadcast_in_dim3A_74 = arith.constant 0.000000e+00 : f32
        %broadcast_in_dim3A_75 = vector.broadcast %broadcast_in_dim3A_74 : f32 to vector<16xf32>
        %swap3A_76 = arith.index_cast %scan3A_68 : i32 to index
        %swap3A_77 = arith.constant 16 : index
        %swap3A_78 = tpu.vector_load %arg14[%swap3A_76, %swap3A_77] {strides = array<i32>} : memref<80x128xf32, #tpu.memory_space<vmem>>, vector<1x16xf32>,
        %swap3A_79 = vector.shape_cast %swap3A_78 : vector<1x16xf32> to vector<16xf32>
        %swap3A_80 = vector.shape_cast %broadcast_in_dim3A_75 : vector<16xf32> to vector<1x16xf32>
        tpu.vector_store %arg14[%swap3A_76, %swap3A_77], %swap3A_80 {strides = array<i32>} : memref<80x128xf32, #tpu.memory_space<vmem>>, vector<1x16xf32>,
        %broadcast_in_dim3A_81 = arith.constant 0.000000e+00 : f32
        %broadcast_in_dim3A_82 = vector.broadcast %broadcast_in_dim3A_81 : f32 to vector<16xf32>
        %swap3A_83 = arith.index_cast %scan3A_68 : i32 to index
        %swap3A_84 = arith.constant 32 : index
        %swap3A_85 = tpu.vector_load %arg14[%swap3A_83, %swap3A_84] {strides = array<i32>} : memref<80x128xf32, #tpu.memory_space<vmem>>, vector<1x16xf32>,
        %swap3A_86 = vector.shape_cast %swap3A_85 : vector<1x16xf32> to vector<16xf32>
        %swap3A_87 = vector.shape_cast %broadcast_in_dim3A_82 : vector<16xf32> to vector<1x16xf32>
        tpu.vector_store %arg14[%swap3A_83, %swap3A_84], %swap3A_87 {strides = array<i32>} : memref<80x128xf32, #tpu.memory_space<vmem>>, vector<1x16xf32>,
        %broadcast_in_dim3A_88 = arith.constant 0.000000e+00 : f32
        %broadcast_in_dim3A_89 = vector.broadcast %broadcast_in_dim3A_88 : f32 to vector<16xf32>
        %swap3A_90 = arith.index_cast %scan3A_68 : i32 to index
        %swap3A_91 = arith.constant 48 : index
        %swap3A_92 = tpu.vector_load %arg14[%swap3A_90, %swap3A_91] {strides = array<i32>} : memref<80x128xf32, #tpu.memory_space<vmem>>, vector<1x16xf32>,
        %swap3A_93 = vector.shape_cast %swap3A_92 : vector<1x16xf32> to vector<16xf32>
        %swap3A_94 = vector.shape_cast %broadcast_in_dim3A_89 : vector<16xf32> to vector<1x16xf32>
        tpu.vector_store %arg14[%swap3A_90, %swap3A_91], %swap3A_94 {strides = array<i32>} : memref<80x128xf32, #tpu.memory_space<vmem>>, vector<1x16xf32>,
        %broadcast_in_dim3A_95 = arith.constant 0.000000e+00 : f32
        %broadcast_in_dim3A_96 = vector.broadcast %broadcast_in_dim3A_95 : f32 to vector<16xf32>
        %swap3A_97 = arith.index_cast %scan3A_68 : i32 to index
        %swap3A_98 = arith.constant 64 : index
        %swap3A_99 = tpu.vector_load %arg14[%swap3A_97, %swap3A_98] {strides = array<i32>} : memref<80x128xf32, #tpu.memory_space<vmem>>, vector<1x16xf32>,
        %swap3A_100 = vector.shape_cast %swap3A_99 : vector<1x16xf32> to vector<16xf32>
        %swap3A_101 = vector.shape_cast %broadcast_in_dim3A_96 : vector<16xf32> to vector<1x16xf32>
        tpu.vector_store %arg14[%swap3A_97, %swap3A_98], %swap3A_101 {strides = array<i32>} : memref<80x128xf32, #tpu.memory_space<vmem>>, vector<1x16xf32>,
        %broadcast_in_dim3A_102 = arith.constant 0.000000e+00 : f32
        %broadcast_in_dim3A_103 = vector.broadcast %broadcast_in_dim3A_102 : f32 to vector<16xf32>
        %swap3A_104 = arith.index_cast %scan3A_68 : i32 to index
        %swap3A_105 = arith.constant 80 : index
        %swap3A_106 = tpu.vector_load %arg14[%swap3A_104, %swap3A_105] {strides = array<i32>} : memref<80x128xf32, #tpu.memory_space<vmem>>, vector<1x16xf32>,
        %swap3A_107 = vector.shape_cast %swap3A_106 : vector<1x16xf32> to vector<16xf32>
        %swap3A_108 = vector.shape_cast %broadcast_in_dim3A_103 : vector<16xf32> to vector<1x16xf32>
        tpu.vector_store %arg14[%swap3A_104, %swap3A_105], %swap3A_108 {strides = array<i32>} : memref<80x128xf32, #tpu.memory_space<vmem>>, vector<1x16xf32>,
        %broadcast_in_dim3A_109 = arith.constant 0.000000e+00 : f32
        %broadcast_in_dim3A_110 = vector.broadcast %broadcast_in_dim3A_109 : f32 to vector<16xf32>
        %swap3A_111 = arith.index_cast %scan3A_68 : i32 to index
        %swap3A_112 = arith.constant 96 : index
        %swap3A_113 = tpu.vector_load %arg14[%swap3A_111, %swap3A_112] {strides = array<i32>} : memref<80x128xf32, #tpu.memory_space<vmem>>, vector<1x16xf32>,
        %swap3A_114 = vector.shape_cast %swap3A_113 : vector<1x16xf32> to vector<16xf32>
        %swap3A_115 = vector.shape_cast %broadcast_in_dim3A_110 : vector<16xf32> to vector<1x16xf32>
        tpu.vector_store %arg14[%swap3A_111, %swap3A_112], %swap3A_115 {strides = array<i32>} : memref<80x128xf32, #tpu.memory_space<vmem>>, vector<1x16xf32>,
        %broadcast_in_dim3A_116 = arith.constant 0.000000e+00 : f32
        %broadcast_in_dim3A_117 = vector.broadcast %broadcast_in_dim3A_116 : f32 to vector<16xf32>
        %swap3A_118 = arith.index_cast %scan3A_68 : i32 to index
        %swap3A_119 = arith.constant 112 : index
        %swap3A_120 = tpu.vector_load %arg14[%swap3A_118, %swap3A_119] {strides = array<i32>} : memref<80x128xf32, #tpu.memory_space<vmem>>, vector<1x16xf32>,
        %swap3A_121 = vector.shape_cast %swap3A_120 : vector<1x16xf32> to vector<16xf32>
        %swap3A_122 = vector.shape_cast %broadcast_in_dim3A_117 : vector<16xf32> to vector<1x16xf32>
        tpu.vector_store %arg14[%swap3A_118, %swap3A_119], %swap3A_122 {strides = array<i32>} : memref<80x128xf32, #tpu.memory_space<vmem>>, vector<1x16xf32>,
      }
      %scan3A_55 = arith.constant 80 : i32
      %scan3A_56 = arith.constant 0 : i32
      %scan3A_57 = arith.constant 0 : i32
      %scan3A_58 = arith.constant 7 : i32
      %scan3A_59 = arith.addi %scan3A_57, %scan3A_58 : i32
      %scan3A_60 = arith.constant 1 : i32
      scf.for %scan3A_68 = %scan3A_57 to %scan3A_59 step %scan3A_60  : i32 {
        %mul3A_69 = arith.constant 625 : i32
        %mul3A_70 = arith.muli %arg1, %mul3A_69 : i32
        %mul3A_71 = arith.constant 80 : i32
        %mul3A_72 = arith.muli %scan3A_68, %mul3A_71 : i32
        %add3A_73 = arith.addi %mul3A_70, %mul3A_72 : i32
        "tpu.region"() ({
          %run_scoped3A_74 = tpu.sem_alloc : memref<!tpu.dma_semaphore, #tpu.memory_space<semaphore_mem>>
          %dma_start3A_75 = arith.constant 0 : i32
          %dma_start3A_76 = tpu.memref_slice %arg16[%add3A_73, %dma_start3A_75] : memref<10000x128xf32, #tpu.memory_space<vmem_shared>> -> memref<80x128xf32, #tpu.memory_space<vmem_shared>>
          %dma_start3A_77 = arith.constant 0 : i32
          %dma_start3A_78 = tpu.memref_slice %arg16[%add3A_73, %dma_start3A_77] : memref<10000x128xf32, #tpu.memory_space<vmem_shared>> -> memref<80x128xf32, #tpu.memory_space<vmem_shared>>
          tpu.enqueue_dma source(%arg14 : memref<80x128xf32, #tpu.memory_space<vmem>>) target(%dma_start3A_78 : memref<80x128xf32, #tpu.memory_space<vmem_shared>>) target_semaphore(%run_scoped3A_74 : memref<!tpu.dma_semaphore, #tpu.memory_space<semaphore_mem>>)
          %dma_wait3A_79 = arith.constant 0 : i32
          %dma_wait3A_80 = tpu.memref_slice %arg16[%add3A_73, %dma_wait3A_79] : memref<10000x128xf32, #tpu.memory_space<vmem_shared>> -> memref<80x128xf32, #tpu.memory_space<vmem_shared>>
          %dma_wait3A_81 = arith.constant 0 : i32
          %dma_wait3A_82 = tpu.memref_slice %arg16[%add3A_73, %dma_wait3A_81] : memref<10000x128xf32, #tpu.memory_space<vmem_shared>> -> memref<80x128xf32, #tpu.memory_space<vmem_shared>>
          tpu.wait_dma2 semaphore(%run_scoped3A_74 : memref<!tpu.dma_semaphore, #tpu.memory_space<semaphore_mem>>) src(%arg14 : memref<80x128xf32, #tpu.memory_space<vmem>>) dst(%dma_wait3A_82 : memref<80x128xf32, #tpu.memory_space<vmem_shared>>)
          tpu.yield
        }) : () -> ()
      }
      %scan3A_61 = arith.constant 7 : i32
      %mul3A_62 = arith.constant 625 : i32
      %mul3A_63 = arith.muli %arg1, %mul3A_62 : i32
      %add3A_64 = arith.constant 625 : i32
      %add3A_65 = arith.addi %mul3A_63, %add3A_64 : i32
      %sub3A_66 = arith.constant 65 : i32
      %sub3A_67 = arith.subi %add3A_65, %sub3A_66 : i32
      "tpu.region"() ({
        %run_scoped3A_68 = tpu.sem_alloc : memref<!tpu.dma_semaphore, #tpu.memory_space<semaphore_mem>>
        %dma_start3A_69 = arith.constant 0 : i32
        %dma_start3A_70 = arith.constant 0 : i32
        %dma_start3A_71 = tpu.memref_slice %arg14[%dma_start3A_69, %dma_start3A_70] : memref<80x128xf32, #tpu.memory_space<vmem>> -> memref<65x128xf32, #tpu.memory_space<vmem>>
        %dma_start3A_72 = arith.constant 0 : i32
        %dma_start3A_73 = tpu.memref_slice %arg16[%sub3A_67, %dma_start3A_72] : memref<10000x128xf32, #tpu.memory_space<vmem_shared>> -> memref<65x128xf32, #tpu.memory_space<vmem_shared>>
        %dma_start3A_74 = arith.constant 0 : i32
        %dma_start3A_75 = tpu.memref_slice %arg16[%sub3A_67, %dma_start3A_74] : memref<10000x128xf32, #tpu.memory_space<vmem_shared>> -> memref<65x128xf32, #tpu.memory_space<vmem_shared>>
        %dma_start3A_76 = arith.constant 0 : i32
        %dma_start3A_77 = arith.constant 0 : i32
        %dma_start3A_78 = tpu.memref_slice %arg14[%dma_start3A_76, %dma_start3A_77] : memref<80x128xf32, #tpu.memory_space<vmem>> -> memref<65x128xf32, #tpu.memory_space<vmem>>
        tpu.enqueue_dma source(%dma_start3A_78 : memref<65x128xf32, #tpu.memory_space<vmem>>) target(%dma_start3A_75 : memref<65x128xf32, #tpu.memory_space<vmem_shared>>) target_semaphore(%run_scoped3A_68 : memref<!tpu.dma_semaphore, #tpu.memory_space<semaphore_mem>>)
        %dma_wait3A_79 = arith.constant 0 : i32
        %dma_wait3A_80 = arith.constant 0 : i32
        %dma_wait3A_81 = tpu.memref_slice %arg14[%dma_wait3A_79, %dma_wait3A_80] : memref<80x128xf32, #tpu.memory_space<vmem>> -> memref<65x128xf32, #tpu.memory_space<vmem>>
        %dma_wait3A_82 = arith.constant 0 : i32
        %dma_wait3A_83 = tpu.memref_slice %arg16[%sub3A_67, %dma_wait3A_82] : memref<10000x128xf32, #tpu.memory_space<vmem_shared>> -> memref<65x128xf32, #tpu.memory_space<vmem_shared>>
        %dma_wait3A_84 = arith.constant 0 : i32
        %dma_wait3A_85 = tpu.memref_slice %arg16[%sub3A_67, %dma_wait3A_84] : memref<10000x128xf32, #tpu.memory_space<vmem_shared>> -> memref<65x128xf32, #tpu.memory_space<vmem_shared>>
        %dma_wait3A_86 = arith.constant 0 : i32
        %dma_wait3A_87 = arith.constant 0 : i32
        %dma_wait3A_88 = tpu.memref_slice %arg14[%dma_wait3A_86, %dma_wait3A_87] : memref<80x128xf32, #tpu.memory_space<vmem>> -> memref<65x128xf32, #tpu.memory_space<vmem>>
        tpu.wait_dma2 semaphore(%run_scoped3A_68 : memref<!tpu.dma_semaphore, #tpu.memory_space<semaphore_mem>>) src(%dma_wait3A_88 : memref<65x128xf32, #tpu.memory_space<vmem>>) dst(%dma_wait3A_85 : memref<65x128xf32, #tpu.memory_space<vmem_shared>>)
        tpu.yield
      }) : () -> ()
    } else {
    }
    %eq3A_13 = arith.constant 1 : i32
    %eq3A_14 = arith.cmpi eq, %arg0, %eq3A_13 : i32
    %convert_element_type3A_15 = arith.extui %eq3A_14 : i1 to i32
    %cond3A_16 = arith.constant 0 : i32
    %cond3A_17 = arith.cmpi ne, %convert_element_type3A_15, %cond3A_16 : i32
    scf.if %cond3A_17 {
      %barrier3A = arith.constant 0 : index
      tpu.barrier barrier_id(%barrier3A)
      %dma_start3A = arith.constant 0 : i32
      %dma_start3A_18 = tpu.memref_slice %arg12[%dma_start3A] : memref<10000xi32, #tpu.memory_space<vmem>> -> memref<80xi32, #tpu.memory_space<vmem>>
      %dma_start3A_19 = arith.constant 0 : i32
      %dma_start3A_20 = arith.constant 0 : i32
      %dma_start3A_21 = tpu.memref_slice %arg7[%dma_start3A_19, %dma_start3A_20] : memref<10000x128xf32, #tpu.memory_space<hbm>> -> memref<10000x128xf32, #tpu.memory_space<hbm>>
      tpu.enqueue_indirect_dma source(%dma_start3A_21 : memref<10000x128xf32, #tpu.memory_space<hbm>>) target(%arg14 : memref<80x128xf32, #tpu.memory_space<vmem>>) offsets(%dma_start3A_18 : memref<80xi32, #tpu.memory_space<vmem>>) semaphore(%arg17 : memref<!tpu.dma_semaphore, #tpu.memory_space<semaphore_mem>>)
      %scan3A = arith.constant 0 : i32
      %scan3A_22 = arith.constant 0 : i32
      %scan3A_23 = arith.constant 62 : i32
      %scan3A_24 = arith.addi %scan3A_22, %scan3A_23 : i32
      %scan3A_25 = arith.constant 1 : i32
      scf.for %scan3A_34 = %scan3A_22 to %scan3A_24 step %scan3A_25  : i32 {
        %mul3A_35 = arith.constant 2 : i32
        %mul3A_36 = arith.muli %mul3A_35, %scan3A_34 : i32
        %mul3A_37 = arith.constant 80 : i32
        %mul3A_38 = arith.muli %mul3A_36, %mul3A_37 : i32
        %dma_wait3A_39 = tpu.memref_slice %arg12[%mul3A_38] : memref<10000xi32, #tpu.memory_space<vmem>> -> memref<80xi32, #tpu.memory_space<vmem>>
        %dma_wait3A_40 = arith.constant 0 : i32
        %dma_wait3A_41 = arith.constant 0 : i32
        %dma_wait3A_42 = tpu.memref_slice %arg7[%dma_wait3A_40, %dma_wait3A_41] : memref<10000x128xf32, #tpu.memory_space<hbm>> -> memref<10000x128xf32, #tpu.memory_space<hbm>>
        tpu.wait_indirect_dma semaphore(%arg17 : memref<!tpu.dma_semaphore, #tpu.memory_space<semaphore_mem>>) src(%dma_wait3A_42 : memref<10000x128xf32, #tpu.memory_space<hbm>>) dst(%arg14 : memref<80x128xf32, #tpu.memory_space<vmem>>)
        %add3A = arith.constant 1 : i32
        %add3A_43 = arith.addi %mul3A_36, %add3A : i32
        %mul3A_44 = arith.constant 80 : i32
        %mul3A_45 = arith.muli %add3A_43, %mul3A_44 : i32
        %dma_start3A_46 = tpu.memref_slice %arg12[%mul3A_45] : memref<10000xi32, #tpu.memory_space<vmem>> -> memref<80xi32, #tpu.memory_space<vmem>>
        %dma_start3A_47 = arith.constant 0 : i32
        %dma_start3A_48 = arith.constant 0 : i32
        %dma_start3A_49 = tpu.memref_slice %arg7[%dma_start3A_47, %dma_start3A_48] : memref<10000x128xf32, #tpu.memory_space<hbm>> -> memref<10000x128xf32, #tpu.memory_space<hbm>>
        tpu.enqueue_indirect_dma source(%dma_start3A_49 : memref<10000x128xf32, #tpu.memory_space<hbm>>) target(%arg15 : memref<80x128xf32, #tpu.memory_space<vmem>>) offsets(%dma_start3A_46 : memref<80xi32, #tpu.memory_space<vmem>>) semaphore(%arg18 : memref<!tpu.dma_semaphore, #tpu.memory_space<semaphore_mem>>)
        "tpu.region"() ({
          %run_scoped3A_68 = tpu.sem_alloc : memref<!tpu.dma_semaphore, #tpu.memory_space<semaphore_mem>>
          %dma_start3A_69 = arith.constant 0 : i32
          %dma_start3A_70 = tpu.memref_slice %arg13[%mul3A_36, %dma_start3A_69] : memref<125x80xi32, #tpu.memory_space<vmem>> -> memref<1x80xi32, #tpu.memory_space<vmem>>
          %dma_start3A_71 = tpu.memref_squeeze %dma_start3A_70 : memref<1x80xi32, #tpu.memory_space<vmem>> -> memref<80xi32, #tpu.memory_space<vmem>>
          %dma_start3A_72 = arith.constant 0 : i32
          %dma_start3A_73 = arith.constant 0 : i32
          %dma_start3A_74 = tpu.memref_slice %arg16[%dma_start3A_72, %dma_start3A_73] : memref<10000x128xf32, #tpu.memory_space<vmem_shared>> -> memref<10000x128xf32, #tpu.memory_space<vmem_shared>>
          tpu.enqueue_indirect_dma source(%arg14 : memref<80x128xf32, #tpu.memory_space<vmem>>) target(%dma_start3A_74 : memref<10000x128xf32, #tpu.memory_space<vmem_shared>>) offsets(%dma_start3A_71 : memref<80xi32, #tpu.memory_space<vmem>>) semaphore(%run_scoped3A_68 : memref<!tpu.dma_semaphore, #tpu.memory_space<semaphore_mem>>) {add = true}
          %dma_wait3A_75 = arith.constant 0 : i32
          %dma_wait3A_76 = tpu.memref_slice %arg13[%mul3A_36, %dma_wait3A_75] : memref<125x80xi32, #tpu.memory_space<vmem>> -> memref<1x80xi32, #tpu.memory_space<vmem>>
          %dma_wait3A_77 = tpu.memref_squeeze %dma_wait3A_76 : memref<1x80xi32, #tpu.memory_space<vmem>> -> memref<80xi32, #tpu.memory_space<vmem>>
          %dma_wait3A_78 = arith.constant 0 : i32
          %dma_wait3A_79 = arith.constant 0 : i32
          %dma_wait3A_80 = tpu.memref_slice %arg16[%dma_wait3A_78, %dma_wait3A_79] : memref<10000x128xf32, #tpu.memory_space<vmem_shared>> -> memref<10000x128xf32, #tpu.memory_space<vmem_shared>>
          tpu.wait_indirect_dma semaphore(%run_scoped3A_68 : memref<!tpu.dma_semaphore, #tpu.memory_space<semaphore_mem>>) src(%arg14 : memref<80x128xf32, #tpu.memory_space<vmem>>) dst(%dma_wait3A_80 : memref<10000x128xf32, #tpu.memory_space<vmem_shared>>)
          tpu.yield
        }) : () -> ()
        %add3A_50 = arith.constant 2 : i32
        %add3A_51 = arith.addi %mul3A_36, %add3A_50 : i32
        %mul3A_52 = arith.constant 80 : i32
        %mul3A_53 = arith.muli %add3A_51, %mul3A_52 : i32
        %dma_start3A_54 = tpu.memref_slice %arg12[%mul3A_53] : memref<10000xi32, #tpu.memory_space<vmem>> -> memref<80xi32, #tpu.memory_space<vmem>>
        %dma_start3A_55 = arith.constant 0 : i32
        %dma_start3A_56 = arith.constant 0 : i32
        %dma_start3A_57 = tpu.memref_slice %arg7[%dma_start3A_55, %dma_start3A_56] : memref<10000x128xf32, #tpu.memory_space<hbm>> -> memref<10000x128xf32, #tpu.memory_space<hbm>>
        tpu.enqueue_indirect_dma source(%dma_start3A_57 : memref<10000x128xf32, #tpu.memory_space<hbm>>) target(%arg14 : memref<80x128xf32, #tpu.memory_space<vmem>>) offsets(%dma_start3A_54 : memref<80xi32, #tpu.memory_space<vmem>>) semaphore(%arg17 : memref<!tpu.dma_semaphore, #tpu.memory_space<semaphore_mem>>)
        %add3A_58 = arith.constant 1 : i32
        %add3A_59 = arith.addi %mul3A_36, %add3A_58 : i32
        %mul3A_60 = arith.constant 80 : i32
        %mul3A_61 = arith.muli %add3A_59, %mul3A_60 : i32
        %dma_wait3A_62 = tpu.memref_slice %arg12[%mul3A_61] : memref<10000xi32, #tpu.memory_space<vmem>> -> memref<80xi32, #tpu.memory_space<vmem>>
        %dma_wait3A_63 = arith.constant 0 : i32
        %dma_wait3A_64 = arith.constant 0 : i32
        %dma_wait3A_65 = tpu.memref_slice %arg7[%dma_wait3A_63, %dma_wait3A_64] : memref<10000x128xf32, #tpu.memory_space<hbm>> -> memref<10000x128xf32, #tpu.memory_space<hbm>>
        tpu.wait_indirect_dma semaphore(%arg18 : memref<!tpu.dma_semaphore, #tpu.memory_space<semaphore_mem>>) src(%dma_wait3A_65 : memref<10000x128xf32, #tpu.memory_space<hbm>>) dst(%arg15 : memref<80x128xf32, #tpu.memory_space<vmem>>)
        %add3A_66 = arith.constant 1 : i32
        %add3A_67 = arith.addi %mul3A_36, %add3A_66 : i32
        "tpu.region"() ({
          %run_scoped3A_68 = tpu.sem_alloc : memref<!tpu.dma_semaphore, #tpu.memory_space<semaphore_mem>>
          %dma_start3A_69 = arith.constant 0 : i32
          %dma_start3A_70 = tpu.memref_slice %arg13[%add3A_67, %dma_start3A_69] : memref<125x80xi32, #tpu.memory_space<vmem>> -> memref<1x80xi32, #tpu.memory_space<vmem>>
          %dma_start3A_71 = tpu.memref_squeeze %dma_start3A_70 : memref<1x80xi32, #tpu.memory_space<vmem>> -> memref<80xi32, #tpu.memory_space<vmem>>
          %dma_start3A_72 = arith.constant 0 : i32
          %dma_start3A_73 = arith.constant 0 : i32
          %dma_start3A_74 = tpu.memref_slice %arg16[%dma_start3A_72, %dma_start3A_73] : memref<10000x128xf32, #tpu.memory_space<vmem_shared>> -> memref<10000x128xf32, #tpu.memory_space<vmem_shared>>
          tpu.enqueue_indirect_dma source(%arg15 : memref<80x128xf32, #tpu.memory_space<vmem>>) target(%dma_start3A_74 : memref<10000x128xf32, #tpu.memory_space<vmem_shared>>) offsets(%dma_start3A_71 : memref<80xi32, #tpu.memory_space<vmem>>) semaphore(%run_scoped3A_68 : memref<!tpu.dma_semaphore, #tpu.memory_space<semaphore_mem>>) {add = true}
          %dma_wait3A_75 = arith.constant 0 : i32
          %dma_wait3A_76 = tpu.memref_slice %arg13[%add3A_67, %dma_wait3A_75] : memref<125x80xi32, #tpu.memory_space<vmem>> -> memref<1x80xi32, #tpu.memory_space<vmem>>
          %dma_wait3A_77 = tpu.memref_squeeze %dma_wait3A_76 : memref<1x80xi32, #tpu.memory_space<vmem>> -> memref<80xi32, #tpu.memory_space<vmem>>
          %dma_wait3A_78 = arith.constant 0 : i32
          %dma_wait3A_79 = arith.constant 0 : i32
          %dma_wait3A_80 = tpu.memref_slice %arg16[%dma_wait3A_78, %dma_wait3A_79] : memref<10000x128xf32, #tpu.memory_space<vmem_shared>> -> memref<10000x128xf32, #tpu.memory_space<vmem_shared>>
          tpu.wait_indirect_dma semaphore(%run_scoped3A_68 : memref<!tpu.dma_semaphore, #tpu.memory_space<semaphore_mem>>) src(%arg15 : memref<80x128xf32, #tpu.memory_space<vmem>>) dst(%dma_wait3A_80 : memref<10000x128xf32, #tpu.memory_space<vmem_shared>>)
          tpu.yield
        }) : () -> ()
      }
      %scan3A_26 = arith.constant 62 : i32
      %dma_wait3A = arith.constant 9920 : i32
      %dma_wait3A_27 = tpu.memref_slice %arg12[%dma_wait3A] : memref<10000xi32, #tpu.memory_space<vmem>> -> memref<80xi32, #tpu.memory_space<vmem>>
      %dma_wait3A_28 = arith.constant 0 : i32
      %dma_wait3A_29 = arith.constant 0 : i32
      %dma_wait3A_30 = tpu.memref_slice %arg7[%dma_wait3A_28, %dma_wait3A_29] : memref<10000x128xf32, #tpu.memory_space<hbm>> -> memref<10000x128xf32, #tpu.memory_space<hbm>>
      tpu.wait_indirect_dma semaphore(%arg17 : memref<!tpu.dma_semaphore, #tpu.memory_space<semaphore_mem>>) src(%dma_wait3A_30 : memref<10000x128xf32, #tpu.memory_space<hbm>>) dst(%arg14 : memref<80x128xf32, #tpu.memory_space<vmem>>)
      %run_scoped3A = arith.constant 124 : i32
      "tpu.region"() ({
        %run_scoped3A_34 = tpu.sem_alloc : memref<!tpu.dma_semaphore, #tpu.memory_space<semaphore_mem>>
        %dma_start3A_35 = arith.constant 0 : i32
        %dma_start3A_36 = tpu.memref_slice %arg13[%run_scoped3A, %dma_start3A_35] : memref<125x80xi32, #tpu.memory_space<vmem>> -> memref<1x80xi32, #tpu.memory_space<vmem>>
        %dma_start3A_37 = tpu.memref_squeeze %dma_start3A_36 : memref<1x80xi32, #tpu.memory_space<vmem>> -> memref<80xi32, #tpu.memory_space<vmem>>
        %dma_start3A_38 = arith.constant 0 : i32
        %dma_start3A_39 = arith.constant 0 : i32
        %dma_start3A_40 = tpu.memref_slice %arg16[%dma_start3A_38, %dma_start3A_39] : memref<10000x128xf32, #tpu.memory_space<vmem_shared>> -> memref<10000x128xf32, #tpu.memory_space<vmem_shared>>
        tpu.enqueue_indirect_dma source(%arg14 : memref<80x128xf32, #tpu.memory_space<vmem>>) target(%dma_start3A_40 : memref<10000x128xf32, #tpu.memory_space<vmem_shared>>) offsets(%dma_start3A_37 : memref<80xi32, #tpu.memory_space<vmem>>) semaphore(%run_scoped3A_34 : memref<!tpu.dma_semaphore, #tpu.memory_space<semaphore_mem>>) {add = true}
        %dma_wait3A_41 = arith.constant 0 : i32
        %dma_wait3A_42 = tpu.memref_slice %arg13[%run_scoped3A, %dma_wait3A_41] : memref<125x80xi32, #tpu.memory_space<vmem>> -> memref<1x80xi32, #tpu.memory_space<vmem>>
        %dma_wait3A_43 = tpu.memref_squeeze %dma_wait3A_42 : memref<1x80xi32, #tpu.memory_space<vmem>> -> memref<80xi32, #tpu.memory_space<vmem>>
        %dma_wait3A_44 = arith.constant 0 : i32
        %dma_wait3A_45 = arith.constant 0 : i32
        %dma_wait3A_46 = tpu.memref_slice %arg16[%dma_wait3A_44, %dma_wait3A_45] : memref<10000x128xf32, #tpu.memory_space<vmem_shared>> -> memref<10000x128xf32, #tpu.memory_space<vmem_shared>>
        tpu.wait_indirect_dma semaphore(%run_scoped3A_34 : memref<!tpu.dma_semaphore, #tpu.memory_space<semaphore_mem>>) src(%arg14 : memref<80x128xf32, #tpu.memory_space<vmem>>) dst(%dma_wait3A_46 : memref<10000x128xf32, #tpu.memory_space<vmem_shared>>)
        tpu.yield
      }) : () -> ()
      %barrier3A_31 = arith.constant 0 : index
      tpu.barrier barrier_id(%barrier3A_31)
      %mul3A_32 = arith.constant 625 : i32
      %mul3A_33 = arith.muli %arg1, %mul3A_32 : i32
      "tpu.region"() ({
        %run_scoped3A_34 = tpu.sem_alloc : memref<!tpu.dma_semaphore, #tpu.memory_space<semaphore_mem>>
        %dma_start3A_35 = arith.constant 0 : i32
        %dma_start3A_36 = arith.constant 0 : i32
        %dma_start3A_37 = tpu.memref_slice %arg11[%arg1, %dma_start3A_35, %dma_start3A_36] : memref<16x625x128xf32, #tpu.memory_space<hbm>> -> memref<1x625x128xf32, #tpu.memory_space<hbm>>
        %dma_start3A_38 = tpu.memref_squeeze %dma_start3A_37 : memref<1x625x128xf32, #tpu.memory_space<hbm>> -> memref<625x128xf32, #tpu.memory_space<hbm>>
        %dma_start3A_39 = arith.constant 0 : i32
        %dma_start3A_40 = tpu.memref_slice %arg16[%mul3A_33, %dma_start3A_39] : memref<10000x128xf32, #tpu.memory_space<vmem_shared>> -> memref<625x128xf32, #tpu.memory_space<vmem_shared>>
        tpu.enqueue_dma source(%dma_start3A_40 : memref<625x128xf32, #tpu.memory_space<vmem_shared>>) target(%dma_start3A_38 : memref<625x128xf32, #tpu.memory_space<hbm>>) target_semaphore(%run_scoped3A_34 : memref<!tpu.dma_semaphore, #tpu.memory_space<semaphore_mem>>)
        %dma_wait3A_41 = arith.constant 0 : i32
        %dma_wait3A_42 = arith.constant 0 : i32
        %dma_wait3A_43 = tpu.memref_slice %arg11[%arg1, %dma_wait3A_41, %dma_wait3A_42] : memref<16x625x128xf32, #tpu.memory_space<hbm>> -> memref<1x625x128xf32, #tpu.memory_space<hbm>>
        %dma_wait3A_44 = tpu.memref_squeeze %dma_wait3A_43 : memref<1x625x128xf32, #tpu.memory_space<hbm>> -> memref<625x128xf32, #tpu.memory_space<hbm>>
        %dma_wait3A_45 = arith.constant 0 : i32
        %dma_wait3A_46 = tpu.memref_slice %arg16[%mul3A_33, %dma_wait3A_45] : memref<10000x128xf32, #tpu.memory_space<vmem_shared>> -> memref<625x128xf32, #tpu.memory_space<vmem_shared>>
        tpu.wait_dma2 semaphore(%run_scoped3A_34 : memref<!tpu.dma_semaphore, #tpu.memory_space<semaphore_mem>>) src(%dma_wait3A_46 : memref<625x128xf32, #tpu.memory_space<vmem_shared>>) dst(%dma_wait3A_44 : memref<625x128xf32, #tpu.memory_space<hbm>>)
        tpu.yield
      }) : () -> ()
    } else {
    }
    return
  }
}

#map = affine_map<(d0, d1) -> (0)>
#map1 = affine_map<(d0, d1) -> (0, 0, 0)>
#map2 = affine_map<(d0, d1) -> (0, 0)>
module attributes {stable_mosaic.version = 14 : i64} {
  func.func @_prop_kernel(%arg0: i32, %arg1: i32, %arg2: memref<160000xi32, #tpu.memory_space<hbm>>, %arg3: memref<16x125x80xi32, #tpu.memory_space<hbm>>, %arg4: memref<10000x128xf32, #tpu.memory_space<hbm>>, %arg5: memref<10000x128xf32, #tpu.memory_space<hbm>>, %arg6: memref<10000x128xf32, #tpu.memory_space<hbm>>, %arg7: memref<10000x128xf32, #tpu.memory_space<hbm>>, %arg8: memref<16x625x128xf32, #tpu.memory_space<hbm>>, %arg9: memref<16x625x128xf32, #tpu.memory_space<hbm>>, %arg10: memref<16x625x128xf32, #tpu.memory_space<hbm>>, %arg11: memref<16x625x128xf32, #tpu.memory_space<hbm>>, %arg12: memref<10000xi32, #tpu.memory_space<vmem>>, %arg13: memref<125x80xi32, #tpu.memory_space<vmem>>, %arg14: memref<80x128xf32, #tpu.memory_space<vmem>>, %arg15: memref<80x128xf32, #tpu.memory_space<vmem>>, %arg16: memref<10000x128xf32, #tpu.memory_space<vmem_shared>>, %arg17: memref<!tpu.dma_semaphore, #tpu.memory_space<semaphore_mem>>, %arg18: memref<!tpu.dma_semaphore, #tpu.memory_space<semaphore_mem>>, %arg19: memref<!tpu.dma_semaphore, #tpu.memory_space<semaphore_mem>>, %arg20: memref<!tpu.dma_semaphore, #tpu.memory_space<semaphore_mem>>) attributes {dimension_semantics = [#tpu.dimension_semantics<core_parallel>, #tpu.dimension_semantics<subcore_parallel>], iteration_bounds = array<i64: 2, 16>, scalar_prefetch = 0 : i64, scratch_operands = 9 : i64, tpu.core_type = #tpu.core_type<sc_vector_subcore>, window_params = [{transform_indices = #map}, {transform_indices = #map1}, {transform_indices = #map2}, {transform_indices = #map2}, {transform_indices = #map2}, {transform_indices = #map2}, {transform_indices = #map1}, {transform_indices = #map1}, {transform_indices = #map1}, {transform_indices = #map1}]} {
    %mul3A = arith.constant 10000 : i32
    %mul3A_0 = arith.muli %arg1, %mul3A : i32
    "tpu.region"() ({
      %run_scoped3A = tpu.sem_alloc : memref<!tpu.dma_semaphore, #tpu.memory_space<semaphore_mem>>
      %dma_start3A = tpu.memref_slice %arg2[%mul3A_0] : memref<160000xi32, #tpu.memory_space<hbm>> -> memref<10000xi32, #tpu.memory_space<hbm>>
      %dma_start3A_18 = tpu.memref_slice %arg2[%mul3A_0] : memref<160000xi32, #tpu.memory_space<hbm>> -> memref<10000xi32, #tpu.memory_space<hbm>>
      tpu.enqueue_dma source(%dma_start3A_18 : memref<10000xi32, #tpu.memory_space<hbm>>) target(%arg12 : memref<10000xi32, #tpu.memory_space<vmem>>) target_semaphore(%run_scoped3A : memref<!tpu.dma_semaphore, #tpu.memory_space<semaphore_mem>>)
      %dma_wait3A = tpu.memref_slice %arg2[%mul3A_0] : memref<160000xi32, #tpu.memory_space<hbm>> -> memref<10000xi32, #tpu.memory_space<hbm>>
      %dma_wait3A_19 = tpu.memref_slice %arg2[%mul3A_0] : memref<160000xi32, #tpu.memory_space<hbm>> -> memref<10000xi32, #tpu.memory_space<hbm>>
      tpu.wait_dma2 semaphore(%run_scoped3A : memref<!tpu.dma_semaphore, #tpu.memory_space<semaphore_mem>>) src(%dma_wait3A_19 : memref<10000xi32, #tpu.memory_space<hbm>>) dst(%arg12 : memref<10000xi32, #tpu.memory_space<vmem>>)
      tpu.yield
    }) : () -> ()
    "tpu.region"() ({
      %run_scoped3A = tpu.sem_alloc : memref<!tpu.dma_semaphore, #tpu.memory_space<semaphore_mem>>
      %dma_start3A = arith.constant 0 : i32
      %dma_start3A_18 = arith.constant 0 : i32
      %dma_start3A_19 = tpu.memref_slice %arg3[%arg1, %dma_start3A, %dma_start3A_18] : memref<16x125x80xi32, #tpu.memory_space<hbm>> -> memref<1x125x80xi32, #tpu.memory_space<hbm>>
      %dma_start3A_20 = tpu.memref_squeeze %dma_start3A_19 : memref<1x125x80xi32, #tpu.memory_space<hbm>> -> memref<125x80xi32, #tpu.memory_space<hbm>>
      %dma_start3A_21 = arith.constant 0 : i32
      %dma_start3A_22 = arith.constant 0 : i32
      %dma_start3A_23 = tpu.memref_slice %arg3[%arg1, %dma_start3A_21, %dma_start3A_22] : memref<16x125x80xi32, #tpu.memory_space<hbm>> -> memref<1x125x80xi32, #tpu.memory_space<hbm>>
      %dma_start3A_24 = tpu.memref_squeeze %dma_start3A_23 : memref<1x125x80xi32, #tpu.memory_space<hbm>> -> memref<125x80xi32, #tpu.memory_space<hbm>>
      tpu.enqueue_dma source(%dma_start3A_24 : memref<125x80xi32, #tpu.memory_space<hbm>>) target(%arg13 : memref<125x80xi32, #tpu.memory_space<vmem>>) target_semaphore(%run_scoped3A : memref<!tpu.dma_semaphore, #tpu.memory_space<semaphore_mem>>)
      %dma_wait3A = arith.constant 0 : i32
      %dma_wait3A_25 = arith.constant 0 : i32
      %dma_wait3A_26 = tpu.memref_slice %arg3[%arg1, %dma_wait3A, %dma_wait3A_25] : memref<16x125x80xi32, #tpu.memory_space<hbm>> -> memref<1x125x80xi32, #tpu.memory_space<hbm>>
      %dma_wait3A_27 = tpu.memref_squeeze %dma_wait3A_26 : memref<1x125x80xi32, #tpu.memory_space<hbm>> -> memref<125x80xi32, #tpu.memory_space<hbm>>
      %dma_wait3A_28 = arith.constant 0 : i32
      %dma_wait3A_29 = arith.constant 0 : i32
      %dma_wait3A_30 = tpu.memref_slice %arg3[%arg1, %dma_wait3A_28, %dma_wait3A_29] : memref<16x125x80xi32, #tpu.memory_space<hbm>> -> memref<1x125x80xi32, #tpu.memory_space<hbm>>
      %dma_wait3A_31 = tpu.memref_squeeze %dma_wait3A_30 : memref<1x125x80xi32, #tpu.memory_space<hbm>> -> memref<125x80xi32, #tpu.memory_space<hbm>>
      tpu.wait_dma2 semaphore(%run_scoped3A : memref<!tpu.dma_semaphore, #tpu.memory_space<semaphore_mem>>) src(%dma_wait3A_31 : memref<125x80xi32, #tpu.memory_space<hbm>>) dst(%arg13 : memref<125x80xi32, #tpu.memory_space<vmem>>)
      tpu.yield
    }) : () -> ()
    %eq3A = arith.constant 0 : i32
    %eq3A_1 = arith.cmpi eq, %arg0, %eq3A : i32
    %convert_element_type3A = arith.extui %eq3A_1 : i1 to i32
    %cond3A = arith.constant 0 : i32
    %cond3A_2 = arith.cmpi ne, %convert_element_type3A, %cond3A : i32
    scf.if %cond3A_2 {
      %scan3A = arith.constant 0 : i32
      %scan3A_18 = arith.constant 0 : i32
      %scan3A_19 = arith.constant 80 : i32
      %scan3A_20 = arith.addi %scan3A_18, %scan3A_19 : i32
      %scan3A_21 = arith.constant 1 : i32
      scf.for %scan3A_68 = %scan3A_18 to %scan3A_20 step %scan3A_21  : i32 {
        %broadcast_in_dim3A = arith.constant 0.000000e+00 : f32
        %broadcast_in_dim3A_69 = vector.broadcast %broadcast_in_dim3A : f32 to vector<16xf32>
        %swap3A = arith.index_cast %scan3A_68 : i32 to index
        %swap3A_70 = arith.constant 0 : index
        %swap3A_71 = tpu.vector_load %arg14[%swap3A, %swap3A_70] {strides = array<i32>} : memref<80x128xf32, #tpu.memory_space<vmem>>, vector<1x16xf32>,
        %swap3A_72 = vector.shape_cast %swap3A_71 : vector<1x16xf32> to vector<16xf32>
        %swap3A_73 = vector.shape_cast %broadcast_in_dim3A_69 : vector<16xf32> to vector<1x16xf32>
        tpu.vector_store %arg14[%swap3A, %swap3A_70], %swap3A_73 {strides = array<i32>} : memref<80x128xf32, #tpu.memory_space<vmem>>, vector<1x16xf32>,
        %broadcast_in_dim3A_74 = arith.constant 0.000000e+00 : f32
        %broadcast_in_dim3A_75 = vector.broadcast %broadcast_in_dim3A_74 : f32 to vector<16xf32>
        %swap3A_76 = arith.index_cast %scan3A_68 : i32 to index
        %swap3A_77 = arith.constant 16 : index
        %swap3A_78 = tpu.vector_load %arg14[%swap3A_76, %swap3A_77] {strides = array<i32>} : memref<80x128xf32, #tpu.memory_space<vmem>>, vector<1x16xf32>,
        %swap3A_79 = vector.shape_cast %swap3A_78 : vector<1x16xf32> to vector<16xf32>
        %swap3A_80 = vector.shape_cast %broadcast_in_dim3A_75 : vector<16xf32> to vector<1x16xf32>
        tpu.vector_store %arg14[%swap3A_76, %swap3A_77], %swap3A_80 {strides = array<i32>} : memref<80x128xf32, #tpu.memory_space<vmem>>, vector<1x16xf32>,
        %broadcast_in_dim3A_81 = arith.constant 0.000000e+00 : f32
        %broadcast_in_dim3A_82 = vector.broadcast %broadcast_in_dim3A_81 : f32 to vector<16xf32>
        %swap3A_83 = arith.index_cast %scan3A_68 : i32 to index
        %swap3A_84 = arith.constant 32 : index
        %swap3A_85 = tpu.vector_load %arg14[%swap3A_83, %swap3A_84] {strides = array<i32>} : memref<80x128xf32, #tpu.memory_space<vmem>>, vector<1x16xf32>,
        %swap3A_86 = vector.shape_cast %swap3A_85 : vector<1x16xf32> to vector<16xf32>
        %swap3A_87 = vector.shape_cast %broadcast_in_dim3A_82 : vector<16xf32> to vector<1x16xf32>
        tpu.vector_store %arg14[%swap3A_83, %swap3A_84], %swap3A_87 {strides = array<i32>} : memref<80x128xf32, #tpu.memory_space<vmem>>, vector<1x16xf32>,
        %broadcast_in_dim3A_88 = arith.constant 0.000000e+00 : f32
        %broadcast_in_dim3A_89 = vector.broadcast %broadcast_in_dim3A_88 : f32 to vector<16xf32>
        %swap3A_90 = arith.index_cast %scan3A_68 : i32 to index
        %swap3A_91 = arith.constant 48 : index
        %swap3A_92 = tpu.vector_load %arg14[%swap3A_90, %swap3A_91] {strides = array<i32>} : memref<80x128xf32, #tpu.memory_space<vmem>>, vector<1x16xf32>,
        %swap3A_93 = vector.shape_cast %swap3A_92 : vector<1x16xf32> to vector<16xf32>
        %swap3A_94 = vector.shape_cast %broadcast_in_dim3A_89 : vector<16xf32> to vector<1x16xf32>
        tpu.vector_store %arg14[%swap3A_90, %swap3A_91], %swap3A_94 {strides = array<i32>} : memref<80x128xf32, #tpu.memory_space<vmem>>, vector<1x16xf32>,
        %broadcast_in_dim3A_95 = arith.constant 0.000000e+00 : f32
        %broadcast_in_dim3A_96 = vector.broadcast %broadcast_in_dim3A_95 : f32 to vector<16xf32>
        %swap3A_97 = arith.index_cast %scan3A_68 : i32 to index
        %swap3A_98 = arith.constant 64 : index
        %swap3A_99 = tpu.vector_load %arg14[%swap3A_97, %swap3A_98] {strides = array<i32>} : memref<80x128xf32, #tpu.memory_space<vmem>>, vector<1x16xf32>,
        %swap3A_100 = vector.shape_cast %swap3A_99 : vector<1x16xf32> to vector<16xf32>
        %swap3A_101 = vector.shape_cast %broadcast_in_dim3A_96 : vector<16xf32> to vector<1x16xf32>
        tpu.vector_store %arg14[%swap3A_97, %swap3A_98], %swap3A_101 {strides = array<i32>} : memref<80x128xf32, #tpu.memory_space<vmem>>, vector<1x16xf32>,
        %broadcast_in_dim3A_102 = arith.constant 0.000000e+00 : f32
        %broadcast_in_dim3A_103 = vector.broadcast %broadcast_in_dim3A_102 : f32 to vector<16xf32>
        %swap3A_104 = arith.index_cast %scan3A_68 : i32 to index
        %swap3A_105 = arith.constant 80 : index
        %swap3A_106 = tpu.vector_load %arg14[%swap3A_104, %swap3A_105] {strides = array<i32>} : memref<80x128xf32, #tpu.memory_space<vmem>>, vector<1x16xf32>,
        %swap3A_107 = vector.shape_cast %swap3A_106 : vector<1x16xf32> to vector<16xf32>
        %swap3A_108 = vector.shape_cast %broadcast_in_dim3A_103 : vector<16xf32> to vector<1x16xf32>
        tpu.vector_store %arg14[%swap3A_104, %swap3A_105], %swap3A_108 {strides = array<i32>} : memref<80x128xf32, #tpu.memory_space<vmem>>, vector<1x16xf32>,
        %broadcast_in_dim3A_109 = arith.constant 0.000000e+00 : f32
        %broadcast_in_dim3A_110 = vector.broadcast %broadcast_in_dim3A_109 : f32 to vector<16xf32>
        %swap3A_111 = arith.index_cast %scan3A_68 : i32 to index
        %swap3A_112 = arith.constant 96 : index
        %swap3A_113 = tpu.vector_load %arg14[%swap3A_111, %swap3A_112] {strides = array<i32>} : memref<80x128xf32, #tpu.memory_space<vmem>>, vector<1x16xf32>,
        %swap3A_114 = vector.shape_cast %swap3A_113 : vector<1x16xf32> to vector<16xf32>
        %swap3A_115 = vector.shape_cast %broadcast_in_dim3A_110 : vector<16xf32> to vector<1x16xf32>
        tpu.vector_store %arg14[%swap3A_111, %swap3A_112], %swap3A_115 {strides = array<i32>} : memref<80x128xf32, #tpu.memory_space<vmem>>, vector<1x16xf32>,
        %broadcast_in_dim3A_116 = arith.constant 0.000000e+00 : f32
        %broadcast_in_dim3A_117 = vector.broadcast %broadcast_in_dim3A_116 : f32 to vector<16xf32>
        %swap3A_118 = arith.index_cast %scan3A_68 : i32 to index
        %swap3A_119 = arith.constant 112 : index
        %swap3A_120 = tpu.vector_load %arg14[%swap3A_118, %swap3A_119] {strides = array<i32>} : memref<80x128xf32, #tpu.memory_space<vmem>>, vector<1x16xf32>,
        %swap3A_121 = vector.shape_cast %swap3A_120 : vector<1x16xf32> to vector<16xf32>
        %swap3A_122 = vector.shape_cast %broadcast_in_dim3A_117 : vector<16xf32> to vector<1x16xf32>
        tpu.vector_store %arg14[%swap3A_118, %swap3A_119], %swap3A_122 {strides = array<i32>} : memref<80x128xf32, #tpu.memory_space<vmem>>, vector<1x16xf32>,
      }
      %scan3A_22 = arith.constant 80 : i32
      %scan3A_23 = arith.constant 0 : i32
      %scan3A_24 = arith.constant 0 : i32
      %scan3A_25 = arith.constant 7 : i32
      %scan3A_26 = arith.addi %scan3A_24, %scan3A_25 : i32
      %scan3A_27 = arith.constant 1 : i32
      scf.for %scan3A_68 = %scan3A_24 to %scan3A_26 step %scan3A_27  : i32 {
        %mul3A_69 = arith.constant 625 : i32
        %mul3A_70 = arith.muli %arg1, %mul3A_69 : i32
        %mul3A_71 = arith.constant 80 : i32
        %mul3A_72 = arith.muli %scan3A_68, %mul3A_71 : i32
        %add3A_73 = arith.addi %mul3A_70, %mul3A_72 : i32
        "tpu.region"() ({
          %run_scoped3A_74 = tpu.sem_alloc : memref<!tpu.dma_semaphore, #tpu.memory_space<semaphore_mem>>
          %dma_start3A_75 = arith.constant 0 : i32
          %dma_start3A_76 = tpu.memref_slice %arg16[%add3A_73, %dma_start3A_75] : memref<10000x128xf32, #tpu.memory_space<vmem_shared>> -> memref<80x128xf32, #tpu.memory_space<vmem_shared>>
          %dma_start3A_77 = arith.constant 0 : i32
          %dma_start3A_78 = tpu.memref_slice %arg16[%add3A_73, %dma_start3A_77] : memref<10000x128xf32, #tpu.memory_space<vmem_shared>> -> memref<80x128xf32, #tpu.memory_space<vmem_shared>>
          tpu.enqueue_dma source(%arg14 : memref<80x128xf32, #tpu.memory_space<vmem>>) target(%dma_start3A_78 : memref<80x128xf32, #tpu.memory_space<vmem_shared>>) target_semaphore(%run_scoped3A_74 : memref<!tpu.dma_semaphore, #tpu.memory_space<semaphore_mem>>)
          %dma_wait3A_79 = arith.constant 0 : i32
          %dma_wait3A_80 = tpu.memref_slice %arg16[%add3A_73, %dma_wait3A_79] : memref<10000x128xf32, #tpu.memory_space<vmem_shared>> -> memref<80x128xf32, #tpu.memory_space<vmem_shared>>
          %dma_wait3A_81 = arith.constant 0 : i32
          %dma_wait3A_82 = tpu.memref_slice %arg16[%add3A_73, %dma_wait3A_81] : memref<10000x128xf32, #tpu.memory_space<vmem_shared>> -> memref<80x128xf32, #tpu.memory_space<vmem_shared>>
          tpu.wait_dma2 semaphore(%run_scoped3A_74 : memref<!tpu.dma_semaphore, #tpu.memory_space<semaphore_mem>>) src(%arg14 : memref<80x128xf32, #tpu.memory_space<vmem>>) dst(%dma_wait3A_82 : memref<80x128xf32, #tpu.memory_space<vmem_shared>>)
          tpu.yield
        }) : () -> ()
      }
      %scan3A_28 = arith.constant 7 : i32
      %mul3A_29 = arith.constant 625 : i32
      %mul3A_30 = arith.muli %arg1, %mul3A_29 : i32
      %add3A = arith.constant 625 : i32
      %add3A_31 = arith.addi %mul3A_30, %add3A : i32
      %sub3A = arith.constant 65 : i32
      %sub3A_32 = arith.subi %add3A_31, %sub3A : i32
      "tpu.region"() ({
        %run_scoped3A_68 = tpu.sem_alloc : memref<!tpu.dma_semaphore, #tpu.memory_space<semaphore_mem>>
        %dma_start3A_69 = arith.constant 0 : i32
        %dma_start3A_70 = arith.constant 0 : i32
        %dma_start3A_71 = tpu.memref_slice %arg14[%dma_start3A_69, %dma_start3A_70] : memref<80x128xf32, #tpu.memory_space<vmem>> -> memref<65x128xf32, #tpu.memory_space<vmem>>
        %dma_start3A_72 = arith.constant 0 : i32
        %dma_start3A_73 = tpu.memref_slice %arg16[%sub3A_32, %dma_start3A_72] : memref<10000x128xf32, #tpu.memory_space<vmem_shared>> -> memref<65x128xf32, #tpu.memory_space<vmem_shared>>
        %dma_start3A_74 = arith.constant 0 : i32
        %dma_start3A_75 = tpu.memref_slice %arg16[%sub3A_32, %dma_start3A_74] : memref<10000x128xf32, #tpu.memory_space<vmem_shared>> -> memref<65x128xf32, #tpu.memory_space<vmem_shared>>
        %dma_start3A_76 = arith.constant 0 : i32
        %dma_start3A_77 = arith.constant 0 : i32
        %dma_start3A_78 = tpu.memref_slice %arg14[%dma_start3A_76, %dma_start3A_77] : memref<80x128xf32, #tpu.memory_space<vmem>> -> memref<65x128xf32, #tpu.memory_space<vmem>>
        tpu.enqueue_dma source(%dma_start3A_78 : memref<65x128xf32, #tpu.memory_space<vmem>>) target(%dma_start3A_75 : memref<65x128xf32, #tpu.memory_space<vmem_shared>>) target_semaphore(%run_scoped3A_68 : memref<!tpu.dma_semaphore, #tpu.memory_space<semaphore_mem>>)
        %dma_wait3A_79 = arith.constant 0 : i32
        %dma_wait3A_80 = arith.constant 0 : i32
        %dma_wait3A_81 = tpu.memref_slice %arg14[%dma_wait3A_79, %dma_wait3A_80] : memref<80x128xf32, #tpu.memory_space<vmem>> -> memref<65x128xf32, #tpu.memory_space<vmem>>
        %dma_wait3A_82 = arith.constant 0 : i32
        %dma_wait3A_83 = tpu.memref_slice %arg16[%sub3A_32, %dma_wait3A_82] : memref<10000x128xf32, #tpu.memory_space<vmem_shared>> -> memref<65x128xf32, #tpu.memory_space<vmem_shared>>
        %dma_wait3A_84 = arith.constant 0 : i32
        %dma_wait3A_85 = tpu.memref_slice %arg16[%sub3A_32, %dma_wait3A_84] : memref<10000x128xf32, #tpu.memory_space<vmem_shared>> -> memref<65x128xf32, #tpu.memory_space<vmem_shared>>
        %dma_wait3A_86 = arith.constant 0 : i32
        %dma_wait3A_87 = arith.constant 0 : i32
        %dma_wait3A_88 = tpu.memref_slice %arg14[%dma_wait3A_86, %dma_wait3A_87] : memref<80x128xf32, #tpu.memory_space<vmem>> -> memref<65x128xf32, #tpu.memory_space<vmem>>
        tpu.wait_dma2 semaphore(%run_scoped3A_68 : memref<!tpu.dma_semaphore, #tpu.memory_space<semaphore_mem>>) src(%dma_wait3A_88 : memref<65x128xf32, #tpu.memory_space<vmem>>) dst(%dma_wait3A_85 : memref<65x128xf32, #tpu.memory_space<vmem_shared>>)
        tpu.yield
      }) : () -> ()
      %barrier3A = arith.constant 0 : index
      tpu.barrier barrier_id(%barrier3A)
      %dma_start3A = arith.constant 0 : i32
      %dma_start3A_33 = tpu.memref_slice %arg12[%dma_start3A] : memref<10000xi32, #tpu.memory_space<vmem>> -> memref<80xi32, #tpu.memory_space<vmem>>
      %dma_start3A_34 = arith.constant 0 : i32
      %dma_start3A_35 = arith.constant 0 : i32
      %dma_start3A_36 = tpu.memref_slice %arg4[%dma_start3A_34, %dma_start3A_35] : memref<10000x128xf32, #tpu.memory_space<hbm>> -> memref<10000x128xf32, #tpu.memory_space<hbm>>
      tpu.enqueue_indirect_dma source(%dma_start3A_36 : memref<10000x128xf32, #tpu.memory_space<hbm>>) target(%arg14 : memref<80x128xf32, #tpu.memory_space<vmem>>) offsets(%dma_start3A_33 : memref<80xi32, #tpu.memory_space<vmem>>) semaphore(%arg17 : memref<!tpu.dma_semaphore, #tpu.memory_space<semaphore_mem>>)
      %scan3A_37 = arith.constant 0 : i32
      %scan3A_38 = arith.constant 0 : i32
      %scan3A_39 = arith.constant 62 : i32
      %scan3A_40 = arith.addi %scan3A_38, %scan3A_39 : i32
      %scan3A_41 = arith.constant 1 : i32
      scf.for %scan3A_68 = %scan3A_38 to %scan3A_40 step %scan3A_41  : i32 {
        %mul3A_69 = arith.constant 2 : i32
        %mul3A_70 = arith.muli %mul3A_69, %scan3A_68 : i32
        %mul3A_71 = arith.constant 80 : i32
        %mul3A_72 = arith.muli %mul3A_70, %mul3A_71 : i32
        %dma_wait3A_73 = tpu.memref_slice %arg12[%mul3A_72] : memref<10000xi32, #tpu.memory_space<vmem>> -> memref<80xi32, #tpu.memory_space<vmem>>
        %dma_wait3A_74 = arith.constant 0 : i32
        %dma_wait3A_75 = arith.constant 0 : i32
        %dma_wait3A_76 = tpu.memref_slice %arg4[%dma_wait3A_74, %dma_wait3A_75] : memref<10000x128xf32, #tpu.memory_space<hbm>> -> memref<10000x128xf32, #tpu.memory_space<hbm>>
        tpu.wait_indirect_dma semaphore(%arg17 : memref<!tpu.dma_semaphore, #tpu.memory_space<semaphore_mem>>) src(%dma_wait3A_76 : memref<10000x128xf32, #tpu.memory_space<hbm>>) dst(%arg14 : memref<80x128xf32, #tpu.memory_space<vmem>>)
        %add3A_77 = arith.constant 1 : i32
        %add3A_78 = arith.addi %mul3A_70, %add3A_77 : i32
        %mul3A_79 = arith.constant 80 : i32
        %mul3A_80 = arith.muli %add3A_78, %mul3A_79 : i32
        %dma_start3A_81 = tpu.memref_slice %arg12[%mul3A_80] : memref<10000xi32, #tpu.memory_space<vmem>> -> memref<80xi32, #tpu.memory_space<vmem>>
        %dma_start3A_82 = arith.constant 0 : i32
        %dma_start3A_83 = arith.constant 0 : i32
        %dma_start3A_84 = tpu.memref_slice %arg4[%dma_start3A_82, %dma_start3A_83] : memref<10000x128xf32, #tpu.memory_space<hbm>> -> memref<10000x128xf32, #tpu.memory_space<hbm>>
        tpu.enqueue_indirect_dma source(%dma_start3A_84 : memref<10000x128xf32, #tpu.memory_space<hbm>>) target(%arg15 : memref<80x128xf32, #tpu.memory_space<vmem>>) offsets(%dma_start3A_81 : memref<80xi32, #tpu.memory_space<vmem>>) semaphore(%arg18 : memref<!tpu.dma_semaphore, #tpu.memory_space<semaphore_mem>>)
        "tpu.region"() ({
          %run_scoped3A_103 = tpu.sem_alloc : memref<!tpu.dma_semaphore, #tpu.memory_space<semaphore_mem>>
          %dma_start3A_104 = arith.constant 0 : i32
          %dma_start3A_105 = tpu.memref_slice %arg13[%mul3A_70, %dma_start3A_104] : memref<125x80xi32, #tpu.memory_space<vmem>> -> memref<1x80xi32, #tpu.memory_space<vmem>>
          %dma_start3A_106 = tpu.memref_squeeze %dma_start3A_105 : memref<1x80xi32, #tpu.memory_space<vmem>> -> memref<80xi32, #tpu.memory_space<vmem>>
          %dma_start3A_107 = arith.constant 0 : i32
          %dma_start3A_108 = arith.constant 0 : i32
          %dma_start3A_109 = tpu.memref_slice %arg16[%dma_start3A_107, %dma_start3A_108] : memref<10000x128xf32, #tpu.memory_space<vmem_shared>> -> memref<10000x128xf32, #tpu.memory_space<vmem_shared>>
          tpu.enqueue_indirect_dma source(%arg14 : memref<80x128xf32, #tpu.memory_space<vmem>>) target(%dma_start3A_109 : memref<10000x128xf32, #tpu.memory_space<vmem_shared>>) offsets(%dma_start3A_106 : memref<80xi32, #tpu.memory_space<vmem>>) semaphore(%run_scoped3A_103 : memref<!tpu.dma_semaphore, #tpu.memory_space<semaphore_mem>>) {add = true}
          %dma_wait3A_110 = arith.constant 0 : i32
          %dma_wait3A_111 = tpu.memref_slice %arg13[%mul3A_70, %dma_wait3A_110] : memref<125x80xi32, #tpu.memory_space<vmem>> -> memref<1x80xi32, #tpu.memory_space<vmem>>
          %dma_wait3A_112 = tpu.memref_squeeze %dma_wait3A_111 : memref<1x80xi32, #tpu.memory_space<vmem>> -> memref<80xi32, #tpu.memory_space<vmem>>
          %dma_wait3A_113 = arith.constant 0 : i32
          %dma_wait3A_114 = arith.constant 0 : i32
          %dma_wait3A_115 = tpu.memref_slice %arg16[%dma_wait3A_113, %dma_wait3A_114] : memref<10000x128xf32, #tpu.memory_space<vmem_shared>> -> memref<10000x128xf32, #tpu.memory_space<vmem_shared>>
          tpu.wait_indirect_dma semaphore(%run_scoped3A_103 : memref<!tpu.dma_semaphore, #tpu.memory_space<semaphore_mem>>) src(%arg14 : memref<80x128xf32, #tpu.memory_space<vmem>>) dst(%dma_wait3A_115 : memref<10000x128xf32, #tpu.memory_space<vmem_shared>>)
          tpu.yield
        }) : () -> ()
        %add3A_85 = arith.constant 2 : i32
        %add3A_86 = arith.addi %mul3A_70, %add3A_85 : i32
        %mul3A_87 = arith.constant 80 : i32
        %mul3A_88 = arith.muli %add3A_86, %mul3A_87 : i32
        %dma_start3A_89 = tpu.memref_slice %arg12[%mul3A_88] : memref<10000xi32, #tpu.memory_space<vmem>> -> memref<80xi32, #tpu.memory_space<vmem>>
        %dma_start3A_90 = arith.constant 0 : i32
        %dma_start3A_91 = arith.constant 0 : i32
        %dma_start3A_92 = tpu.memref_slice %arg4[%dma_start3A_90, %dma_start3A_91] : memref<10000x128xf32, #tpu.memory_space<hbm>> -> memref<10000x128xf32, #tpu.memory_space<hbm>>
        tpu.enqueue_indirect_dma source(%dma_start3A_92 : memref<10000x128xf32, #tpu.memory_space<hbm>>) target(%arg14 : memref<80x128xf32, #tpu.memory_space<vmem>>) offsets(%dma_start3A_89 : memref<80xi32, #tpu.memory_space<vmem>>) semaphore(%arg17 : memref<!tpu.dma_semaphore, #tpu.memory_space<semaphore_mem>>)
        %add3A_93 = arith.constant 1 : i32
        %add3A_94 = arith.addi %mul3A_70, %add3A_93 : i32
        %mul3A_95 = arith.constant 80 : i32
        %mul3A_96 = arith.muli %add3A_94, %mul3A_95 : i32
        %dma_wait3A_97 = tpu.memref_slice %arg12[%mul3A_96] : memref<10000xi32, #tpu.memory_space<vmem>> -> memref<80xi32, #tpu.memory_space<vmem>>
        %dma_wait3A_98 = arith.constant 0 : i32
        %dma_wait3A_99 = arith.constant 0 : i32
        %dma_wait3A_100 = tpu.memref_slice %arg4[%dma_wait3A_98, %dma_wait3A_99] : memref<10000x128xf32, #tpu.memory_space<hbm>> -> memref<10000x128xf32, #tpu.memory_space<hbm>>
        tpu.wait_indirect_dma semaphore(%arg18 : memref<!tpu.dma_semaphore, #tpu.memory_space<semaphore_mem>>) src(%dma_wait3A_100 : memref<10000x128xf32, #tpu.memory_space<hbm>>) dst(%arg15 : memref<80x128xf32, #tpu.memory_space<vmem>>)
        %add3A_101 = arith.constant 1 : i32
        %add3A_102 = arith.addi %mul3A_70, %add3A_101 : i32
        "tpu.region"() ({
          %run_scoped3A_103 = tpu.sem_alloc : memref<!tpu.dma_semaphore, #tpu.memory_space<semaphore_mem>>
          %dma_start3A_104 = arith.constant 0 : i32
          %dma_start3A_105 = tpu.memref_slice %arg13[%add3A_102, %dma_start3A_104] : memref<125x80xi32, #tpu.memory_space<vmem>> -> memref<1x80xi32, #tpu.memory_space<vmem>>
          %dma_start3A_106 = tpu.memref_squeeze %dma_start3A_105 : memref<1x80xi32, #tpu.memory_space<vmem>> -> memref<80xi32, #tpu.memory_space<vmem>>
          %dma_start3A_107 = arith.constant 0 : i32
          %dma_start3A_108 = arith.constant 0 : i32
          %dma_start3A_109 = tpu.memref_slice %arg16[%dma_start3A_107, %dma_start3A_108] : memref<10000x128xf32, #tpu.memory_space<vmem_shared>> -> memref<10000x128xf32, #tpu.memory_space<vmem_shared>>
          tpu.enqueue_indirect_dma source(%arg15 : memref<80x128xf32, #tpu.memory_space<vmem>>) target(%dma_start3A_109 : memref<10000x128xf32, #tpu.memory_space<vmem_shared>>) offsets(%dma_start3A_106 : memref<80xi32, #tpu.memory_space<vmem>>) semaphore(%run_scoped3A_103 : memref<!tpu.dma_semaphore, #tpu.memory_space<semaphore_mem>>) {add = true}
          %dma_wait3A_110 = arith.constant 0 : i32
          %dma_wait3A_111 = tpu.memref_slice %arg13[%add3A_102, %dma_wait3A_110] : memref<125x80xi32, #tpu.memory_space<vmem>> -> memref<1x80xi32, #tpu.memory_space<vmem>>
          %dma_wait3A_112 = tpu.memref_squeeze %dma_wait3A_111 : memref<1x80xi32, #tpu.memory_space<vmem>> -> memref<80xi32, #tpu.memory_space<vmem>>
          %dma_wait3A_113 = arith.constant 0 : i32
          %dma_wait3A_114 = arith.constant 0 : i32
          %dma_wait3A_115 = tpu.memref_slice %arg16[%dma_wait3A_113, %dma_wait3A_114] : memref<10000x128xf32, #tpu.memory_space<vmem_shared>> -> memref<10000x128xf32, #tpu.memory_space<vmem_shared>>
          tpu.wait_indirect_dma semaphore(%run_scoped3A_103 : memref<!tpu.dma_semaphore, #tpu.memory_space<semaphore_mem>>) src(%arg15 : memref<80x128xf32, #tpu.memory_space<vmem>>) dst(%dma_wait3A_115 : memref<10000x128xf32, #tpu.memory_space<vmem_shared>>)
          tpu.yield
        }) : () -> ()
      }
      %scan3A_42 = arith.constant 62 : i32
      %dma_wait3A = arith.constant 9920 : i32
      %dma_wait3A_43 = tpu.memref_slice %arg12[%dma_wait3A] : memref<10000xi32, #tpu.memory_space<vmem>> -> memref<80xi32, #tpu.memory_space<vmem>>
      %dma_wait3A_44 = arith.constant 0 : i32
      %dma_wait3A_45 = arith.constant 0 : i32
      %dma_wait3A_46 = tpu.memref_slice %arg4[%dma_wait3A_44, %dma_wait3A_45] : memref<10000x128xf32, #tpu.memory_space<hbm>> -> memref<10000x128xf32, #tpu.memory_space<hbm>>
      tpu.wait_indirect_dma semaphore(%arg17 : memref<!tpu.dma_semaphore, #tpu.memory_space<semaphore_mem>>) src(%dma_wait3A_46 : memref<10000x128xf32, #tpu.memory_space<hbm>>) dst(%arg14 : memref<80x128xf32, #tpu.memory_space<vmem>>)
      %run_scoped3A = arith.constant 124 : i32
      "tpu.region"() ({
        %run_scoped3A_68 = tpu.sem_alloc : memref<!tpu.dma_semaphore, #tpu.memory_space<semaphore_mem>>
        %dma_start3A_69 = arith.constant 0 : i32
        %dma_start3A_70 = tpu.memref_slice %arg13[%run_scoped3A, %dma_start3A_69] : memref<125x80xi32, #tpu.memory_space<vmem>> -> memref<1x80xi32, #tpu.memory_space<vmem>>
        %dma_start3A_71 = tpu.memref_squeeze %dma_start3A_70 : memref<1x80xi32, #tpu.memory_space<vmem>> -> memref<80xi32, #tpu.memory_space<vmem>>
        %dma_start3A_72 = arith.constant 0 : i32
        %dma_start3A_73 = arith.constant 0 : i32
        %dma_start3A_74 = tpu.memref_slice %arg16[%dma_start3A_72, %dma_start3A_73] : memref<10000x128xf32, #tpu.memory_space<vmem_shared>> -> memref<10000x128xf32, #tpu.memory_space<vmem_shared>>
        tpu.enqueue_indirect_dma source(%arg14 : memref<80x128xf32, #tpu.memory_space<vmem>>) target(%dma_start3A_74 : memref<10000x128xf32, #tpu.memory_space<vmem_shared>>) offsets(%dma_start3A_71 : memref<80xi32, #tpu.memory_space<vmem>>) semaphore(%run_scoped3A_68 : memref<!tpu.dma_semaphore, #tpu.memory_space<semaphore_mem>>) {add = true}
        %dma_wait3A_75 = arith.constant 0 : i32
        %dma_wait3A_76 = tpu.memref_slice %arg13[%run_scoped3A, %dma_wait3A_75] : memref<125x80xi32, #tpu.memory_space<vmem>> -> memref<1x80xi32, #tpu.memory_space<vmem>>
        %dma_wait3A_77 = tpu.memref_squeeze %dma_wait3A_76 : memref<1x80xi32, #tpu.memory_space<vmem>> -> memref<80xi32, #tpu.memory_space<vmem>>
        %dma_wait3A_78 = arith.constant 0 : i32
        %dma_wait3A_79 = arith.constant 0 : i32
        %dma_wait3A_80 = tpu.memref_slice %arg16[%dma_wait3A_78, %dma_wait3A_79] : memref<10000x128xf32, #tpu.memory_space<vmem_shared>> -> memref<10000x128xf32, #tpu.memory_space<vmem_shared>>
        tpu.wait_indirect_dma semaphore(%run_scoped3A_68 : memref<!tpu.dma_semaphore, #tpu.memory_space<semaphore_mem>>) src(%arg14 : memref<80x128xf32, #tpu.memory_space<vmem>>) dst(%dma_wait3A_80 : memref<10000x128xf32, #tpu.memory_space<vmem_shared>>)
        tpu.yield
      }) : () -> ()
      %barrier3A_47 = arith.constant 0 : index
      tpu.barrier barrier_id(%barrier3A_47)
      %mul3A_48 = arith.constant 625 : i32
      %mul3A_49 = arith.muli %arg1, %mul3A_48 : i32
      "tpu.region"() ({
        %run_scoped3A_68 = tpu.sem_alloc : memref<!tpu.dma_semaphore, #tpu.memory_space<semaphore_mem>>
        %dma_start3A_69 = arith.constant 0 : i32
        %dma_start3A_70 = arith.constant 0 : i32
        %dma_start3A_71 = tpu.memref_slice %arg8[%arg1, %dma_start3A_69, %dma_start3A_70] : memref<16x625x128xf32, #tpu.memory_space<hbm>> -> memref<1x625x128xf32, #tpu.memory_space<hbm>>
        %dma_start3A_72 = tpu.memref_squeeze %dma_start3A_71 : memref<1x625x128xf32, #tpu.memory_space<hbm>> -> memref<625x128xf32, #tpu.memory_space<hbm>>
        %dma_start3A_73 = arith.constant 0 : i32
        %dma_start3A_74 = tpu.memref_slice %arg16[%mul3A_49, %dma_start3A_73] : memref<10000x128xf32, #tpu.memory_space<vmem_shared>> -> memref<625x128xf32, #tpu.memory_space<vmem_shared>>
        tpu.enqueue_dma source(%dma_start3A_74 : memref<625x128xf32, #tpu.memory_space<vmem_shared>>) target(%dma_start3A_72 : memref<625x128xf32, #tpu.memory_space<hbm>>) target_semaphore(%run_scoped3A_68 : memref<!tpu.dma_semaphore, #tpu.memory_space<semaphore_mem>>)
        %dma_wait3A_75 = arith.constant 0 : i32
        %dma_wait3A_76 = arith.constant 0 : i32
        %dma_wait3A_77 = tpu.memref_slice %arg8[%arg1, %dma_wait3A_75, %dma_wait3A_76] : memref<16x625x128xf32, #tpu.memory_space<hbm>> -> memref<1x625x128xf32, #tpu.memory_space<hbm>>
        %dma_wait3A_78 = tpu.memref_squeeze %dma_wait3A_77 : memref<1x625x128xf32, #tpu.memory_space<hbm>> -> memref<625x128xf32, #tpu.memory_space<hbm>>
        %dma_wait3A_79 = arith.constant 0 : i32
        %dma_wait3A_80 = tpu.memref_slice %arg16[%mul3A_49, %dma_wait3A_79] : memref<10000x128xf32, #tpu.memory_space<vmem_shared>> -> memref<625x128xf32, #tpu.memory_space<vmem_shared>>
        tpu.wait_dma2 semaphore(%run_scoped3A_68 : memref<!tpu.dma_semaphore, #tpu.memory_space<semaphore_mem>>) src(%dma_wait3A_80 : memref<625x128xf32, #tpu.memory_space<vmem_shared>>) dst(%dma_wait3A_78 : memref<625x128xf32, #tpu.memory_space<hbm>>)
        tpu.yield
      }) : () -> ()
      %scan3A_50 = arith.constant 0 : i32
      %scan3A_51 = arith.constant 0 : i32
      %scan3A_52 = arith.constant 80 : i32
      %scan3A_53 = arith.addi %scan3A_51, %scan3A_52 : i32
      %scan3A_54 = arith.constant 1 : i32
      scf.for %scan3A_68 = %scan3A_51 to %scan3A_53 step %scan3A_54  : i32 {
        %broadcast_in_dim3A = arith.constant 0.000000e+00 : f32
        %broadcast_in_dim3A_69 = vector.broadcast %broadcast_in_dim3A : f32 to vector<16xf32>
        %swap3A = arith.index_cast %scan3A_68 : i32 to index
        %swap3A_70 = arith.constant 0 : index
        %swap3A_71 = tpu.vector_load %arg14[%swap3A, %swap3A_70] {strides = array<i32>} : memref<80x128xf32, #tpu.memory_space<vmem>>, vector<1x16xf32>,
        %swap3A_72 = vector.shape_cast %swap3A_71 : vector<1x16xf32> to vector<16xf32>
        %swap3A_73 = vector.shape_cast %broadcast_in_dim3A_69 : vector<16xf32> to vector<1x16xf32>
        tpu.vector_store %arg14[%swap3A, %swap3A_70], %swap3A_73 {strides = array<i32>} : memref<80x128xf32, #tpu.memory_space<vmem>>, vector<1x16xf32>,
        %broadcast_in_dim3A_74 = arith.constant 0.000000e+00 : f32
        %broadcast_in_dim3A_75 = vector.broadcast %broadcast_in_dim3A_74 : f32 to vector<16xf32>
        %swap3A_76 = arith.index_cast %scan3A_68 : i32 to index
        %swap3A_77 = arith.constant 16 : index
        %swap3A_78 = tpu.vector_load %arg14[%swap3A_76, %swap3A_77] {strides = array<i32>} : memref<80x128xf32, #tpu.memory_space<vmem>>, vector<1x16xf32>,
        %swap3A_79 = vector.shape_cast %swap3A_78 : vector<1x16xf32> to vector<16xf32>
        %swap3A_80 = vector.shape_cast %broadcast_in_dim3A_75 : vector<16xf32> to vector<1x16xf32>
        tpu.vector_store %arg14[%swap3A_76, %swap3A_77], %swap3A_80 {strides = array<i32>} : memref<80x128xf32, #tpu.memory_space<vmem>>, vector<1x16xf32>,
        %broadcast_in_dim3A_81 = arith.constant 0.000000e+00 : f32
        %broadcast_in_dim3A_82 = vector.broadcast %broadcast_in_dim3A_81 : f32 to vector<16xf32>
        %swap3A_83 = arith.index_cast %scan3A_68 : i32 to index
        %swap3A_84 = arith.constant 32 : index
        %swap3A_85 = tpu.vector_load %arg14[%swap3A_83, %swap3A_84] {strides = array<i32>} : memref<80x128xf32, #tpu.memory_space<vmem>>, vector<1x16xf32>,
        %swap3A_86 = vector.shape_cast %swap3A_85 : vector<1x16xf32> to vector<16xf32>
        %swap3A_87 = vector.shape_cast %broadcast_in_dim3A_82 : vector<16xf32> to vector<1x16xf32>
        tpu.vector_store %arg14[%swap3A_83, %swap3A_84], %swap3A_87 {strides = array<i32>} : memref<80x128xf32, #tpu.memory_space<vmem>>, vector<1x16xf32>,
        %broadcast_in_dim3A_88 = arith.constant 0.000000e+00 : f32
        %broadcast_in_dim3A_89 = vector.broadcast %broadcast_in_dim3A_88 : f32 to vector<16xf32>
        %swap3A_90 = arith.index_cast %scan3A_68 : i32 to index
        %swap3A_91 = arith.constant 48 : index
        %swap3A_92 = tpu.vector_load %arg14[%swap3A_90, %swap3A_91] {strides = array<i32>} : memref<80x128xf32, #tpu.memory_space<vmem>>, vector<1x16xf32>,
        %swap3A_93 = vector.shape_cast %swap3A_92 : vector<1x16xf32> to vector<16xf32>
        %swap3A_94 = vector.shape_cast %broadcast_in_dim3A_89 : vector<16xf32> to vector<1x16xf32>
        tpu.vector_store %arg14[%swap3A_90, %swap3A_91], %swap3A_94 {strides = array<i32>} : memref<80x128xf32, #tpu.memory_space<vmem>>, vector<1x16xf32>,
        %broadcast_in_dim3A_95 = arith.constant 0.000000e+00 : f32
        %broadcast_in_dim3A_96 = vector.broadcast %broadcast_in_dim3A_95 : f32 to vector<16xf32>
        %swap3A_97 = arith.index_cast %scan3A_68 : i32 to index
        %swap3A_98 = arith.constant 64 : index
        %swap3A_99 = tpu.vector_load %arg14[%swap3A_97, %swap3A_98] {strides = array<i32>} : memref<80x128xf32, #tpu.memory_space<vmem>>, vector<1x16xf32>,
        %swap3A_100 = vector.shape_cast %swap3A_99 : vector<1x16xf32> to vector<16xf32>
        %swap3A_101 = vector.shape_cast %broadcast_in_dim3A_96 : vector<16xf32> to vector<1x16xf32>
        tpu.vector_store %arg14[%swap3A_97, %swap3A_98], %swap3A_101 {strides = array<i32>} : memref<80x128xf32, #tpu.memory_space<vmem>>, vector<1x16xf32>,
        %broadcast_in_dim3A_102 = arith.constant 0.000000e+00 : f32
        %broadcast_in_dim3A_103 = vector.broadcast %broadcast_in_dim3A_102 : f32 to vector<16xf32>
        %swap3A_104 = arith.index_cast %scan3A_68 : i32 to index
        %swap3A_105 = arith.constant 80 : index
        %swap3A_106 = tpu.vector_load %arg14[%swap3A_104, %swap3A_105] {strides = array<i32>} : memref<80x128xf32, #tpu.memory_space<vmem>>, vector<1x16xf32>,
        %swap3A_107 = vector.shape_cast %swap3A_106 : vector<1x16xf32> to vector<16xf32>
        %swap3A_108 = vector.shape_cast %broadcast_in_dim3A_103 : vector<16xf32> to vector<1x16xf32>
        tpu.vector_store %arg14[%swap3A_104, %swap3A_105], %swap3A_108 {strides = array<i32>} : memref<80x128xf32, #tpu.memory_space<vmem>>, vector<1x16xf32>,
        %broadcast_in_dim3A_109 = arith.constant 0.000000e+00 : f32
        %broadcast_in_dim3A_110 = vector.broadcast %broadcast_in_dim3A_109 : f32 to vector<16xf32>
        %swap3A_111 = arith.index_cast %scan3A_68 : i32 to index
        %swap3A_112 = arith.constant 96 : index
        %swap3A_113 = tpu.vector_load %arg14[%swap3A_111, %swap3A_112] {strides = array<i32>} : memref<80x128xf32, #tpu.memory_space<vmem>>, vector<1x16xf32>,
        %swap3A_114 = vector.shape_cast %swap3A_113 : vector<1x16xf32> to vector<16xf32>
        %swap3A_115 = vector.shape_cast %broadcast_in_dim3A_110 : vector<16xf32> to vector<1x16xf32>
        tpu.vector_store %arg14[%swap3A_111, %swap3A_112], %swap3A_115 {strides = array<i32>} : memref<80x128xf32, #tpu.memory_space<vmem>>, vector<1x16xf32>,
        %broadcast_in_dim3A_116 = arith.constant 0.000000e+00 : f32
        %broadcast_in_dim3A_117 = vector.broadcast %broadcast_in_dim3A_116 : f32 to vector<16xf32>
        %swap3A_118 = arith.index_cast %scan3A_68 : i32 to index
        %swap3A_119 = arith.constant 112 : index
        %swap3A_120 = tpu.vector_load %arg14[%swap3A_118, %swap3A_119] {strides = array<i32>} : memref<80x128xf32, #tpu.memory_space<vmem>>, vector<1x16xf32>,
        %swap3A_121 = vector.shape_cast %swap3A_120 : vector<1x16xf32> to vector<16xf32>
        %swap3A_122 = vector.shape_cast %broadcast_in_dim3A_117 : vector<16xf32> to vector<1x16xf32>
        tpu.vector_store %arg14[%swap3A_118, %swap3A_119], %swap3A_122 {strides = array<i32>} : memref<80x128xf32, #tpu.memory_space<vmem>>, vector<1x16xf32>,
      }
      %scan3A_55 = arith.constant 80 : i32
      %scan3A_56 = arith.constant 0 : i32
      %scan3A_57 = arith.constant 0 : i32
      %scan3A_58 = arith.constant 7 : i32
      %scan3A_59 = arith.addi %scan3A_57, %scan3A_58 : i32
      %scan3A_60 = arith.constant 1 : i32
      scf.for %scan3A_68 = %scan3A_57 to %scan3A_59 step %scan3A_60  : i32 {
        %mul3A_69 = arith.constant 625 : i32
        %mul3A_70 = arith.muli %arg1, %mul3A_69 : i32
        %mul3A_71 = arith.constant 80 : i32
        %mul3A_72 = arith.muli %scan3A_68, %mul3A_71 : i32
        %add3A_73 = arith.addi %mul3A_70, %mul3A_72 : i32
        "tpu.region"() ({
          %run_scoped3A_74 = tpu.sem_alloc : memref<!tpu.dma_semaphore, #tpu.memory_space<semaphore_mem>>
          %dma_start3A_75 = arith.constant 0 : i32
          %dma_start3A_76 = tpu.memref_slice %arg16[%add3A_73, %dma_start3A_75] : memref<10000x128xf32, #tpu.memory_space<vmem_shared>> -> memref<80x128xf32, #tpu.memory_space<vmem_shared>>
          %dma_start3A_77 = arith.constant 0 : i32
          %dma_start3A_78 = tpu.memref_slice %arg16[%add3A_73, %dma_start3A_77] : memref<10000x128xf32, #tpu.memory_space<vmem_shared>> -> memref<80x128xf32, #tpu.memory_space<vmem_shared>>
          tpu.enqueue_dma source(%arg14 : memref<80x128xf32, #tpu.memory_space<vmem>>) target(%dma_start3A_78 : memref<80x128xf32, #tpu.memory_space<vmem_shared>>) target_semaphore(%run_scoped3A_74 : memref<!tpu.dma_semaphore, #tpu.memory_space<semaphore_mem>>)
          %dma_wait3A_79 = arith.constant 0 : i32
          %dma_wait3A_80 = tpu.memref_slice %arg16[%add3A_73, %dma_wait3A_79] : memref<10000x128xf32, #tpu.memory_space<vmem_shared>> -> memref<80x128xf32, #tpu.memory_space<vmem_shared>>
          %dma_wait3A_81 = arith.constant 0 : i32
          %dma_wait3A_82 = tpu.memref_slice %arg16[%add3A_73, %dma_wait3A_81] : memref<10000x128xf32, #tpu.memory_space<vmem_shared>> -> memref<80x128xf32, #tpu.memory_space<vmem_shared>>
          tpu.wait_dma2 semaphore(%run_scoped3A_74 : memref<!tpu.dma_semaphore, #tpu.memory_space<semaphore_mem>>) src(%arg14 : memref<80x128xf32, #tpu.memory_space<vmem>>) dst(%dma_wait3A_82 : memref<80x128xf32, #tpu.memory_space<vmem_shared>>)
          tpu.yield
        }) : () -> ()
      }
      %scan3A_61 = arith.constant 7 : i32
      %mul3A_62 = arith.constant 625 : i32
      %mul3A_63 = arith.muli %arg1, %mul3A_62 : i32
      %add3A_64 = arith.constant 625 : i32
      %add3A_65 = arith.addi %mul3A_63, %add3A_64 : i32
      %sub3A_66 = arith.constant 65 : i32
      %sub3A_67 = arith.subi %add3A_65, %sub3A_66 : i32
      "tpu.region"() ({
        %run_scoped3A_68 = tpu.sem_alloc : memref<!tpu.dma_semaphore, #tpu.memory_space<semaphore_mem>>
        %dma_start3A_69 = arith.constant 0 : i32
        %dma_start3A_70 = arith.constant 0 : i32
        %dma_start3A_71 = tpu.memref_slice %arg14[%dma_start3A_69, %dma_start3A_70] : memref<80x128xf32, #tpu.memory_space<vmem>> -> memref<65x128xf32, #tpu.memory_space<vmem>>
        %dma_start3A_72 = arith.constant 0 : i32
        %dma_start3A_73 = tpu.memref_slice %arg16[%sub3A_67, %dma_start3A_72] : memref<10000x128xf32, #tpu.memory_space<vmem_shared>> -> memref<65x128xf32, #tpu.memory_space<vmem_shared>>
        %dma_start3A_74 = arith.constant 0 : i32
        %dma_start3A_75 = tpu.memref_slice %arg16[%sub3A_67, %dma_start3A_74] : memref<10000x128xf32, #tpu.memory_space<vmem_shared>> -> memref<65x128xf32, #tpu.memory_space<vmem_shared>>
        %dma_start3A_76 = arith.constant 0 : i32
        %dma_start3A_77 = arith.constant 0 : i32
        %dma_start3A_78 = tpu.memref_slice %arg14[%dma_start3A_76, %dma_start3A_77] : memref<80x128xf32, #tpu.memory_space<vmem>> -> memref<65x128xf32, #tpu.memory_space<vmem>>
        tpu.enqueue_dma source(%dma_start3A_78 : memref<65x128xf32, #tpu.memory_space<vmem>>) target(%dma_start3A_75 : memref<65x128xf32, #tpu.memory_space<vmem_shared>>) target_semaphore(%run_scoped3A_68 : memref<!tpu.dma_semaphore, #tpu.memory_space<semaphore_mem>>)
        %dma_wait3A_79 = arith.constant 0 : i32
        %dma_wait3A_80 = arith.constant 0 : i32
        %dma_wait3A_81 = tpu.memref_slice %arg14[%dma_wait3A_79, %dma_wait3A_80] : memref<80x128xf32, #tpu.memory_space<vmem>> -> memref<65x128xf32, #tpu.memory_space<vmem>>
        %dma_wait3A_82 = arith.constant 0 : i32
        %dma_wait3A_83 = tpu.memref_slice %arg16[%sub3A_67, %dma_wait3A_82] : memref<10000x128xf32, #tpu.memory_space<vmem_shared>> -> memref<65x128xf32, #tpu.memory_space<vmem_shared>>
        %dma_wait3A_84 = arith.constant 0 : i32
        %dma_wait3A_85 = tpu.memref_slice %arg16[%sub3A_67, %dma_wait3A_84] : memref<10000x128xf32, #tpu.memory_space<vmem_shared>> -> memref<65x128xf32, #tpu.memory_space<vmem_shared>>
        %dma_wait3A_86 = arith.constant 0 : i32
        %dma_wait3A_87 = arith.constant 0 : i32
        %dma_wait3A_88 = tpu.memref_slice %arg14[%dma_wait3A_86, %dma_wait3A_87] : memref<80x128xf32, #tpu.memory_space<vmem>> -> memref<65x128xf32, #tpu.memory_space<vmem>>
        tpu.wait_dma2 semaphore(%run_scoped3A_68 : memref<!tpu.dma_semaphore, #tpu.memory_space<semaphore_mem>>) src(%dma_wait3A_88 : memref<65x128xf32, #tpu.memory_space<vmem>>) dst(%dma_wait3A_85 : memref<65x128xf32, #tpu.memory_space<vmem_shared>>)
        tpu.yield
      }) : () -> ()
    } else {
    }
    %eq3A_3 = arith.constant 0 : i32
    %eq3A_4 = arith.cmpi eq, %arg0, %eq3A_3 : i32
    %convert_element_type3A_5 = arith.extui %eq3A_4 : i1 to i32
    %cond3A_6 = arith.constant 0 : i32
    %cond3A_7 = arith.cmpi ne, %convert_element_type3A_5, %cond3A_6 : i32
    scf.if %cond3A_7 {
      %barrier3A = arith.constant 0 : index
      tpu.barrier barrier_id(%barrier3A)
      %dma_start3A = arith.constant 0 : i32
      %dma_start3A_18 = tpu.memref_slice %arg12[%dma_start3A] : memref<10000xi32, #tpu.memory_space<vmem>> -> memref<80xi32, #tpu.memory_space<vmem>>
      %dma_start3A_19 = arith.constant 0 : i32
      %dma_start3A_20 = arith.constant 0 : i32
      %dma_start3A_21 = tpu.memref_slice %arg5[%dma_start3A_19, %dma_start3A_20] : memref<10000x128xf32, #tpu.memory_space<hbm>> -> memref<10000x128xf32, #tpu.memory_space<hbm>>
      tpu.enqueue_indirect_dma source(%dma_start3A_21 : memref<10000x128xf32, #tpu.memory_space<hbm>>) target(%arg14 : memref<80x128xf32, #tpu.memory_space<vmem>>) offsets(%dma_start3A_18 : memref<80xi32, #tpu.memory_space<vmem>>) semaphore(%arg17 : memref<!tpu.dma_semaphore, #tpu.memory_space<semaphore_mem>>)
      %scan3A = arith.constant 0 : i32
      %scan3A_22 = arith.constant 0 : i32
      %scan3A_23 = arith.constant 62 : i32
      %scan3A_24 = arith.addi %scan3A_22, %scan3A_23 : i32
      %scan3A_25 = arith.constant 1 : i32
      scf.for %scan3A_34 = %scan3A_22 to %scan3A_24 step %scan3A_25  : i32 {
        %mul3A_35 = arith.constant 2 : i32
        %mul3A_36 = arith.muli %mul3A_35, %scan3A_34 : i32
        %mul3A_37 = arith.constant 80 : i32
        %mul3A_38 = arith.muli %mul3A_36, %mul3A_37 : i32
        %dma_wait3A_39 = tpu.memref_slice %arg12[%mul3A_38] : memref<10000xi32, #tpu.memory_space<vmem>> -> memref<80xi32, #tpu.memory_space<vmem>>
        %dma_wait3A_40 = arith.constant 0 : i32
        %dma_wait3A_41 = arith.constant 0 : i32
        %dma_wait3A_42 = tpu.memref_slice %arg5[%dma_wait3A_40, %dma_wait3A_41] : memref<10000x128xf32, #tpu.memory_space<hbm>> -> memref<10000x128xf32, #tpu.memory_space<hbm>>
        tpu.wait_indirect_dma semaphore(%arg17 : memref<!tpu.dma_semaphore, #tpu.memory_space<semaphore_mem>>) src(%dma_wait3A_42 : memref<10000x128xf32, #tpu.memory_space<hbm>>) dst(%arg14 : memref<80x128xf32, #tpu.memory_space<vmem>>)
        %add3A = arith.constant 1 : i32
        %add3A_43 = arith.addi %mul3A_36, %add3A : i32
        %mul3A_44 = arith.constant 80 : i32
        %mul3A_45 = arith.muli %add3A_43, %mul3A_44 : i32
        %dma_start3A_46 = tpu.memref_slice %arg12[%mul3A_45] : memref<10000xi32, #tpu.memory_space<vmem>> -> memref<80xi32, #tpu.memory_space<vmem>>
        %dma_start3A_47 = arith.constant 0 : i32
        %dma_start3A_48 = arith.constant 0 : i32
        %dma_start3A_49 = tpu.memref_slice %arg5[%dma_start3A_47, %dma_start3A_48] : memref<10000x128xf32, #tpu.memory_space<hbm>> -> memref<10000x128xf32, #tpu.memory_space<hbm>>
        tpu.enqueue_indirect_dma source(%dma_start3A_49 : memref<10000x128xf32, #tpu.memory_space<hbm>>) target(%arg15 : memref<80x128xf32, #tpu.memory_space<vmem>>) offsets(%dma_start3A_46 : memref<80xi32, #tpu.memory_space<vmem>>) semaphore(%arg18 : memref<!tpu.dma_semaphore, #tpu.memory_space<semaphore_mem>>)
        "tpu.region"() ({
          %run_scoped3A_68 = tpu.sem_alloc : memref<!tpu.dma_semaphore, #tpu.memory_space<semaphore_mem>>
          %dma_start3A_69 = arith.constant 0 : i32
          %dma_start3A_70 = tpu.memref_slice %arg13[%mul3A_36, %dma_start3A_69] : memref<125x80xi32, #tpu.memory_space<vmem>> -> memref<1x80xi32, #tpu.memory_space<vmem>>
          %dma_start3A_71 = tpu.memref_squeeze %dma_start3A_70 : memref<1x80xi32, #tpu.memory_space<vmem>> -> memref<80xi32, #tpu.memory_space<vmem>>
          %dma_start3A_72 = arith.constant 0 : i32
          %dma_start3A_73 = arith.constant 0 : i32
          %dma_start3A_74 = tpu.memref_slice %arg16[%dma_start3A_72, %dma_start3A_73] : memref<10000x128xf32, #tpu.memory_space<vmem_shared>> -> memref<10000x128xf32, #tpu.memory_space<vmem_shared>>
          tpu.enqueue_indirect_dma source(%arg14 : memref<80x128xf32, #tpu.memory_space<vmem>>) target(%dma_start3A_74 : memref<10000x128xf32, #tpu.memory_space<vmem_shared>>) offsets(%dma_start3A_71 : memref<80xi32, #tpu.memory_space<vmem>>) semaphore(%run_scoped3A_68 : memref<!tpu.dma_semaphore, #tpu.memory_space<semaphore_mem>>) {add = true}
          %dma_wait3A_75 = arith.constant 0 : i32
          %dma_wait3A_76 = tpu.memref_slice %arg13[%mul3A_36, %dma_wait3A_75] : memref<125x80xi32, #tpu.memory_space<vmem>> -> memref<1x80xi32, #tpu.memory_space<vmem>>
          %dma_wait3A_77 = tpu.memref_squeeze %dma_wait3A_76 : memref<1x80xi32, #tpu.memory_space<vmem>> -> memref<80xi32, #tpu.memory_space<vmem>>
          %dma_wait3A_78 = arith.constant 0 : i32
          %dma_wait3A_79 = arith.constant 0 : i32
          %dma_wait3A_80 = tpu.memref_slice %arg16[%dma_wait3A_78, %dma_wait3A_79] : memref<10000x128xf32, #tpu.memory_space<vmem_shared>> -> memref<10000x128xf32, #tpu.memory_space<vmem_shared>>
          tpu.wait_indirect_dma semaphore(%run_scoped3A_68 : memref<!tpu.dma_semaphore, #tpu.memory_space<semaphore_mem>>) src(%arg14 : memref<80x128xf32, #tpu.memory_space<vmem>>) dst(%dma_wait3A_80 : memref<10000x128xf32, #tpu.memory_space<vmem_shared>>)
          tpu.yield
        }) : () -> ()
        %add3A_50 = arith.constant 2 : i32
        %add3A_51 = arith.addi %mul3A_36, %add3A_50 : i32
        %mul3A_52 = arith.constant 80 : i32
        %mul3A_53 = arith.muli %add3A_51, %mul3A_52 : i32
        %dma_start3A_54 = tpu.memref_slice %arg12[%mul3A_53] : memref<10000xi32, #tpu.memory_space<vmem>> -> memref<80xi32, #tpu.memory_space<vmem>>
        %dma_start3A_55 = arith.constant 0 : i32
        %dma_start3A_56 = arith.constant 0 : i32
        %dma_start3A_57 = tpu.memref_slice %arg5[%dma_start3A_55, %dma_start3A_56] : memref<10000x128xf32, #tpu.memory_space<hbm>> -> memref<10000x128xf32, #tpu.memory_space<hbm>>
        tpu.enqueue_indirect_dma source(%dma_start3A_57 : memref<10000x128xf32, #tpu.memory_space<hbm>>) target(%arg14 : memref<80x128xf32, #tpu.memory_space<vmem>>) offsets(%dma_start3A_54 : memref<80xi32, #tpu.memory_space<vmem>>) semaphore(%arg17 : memref<!tpu.dma_semaphore, #tpu.memory_space<semaphore_mem>>)
        %add3A_58 = arith.constant 1 : i32
        %add3A_59 = arith.addi %mul3A_36, %add3A_58 : i32
        %mul3A_60 = arith.constant 80 : i32
        %mul3A_61 = arith.muli %add3A_59, %mul3A_60 : i32
        %dma_wait3A_62 = tpu.memref_slice %arg12[%mul3A_61] : memref<10000xi32, #tpu.memory_space<vmem>> -> memref<80xi32, #tpu.memory_space<vmem>>
        %dma_wait3A_63 = arith.constant 0 : i32
        %dma_wait3A_64 = arith.constant 0 : i32
        %dma_wait3A_65 = tpu.memref_slice %arg5[%dma_wait3A_63, %dma_wait3A_64] : memref<10000x128xf32, #tpu.memory_space<hbm>> -> memref<10000x128xf32, #tpu.memory_space<hbm>>
        tpu.wait_indirect_dma semaphore(%arg18 : memref<!tpu.dma_semaphore, #tpu.memory_space<semaphore_mem>>) src(%dma_wait3A_65 : memref<10000x128xf32, #tpu.memory_space<hbm>>) dst(%arg15 : memref<80x128xf32, #tpu.memory_space<vmem>>)
        %add3A_66 = arith.constant 1 : i32
        %add3A_67 = arith.addi %mul3A_36, %add3A_66 : i32
        "tpu.region"() ({
          %run_scoped3A_68 = tpu.sem_alloc : memref<!tpu.dma_semaphore, #tpu.memory_space<semaphore_mem>>
          %dma_start3A_69 = arith.constant 0 : i32
          %dma_start3A_70 = tpu.memref_slice %arg13[%add3A_67, %dma_start3A_69] : memref<125x80xi32, #tpu.memory_space<vmem>> -> memref<1x80xi32, #tpu.memory_space<vmem>>
          %dma_start3A_71 = tpu.memref_squeeze %dma_start3A_70 : memref<1x80xi32, #tpu.memory_space<vmem>> -> memref<80xi32, #tpu.memory_space<vmem>>
          %dma_start3A_72 = arith.constant 0 : i32
          %dma_start3A_73 = arith.constant 0 : i32
          %dma_start3A_74 = tpu.memref_slice %arg16[%dma_start3A_72, %dma_start3A_73] : memref<10000x128xf32, #tpu.memory_space<vmem_shared>> -> memref<10000x128xf32, #tpu.memory_space<vmem_shared>>
          tpu.enqueue_indirect_dma source(%arg15 : memref<80x128xf32, #tpu.memory_space<vmem>>) target(%dma_start3A_74 : memref<10000x128xf32, #tpu.memory_space<vmem_shared>>) offsets(%dma_start3A_71 : memref<80xi32, #tpu.memory_space<vmem>>) semaphore(%run_scoped3A_68 : memref<!tpu.dma_semaphore, #tpu.memory_space<semaphore_mem>>) {add = true}
          %dma_wait3A_75 = arith.constant 0 : i32
          %dma_wait3A_76 = tpu.memref_slice %arg13[%add3A_67, %dma_wait3A_75] : memref<125x80xi32, #tpu.memory_space<vmem>> -> memref<1x80xi32, #tpu.memory_space<vmem>>
          %dma_wait3A_77 = tpu.memref_squeeze %dma_wait3A_76 : memref<1x80xi32, #tpu.memory_space<vmem>> -> memref<80xi32, #tpu.memory_space<vmem>>
          %dma_wait3A_78 = arith.constant 0 : i32
          %dma_wait3A_79 = arith.constant 0 : i32
          %dma_wait3A_80 = tpu.memref_slice %arg16[%dma_wait3A_78, %dma_wait3A_79] : memref<10000x128xf32, #tpu.memory_space<vmem_shared>> -> memref<10000x128xf32, #tpu.memory_space<vmem_shared>>
          tpu.wait_indirect_dma semaphore(%run_scoped3A_68 : memref<!tpu.dma_semaphore, #tpu.memory_space<semaphore_mem>>) src(%arg15 : memref<80x128xf32, #tpu.memory_space<vmem>>) dst(%dma_wait3A_80 : memref<10000x128xf32, #tpu.memory_space<vmem_shared>>)
          tpu.yield
        }) : () -> ()
      }
      %scan3A_26 = arith.constant 62 : i32
      %dma_wait3A = arith.constant 9920 : i32
      %dma_wait3A_27 = tpu.memref_slice %arg12[%dma_wait3A] : memref<10000xi32, #tpu.memory_space<vmem>> -> memref<80xi32, #tpu.memory_space<vmem>>
      %dma_wait3A_28 = arith.constant 0 : i32
      %dma_wait3A_29 = arith.constant 0 : i32
      %dma_wait3A_30 = tpu.memref_slice %arg5[%dma_wait3A_28, %dma_wait3A_29] : memref<10000x128xf32, #tpu.memory_space<hbm>> -> memref<10000x128xf32, #tpu.memory_space<hbm>>
      tpu.wait_indirect_dma semaphore(%arg17 : memref<!tpu.dma_semaphore, #tpu.memory_space<semaphore_mem>>) src(%dma_wait3A_30 : memref<10000x128xf32, #tpu.memory_space<hbm>>) dst(%arg14 : memref<80x128xf32, #tpu.memory_space<vmem>>)
      %run_scoped3A = arith.constant 124 : i32
      "tpu.region"() ({
        %run_scoped3A_34 = tpu.sem_alloc : memref<!tpu.dma_semaphore, #tpu.memory_space<semaphore_mem>>
        %dma_start3A_35 = arith.constant 0 : i32
        %dma_start3A_36 = tpu.memref_slice %arg13[%run_scoped3A, %dma_start3A_35] : memref<125x80xi32, #tpu.memory_space<vmem>> -> memref<1x80xi32, #tpu.memory_space<vmem>>
        %dma_start3A_37 = tpu.memref_squeeze %dma_start3A_36 : memref<1x80xi32, #tpu.memory_space<vmem>> -> memref<80xi32, #tpu.memory_space<vmem>>
        %dma_start3A_38 = arith.constant 0 : i32
        %dma_start3A_39 = arith.constant 0 : i32
        %dma_start3A_40 = tpu.memref_slice %arg16[%dma_start3A_38, %dma_start3A_39] : memref<10000x128xf32, #tpu.memory_space<vmem_shared>> -> memref<10000x128xf32, #tpu.memory_space<vmem_shared>>
        tpu.enqueue_indirect_dma source(%arg14 : memref<80x128xf32, #tpu.memory_space<vmem>>) target(%dma_start3A_40 : memref<10000x128xf32, #tpu.memory_space<vmem_shared>>) offsets(%dma_start3A_37 : memref<80xi32, #tpu.memory_space<vmem>>) semaphore(%run_scoped3A_34 : memref<!tpu.dma_semaphore, #tpu.memory_space<semaphore_mem>>) {add = true}
        %dma_wait3A_41 = arith.constant 0 : i32
        %dma_wait3A_42 = tpu.memref_slice %arg13[%run_scoped3A, %dma_wait3A_41] : memref<125x80xi32, #tpu.memory_space<vmem>> -> memref<1x80xi32, #tpu.memory_space<vmem>>
        %dma_wait3A_43 = tpu.memref_squeeze %dma_wait3A_42 : memref<1x80xi32, #tpu.memory_space<vmem>> -> memref<80xi32, #tpu.memory_space<vmem>>
        %dma_wait3A_44 = arith.constant 0 : i32
        %dma_wait3A_45 = arith.constant 0 : i32
        %dma_wait3A_46 = tpu.memref_slice %arg16[%dma_wait3A_44, %dma_wait3A_45] : memref<10000x128xf32, #tpu.memory_space<vmem_shared>> -> memref<10000x128xf32, #tpu.memory_space<vmem_shared>>
        tpu.wait_indirect_dma semaphore(%run_scoped3A_34 : memref<!tpu.dma_semaphore, #tpu.memory_space<semaphore_mem>>) src(%arg14 : memref<80x128xf32, #tpu.memory_space<vmem>>) dst(%dma_wait3A_46 : memref<10000x128xf32, #tpu.memory_space<vmem_shared>>)
        tpu.yield
      }) : () -> ()
      %barrier3A_31 = arith.constant 0 : index
      tpu.barrier barrier_id(%barrier3A_31)
      %mul3A_32 = arith.constant 625 : i32
      %mul3A_33 = arith.muli %arg1, %mul3A_32 : i32
      "tpu.region"() ({
        %run_scoped3A_34 = tpu.sem_alloc : memref<!tpu.dma_semaphore, #tpu.memory_space<semaphore_mem>>
        %dma_start3A_35 = arith.constant 0 : i32
        %dma_start3A_36 = arith.constant 0 : i32
        %dma_start3A_37 = tpu.memref_slice %arg9[%arg1, %dma_start3A_35, %dma_start3A_36] : memref<16x625x128xf32, #tpu.memory_space<hbm>> -> memref<1x625x128xf32, #tpu.memory_space<hbm>>
        %dma_start3A_38 = tpu.memref_squeeze %dma_start3A_37 : memref<1x625x128xf32, #tpu.memory_space<hbm>> -> memref<625x128xf32, #tpu.memory_space<hbm>>
        %dma_start3A_39 = arith.constant 0 : i32
        %dma_start3A_40 = tpu.memref_slice %arg16[%mul3A_33, %dma_start3A_39] : memref<10000x128xf32, #tpu.memory_space<vmem_shared>> -> memref<625x128xf32, #tpu.memory_space<vmem_shared>>
        tpu.enqueue_dma source(%dma_start3A_40 : memref<625x128xf32, #tpu.memory_space<vmem_shared>>) target(%dma_start3A_38 : memref<625x128xf32, #tpu.memory_space<hbm>>) target_semaphore(%run_scoped3A_34 : memref<!tpu.dma_semaphore, #tpu.memory_space<semaphore_mem>>)
        %dma_wait3A_41 = arith.constant 0 : i32
        %dma_wait3A_42 = arith.constant 0 : i32
        %dma_wait3A_43 = tpu.memref_slice %arg9[%arg1, %dma_wait3A_41, %dma_wait3A_42] : memref<16x625x128xf32, #tpu.memory_space<hbm>> -> memref<1x625x128xf32, #tpu.memory_space<hbm>>
        %dma_wait3A_44 = tpu.memref_squeeze %dma_wait3A_43 : memref<1x625x128xf32, #tpu.memory_space<hbm>> -> memref<625x128xf32, #tpu.memory_space<hbm>>
        %dma_wait3A_45 = arith.constant 0 : i32
        %dma_wait3A_46 = tpu.memref_slice %arg16[%mul3A_33, %dma_wait3A_45] : memref<10000x128xf32, #tpu.memory_space<vmem_shared>> -> memref<625x128xf32, #tpu.memory_space<vmem_shared>>
        tpu.wait_dma2 semaphore(%run_scoped3A_34 : memref<!tpu.dma_semaphore, #tpu.memory_space<semaphore_mem>>) src(%dma_wait3A_46 : memref<625x128xf32, #tpu.memory_space<vmem_shared>>) dst(%dma_wait3A_44 : memref<625x128xf32, #tpu.memory_space<hbm>>)
        tpu.yield
      }) : () -> ()
    } else {
    }
    %eq3A_8 = arith.constant 1 : i32
    %eq3A_9 = arith.cmpi eq, %arg0, %eq3A_8 : i32
    %convert_element_type3A_10 = arith.extui %eq3A_9 : i1 to i32
    %cond3A_11 = arith.constant 0 : i32
    %cond3A_12 = arith.cmpi ne, %convert_element_type3A_10, %cond3A_11 : i32
    scf.if %cond3A_12 {
      %scan3A = arith.constant 0 : i32
      %scan3A_18 = arith.constant 0 : i32
      %scan3A_19 = arith.constant 80 : i32
      %scan3A_20 = arith.addi %scan3A_18, %scan3A_19 : i32
      %scan3A_21 = arith.constant 1 : i32
      scf.for %scan3A_68 = %scan3A_18 to %scan3A_20 step %scan3A_21  : i32 {
        %broadcast_in_dim3A = arith.constant 0.000000e+00 : f32
        %broadcast_in_dim3A_69 = vector.broadcast %broadcast_in_dim3A : f32 to vector<16xf32>
        %swap3A = arith.index_cast %scan3A_68 : i32 to index
        %swap3A_70 = arith.constant 0 : index
        %swap3A_71 = tpu.vector_load %arg14[%swap3A, %swap3A_70] {strides = array<i32>} : memref<80x128xf32, #tpu.memory_space<vmem>>, vector<1x16xf32>,
        %swap3A_72 = vector.shape_cast %swap3A_71 : vector<1x16xf32> to vector<16xf32>
        %swap3A_73 = vector.shape_cast %broadcast_in_dim3A_69 : vector<16xf32> to vector<1x16xf32>
        tpu.vector_store %arg14[%swap3A, %swap3A_70], %swap3A_73 {strides = array<i32>} : memref<80x128xf32, #tpu.memory_space<vmem>>, vector<1x16xf32>,
        %broadcast_in_dim3A_74 = arith.constant 0.000000e+00 : f32
        %broadcast_in_dim3A_75 = vector.broadcast %broadcast_in_dim3A_74 : f32 to vector<16xf32>
        %swap3A_76 = arith.index_cast %scan3A_68 : i32 to index
        %swap3A_77 = arith.constant 16 : index
        %swap3A_78 = tpu.vector_load %arg14[%swap3A_76, %swap3A_77] {strides = array<i32>} : memref<80x128xf32, #tpu.memory_space<vmem>>, vector<1x16xf32>,
        %swap3A_79 = vector.shape_cast %swap3A_78 : vector<1x16xf32> to vector<16xf32>
        %swap3A_80 = vector.shape_cast %broadcast_in_dim3A_75 : vector<16xf32> to vector<1x16xf32>
        tpu.vector_store %arg14[%swap3A_76, %swap3A_77], %swap3A_80 {strides = array<i32>} : memref<80x128xf32, #tpu.memory_space<vmem>>, vector<1x16xf32>,
        %broadcast_in_dim3A_81 = arith.constant 0.000000e+00 : f32
        %broadcast_in_dim3A_82 = vector.broadcast %broadcast_in_dim3A_81 : f32 to vector<16xf32>
        %swap3A_83 = arith.index_cast %scan3A_68 : i32 to index
        %swap3A_84 = arith.constant 32 : index
        %swap3A_85 = tpu.vector_load %arg14[%swap3A_83, %swap3A_84] {strides = array<i32>} : memref<80x128xf32, #tpu.memory_space<vmem>>, vector<1x16xf32>,
        %swap3A_86 = vector.shape_cast %swap3A_85 : vector<1x16xf32> to vector<16xf32>
        %swap3A_87 = vector.shape_cast %broadcast_in_dim3A_82 : vector<16xf32> to vector<1x16xf32>
        tpu.vector_store %arg14[%swap3A_83, %swap3A_84], %swap3A_87 {strides = array<i32>} : memref<80x128xf32, #tpu.memory_space<vmem>>, vector<1x16xf32>,
        %broadcast_in_dim3A_88 = arith.constant 0.000000e+00 : f32
        %broadcast_in_dim3A_89 = vector.broadcast %broadcast_in_dim3A_88 : f32 to vector<16xf32>
        %swap3A_90 = arith.index_cast %scan3A_68 : i32 to index
        %swap3A_91 = arith.constant 48 : index
        %swap3A_92 = tpu.vector_load %arg14[%swap3A_90, %swap3A_91] {strides = array<i32>} : memref<80x128xf32, #tpu.memory_space<vmem>>, vector<1x16xf32>,
        %swap3A_93 = vector.shape_cast %swap3A_92 : vector<1x16xf32> to vector<16xf32>
        %swap3A_94 = vector.shape_cast %broadcast_in_dim3A_89 : vector<16xf32> to vector<1x16xf32>
        tpu.vector_store %arg14[%swap3A_90, %swap3A_91], %swap3A_94 {strides = array<i32>} : memref<80x128xf32, #tpu.memory_space<vmem>>, vector<1x16xf32>,
        %broadcast_in_dim3A_95 = arith.constant 0.000000e+00 : f32
        %broadcast_in_dim3A_96 = vector.broadcast %broadcast_in_dim3A_95 : f32 to vector<16xf32>
        %swap3A_97 = arith.index_cast %scan3A_68 : i32 to index
        %swap3A_98 = arith.constant 64 : index
        %swap3A_99 = tpu.vector_load %arg14[%swap3A_97, %swap3A_98] {strides = array<i32>} : memref<80x128xf32, #tpu.memory_space<vmem>>, vector<1x16xf32>,
        %swap3A_100 = vector.shape_cast %swap3A_99 : vector<1x16xf32> to vector<16xf32>
        %swap3A_101 = vector.shape_cast %broadcast_in_dim3A_96 : vector<16xf32> to vector<1x16xf32>
        tpu.vector_store %arg14[%swap3A_97, %swap3A_98], %swap3A_101 {strides = array<i32>} : memref<80x128xf32, #tpu.memory_space<vmem>>, vector<1x16xf32>,
        %broadcast_in_dim3A_102 = arith.constant 0.000000e+00 : f32
        %broadcast_in_dim3A_103 = vector.broadcast %broadcast_in_dim3A_102 : f32 to vector<16xf32>
        %swap3A_104 = arith.index_cast %scan3A_68 : i32 to index
        %swap3A_105 = arith.constant 80 : index
        %swap3A_106 = tpu.vector_load %arg14[%swap3A_104, %swap3A_105] {strides = array<i32>} : memref<80x128xf32, #tpu.memory_space<vmem>>, vector<1x16xf32>,
        %swap3A_107 = vector.shape_cast %swap3A_106 : vector<1x16xf32> to vector<16xf32>
        %swap3A_108 = vector.shape_cast %broadcast_in_dim3A_103 : vector<16xf32> to vector<1x16xf32>
        tpu.vector_store %arg14[%swap3A_104, %swap3A_105], %swap3A_108 {strides = array<i32>} : memref<80x128xf32, #tpu.memory_space<vmem>>, vector<1x16xf32>,
        %broadcast_in_dim3A_109 = arith.constant 0.000000e+00 : f32
        %broadcast_in_dim3A_110 = vector.broadcast %broadcast_in_dim3A_109 : f32 to vector<16xf32>
        %swap3A_111 = arith.index_cast %scan3A_68 : i32 to index
        %swap3A_112 = arith.constant 96 : index
        %swap3A_113 = tpu.vector_load %arg14[%swap3A_111, %swap3A_112] {strides = array<i32>} : memref<80x128xf32, #tpu.memory_space<vmem>>, vector<1x16xf32>,
        %swap3A_114 = vector.shape_cast %swap3A_113 : vector<1x16xf32> to vector<16xf32>
        %swap3A_115 = vector.shape_cast %broadcast_in_dim3A_110 : vector<16xf32> to vector<1x16xf32>
        tpu.vector_store %arg14[%swap3A_111, %swap3A_112], %swap3A_115 {strides = array<i32>} : memref<80x128xf32, #tpu.memory_space<vmem>>, vector<1x16xf32>,
        %broadcast_in_dim3A_116 = arith.constant 0.000000e+00 : f32
        %broadcast_in_dim3A_117 = vector.broadcast %broadcast_in_dim3A_116 : f32 to vector<16xf32>
        %swap3A_118 = arith.index_cast %scan3A_68 : i32 to index
        %swap3A_119 = arith.constant 112 : index
        %swap3A_120 = tpu.vector_load %arg14[%swap3A_118, %swap3A_119] {strides = array<i32>} : memref<80x128xf32, #tpu.memory_space<vmem>>, vector<1x16xf32>,
        %swap3A_121 = vector.shape_cast %swap3A_120 : vector<1x16xf32> to vector<16xf32>
        %swap3A_122 = vector.shape_cast %broadcast_in_dim3A_117 : vector<16xf32> to vector<1x16xf32>
        tpu.vector_store %arg14[%swap3A_118, %swap3A_119], %swap3A_122 {strides = array<i32>} : memref<80x128xf32, #tpu.memory_space<vmem>>, vector<1x16xf32>,
      }
      %scan3A_22 = arith.constant 80 : i32
      %scan3A_23 = arith.constant 0 : i32
      %scan3A_24 = arith.constant 0 : i32
      %scan3A_25 = arith.constant 7 : i32
      %scan3A_26 = arith.addi %scan3A_24, %scan3A_25 : i32
      %scan3A_27 = arith.constant 1 : i32
      scf.for %scan3A_68 = %scan3A_24 to %scan3A_26 step %scan3A_27  : i32 {
        %mul3A_69 = arith.constant 625 : i32
        %mul3A_70 = arith.muli %arg1, %mul3A_69 : i32
        %mul3A_71 = arith.constant 80 : i32
        %mul3A_72 = arith.muli %scan3A_68, %mul3A_71 : i32
        %add3A_73 = arith.addi %mul3A_70, %mul3A_72 : i32
        "tpu.region"() ({
          %run_scoped3A_74 = tpu.sem_alloc : memref<!tpu.dma_semaphore, #tpu.memory_space<semaphore_mem>>
          %dma_start3A_75 = arith.constant 0 : i32
          %dma_start3A_76 = tpu.memref_slice %arg16[%add3A_73, %dma_start3A_75] : memref<10000x128xf32, #tpu.memory_space<vmem_shared>> -> memref<80x128xf32, #tpu.memory_space<vmem_shared>>
          %dma_start3A_77 = arith.constant 0 : i32
          %dma_start3A_78 = tpu.memref_slice %arg16[%add3A_73, %dma_start3A_77] : memref<10000x128xf32, #tpu.memory_space<vmem_shared>> -> memref<80x128xf32, #tpu.memory_space<vmem_shared>>
          tpu.enqueue_dma source(%arg14 : memref<80x128xf32, #tpu.memory_space<vmem>>) target(%dma_start3A_78 : memref<80x128xf32, #tpu.memory_space<vmem_shared>>) target_semaphore(%run_scoped3A_74 : memref<!tpu.dma_semaphore, #tpu.memory_space<semaphore_mem>>)
          %dma_wait3A_79 = arith.constant 0 : i32
          %dma_wait3A_80 = tpu.memref_slice %arg16[%add3A_73, %dma_wait3A_79] : memref<10000x128xf32, #tpu.memory_space<vmem_shared>> -> memref<80x128xf32, #tpu.memory_space<vmem_shared>>
          %dma_wait3A_81 = arith.constant 0 : i32
          %dma_wait3A_82 = tpu.memref_slice %arg16[%add3A_73, %dma_wait3A_81] : memref<10000x128xf32, #tpu.memory_space<vmem_shared>> -> memref<80x128xf32, #tpu.memory_space<vmem_shared>>
          tpu.wait_dma2 semaphore(%run_scoped3A_74 : memref<!tpu.dma_semaphore, #tpu.memory_space<semaphore_mem>>) src(%arg14 : memref<80x128xf32, #tpu.memory_space<vmem>>) dst(%dma_wait3A_82 : memref<80x128xf32, #tpu.memory_space<vmem_shared>>)
          tpu.yield
        }) : () -> ()
      }
      %scan3A_28 = arith.constant 7 : i32
      %mul3A_29 = arith.constant 625 : i32
      %mul3A_30 = arith.muli %arg1, %mul3A_29 : i32
      %add3A = arith.constant 625 : i32
      %add3A_31 = arith.addi %mul3A_30, %add3A : i32
      %sub3A = arith.constant 65 : i32
      %sub3A_32 = arith.subi %add3A_31, %sub3A : i32
      "tpu.region"() ({
        %run_scoped3A_68 = tpu.sem_alloc : memref<!tpu.dma_semaphore, #tpu.memory_space<semaphore_mem>>
        %dma_start3A_69 = arith.constant 0 : i32
        %dma_start3A_70 = arith.constant 0 : i32
        %dma_start3A_71 = tpu.memref_slice %arg14[%dma_start3A_69, %dma_start3A_70] : memref<80x128xf32, #tpu.memory_space<vmem>> -> memref<65x128xf32, #tpu.memory_space<vmem>>
        %dma_start3A_72 = arith.constant 0 : i32
        %dma_start3A_73 = tpu.memref_slice %arg16[%sub3A_32, %dma_start3A_72] : memref<10000x128xf32, #tpu.memory_space<vmem_shared>> -> memref<65x128xf32, #tpu.memory_space<vmem_shared>>
        %dma_start3A_74 = arith.constant 0 : i32
        %dma_start3A_75 = tpu.memref_slice %arg16[%sub3A_32, %dma_start3A_74] : memref<10000x128xf32, #tpu.memory_space<vmem_shared>> -> memref<65x128xf32, #tpu.memory_space<vmem_shared>>
        %dma_start3A_76 = arith.constant 0 : i32
        %dma_start3A_77 = arith.constant 0 : i32
        %dma_start3A_78 = tpu.memref_slice %arg14[%dma_start3A_76, %dma_start3A_77] : memref<80x128xf32, #tpu.memory_space<vmem>> -> memref<65x128xf32, #tpu.memory_space<vmem>>
        tpu.enqueue_dma source(%dma_start3A_78 : memref<65x128xf32, #tpu.memory_space<vmem>>) target(%dma_start3A_75 : memref<65x128xf32, #tpu.memory_space<vmem_shared>>) target_semaphore(%run_scoped3A_68 : memref<!tpu.dma_semaphore, #tpu.memory_space<semaphore_mem>>)
        %dma_wait3A_79 = arith.constant 0 : i32
        %dma_wait3A_80 = arith.constant 0 : i32
        %dma_wait3A_81 = tpu.memref_slice %arg14[%dma_wait3A_79, %dma_wait3A_80] : memref<80x128xf32, #tpu.memory_space<vmem>> -> memref<65x128xf32, #tpu.memory_space<vmem>>
        %dma_wait3A_82 = arith.constant 0 : i32
        %dma_wait3A_83 = tpu.memref_slice %arg16[%sub3A_32, %dma_wait3A_82] : memref<10000x128xf32, #tpu.memory_space<vmem_shared>> -> memref<65x128xf32, #tpu.memory_space<vmem_shared>>
        %dma_wait3A_84 = arith.constant 0 : i32
        %dma_wait3A_85 = tpu.memref_slice %arg16[%sub3A_32, %dma_wait3A_84] : memref<10000x128xf32, #tpu.memory_space<vmem_shared>> -> memref<65x128xf32, #tpu.memory_space<vmem_shared>>
        %dma_wait3A_86 = arith.constant 0 : i32
        %dma_wait3A_87 = arith.constant 0 : i32
        %dma_wait3A_88 = tpu.memref_slice %arg14[%dma_wait3A_86, %dma_wait3A_87] : memref<80x128xf32, #tpu.memory_space<vmem>> -> memref<65x128xf32, #tpu.memory_space<vmem>>
        tpu.wait_dma2 semaphore(%run_scoped3A_68 : memref<!tpu.dma_semaphore, #tpu.memory_space<semaphore_mem>>) src(%dma_wait3A_88 : memref<65x128xf32, #tpu.memory_space<vmem>>) dst(%dma_wait3A_85 : memref<65x128xf32, #tpu.memory_space<vmem_shared>>)
        tpu.yield
      }) : () -> ()
      %barrier3A = arith.constant 0 : index
      tpu.barrier barrier_id(%barrier3A)
      %dma_start3A = arith.constant 0 : i32
      %dma_start3A_33 = tpu.memref_slice %arg12[%dma_start3A] : memref<10000xi32, #tpu.memory_space<vmem>> -> memref<80xi32, #tpu.memory_space<vmem>>
      %dma_start3A_34 = arith.constant 0 : i32
      %dma_start3A_35 = arith.constant 0 : i32
      %dma_start3A_36 = tpu.memref_slice %arg6[%dma_start3A_34, %dma_start3A_35] : memref<10000x128xf32, #tpu.memory_space<hbm>> -> memref<10000x128xf32, #tpu.memory_space<hbm>>
      tpu.enqueue_indirect_dma source(%dma_start3A_36 : memref<10000x128xf32, #tpu.memory_space<hbm>>) target(%arg14 : memref<80x128xf32, #tpu.memory_space<vmem>>) offsets(%dma_start3A_33 : memref<80xi32, #tpu.memory_space<vmem>>) semaphore(%arg17 : memref<!tpu.dma_semaphore, #tpu.memory_space<semaphore_mem>>)
      %scan3A_37 = arith.constant 0 : i32
      %scan3A_38 = arith.constant 0 : i32
      %scan3A_39 = arith.constant 62 : i32
      %scan3A_40 = arith.addi %scan3A_38, %scan3A_39 : i32
      %scan3A_41 = arith.constant 1 : i32
      scf.for %scan3A_68 = %scan3A_38 to %scan3A_40 step %scan3A_41  : i32 {
        %mul3A_69 = arith.constant 2 : i32
        %mul3A_70 = arith.muli %mul3A_69, %scan3A_68 : i32
        %mul3A_71 = arith.constant 80 : i32
        %mul3A_72 = arith.muli %mul3A_70, %mul3A_71 : i32
        %dma_wait3A_73 = tpu.memref_slice %arg12[%mul3A_72] : memref<10000xi32, #tpu.memory_space<vmem>> -> memref<80xi32, #tpu.memory_space<vmem>>
        %dma_wait3A_74 = arith.constant 0 : i32
        %dma_wait3A_75 = arith.constant 0 : i32
        %dma_wait3A_76 = tpu.memref_slice %arg6[%dma_wait3A_74, %dma_wait3A_75] : memref<10000x128xf32, #tpu.memory_space<hbm>> -> memref<10000x128xf32, #tpu.memory_space<hbm>>
        tpu.wait_indirect_dma semaphore(%arg17 : memref<!tpu.dma_semaphore, #tpu.memory_space<semaphore_mem>>) src(%dma_wait3A_76 : memref<10000x128xf32, #tpu.memory_space<hbm>>) dst(%arg14 : memref<80x128xf32, #tpu.memory_space<vmem>>)
        %add3A_77 = arith.constant 1 : i32
        %add3A_78 = arith.addi %mul3A_70, %add3A_77 : i32
        %mul3A_79 = arith.constant 80 : i32
        %mul3A_80 = arith.muli %add3A_78, %mul3A_79 : i32
        %dma_start3A_81 = tpu.memref_slice %arg12[%mul3A_80] : memref<10000xi32, #tpu.memory_space<vmem>> -> memref<80xi32, #tpu.memory_space<vmem>>
        %dma_start3A_82 = arith.constant 0 : i32
        %dma_start3A_83 = arith.constant 0 : i32
        %dma_start3A_84 = tpu.memref_slice %arg6[%dma_start3A_82, %dma_start3A_83] : memref<10000x128xf32, #tpu.memory_space<hbm>> -> memref<10000x128xf32, #tpu.memory_space<hbm>>
        tpu.enqueue_indirect_dma source(%dma_start3A_84 : memref<10000x128xf32, #tpu.memory_space<hbm>>) target(%arg15 : memref<80x128xf32, #tpu.memory_space<vmem>>) offsets(%dma_start3A_81 : memref<80xi32, #tpu.memory_space<vmem>>) semaphore(%arg18 : memref<!tpu.dma_semaphore, #tpu.memory_space<semaphore_mem>>)
        "tpu.region"() ({
          %run_scoped3A_103 = tpu.sem_alloc : memref<!tpu.dma_semaphore, #tpu.memory_space<semaphore_mem>>
          %dma_start3A_104 = arith.constant 0 : i32
          %dma_start3A_105 = tpu.memref_slice %arg13[%mul3A_70, %dma_start3A_104] : memref<125x80xi32, #tpu.memory_space<vmem>> -> memref<1x80xi32, #tpu.memory_space<vmem>>
          %dma_start3A_106 = tpu.memref_squeeze %dma_start3A_105 : memref<1x80xi32, #tpu.memory_space<vmem>> -> memref<80xi32, #tpu.memory_space<vmem>>
          %dma_start3A_107 = arith.constant 0 : i32
          %dma_start3A_108 = arith.constant 0 : i32
          %dma_start3A_109 = tpu.memref_slice %arg16[%dma_start3A_107, %dma_start3A_108] : memref<10000x128xf32, #tpu.memory_space<vmem_shared>> -> memref<10000x128xf32, #tpu.memory_space<vmem_shared>>
          tpu.enqueue_indirect_dma source(%arg14 : memref<80x128xf32, #tpu.memory_space<vmem>>) target(%dma_start3A_109 : memref<10000x128xf32, #tpu.memory_space<vmem_shared>>) offsets(%dma_start3A_106 : memref<80xi32, #tpu.memory_space<vmem>>) semaphore(%run_scoped3A_103 : memref<!tpu.dma_semaphore, #tpu.memory_space<semaphore_mem>>) {add = true}
          %dma_wait3A_110 = arith.constant 0 : i32
          %dma_wait3A_111 = tpu.memref_slice %arg13[%mul3A_70, %dma_wait3A_110] : memref<125x80xi32, #tpu.memory_space<vmem>> -> memref<1x80xi32, #tpu.memory_space<vmem>>
          %dma_wait3A_112 = tpu.memref_squeeze %dma_wait3A_111 : memref<1x80xi32, #tpu.memory_space<vmem>> -> memref<80xi32, #tpu.memory_space<vmem>>
          %dma_wait3A_113 = arith.constant 0 : i32
          %dma_wait3A_114 = arith.constant 0 : i32
          %dma_wait3A_115 = tpu.memref_slice %arg16[%dma_wait3A_113, %dma_wait3A_114] : memref<10000x128xf32, #tpu.memory_space<vmem_shared>> -> memref<10000x128xf32, #tpu.memory_space<vmem_shared>>
          tpu.wait_indirect_dma semaphore(%run_scoped3A_103 : memref<!tpu.dma_semaphore, #tpu.memory_space<semaphore_mem>>) src(%arg14 : memref<80x128xf32, #tpu.memory_space<vmem>>) dst(%dma_wait3A_115 : memref<10000x128xf32, #tpu.memory_space<vmem_shared>>)
          tpu.yield
        }) : () -> ()
        %add3A_85 = arith.constant 2 : i32
        %add3A_86 = arith.addi %mul3A_70, %add3A_85 : i32
        %mul3A_87 = arith.constant 80 : i32
        %mul3A_88 = arith.muli %add3A_86, %mul3A_87 : i32
        %dma_start3A_89 = tpu.memref_slice %arg12[%mul3A_88] : memref<10000xi32, #tpu.memory_space<vmem>> -> memref<80xi32, #tpu.memory_space<vmem>>
        %dma_start3A_90 = arith.constant 0 : i32
        %dma_start3A_91 = arith.constant 0 : i32
        %dma_start3A_92 = tpu.memref_slice %arg6[%dma_start3A_90, %dma_start3A_91] : memref<10000x128xf32, #tpu.memory_space<hbm>> -> memref<10000x128xf32, #tpu.memory_space<hbm>>
        tpu.enqueue_indirect_dma source(%dma_start3A_92 : memref<10000x128xf32, #tpu.memory_space<hbm>>) target(%arg14 : memref<80x128xf32, #tpu.memory_space<vmem>>) offsets(%dma_start3A_89 : memref<80xi32, #tpu.memory_space<vmem>>) semaphore(%arg17 : memref<!tpu.dma_semaphore, #tpu.memory_space<semaphore_mem>>)
        %add3A_93 = arith.constant 1 : i32
        %add3A_94 = arith.addi %mul3A_70, %add3A_93 : i32
        %mul3A_95 = arith.constant 80 : i32
        %mul3A_96 = arith.muli %add3A_94, %mul3A_95 : i32
        %dma_wait3A_97 = tpu.memref_slice %arg12[%mul3A_96] : memref<10000xi32, #tpu.memory_space<vmem>> -> memref<80xi32, #tpu.memory_space<vmem>>
        %dma_wait3A_98 = arith.constant 0 : i32
        %dma_wait3A_99 = arith.constant 0 : i32
        %dma_wait3A_100 = tpu.memref_slice %arg6[%dma_wait3A_98, %dma_wait3A_99] : memref<10000x128xf32, #tpu.memory_space<hbm>> -> memref<10000x128xf32, #tpu.memory_space<hbm>>
        tpu.wait_indirect_dma semaphore(%arg18 : memref<!tpu.dma_semaphore, #tpu.memory_space<semaphore_mem>>) src(%dma_wait3A_100 : memref<10000x128xf32, #tpu.memory_space<hbm>>) dst(%arg15 : memref<80x128xf32, #tpu.memory_space<vmem>>)
        %add3A_101 = arith.constant 1 : i32
        %add3A_102 = arith.addi %mul3A_70, %add3A_101 : i32
        "tpu.region"() ({
          %run_scoped3A_103 = tpu.sem_alloc : memref<!tpu.dma_semaphore, #tpu.memory_space<semaphore_mem>>
          %dma_start3A_104 = arith.constant 0 : i32
          %dma_start3A_105 = tpu.memref_slice %arg13[%add3A_102, %dma_start3A_104] : memref<125x80xi32, #tpu.memory_space<vmem>> -> memref<1x80xi32, #tpu.memory_space<vmem>>
          %dma_start3A_106 = tpu.memref_squeeze %dma_start3A_105 : memref<1x80xi32, #tpu.memory_space<vmem>> -> memref<80xi32, #tpu.memory_space<vmem>>
          %dma_start3A_107 = arith.constant 0 : i32
          %dma_start3A_108 = arith.constant 0 : i32
          %dma_start3A_109 = tpu.memref_slice %arg16[%dma_start3A_107, %dma_start3A_108] : memref<10000x128xf32, #tpu.memory_space<vmem_shared>> -> memref<10000x128xf32, #tpu.memory_space<vmem_shared>>
          tpu.enqueue_indirect_dma source(%arg15 : memref<80x128xf32, #tpu.memory_space<vmem>>) target(%dma_start3A_109 : memref<10000x128xf32, #tpu.memory_space<vmem_shared>>) offsets(%dma_start3A_106 : memref<80xi32, #tpu.memory_space<vmem>>) semaphore(%run_scoped3A_103 : memref<!tpu.dma_semaphore, #tpu.memory_space<semaphore_mem>>) {add = true}
          %dma_wait3A_110 = arith.constant 0 : i32
          %dma_wait3A_111 = tpu.memref_slice %arg13[%add3A_102, %dma_wait3A_110] : memref<125x80xi32, #tpu.memory_space<vmem>> -> memref<1x80xi32, #tpu.memory_space<vmem>>
          %dma_wait3A_112 = tpu.memref_squeeze %dma_wait3A_111 : memref<1x80xi32, #tpu.memory_space<vmem>> -> memref<80xi32, #tpu.memory_space<vmem>>
          %dma_wait3A_113 = arith.constant 0 : i32
          %dma_wait3A_114 = arith.constant 0 : i32
          %dma_wait3A_115 = tpu.memref_slice %arg16[%dma_wait3A_113, %dma_wait3A_114] : memref<10000x128xf32, #tpu.memory_space<vmem_shared>> -> memref<10000x128xf32, #tpu.memory_space<vmem_shared>>
          tpu.wait_indirect_dma semaphore(%run_scoped3A_103 : memref<!tpu.dma_semaphore, #tpu.memory_space<semaphore_mem>>) src(%arg15 : memref<80x128xf32, #tpu.memory_space<vmem>>) dst(%dma_wait3A_115 : memref<10000x128xf32, #tpu.memory_space<vmem_shared>>)
          tpu.yield
        }) : () -> ()
      }
      %scan3A_42 = arith.constant 62 : i32
      %dma_wait3A = arith.constant 9920 : i32
      %dma_wait3A_43 = tpu.memref_slice %arg12[%dma_wait3A] : memref<10000xi32, #tpu.memory_space<vmem>> -> memref<80xi32, #tpu.memory_space<vmem>>
      %dma_wait3A_44 = arith.constant 0 : i32
      %dma_wait3A_45 = arith.constant 0 : i32
      %dma_wait3A_46 = tpu.memref_slice %arg6[%dma_wait3A_44, %dma_wait3A_45] : memref<10000x128xf32, #tpu.memory_space<hbm>> -> memref<10000x128xf32, #tpu.memory_space<hbm>>
      tpu.wait_indirect_dma semaphore(%arg17 : memref<!tpu.dma_semaphore, #tpu.memory_space<semaphore_mem>>) src(%dma_wait3A_46 : memref<10000x128xf32, #tpu.memory_space<hbm>>) dst(%arg14 : memref<80x128xf32, #tpu.memory_space<vmem>>)
      %run_scoped3A = arith.constant 124 : i32
      "tpu.region"() ({
        %run_scoped3A_68 = tpu.sem_alloc : memref<!tpu.dma_semaphore, #tpu.memory_space<semaphore_mem>>
        %dma_start3A_69 = arith.constant 0 : i32
        %dma_start3A_70 = tpu.memref_slice %arg13[%run_scoped3A, %dma_start3A_69] : memref<125x80xi32, #tpu.memory_space<vmem>> -> memref<1x80xi32, #tpu.memory_space<vmem>>
        %dma_start3A_71 = tpu.memref_squeeze %dma_start3A_70 : memref<1x80xi32, #tpu.memory_space<vmem>> -> memref<80xi32, #tpu.memory_space<vmem>>
        %dma_start3A_72 = arith.constant 0 : i32
        %dma_start3A_73 = arith.constant 0 : i32
        %dma_start3A_74 = tpu.memref_slice %arg16[%dma_start3A_72, %dma_start3A_73] : memref<10000x128xf32, #tpu.memory_space<vmem_shared>> -> memref<10000x128xf32, #tpu.memory_space<vmem_shared>>
        tpu.enqueue_indirect_dma source(%arg14 : memref<80x128xf32, #tpu.memory_space<vmem>>) target(%dma_start3A_74 : memref<10000x128xf32, #tpu.memory_space<vmem_shared>>) offsets(%dma_start3A_71 : memref<80xi32, #tpu.memory_space<vmem>>) semaphore(%run_scoped3A_68 : memref<!tpu.dma_semaphore, #tpu.memory_space<semaphore_mem>>) {add = true}
        %dma_wait3A_75 = arith.constant 0 : i32
        %dma_wait3A_76 = tpu.memref_slice %arg13[%run_scoped3A, %dma_wait3A_75] : memref<125x80xi32, #tpu.memory_space<vmem>> -> memref<1x80xi32, #tpu.memory_space<vmem>>
        %dma_wait3A_77 = tpu.memref_squeeze %dma_wait3A_76 : memref<1x80xi32, #tpu.memory_space<vmem>> -> memref<80xi32, #tpu.memory_space<vmem>>
        %dma_wait3A_78 = arith.constant 0 : i32
        %dma_wait3A_79 = arith.constant 0 : i32
        %dma_wait3A_80 = tpu.memref_slice %arg16[%dma_wait3A_78, %dma_wait3A_79] : memref<10000x128xf32, #tpu.memory_space<vmem_shared>> -> memref<10000x128xf32, #tpu.memory_space<vmem_shared>>
        tpu.wait_indirect_dma semaphore(%run_scoped3A_68 : memref<!tpu.dma_semaphore, #tpu.memory_space<semaphore_mem>>) src(%arg14 : memref<80x128xf32, #tpu.memory_space<vmem>>) dst(%dma_wait3A_80 : memref<10000x128xf32, #tpu.memory_space<vmem_shared>>)
        tpu.yield
      }) : () -> ()
      %barrier3A_47 = arith.constant 0 : index
      tpu.barrier barrier_id(%barrier3A_47)
      %mul3A_48 = arith.constant 625 : i32
      %mul3A_49 = arith.muli %arg1, %mul3A_48 : i32
      "tpu.region"() ({
        %run_scoped3A_68 = tpu.sem_alloc : memref<!tpu.dma_semaphore, #tpu.memory_space<semaphore_mem>>
        %dma_start3A_69 = arith.constant 0 : i32
        %dma_start3A_70 = arith.constant 0 : i32
        %dma_start3A_71 = tpu.memref_slice %arg10[%arg1, %dma_start3A_69, %dma_start3A_70] : memref<16x625x128xf32, #tpu.memory_space<hbm>> -> memref<1x625x128xf32, #tpu.memory_space<hbm>>
        %dma_start3A_72 = tpu.memref_squeeze %dma_start3A_71 : memref<1x625x128xf32, #tpu.memory_space<hbm>> -> memref<625x128xf32, #tpu.memory_space<hbm>>
        %dma_start3A_73 = arith.constant 0 : i32
        %dma_start3A_74 = tpu.memref_slice %arg16[%mul3A_49, %dma_start3A_73] : memref<10000x128xf32, #tpu.memory_space<vmem_shared>> -> memref<625x128xf32, #tpu.memory_space<vmem_shared>>
        tpu.enqueue_dma source(%dma_start3A_74 : memref<625x128xf32, #tpu.memory_space<vmem_shared>>) target(%dma_start3A_72 : memref<625x128xf32, #tpu.memory_space<hbm>>) target_semaphore(%run_scoped3A_68 : memref<!tpu.dma_semaphore, #tpu.memory_space<semaphore_mem>>)
        %dma_wait3A_75 = arith.constant 0 : i32
        %dma_wait3A_76 = arith.constant 0 : i32
        %dma_wait3A_77 = tpu.memref_slice %arg10[%arg1, %dma_wait3A_75, %dma_wait3A_76] : memref<16x625x128xf32, #tpu.memory_space<hbm>> -> memref<1x625x128xf32, #tpu.memory_space<hbm>>
        %dma_wait3A_78 = tpu.memref_squeeze %dma_wait3A_77 : memref<1x625x128xf32, #tpu.memory_space<hbm>> -> memref<625x128xf32, #tpu.memory_space<hbm>>
        %dma_wait3A_79 = arith.constant 0 : i32
        %dma_wait3A_80 = tpu.memref_slice %arg16[%mul3A_49, %dma_wait3A_79] : memref<10000x128xf32, #tpu.memory_space<vmem_shared>> -> memref<625x128xf32, #tpu.memory_space<vmem_shared>>
        tpu.wait_dma2 semaphore(%run_scoped3A_68 : memref<!tpu.dma_semaphore, #tpu.memory_space<semaphore_mem>>) src(%dma_wait3A_80 : memref<625x128xf32, #tpu.memory_space<vmem_shared>>) dst(%dma_wait3A_78 : memref<625x128xf32, #tpu.memory_space<hbm>>)
        tpu.yield
      }) : () -> ()
      %scan3A_50 = arith.constant 0 : i32
      %scan3A_51 = arith.constant 0 : i32
      %scan3A_52 = arith.constant 80 : i32
      %scan3A_53 = arith.addi %scan3A_51, %scan3A_52 : i32
      %scan3A_54 = arith.constant 1 : i32
      scf.for %scan3A_68 = %scan3A_51 to %scan3A_53 step %scan3A_54  : i32 {
        %broadcast_in_dim3A = arith.constant 0.000000e+00 : f32
        %broadcast_in_dim3A_69 = vector.broadcast %broadcast_in_dim3A : f32 to vector<16xf32>
        %swap3A = arith.index_cast %scan3A_68 : i32 to index
        %swap3A_70 = arith.constant 0 : index
        %swap3A_71 = tpu.vector_load %arg14[%swap3A, %swap3A_70] {strides = array<i32>} : memref<80x128xf32, #tpu.memory_space<vmem>>, vector<1x16xf32>,
        %swap3A_72 = vector.shape_cast %swap3A_71 : vector<1x16xf32> to vector<16xf32>
        %swap3A_73 = vector.shape_cast %broadcast_in_dim3A_69 : vector<16xf32> to vector<1x16xf32>
        tpu.vector_store %arg14[%swap3A, %swap3A_70], %swap3A_73 {strides = array<i32>} : memref<80x128xf32, #tpu.memory_space<vmem>>, vector<1x16xf32>,
        %broadcast_in_dim3A_74 = arith.constant 0.000000e+00 : f32
        %broadcast_in_dim3A_75 = vector.broadcast %broadcast_in_dim3A_74 : f32 to vector<16xf32>
        %swap3A_76 = arith.index_cast %scan3A_68 : i32 to index
        %swap3A_77 = arith.constant 16 : index
        %swap3A_78 = tpu.vector_load %arg14[%swap3A_76, %swap3A_77] {strides = array<i32>} : memref<80x128xf32, #tpu.memory_space<vmem>>, vector<1x16xf32>,
        %swap3A_79 = vector.shape_cast %swap3A_78 : vector<1x16xf32> to vector<16xf32>
        %swap3A_80 = vector.shape_cast %broadcast_in_dim3A_75 : vector<16xf32> to vector<1x16xf32>
        tpu.vector_store %arg14[%swap3A_76, %swap3A_77], %swap3A_80 {strides = array<i32>} : memref<80x128xf32, #tpu.memory_space<vmem>>, vector<1x16xf32>,
        %broadcast_in_dim3A_81 = arith.constant 0.000000e+00 : f32
        %broadcast_in_dim3A_82 = vector.broadcast %broadcast_in_dim3A_81 : f32 to vector<16xf32>
        %swap3A_83 = arith.index_cast %scan3A_68 : i32 to index
        %swap3A_84 = arith.constant 32 : index
        %swap3A_85 = tpu.vector_load %arg14[%swap3A_83, %swap3A_84] {strides = array<i32>} : memref<80x128xf32, #tpu.memory_space<vmem>>, vector<1x16xf32>,
        %swap3A_86 = vector.shape_cast %swap3A_85 : vector<1x16xf32> to vector<16xf32>
        %swap3A_87 = vector.shape_cast %broadcast_in_dim3A_82 : vector<16xf32> to vector<1x16xf32>
        tpu.vector_store %arg14[%swap3A_83, %swap3A_84], %swap3A_87 {strides = array<i32>} : memref<80x128xf32, #tpu.memory_space<vmem>>, vector<1x16xf32>,
        %broadcast_in_dim3A_88 = arith.constant 0.000000e+00 : f32
        %broadcast_in_dim3A_89 = vector.broadcast %broadcast_in_dim3A_88 : f32 to vector<16xf32>
        %swap3A_90 = arith.index_cast %scan3A_68 : i32 to index
        %swap3A_91 = arith.constant 48 : index
        %swap3A_92 = tpu.vector_load %arg14[%swap3A_90, %swap3A_91] {strides = array<i32>} : memref<80x128xf32, #tpu.memory_space<vmem>>, vector<1x16xf32>,
        %swap3A_93 = vector.shape_cast %swap3A_92 : vector<1x16xf32> to vector<16xf32>
        %swap3A_94 = vector.shape_cast %broadcast_in_dim3A_89 : vector<16xf32> to vector<1x16xf32>
        tpu.vector_store %arg14[%swap3A_90, %swap3A_91], %swap3A_94 {strides = array<i32>} : memref<80x128xf32, #tpu.memory_space<vmem>>, vector<1x16xf32>,
        %broadcast_in_dim3A_95 = arith.constant 0.000000e+00 : f32
        %broadcast_in_dim3A_96 = vector.broadcast %broadcast_in_dim3A_95 : f32 to vector<16xf32>
        %swap3A_97 = arith.index_cast %scan3A_68 : i32 to index
        %swap3A_98 = arith.constant 64 : index
        %swap3A_99 = tpu.vector_load %arg14[%swap3A_97, %swap3A_98] {strides = array<i32>} : memref<80x128xf32, #tpu.memory_space<vmem>>, vector<1x16xf32>,
        %swap3A_100 = vector.shape_cast %swap3A_99 : vector<1x16xf32> to vector<16xf32>
        %swap3A_101 = vector.shape_cast %broadcast_in_dim3A_96 : vector<16xf32> to vector<1x16xf32>
        tpu.vector_store %arg14[%swap3A_97, %swap3A_98], %swap3A_101 {strides = array<i32>} : memref<80x128xf32, #tpu.memory_space<vmem>>, vector<1x16xf32>,
        %broadcast_in_dim3A_102 = arith.constant 0.000000e+00 : f32
        %broadcast_in_dim3A_103 = vector.broadcast %broadcast_in_dim3A_102 : f32 to vector<16xf32>
        %swap3A_104 = arith.index_cast %scan3A_68 : i32 to index
        %swap3A_105 = arith.constant 80 : index
        %swap3A_106 = tpu.vector_load %arg14[%swap3A_104, %swap3A_105] {strides = array<i32>} : memref<80x128xf32, #tpu.memory_space<vmem>>, vector<1x16xf32>,
        %swap3A_107 = vector.shape_cast %swap3A_106 : vector<1x16xf32> to vector<16xf32>
        %swap3A_108 = vector.shape_cast %broadcast_in_dim3A_103 : vector<16xf32> to vector<1x16xf32>
        tpu.vector_store %arg14[%swap3A_104, %swap3A_105], %swap3A_108 {strides = array<i32>} : memref<80x128xf32, #tpu.memory_space<vmem>>, vector<1x16xf32>,
        %broadcast_in_dim3A_109 = arith.constant 0.000000e+00 : f32
        %broadcast_in_dim3A_110 = vector.broadcast %broadcast_in_dim3A_109 : f32 to vector<16xf32>
        %swap3A_111 = arith.index_cast %scan3A_68 : i32 to index
        %swap3A_112 = arith.constant 96 : index
        %swap3A_113 = tpu.vector_load %arg14[%swap3A_111, %swap3A_112] {strides = array<i32>} : memref<80x128xf32, #tpu.memory_space<vmem>>, vector<1x16xf32>,
        %swap3A_114 = vector.shape_cast %swap3A_113 : vector<1x16xf32> to vector<16xf32>
        %swap3A_115 = vector.shape_cast %broadcast_in_dim3A_110 : vector<16xf32> to vector<1x16xf32>
        tpu.vector_store %arg14[%swap3A_111, %swap3A_112], %swap3A_115 {strides = array<i32>} : memref<80x128xf32, #tpu.memory_space<vmem>>, vector<1x16xf32>,
        %broadcast_in_dim3A_116 = arith.constant 0.000000e+00 : f32
        %broadcast_in_dim3A_117 = vector.broadcast %broadcast_in_dim3A_116 : f32 to vector<16xf32>
        %swap3A_118 = arith.index_cast %scan3A_68 : i32 to index
        %swap3A_119 = arith.constant 112 : index
        %swap3A_120 = tpu.vector_load %arg14[%swap3A_118, %swap3A_119] {strides = array<i32>} : memref<80x128xf32, #tpu.memory_space<vmem>>, vector<1x16xf32>,
        %swap3A_121 = vector.shape_cast %swap3A_120 : vector<1x16xf32> to vector<16xf32>
        %swap3A_122 = vector.shape_cast %broadcast_in_dim3A_117 : vector<16xf32> to vector<1x16xf32>
        tpu.vector_store %arg14[%swap3A_118, %swap3A_119], %swap3A_122 {strides = array<i32>} : memref<80x128xf32, #tpu.memory_space<vmem>>, vector<1x16xf32>,
      }
      %scan3A_55 = arith.constant 80 : i32
      %scan3A_56 = arith.constant 0 : i32
      %scan3A_57 = arith.constant 0 : i32
      %scan3A_58 = arith.constant 7 : i32
      %scan3A_59 = arith.addi %scan3A_57, %scan3A_58 : i32
      %scan3A_60 = arith.constant 1 : i32
      scf.for %scan3A_68 = %scan3A_57 to %scan3A_59 step %scan3A_60  : i32 {
        %mul3A_69 = arith.constant 625 : i32
        %mul3A_70 = arith.muli %arg1, %mul3A_69 : i32
        %mul3A_71 = arith.constant 80 : i32
        %mul3A_72 = arith.muli %scan3A_68, %mul3A_71 : i32
        %add3A_73 = arith.addi %mul3A_70, %mul3A_72 : i32
        "tpu.region"() ({
          %run_scoped3A_74 = tpu.sem_alloc : memref<!tpu.dma_semaphore, #tpu.memory_space<semaphore_mem>>
          %dma_start3A_75 = arith.constant 0 : i32
          %dma_start3A_76 = tpu.memref_slice %arg16[%add3A_73, %dma_start3A_75] : memref<10000x128xf32, #tpu.memory_space<vmem_shared>> -> memref<80x128xf32, #tpu.memory_space<vmem_shared>>
          %dma_start3A_77 = arith.constant 0 : i32
          %dma_start3A_78 = tpu.memref_slice %arg16[%add3A_73, %dma_start3A_77] : memref<10000x128xf32, #tpu.memory_space<vmem_shared>> -> memref<80x128xf32, #tpu.memory_space<vmem_shared>>
          tpu.enqueue_dma source(%arg14 : memref<80x128xf32, #tpu.memory_space<vmem>>) target(%dma_start3A_78 : memref<80x128xf32, #tpu.memory_space<vmem_shared>>) target_semaphore(%run_scoped3A_74 : memref<!tpu.dma_semaphore, #tpu.memory_space<semaphore_mem>>)
          %dma_wait3A_79 = arith.constant 0 : i32
          %dma_wait3A_80 = tpu.memref_slice %arg16[%add3A_73, %dma_wait3A_79] : memref<10000x128xf32, #tpu.memory_space<vmem_shared>> -> memref<80x128xf32, #tpu.memory_space<vmem_shared>>
          %dma_wait3A_81 = arith.constant 0 : i32
          %dma_wait3A_82 = tpu.memref_slice %arg16[%add3A_73, %dma_wait3A_81] : memref<10000x128xf32, #tpu.memory_space<vmem_shared>> -> memref<80x128xf32, #tpu.memory_space<vmem_shared>>
          tpu.wait_dma2 semaphore(%run_scoped3A_74 : memref<!tpu.dma_semaphore, #tpu.memory_space<semaphore_mem>>) src(%arg14 : memref<80x128xf32, #tpu.memory_space<vmem>>) dst(%dma_wait3A_82 : memref<80x128xf32, #tpu.memory_space<vmem_shared>>)
          tpu.yield
        }) : () -> ()
      }
      %scan3A_61 = arith.constant 7 : i32
      %mul3A_62 = arith.constant 625 : i32
      %mul3A_63 = arith.muli %arg1, %mul3A_62 : i32
      %add3A_64 = arith.constant 625 : i32
      %add3A_65 = arith.addi %mul3A_63, %add3A_64 : i32
      %sub3A_66 = arith.constant 65 : i32
      %sub3A_67 = arith.subi %add3A_65, %sub3A_66 : i32
      "tpu.region"() ({
        %run_scoped3A_68 = tpu.sem_alloc : memref<!tpu.dma_semaphore, #tpu.memory_space<semaphore_mem>>
        %dma_start3A_69 = arith.constant 0 : i32
        %dma_start3A_70 = arith.constant 0 : i32
        %dma_start3A_71 = tpu.memref_slice %arg14[%dma_start3A_69, %dma_start3A_70] : memref<80x128xf32, #tpu.memory_space<vmem>> -> memref<65x128xf32, #tpu.memory_space<vmem>>
        %dma_start3A_72 = arith.constant 0 : i32
        %dma_start3A_73 = tpu.memref_slice %arg16[%sub3A_67, %dma_start3A_72] : memref<10000x128xf32, #tpu.memory_space<vmem_shared>> -> memref<65x128xf32, #tpu.memory_space<vmem_shared>>
        %dma_start3A_74 = arith.constant 0 : i32
        %dma_start3A_75 = tpu.memref_slice %arg16[%sub3A_67, %dma_start3A_74] : memref<10000x128xf32, #tpu.memory_space<vmem_shared>> -> memref<65x128xf32, #tpu.memory_space<vmem_shared>>
        %dma_start3A_76 = arith.constant 0 : i32
        %dma_start3A_77 = arith.constant 0 : i32
        %dma_start3A_78 = tpu.memref_slice %arg14[%dma_start3A_76, %dma_start3A_77] : memref<80x128xf32, #tpu.memory_space<vmem>> -> memref<65x128xf32, #tpu.memory_space<vmem>>
        tpu.enqueue_dma source(%dma_start3A_78 : memref<65x128xf32, #tpu.memory_space<vmem>>) target(%dma_start3A_75 : memref<65x128xf32, #tpu.memory_space<vmem_shared>>) target_semaphore(%run_scoped3A_68 : memref<!tpu.dma_semaphore, #tpu.memory_space<semaphore_mem>>)
        %dma_wait3A_79 = arith.constant 0 : i32
        %dma_wait3A_80 = arith.constant 0 : i32
        %dma_wait3A_81 = tpu.memref_slice %arg14[%dma_wait3A_79, %dma_wait3A_80] : memref<80x128xf32, #tpu.memory_space<vmem>> -> memref<65x128xf32, #tpu.memory_space<vmem>>
        %dma_wait3A_82 = arith.constant 0 : i32
        %dma_wait3A_83 = tpu.memref_slice %arg16[%sub3A_67, %dma_wait3A_82] : memref<10000x128xf32, #tpu.memory_space<vmem_shared>> -> memref<65x128xf32, #tpu.memory_space<vmem_shared>>
        %dma_wait3A_84 = arith.constant 0 : i32
        %dma_wait3A_85 = tpu.memref_slice %arg16[%sub3A_67, %dma_wait3A_84] : memref<10000x128xf32, #tpu.memory_space<vmem_shared>> -> memref<65x128xf32, #tpu.memory_space<vmem_shared>>
        %dma_wait3A_86 = arith.constant 0 : i32
        %dma_wait3A_87 = arith.constant 0 : i32
        %dma_wait3A_88 = tpu.memref_slice %arg14[%dma_wait3A_86, %dma_wait3A_87] : memref<80x128xf32, #tpu.memory_space<vmem>> -> memref<65x128xf32, #tpu.memory_space<vmem>>
        tpu.wait_dma2 semaphore(%run_scoped3A_68 : memref<!tpu.dma_semaphore, #tpu.memory_space<semaphore_mem>>) src(%dma_wait3A_88 : memref<65x128xf32, #tpu.memory_space<vmem>>) dst(%dma_wait3A_85 : memref<65x128xf32, #tpu.memory_space<vmem_shared>>)
        tpu.yield
      }) : () -> ()
    } else {
    }
    %eq3A_13 = arith.constant 1 : i32
    %eq3A_14 = arith.cmpi eq, %arg0, %eq3A_13 : i32
    %convert_element_type3A_15 = arith.extui %eq3A_14 : i1 to i32
    %cond3A_16 = arith.constant 0 : i32
    %cond3A_17 = arith.cmpi ne, %convert_element_type3A_15, %cond3A_16 : i32
    scf.if %cond3A_17 {
      %barrier3A = arith.constant 0 : index
      tpu.barrier barrier_id(%barrier3A)
      %dma_start3A = arith.constant 0 : i32
      %dma_start3A_18 = tpu.memref_slice %arg12[%dma_start3A] : memref<10000xi32, #tpu.memory_space<vmem>> -> memref<80xi32, #tpu.memory_space<vmem>>
      %dma_start3A_19 = arith.constant 0 : i32
      %dma_start3A_20 = arith.constant 0 : i32
      %dma_start3A_21 = tpu.memref_slice %arg7[%dma_start3A_19, %dma_start3A_20] : memref<10000x128xf32, #tpu.memory_space<hbm>> -> memref<10000x128xf32, #tpu.memory_space<hbm>>
      tpu.enqueue_indirect_dma source(%dma_start3A_21 : memref<10000x128xf32, #tpu.memory_space<hbm>>) target(%arg14 : memref<80x128xf32, #tpu.memory_space<vmem>>) offsets(%dma_start3A_18 : memref<80xi32, #tpu.memory_space<vmem>>) semaphore(%arg17 : memref<!tpu.dma_semaphore, #tpu.memory_space<semaphore_mem>>)
      %scan3A = arith.constant 0 : i32
      %scan3A_22 = arith.constant 0 : i32
      %scan3A_23 = arith.constant 62 : i32
      %scan3A_24 = arith.addi %scan3A_22, %scan3A_23 : i32
      %scan3A_25 = arith.constant 1 : i32
      scf.for %scan3A_34 = %scan3A_22 to %scan3A_24 step %scan3A_25  : i32 {
        %mul3A_35 = arith.constant 2 : i32
        %mul3A_36 = arith.muli %mul3A_35, %scan3A_34 : i32
        %mul3A_37 = arith.constant 80 : i32
        %mul3A_38 = arith.muli %mul3A_36, %mul3A_37 : i32
        %dma_wait3A_39 = tpu.memref_slice %arg12[%mul3A_38] : memref<10000xi32, #tpu.memory_space<vmem>> -> memref<80xi32, #tpu.memory_space<vmem>>
        %dma_wait3A_40 = arith.constant 0 : i32
        %dma_wait3A_41 = arith.constant 0 : i32
        %dma_wait3A_42 = tpu.memref_slice %arg7[%dma_wait3A_40, %dma_wait3A_41] : memref<10000x128xf32, #tpu.memory_space<hbm>> -> memref<10000x128xf32, #tpu.memory_space<hbm>>
        tpu.wait_indirect_dma semaphore(%arg17 : memref<!tpu.dma_semaphore, #tpu.memory_space<semaphore_mem>>) src(%dma_wait3A_42 : memref<10000x128xf32, #tpu.memory_space<hbm>>) dst(%arg14 : memref<80x128xf32, #tpu.memory_space<vmem>>)
        %add3A = arith.constant 1 : i32
        %add3A_43 = arith.addi %mul3A_36, %add3A : i32
        %mul3A_44 = arith.constant 80 : i32
        %mul3A_45 = arith.muli %add3A_43, %mul3A_44 : i32
        %dma_start3A_46 = tpu.memref_slice %arg12[%mul3A_45] : memref<10000xi32, #tpu.memory_space<vmem>> -> memref<80xi32, #tpu.memory_space<vmem>>
        %dma_start3A_47 = arith.constant 0 : i32
        %dma_start3A_48 = arith.constant 0 : i32
        %dma_start3A_49 = tpu.memref_slice %arg7[%dma_start3A_47, %dma_start3A_48] : memref<10000x128xf32, #tpu.memory_space<hbm>> -> memref<10000x128xf32, #tpu.memory_space<hbm>>
        tpu.enqueue_indirect_dma source(%dma_start3A_49 : memref<10000x128xf32, #tpu.memory_space<hbm>>) target(%arg15 : memref<80x128xf32, #tpu.memory_space<vmem>>) offsets(%dma_start3A_46 : memref<80xi32, #tpu.memory_space<vmem>>) semaphore(%arg18 : memref<!tpu.dma_semaphore, #tpu.memory_space<semaphore_mem>>)
        "tpu.region"() ({
          %run_scoped3A_68 = tpu.sem_alloc : memref<!tpu.dma_semaphore, #tpu.memory_space<semaphore_mem>>
          %dma_start3A_69 = arith.constant 0 : i32
          %dma_start3A_70 = tpu.memref_slice %arg13[%mul3A_36, %dma_start3A_69] : memref<125x80xi32, #tpu.memory_space<vmem>> -> memref<1x80xi32, #tpu.memory_space<vmem>>
          %dma_start3A_71 = tpu.memref_squeeze %dma_start3A_70 : memref<1x80xi32, #tpu.memory_space<vmem>> -> memref<80xi32, #tpu.memory_space<vmem>>
          %dma_start3A_72 = arith.constant 0 : i32
          %dma_start3A_73 = arith.constant 0 : i32
          %dma_start3A_74 = tpu.memref_slice %arg16[%dma_start3A_72, %dma_start3A_73] : memref<10000x128xf32, #tpu.memory_space<vmem_shared>> -> memref<10000x128xf32, #tpu.memory_space<vmem_shared>>
          tpu.enqueue_indirect_dma source(%arg14 : memref<80x128xf32, #tpu.memory_space<vmem>>) target(%dma_start3A_74 : memref<10000x128xf32, #tpu.memory_space<vmem_shared>>) offsets(%dma_start3A_71 : memref<80xi32, #tpu.memory_space<vmem>>) semaphore(%run_scoped3A_68 : memref<!tpu.dma_semaphore, #tpu.memory_space<semaphore_mem>>) {add = true}
          %dma_wait3A_75 = arith.constant 0 : i32
          %dma_wait3A_76 = tpu.memref_slice %arg13[%mul3A_36, %dma_wait3A_75] : memref<125x80xi32, #tpu.memory_space<vmem>> -> memref<1x80xi32, #tpu.memory_space<vmem>>
          %dma_wait3A_77 = tpu.memref_squeeze %dma_wait3A_76 : memref<1x80xi32, #tpu.memory_space<vmem>> -> memref<80xi32, #tpu.memory_space<vmem>>
          %dma_wait3A_78 = arith.constant 0 : i32
          %dma_wait3A_79 = arith.constant 0 : i32
          %dma_wait3A_80 = tpu.memref_slice %arg16[%dma_wait3A_78, %dma_wait3A_79] : memref<10000x128xf32, #tpu.memory_space<vmem_shared>> -> memref<10000x128xf32, #tpu.memory_space<vmem_shared>>
          tpu.wait_indirect_dma semaphore(%run_scoped3A_68 : memref<!tpu.dma_semaphore, #tpu.memory_space<semaphore_mem>>) src(%arg14 : memref<80x128xf32, #tpu.memory_space<vmem>>) dst(%dma_wait3A_80 : memref<10000x128xf32, #tpu.memory_space<vmem_shared>>)
          tpu.yield
        }) : () -> ()
        %add3A_50 = arith.constant 2 : i32
        %add3A_51 = arith.addi %mul3A_36, %add3A_50 : i32
        %mul3A_52 = arith.constant 80 : i32
        %mul3A_53 = arith.muli %add3A_51, %mul3A_52 : i32
        %dma_start3A_54 = tpu.memref_slice %arg12[%mul3A_53] : memref<10000xi32, #tpu.memory_space<vmem>> -> memref<80xi32, #tpu.memory_space<vmem>>
        %dma_start3A_55 = arith.constant 0 : i32
        %dma_start3A_56 = arith.constant 0 : i32
        %dma_start3A_57 = tpu.memref_slice %arg7[%dma_start3A_55, %dma_start3A_56] : memref<10000x128xf32, #tpu.memory_space<hbm>> -> memref<10000x128xf32, #tpu.memory_space<hbm>>
        tpu.enqueue_indirect_dma source(%dma_start3A_57 : memref<10000x128xf32, #tpu.memory_space<hbm>>) target(%arg14 : memref<80x128xf32, #tpu.memory_space<vmem>>) offsets(%dma_start3A_54 : memref<80xi32, #tpu.memory_space<vmem>>) semaphore(%arg17 : memref<!tpu.dma_semaphore, #tpu.memory_space<semaphore_mem>>)
        %add3A_58 = arith.constant 1 : i32
        %add3A_59 = arith.addi %mul3A_36, %add3A_58 : i32
        %mul3A_60 = arith.constant 80 : i32
        %mul3A_61 = arith.muli %add3A_59, %mul3A_60 : i32
        %dma_wait3A_62 = tpu.memref_slice %arg12[%mul3A_61] : memref<10000xi32, #tpu.memory_space<vmem>> -> memref<80xi32, #tpu.memory_space<vmem>>
        %dma_wait3A_63 = arith.constant 0 : i32
        %dma_wait3A_64 = arith.constant 0 : i32
        %dma_wait3A_65 = tpu.memref_slice %arg7[%dma_wait3A_63, %dma_wait3A_64] : memref<10000x128xf32, #tpu.memory_space<hbm>> -> memref<10000x128xf32, #tpu.memory_space<hbm>>
        tpu.wait_indirect_dma semaphore(%arg18 : memref<!tpu.dma_semaphore, #tpu.memory_space<semaphore_mem>>) src(%dma_wait3A_65 : memref<10000x128xf32, #tpu.memory_space<hbm>>) dst(%arg15 : memref<80x128xf32, #tpu.memory_space<vmem>>)
        %add3A_66 = arith.constant 1 : i32
        %add3A_67 = arith.addi %mul3A_36, %add3A_66 : i32
        "tpu.region"() ({
          %run_scoped3A_68 = tpu.sem_alloc : memref<!tpu.dma_semaphore, #tpu.memory_space<semaphore_mem>>
          %dma_start3A_69 = arith.constant 0 : i32
          %dma_start3A_70 = tpu.memref_slice %arg13[%add3A_67, %dma_start3A_69] : memref<125x80xi32, #tpu.memory_space<vmem>> -> memref<1x80xi32, #tpu.memory_space<vmem>>
          %dma_start3A_71 = tpu.memref_squeeze %dma_start3A_70 : memref<1x80xi32, #tpu.memory_space<vmem>> -> memref<80xi32, #tpu.memory_space<vmem>>
          %dma_start3A_72 = arith.constant 0 : i32
          %dma_start3A_73 = arith.constant 0 : i32
          %dma_start3A_74 = tpu.memref_slice %arg16[%dma_start3A_72, %dma_start3A_73] : memref<10000x128xf32, #tpu.memory_space<vmem_shared>> -> memref<10000x128xf32, #tpu.memory_space<vmem_shared>>
          tpu.enqueue_indirect_dma source(%arg15 : memref<80x128xf32, #tpu.memory_space<vmem>>) target(%dma_start3A_74 : memref<10000x128xf32, #tpu.memory_space<vmem_shared>>) offsets(%dma_start3A_71 : memref<80xi32, #tpu.memory_space<vmem>>) semaphore(%run_scoped3A_68 : memref<!tpu.dma_semaphore, #tpu.memory_space<semaphore_mem>>) {add = true}
          %dma_wait3A_75 = arith.constant 0 : i32
          %dma_wait3A_76 = tpu.memref_slice %arg13[%add3A_67, %dma_wait3A_75] : memref<125x80xi32, #tpu.memory_space<vmem>> -> memref<1x80xi32, #tpu.memory_space<vmem>>
          %dma_wait3A_77 = tpu.memref_squeeze %dma_wait3A_76 : memref<1x80xi32, #tpu.memory_space<vmem>> -> memref<80xi32, #tpu.memory_space<vmem>>
          %dma_wait3A_78 = arith.constant 0 : i32
          %dma_wait3A_79 = arith.constant 0 : i32
          %dma_wait3A_80 = tpu.memref_slice %arg16[%dma_wait3A_78, %dma_wait3A_79] : memref<10000x128xf32, #tpu.memory_space<vmem_shared>> -> memref<10000x128xf32, #tpu.memory_space<vmem_shared>>
          tpu.wait_indirect_dma semaphore(%run_scoped3A_68 : memref<!tpu.dma_semaphore, #tpu.memory_space<semaphore_mem>>) src(%arg15 : memref<80x128xf32, #tpu.memory_space<vmem>>) dst(%dma_wait3A_80 : memref<10000x128xf32, #tpu.memory_space<vmem_shared>>)
          tpu.yield
        }) : () -> ()
      }
      %scan3A_26 = arith.constant 62 : i32
      %dma_wait3A = arith.constant 9920 : i32
      %dma_wait3A_27 = tpu.memref_slice %arg12[%dma_wait3A] : memref<10000xi32, #tpu.memory_space<vmem>> -> memref<80xi32, #tpu.memory_space<vmem>>
      %dma_wait3A_28 = arith.constant 0 : i32
      %dma_wait3A_29 = arith.constant 0 : i32
      %dma_wait3A_30 = tpu.memref_slice %arg7[%dma_wait3A_28, %dma_wait3A_29] : memref<10000x128xf32, #tpu.memory_space<hbm>> -> memref<10000x128xf32, #tpu.memory_space<hbm>>
      tpu.wait_indirect_dma semaphore(%arg17 : memref<!tpu.dma_semaphore, #tpu.memory_space<semaphore_mem>>) src(%dma_wait3A_30 : memref<10000x128xf32, #tpu.memory_space<hbm>>) dst(%arg14 : memref<80x128xf32, #tpu.memory_space<vmem>>)
      %run_scoped3A = arith.constant 124 : i32
      "tpu.region"() ({
        %run_scoped3A_34 = tpu.sem_alloc : memref<!tpu.dma_semaphore, #tpu.memory_space<semaphore_mem>>
        %dma_start3A_35 = arith.constant 0 : i32
        %dma_start3A_36 = tpu.memref_slice %arg13[%run_scoped3A, %dma_start3A_35] : memref<125x80xi32, #tpu.memory_space<vmem>> -> memref<1x80xi32, #tpu.memory_space<vmem>>
        %dma_start3A_37 = tpu.memref_squeeze %dma_start3A_36 : memref<1x80xi32, #tpu.memory_space<vmem>> -> memref<80xi32, #tpu.memory_space<vmem>>
        %dma_start3A_38 = arith.constant 0 : i32
        %dma_start3A_39 = arith.constant 0 : i32
        %dma_start3A_40 = tpu.memref_slice %arg16[%dma_start3A_38, %dma_start3A_39] : memref<10000x128xf32, #tpu.memory_space<vmem_shared>> -> memref<10000x128xf32, #tpu.memory_space<vmem_shared>>
        tpu.enqueue_indirect_dma source(%arg14 : memref<80x128xf32, #tpu.memory_space<vmem>>) target(%dma_start3A_40 : memref<10000x128xf32, #tpu.memory_space<vmem_shared>>) offsets(%dma_start3A_37 : memref<80xi32, #tpu.memory_space<vmem>>) semaphore(%run_scoped3A_34 : memref<!tpu.dma_semaphore, #tpu.memory_space<semaphore_mem>>) {add = true}
        %dma_wait3A_41 = arith.constant 0 : i32
        %dma_wait3A_42 = tpu.memref_slice %arg13[%run_scoped3A, %dma_wait3A_41] : memref<125x80xi32, #tpu.memory_space<vmem>> -> memref<1x80xi32, #tpu.memory_space<vmem>>
        %dma_wait3A_43 = tpu.memref_squeeze %dma_wait3A_42 : memref<1x80xi32, #tpu.memory_space<vmem>> -> memref<80xi32, #tpu.memory_space<vmem>>
        %dma_wait3A_44 = arith.constant 0 : i32
        %dma_wait3A_45 = arith.constant 0 : i32
        %dma_wait3A_46 = tpu.memref_slice %arg16[%dma_wait3A_44, %dma_wait3A_45] : memref<10000x128xf32, #tpu.memory_space<vmem_shared>> -> memref<10000x128xf32, #tpu.memory_space<vmem_shared>>
        tpu.wait_indirect_dma semaphore(%run_scoped3A_34 : memref<!tpu.dma_semaphore, #tpu.memory_space<semaphore_mem>>) src(%arg14 : memref<80x128xf32, #tpu.memory_space<vmem>>) dst(%dma_wait3A_46 : memref<10000x128xf32, #tpu.memory_space<vmem_shared>>)
        tpu.yield
      }) : () -> ()
      %barrier3A_31 = arith.constant 0 : index
      tpu.barrier barrier_id(%barrier3A_31)
      %mul3A_32 = arith.constant 625 : i32
      %mul3A_33 = arith.muli %arg1, %mul3A_32 : i32
      "tpu.region"() ({
        %run_scoped3A_34 = tpu.sem_alloc : memref<!tpu.dma_semaphore, #tpu.memory_space<semaphore_mem>>
        %dma_start3A_35 = arith.constant 0 : i32
        %dma_start3A_36 = arith.constant 0 : i32
        %dma_start3A_37 = tpu.memref_slice %arg11[%arg1, %dma_start3A_35, %dma_start3A_36] : memref<16x625x128xf32, #tpu.memory_space<hbm>> -> memref<1x625x128xf32, #tpu.memory_space<hbm>>
        %dma_start3A_38 = tpu.memref_squeeze %dma_start3A_37 : memref<1x625x128xf32, #tpu.memory_space<hbm>> -> memref<625x128xf32, #tpu.memory_space<hbm>>
        %dma_start3A_39 = arith.constant 0 : i32
        %dma_start3A_40 = tpu.memref_slice %arg16[%mul3A_33, %dma_start3A_39] : memref<10000x128xf32, #tpu.memory_space<vmem_shared>> -> memref<625x128xf32, #tpu.memory_space<vmem_shared>>
        tpu.enqueue_dma source(%dma_start3A_40 : memref<625x128xf32, #tpu.memory_space<vmem_shared>>) target(%dma_start3A_38 : memref<625x128xf32, #tpu.memory_space<hbm>>) target_semaphore(%run_scoped3A_34 : memref<!tpu.dma_semaphore, #tpu.memory_space<semaphore_mem>>)
        %dma_wait3A_41 = arith.constant 0 : i32
        %dma_wait3A_42 = arith.constant 0 : i32
        %dma_wait3A_43 = tpu.memref_slice %arg11[%arg1, %dma_wait3A_41, %dma_wait3A_42] : memref<16x625x128xf32, #tpu.memory_space<hbm>> -> memref<1x625x128xf32, #tpu.memory_space<hbm>>
        %dma_wait3A_44 = tpu.memref_squeeze %dma_wait3A_43 : memref<1x625x128xf32, #tpu.memory_space<hbm>> -> memref<625x128xf32, #tpu.memory_space<hbm>>
        %dma_wait3A_45 = arith.constant 0 : i32
        %dma_wait3A_46 = tpu.memref_slice %arg16[%mul3A_33, %dma_wait3A_45] : memref<10000x128xf32, #tpu.memory_space<vmem_shared>> -> memref<625x128xf32, #tpu.memory_space<vmem_shared>>
        tpu.wait_dma2 semaphore(%run_scoped3A_34 : memref<!tpu.dma_semaphore, #tpu.memory_space<semaphore_mem>>) src(%dma_wait3A_46 : memref<625x128xf32, #tpu.memory_space<vmem_shared>>) dst(%dma_wait3A_44 : memref<625x128xf32, #tpu.memory_space<hbm>>)
        tpu.yield
      }) : () -> ()
    } else {
    }
    return
  }
}

module attributes {stable_mosaic.version = 14 : i64} {
  func.func @_tc_mm_body(%arg0: i32, %arg1: memref<1000x256xf32, #tpu.memory_space<vmem>>, %arg2: memref<512x256xf32, #tpu.memory_space<vmem>>, %arg3: memref<1x512xf32, #tpu.memory_space<vmem>>, %arg4: memref<1000x512xf32, #tpu.memory_space<vmem>>) attributes {dimension_semantics = [#tpu.dimension_semantics<arbitrary>], iteration_bounds = array<i64: 10>, scalar_prefetch = 0 : i64, scratch_operands = 0 : i64, tpu.core_type = #tpu.core_type<tc>, window_params = [{transform_indices = @transform_0, window_bounds = array<i64: 1000, 256>}, {pipeline_mode = #tpu.pipeline_mode<synchronous>, transform_indices = @transform_1, window_bounds = array<i64: 512, 256>}, {pipeline_mode = #tpu.pipeline_mode<synchronous>, transform_indices = @transform_2, window_bounds = array<i64: 1, 512>}, {transform_indices = @transform_3, window_bounds = array<i64: 1000, 512>}]} {
    %get3A = arith.constant 0 : index
    %get3A_0 = arith.constant 0 : index
    %get3A_1 = vector.load %arg1[%get3A, %get3A_0] : memref<1000x256xf32, #tpu.memory_space<vmem>>, vector<1000x256xf32>
    %get3A_2 = arith.constant 0 : index
    %get3A_3 = arith.constant 0 : index
    %get3A_4 = vector.load %arg2[%get3A_2, %get3A_3] : memref<512x256xf32, #tpu.memory_space<vmem>>, vector<512x256xf32>
    %dot_general3A = arith.constant dense<0.000000e+00> : vector<1000x512xf32>
    %dot_general3A_5 = tpu.matmul %get3A_1, %get3A_4, %dot_general3A {dimension_numbers = #tpu.dot_dimension_numbers<[1], [1], [0], [0], [0, 0, 1, 0], [], []>, transpose_lhs_hint = false} : vector<1000x256xf32>, vector<512x256xf32>, vector<1000x512xf32> -> vector<1000x512xf32>
    %get3A_6 = arith.constant 0 : index
    %get3A_7 = arith.constant 0 : index
    %get3A_8 = vector.load %arg3[%get3A_6, %get3A_7] : memref<1x512xf32, #tpu.memory_space<vmem>>, vector<1x512xf32>
    %add3A = vector.broadcast %get3A_8 : vector<1x512xf32> to vector<1000x512xf32>
    %add3A_9 = arith.addf %dot_general3A_5, %add3A : vector<1000x512xf32>
    %swap3A = arith.constant 0 : index
    %swap3A_10 = arith.constant 0 : index
    %swap3A_11 = vector.load %arg4[%swap3A, %swap3A_10] : memref<1000x512xf32, #tpu.memory_space<vmem>>, vector<1000x512xf32>
    tpu.vector_store %arg4[%swap3A, %swap3A_10], %add3A_9 {strides = array<i32>} : memref<1000x512xf32, #tpu.memory_space<vmem>>, vector<1000x512xf32>,
    return
  }
  func.func @transform_0(%arg0: i32) -> (i32, i32) {
    %c0_i32 = arith.constant 0 : i32
    %c0_i32_0 = arith.constant 0 : i32
    return %arg0, %c0_i32 : i32, i32
  }
  func.func @transform_1(%arg0: i32) -> (i32, i32) {
    %c0_i32 = arith.constant 0 : i32
    %c0_i32_0 = arith.constant 0 : i32
    %c0_i32_1 = arith.constant 0 : i32
    return %c0_i32, %c0_i32_0 : i32, i32
  }
  func.func @transform_2(%arg0: i32) -> (i32, i32) {
    %c0_i32 = arith.constant 0 : i32
    %c0_i32_0 = arith.constant 0 : i32
    %c0_i32_1 = arith.constant 0 : i32
    return %c0_i32, %c0_i32_0 : i32, i32
  }
  func.func @transform_3(%arg0: i32) -> (i32, i32) {
    %c0_i32 = arith.constant 0 : i32
    %c0_i32_0 = arith.constant 0 : i32
    return %arg0, %c0_i32 : i32, i32
  }
}

module attributes {stable_mosaic.version = 14 : i64} {
  func.func @_tc_scale_body(%arg0: i32, %arg1: memref<2x1000x128xf32, #tpu.memory_space<vmem>>, %arg2: memref<1000x512xf32, #tpu.memory_space<vmem>>, %arg3: memref<1000x1xf32, #tpu.memory_space<vmem>>, %arg4: memref<1000x128xf32, #tpu.memory_space<vmem>>, %arg5: memref<1000x128xf32, #tpu.memory_space<vmem>>, %arg6: memref<1000x128xf32, #tpu.memory_space<vmem>>, %arg7: memref<1000x128xf32, #tpu.memory_space<vmem>>) attributes {dimension_semantics = [#tpu.dimension_semantics<arbitrary>], iteration_bounds = array<i64: 10>, scalar_prefetch = 0 : i64, scratch_operands = 0 : i64, tpu.core_type = #tpu.core_type<tc>, window_params = [{transform_indices = @transform_0, window_bounds = array<i64: 2, 1000, 128>}, {transform_indices = @transform_1, window_bounds = array<i64: 1000, 512>}, {transform_indices = @transform_2, window_bounds = array<i64: 1000, 1>}, {transform_indices = @transform_3, window_bounds = array<i64: 1000, 128>}, {transform_indices = @transform_4, window_bounds = array<i64: 1000, 128>}, {transform_indices = @transform_5, window_bounds = array<i64: 1000, 128>}, {transform_indices = @transform_6, window_bounds = array<i64: 1000, 128>}]} {
    %get3A = arith.constant 0 : index
    %get3A_0 = arith.constant 0 : index
    %get3A_1 = arith.constant 0 : index
    %get3A_2 = vector.load %arg1[%get3A, %get3A_0, %get3A_1] : memref<2x1000x128xf32, #tpu.memory_space<vmem>>, vector<2x1000x128xf32>
    %reduce_sum3A = arith.constant dense<0.000000e+00> : vector<1000x128xf32>
    %reduce_sum3A_3 = vector.multi_reduction <add>, %get3A_2, %reduce_sum3A [0] : vector<2x1000x128xf32> to vector<1000x128xf32>
    %slice3A = vector.extract_strided_slice %reduce_sum3A_3 {offsets = [0, 0], sizes = [1000, 1], strides = [1, 1]} : vector<1000x128xf32> to vector<1000x1xf32>
    %add3A = arith.constant 1.000000e+00 : f32
    %add3A_4 = vector.broadcast %add3A : f32 to vector<1000x1xf32>
    %add3A_5 = arith.addf %slice3A, %add3A_4 : vector<1000x1xf32>
    %rsqrt3A = math.rsqrt %add3A_5 : vector<1000x1xf32>
    %swap3A = arith.constant 0 : index
    %swap3A_6 = arith.constant 0 : index
    %swap3A_7 = vector.load %arg3[%swap3A, %swap3A_6] : memref<1000x1xf32, #tpu.memory_space<vmem>>, vector<1000x1xf32>
    tpu.vector_store %arg3[%swap3A, %swap3A_6], %rsqrt3A {strides = array<i32>} : memref<1000x1xf32, #tpu.memory_space<vmem>>, vector<1000x1xf32>,
    %get3A_8 = arith.constant 0 : index
    %get3A_9 = arith.constant 0 : index
    %get3A_10 = vector.load %arg2[%get3A_8, %get3A_9] : memref<1000x512xf32, #tpu.memory_space<vmem>>, vector<1000x512xf32>
    %mul3A = vector.broadcast %rsqrt3A : vector<1000x1xf32> to vector<1000x512xf32>
    %mul3A_11 = arith.mulf %get3A_10, %mul3A : vector<1000x512xf32>
    %slice3A_12 = vector.extract_strided_slice %mul3A_11 {offsets = [0, 0], sizes = [1000, 128], strides = [1, 1]} : vector<1000x512xf32> to vector<1000x128xf32>
    %swap3A_13 = arith.constant 0 : index
    %swap3A_14 = arith.constant 0 : index
    %swap3A_15 = vector.load %arg4[%swap3A_13, %swap3A_14] : memref<1000x128xf32, #tpu.memory_space<vmem>>, vector<1000x128xf32>
    tpu.vector_store %arg4[%swap3A_13, %swap3A_14], %slice3A_12 {strides = array<i32>} : memref<1000x128xf32, #tpu.memory_space<vmem>>, vector<1000x128xf32>,
    %slice3A_16 = vector.extract_strided_slice %mul3A_11 {offsets = [0, 128], sizes = [1000, 128], strides = [1, 1]} : vector<1000x512xf32> to vector<1000x128xf32>
    %swap3A_17 = arith.constant 0 : index
    %swap3A_18 = arith.constant 0 : index
    %swap3A_19 = vector.load %arg5[%swap3A_17, %swap3A_18] : memref<1000x128xf32, #tpu.memory_space<vmem>>, vector<1000x128xf32>
    tpu.vector_store %arg5[%swap3A_17, %swap3A_18], %slice3A_16 {strides = array<i32>} : memref<1000x128xf32, #tpu.memory_space<vmem>>, vector<1000x128xf32>,
    %slice3A_20 = vector.extract_strided_slice %mul3A_11 {offsets = [0, 256], sizes = [1000, 128], strides = [1, 1]} : vector<1000x512xf32> to vector<1000x128xf32>
    %swap3A_21 = arith.constant 0 : index
    %swap3A_22 = arith.constant 0 : index
    %swap3A_23 = vector.load %arg6[%swap3A_21, %swap3A_22] : memref<1000x128xf32, #tpu.memory_space<vmem>>, vector<1000x128xf32>
    tpu.vector_store %arg6[%swap3A_21, %swap3A_22], %slice3A_20 {strides = array<i32>} : memref<1000x128xf32, #tpu.memory_space<vmem>>, vector<1000x128xf32>,
    %slice3A_24 = vector.extract_strided_slice %mul3A_11 {offsets = [0, 384], sizes = [1000, 128], strides = [1, 1]} : vector<1000x512xf32> to vector<1000x128xf32>
    %swap3A_25 = arith.constant 0 : index
    %swap3A_26 = arith.constant 0 : index
    %swap3A_27 = vector.load %arg7[%swap3A_25, %swap3A_26] : memref<1000x128xf32, #tpu.memory_space<vmem>>, vector<1000x128xf32>
    tpu.vector_store %arg7[%swap3A_25, %swap3A_26], %slice3A_24 {strides = array<i32>} : memref<1000x128xf32, #tpu.memory_space<vmem>>, vector<1000x128xf32>,
    return
  }
  func.func @transform_0(%arg0: i32) -> (i32, i32, i32) {
    %c0_i32 = arith.constant 0 : i32
    %c0_i32_0 = arith.constant 0 : i32
    %c0_i32_1 = arith.constant 0 : i32
    return %c0_i32, %arg0, %c0_i32_0 : i32, i32, i32
  }
  func.func @transform_1(%arg0: i32) -> (i32, i32) {
    %c0_i32 = arith.constant 0 : i32
    %c0_i32_0 = arith.constant 0 : i32
    return %arg0, %c0_i32 : i32, i32
  }
  func.func @transform_2(%arg0: i32) -> (i32, i32) {
    %c0_i32 = arith.constant 0 : i32
    %c0_i32_0 = arith.constant 0 : i32
    return %arg0, %c0_i32 : i32, i32
  }
  func.func @transform_3(%arg0: i32) -> (i32, i32) {
    %c0_i32 = arith.constant 0 : i32
    %c0_i32_0 = arith.constant 0 : i32
    return %arg0, %c0_i32 : i32, i32
  }
  func.func @transform_4(%arg0: i32) -> (i32, i32) {
    %c0_i32 = arith.constant 0 : i32
    %c0_i32_0 = arith.constant 0 : i32
    return %arg0, %c0_i32 : i32, i32
  }
  func.func @transform_5(%arg0: i32) -> (i32, i32) {
    %c0_i32 = arith.constant 0 : i32
    %c0_i32_0 = arith.constant 0 : i32
    return %arg0, %c0_i32 : i32, i32
  }
  func.func @transform_6(%arg0: i32) -> (i32, i32) {
    %c0_i32 = arith.constant 0 : i32
    %c0_i32_0 = arith.constant 0 : i32
    return %arg0, %c0_i32 : i32, i32
  }
}

module attributes {stable_mosaic.version = 14 : i64} {
  func.func @_mix_body(%arg0: i32, %arg1: memref<1000x1xf32, #tpu.memory_space<vmem>>, %arg2: memref<1000x512xf32, #tpu.memory_space<vmem>>, %arg3: memref<1000x128xf32, #tpu.memory_space<vmem>>, %arg4: memref<1000x128xf32, #tpu.memory_space<vmem>>, %arg5: memref<1000x128xf32, #tpu.memory_space<vmem>>, %arg6: memref<1000x128xf32, #tpu.memory_space<vmem>>, %arg7: memref<1000x512xf32, #tpu.memory_space<vmem>>, %arg8: memref<1000x128xf32, #tpu.memory_space<vmem>>, %arg9: memref<1000x128xf32, #tpu.memory_space<vmem>>, %arg10: memref<1000x128xf32, #tpu.memory_space<vmem>>, %arg11: memref<1000x128xf32, #tpu.memory_space<vmem>>) attributes {dimension_semantics = [#tpu.dimension_semantics<arbitrary>], iteration_bounds = array<i64: 10>, scalar_prefetch = 0 : i64, scratch_operands = 0 : i64, tpu.core_type = #tpu.core_type<tc>, window_params = [{transform_indices = @transform_0, window_bounds = array<i64: 1000, 1>}, {transform_indices = @transform_1, window_bounds = array<i64: 1000, 512>}, {transform_indices = @transform_2, window_bounds = array<i64: 1000, 128>}, {transform_indices = @transform_3, window_bounds = array<i64: 1000, 128>}, {transform_indices = @transform_4, window_bounds = array<i64: 1000, 128>}, {transform_indices = @transform_5, window_bounds = array<i64: 1000, 128>}, {transform_indices = @transform_6, window_bounds = array<i64: 1000, 512>}, {transform_indices = @transform_7, window_bounds = array<i64: 1000, 128>}, {transform_indices = @transform_8, window_bounds = array<i64: 1000, 128>}, {transform_indices = @transform_9, window_bounds = array<i64: 1000, 128>}, {transform_indices = @transform_10, window_bounds = array<i64: 1000, 128>}]} {
    %get3A = arith.constant 0 : index
    %get3A_0 = arith.constant 0 : index
    %get3A_1 = vector.load %arg1[%get3A, %get3A_0] : memref<1000x1xf32, #tpu.memory_space<vmem>>, vector<1000x1xf32>
    %get3A_2 = arith.constant 0 : index
    %get3A_3 = arith.constant 0 : index
    %get3A_4 = vector.load %arg3[%get3A_2, %get3A_3] : memref<1000x128xf32, #tpu.memory_space<vmem>>, vector<1000x128xf32>
    %get3A_5 = arith.constant 0 : index
    %get3A_6 = arith.constant 0 : index
    %get3A_7 = vector.load %arg4[%get3A_5, %get3A_6] : memref<1000x128xf32, #tpu.memory_space<vmem>>, vector<1000x128xf32>
    %get3A_8 = arith.constant 0 : index
    %get3A_9 = arith.constant 0 : index
    %get3A_10 = vector.load %arg5[%get3A_8, %get3A_9] : memref<1000x128xf32, #tpu.memory_space<vmem>>, vector<1000x128xf32>
    %get3A_11 = arith.constant 0 : index
    %get3A_12 = arith.constant 0 : index
    %get3A_13 = vector.load %arg6[%get3A_11, %get3A_12] : memref<1000x128xf32, #tpu.memory_space<vmem>>, vector<1000x128xf32>
    %concatenate3A = tpu.concatenate %get3A_4, %get3A_7, %get3A_10, %get3A_13 in 1 : vector<1000x128xf32>, vector<1000x128xf32>, vector<1000x128xf32>, vector<1000x128xf32> -> vector<1000x512xf32>
    %mul3A = arith.constant 0.899999976 : f32
    %mul3A_14 = vector.broadcast %mul3A : f32 to vector<1000x1xf32>
    %mul3A_15 = arith.mulf %mul3A_14, %get3A_1 : vector<1000x1xf32>
    %mul3A_16 = vector.broadcast %mul3A_15 : vector<1000x1xf32> to vector<1000x512xf32>
    %mul3A_17 = arith.mulf %mul3A_16, %concatenate3A : vector<1000x512xf32>
    %mul3A_18 = arith.constant 0.899999976 : f32
    %mul3A_19 = vector.broadcast %mul3A_18 : f32 to vector<1000x1xf32>
    %mul3A_20 = arith.mulf %mul3A_19, %get3A_1 : vector<1000x1xf32>
    %mul3A_21 = arith.mulf %mul3A_20, %get3A_1 : vector<1000x1xf32>
    %add3A = arith.constant 1.000000e-01 : f32
    %add3A_22 = vector.broadcast %add3A : f32 to vector<1000x1xf32>
    %add3A_23 = arith.addf %mul3A_21, %add3A_22 : vector<1000x1xf32>
    %get3A_24 = arith.constant 0 : index
    %get3A_25 = arith.constant 0 : index
    %get3A_26 = vector.load %arg2[%get3A_24, %get3A_25] : memref<1000x512xf32, #tpu.memory_space<vmem>>, vector<1000x512xf32>
    %mul3A_27 = vector.broadcast %add3A_23 : vector<1000x1xf32> to vector<1000x512xf32>
    %mul3A_28 = arith.mulf %mul3A_27, %get3A_26 : vector<1000x512xf32>
    %add3A_29 = arith.addf %mul3A_17, %mul3A_28 : vector<1000x512xf32>
    %swap3A = arith.constant 0 : index
    %swap3A_30 = arith.constant 0 : index
    %swap3A_31 = vector.load %arg7[%swap3A, %swap3A_30] : memref<1000x512xf32, #tpu.memory_space<vmem>>, vector<1000x512xf32>
    tpu.vector_store %arg7[%swap3A, %swap3A_30], %add3A_29 {strides = array<i32>} : memref<1000x512xf32, #tpu.memory_space<vmem>>, vector<1000x512xf32>,
    %mul3A_32 = vector.broadcast %get3A_1 : vector<1000x1xf32> to vector<1000x512xf32>
    %mul3A_33 = arith.mulf %mul3A_32, %add3A_29 : vector<1000x512xf32>
    %slice3A = vector.extract_strided_slice %mul3A_33 {offsets = [0, 0], sizes = [1000, 128], strides = [1, 1]} : vector<1000x512xf32> to vector<1000x128xf32>
    %swap3A_34 = arith.constant 0 : index
    %swap3A_35 = arith.constant 0 : index
    %swap3A_36 = vector.load %arg8[%swap3A_34, %swap3A_35] : memref<1000x128xf32, #tpu.memory_space<vmem>>, vector<1000x128xf32>
    tpu.vector_store %arg8[%swap3A_34, %swap3A_35], %slice3A {strides = array<i32>} : memref<1000x128xf32, #tpu.memory_space<vmem>>, vector<1000x128xf32>,
    %slice3A_37 = vector.extract_strided_slice %mul3A_33 {offsets = [0, 128], sizes = [1000, 128], strides = [1, 1]} : vector<1000x512xf32> to vector<1000x128xf32>
    %swap3A_38 = arith.constant 0 : index
    %swap3A_39 = arith.constant 0 : index
    %swap3A_40 = vector.load %arg9[%swap3A_38, %swap3A_39] : memref<1000x128xf32, #tpu.memory_space<vmem>>, vector<1000x128xf32>
    tpu.vector_store %arg9[%swap3A_38, %swap3A_39], %slice3A_37 {strides = array<i32>} : memref<1000x128xf32, #tpu.memory_space<vmem>>, vector<1000x128xf32>,
    %slice3A_41 = vector.extract_strided_slice %mul3A_33 {offsets = [0, 256], sizes = [1000, 128], strides = [1, 1]} : vector<1000x512xf32> to vector<1000x128xf32>
    %swap3A_42 = arith.constant 0 : index
    %swap3A_43 = arith.constant 0 : index
    %swap3A_44 = vector.load %arg10[%swap3A_42, %swap3A_43] : memref<1000x128xf32, #tpu.memory_space<vmem>>, vector<1000x128xf32>
    tpu.vector_store %arg10[%swap3A_42, %swap3A_43], %slice3A_41 {strides = array<i32>} : memref<1000x128xf32, #tpu.memory_space<vmem>>, vector<1000x128xf32>,
    %slice3A_45 = vector.extract_strided_slice %mul3A_33 {offsets = [0, 384], sizes = [1000, 128], strides = [1, 1]} : vector<1000x512xf32> to vector<1000x128xf32>
    %swap3A_46 = arith.constant 0 : index
    %swap3A_47 = arith.constant 0 : index
    %swap3A_48 = vector.load %arg11[%swap3A_46, %swap3A_47] : memref<1000x128xf32, #tpu.memory_space<vmem>>, vector<1000x128xf32>
    tpu.vector_store %arg11[%swap3A_46, %swap3A_47], %slice3A_45 {strides = array<i32>} : memref<1000x128xf32, #tpu.memory_space<vmem>>, vector<1000x128xf32>,
    return
  }
  func.func @transform_0(%arg0: i32) -> (i32, i32) {
    %c0_i32 = arith.constant 0 : i32
    %c0_i32_0 = arith.constant 0 : i32
    return %arg0, %c0_i32 : i32, i32
  }
  func.func @transform_1(%arg0: i32) -> (i32, i32) {
    %c0_i32 = arith.constant 0 : i32
    %c0_i32_0 = arith.constant 0 : i32
    return %arg0, %c0_i32 : i32, i32
  }
  func.func @transform_2(%arg0: i32) -> (i32, i32) {
    %c0_i32 = arith.constant 0 : i32
    %c0_i32_0 = arith.constant 0 : i32
    return %arg0, %c0_i32 : i32, i32
  }
  func.func @transform_3(%arg0: i32) -> (i32, i32) {
    %c0_i32 = arith.constant 0 : i32
    %c0_i32_0 = arith.constant 0 : i32
    return %arg0, %c0_i32 : i32, i32
  }
  func.func @transform_4(%arg0: i32) -> (i32, i32) {
    %c0_i32 = arith.constant 0 : i32
    %c0_i32_0 = arith.constant 0 : i32
    return %arg0, %c0_i32 : i32, i32
  }
  func.func @transform_5(%arg0: i32) -> (i32, i32) {
    %c0_i32 = arith.constant 0 : i32
    %c0_i32_0 = arith.constant 0 : i32
    return %arg0, %c0_i32 : i32, i32
  }
  func.func @transform_6(%arg0: i32) -> (i32, i32) {
    %c0_i32 = arith.constant 0 : i32
    %c0_i32_0 = arith.constant 0 : i32
    return %arg0, %c0_i32 : i32, i32
  }
  func.func @transform_7(%arg0: i32) -> (i32, i32) {
    %c0_i32 = arith.constant 0 : i32
    %c0_i32_0 = arith.constant 0 : i32
    return %arg0, %c0_i32 : i32, i32
  }
  func.func @transform_8(%arg0: i32) -> (i32, i32) {
    %c0_i32 = arith.constant 0 : i32
    %c0_i32_0 = arith.constant 0 : i32
    return %arg0, %c0_i32 : i32, i32
  }
  func.func @transform_9(%arg0: i32) -> (i32, i32) {
    %c0_i32 = arith.constant 0 : i32
    %c0_i32_0 = arith.constant 0 : i32
    return %arg0, %c0_i32 : i32, i32
  }
  func.func @transform_10(%arg0: i32) -> (i32, i32) {
    %c0_i32 = arith.constant 0 : i32
    %c0_i32_0 = arith.constant 0 : i32
    return %arg0, %c0_i32 : i32, i32
  }
}

module attributes {stable_mosaic.version = 14 : i64} {
  func.func @_mix_body(%arg0: i32, %arg1: memref<1000x1xf32, #tpu.memory_space<vmem>>, %arg2: memref<1000x512xf32, #tpu.memory_space<vmem>>, %arg3: memref<1000x128xf32, #tpu.memory_space<vmem>>, %arg4: memref<1000x128xf32, #tpu.memory_space<vmem>>, %arg5: memref<1000x128xf32, #tpu.memory_space<vmem>>, %arg6: memref<1000x128xf32, #tpu.memory_space<vmem>>, %arg7: memref<1000x512xf32, #tpu.memory_space<vmem>>) attributes {dimension_semantics = [#tpu.dimension_semantics<arbitrary>], iteration_bounds = array<i64: 10>, scalar_prefetch = 0 : i64, scratch_operands = 0 : i64, tpu.core_type = #tpu.core_type<tc>, window_params = [{transform_indices = @transform_0, window_bounds = array<i64: 1000, 1>}, {transform_indices = @transform_1, window_bounds = array<i64: 1000, 512>}, {transform_indices = @transform_2, window_bounds = array<i64: 1000, 128>}, {transform_indices = @transform_3, window_bounds = array<i64: 1000, 128>}, {transform_indices = @transform_4, window_bounds = array<i64: 1000, 128>}, {transform_indices = @transform_5, window_bounds = array<i64: 1000, 128>}, {transform_indices = @transform_6, window_bounds = array<i64: 1000, 512>}]} {
    %get3A = arith.constant 0 : index
    %get3A_0 = arith.constant 0 : index
    %get3A_1 = vector.load %arg1[%get3A, %get3A_0] : memref<1000x1xf32, #tpu.memory_space<vmem>>, vector<1000x1xf32>
    %get3A_2 = arith.constant 0 : index
    %get3A_3 = arith.constant 0 : index
    %get3A_4 = vector.load %arg3[%get3A_2, %get3A_3] : memref<1000x128xf32, #tpu.memory_space<vmem>>, vector<1000x128xf32>
    %get3A_5 = arith.constant 0 : index
    %get3A_6 = arith.constant 0 : index
    %get3A_7 = vector.load %arg4[%get3A_5, %get3A_6] : memref<1000x128xf32, #tpu.memory_space<vmem>>, vector<1000x128xf32>
    %get3A_8 = arith.constant 0 : index
    %get3A_9 = arith.constant 0 : index
    %get3A_10 = vector.load %arg5[%get3A_8, %get3A_9] : memref<1000x128xf32, #tpu.memory_space<vmem>>, vector<1000x128xf32>
    %get3A_11 = arith.constant 0 : index
    %get3A_12 = arith.constant 0 : index
    %get3A_13 = vector.load %arg6[%get3A_11, %get3A_12] : memref<1000x128xf32, #tpu.memory_space<vmem>>, vector<1000x128xf32>
    %concatenate3A = tpu.concatenate %get3A_4, %get3A_7, %get3A_10, %get3A_13 in 1 : vector<1000x128xf32>, vector<1000x128xf32>, vector<1000x128xf32>, vector<1000x128xf32> -> vector<1000x512xf32>
    %mul3A = arith.constant 0.899999976 : f32
    %mul3A_14 = vector.broadcast %mul3A : f32 to vector<1000x1xf32>
    %mul3A_15 = arith.mulf %mul3A_14, %get3A_1 : vector<1000x1xf32>
    %mul3A_16 = vector.broadcast %mul3A_15 : vector<1000x1xf32> to vector<1000x512xf32>
    %mul3A_17 = arith.mulf %mul3A_16, %concatenate3A : vector<1000x512xf32>
    %mul3A_18 = arith.constant 0.899999976 : f32
    %mul3A_19 = vector.broadcast %mul3A_18 : f32 to vector<1000x1xf32>
    %mul3A_20 = arith.mulf %mul3A_19, %get3A_1 : vector<1000x1xf32>
    %mul3A_21 = arith.mulf %mul3A_20, %get3A_1 : vector<1000x1xf32>
    %add3A = arith.constant 1.000000e-01 : f32
    %add3A_22 = vector.broadcast %add3A : f32 to vector<1000x1xf32>
    %add3A_23 = arith.addf %mul3A_21, %add3A_22 : vector<1000x1xf32>
    %get3A_24 = arith.constant 0 : index
    %get3A_25 = arith.constant 0 : index
    %get3A_26 = vector.load %arg2[%get3A_24, %get3A_25] : memref<1000x512xf32, #tpu.memory_space<vmem>>, vector<1000x512xf32>
    %mul3A_27 = vector.broadcast %add3A_23 : vector<1000x1xf32> to vector<1000x512xf32>
    %mul3A_28 = arith.mulf %mul3A_27, %get3A_26 : vector<1000x512xf32>
    %add3A_29 = arith.addf %mul3A_17, %mul3A_28 : vector<1000x512xf32>
    %swap3A = arith.constant 0 : index
    %swap3A_30 = arith.constant 0 : index
    %swap3A_31 = vector.load %arg7[%swap3A, %swap3A_30] : memref<1000x512xf32, #tpu.memory_space<vmem>>, vector<1000x512xf32>
    tpu.vector_store %arg7[%swap3A, %swap3A_30], %add3A_29 {strides = array<i32>} : memref<1000x512xf32, #tpu.memory_space<vmem>>, vector<1000x512xf32>,
    return
  }
  func.func @transform_0(%arg0: i32) -> (i32, i32) {
    %c0_i32 = arith.constant 0 : i32
    %c0_i32_0 = arith.constant 0 : i32
    return %arg0, %c0_i32 : i32, i32
  }
  func.func @transform_1(%arg0: i32) -> (i32, i32) {
    %c0_i32 = arith.constant 0 : i32
    %c0_i32_0 = arith.constant 0 : i32
    return %arg0, %c0_i32 : i32, i32
  }
  func.func @transform_2(%arg0: i32) -> (i32, i32) {
    %c0_i32 = arith.constant 0 : i32
    %c0_i32_0 = arith.constant 0 : i32
    return %arg0, %c0_i32 : i32, i32
  }
  func.func @transform_3(%arg0: i32) -> (i32, i32) {
    %c0_i32 = arith.constant 0 : i32
    %c0_i32_0 = arith.constant 0 : i32
    return %arg0, %c0_i32 : i32, i32
  }
  func.func @transform_4(%arg0: i32) -> (i32, i32) {
    %c0_i32 = arith.constant 0 : i32
    %c0_i32_0 = arith.constant 0 : i32
    return %arg0, %c0_i32 : i32, i32
  }
  func.func @transform_5(%arg0: i32) -> (i32, i32) {
    %c0_i32 = arith.constant 0 : i32
    %c0_i32_0 = arith.constant 0 : i32
    return %arg0, %c0_i32 : i32, i32
  }
  func.func @transform_6(%arg0: i32) -> (i32, i32) {
    %c0_i32 = arith.constant 0 : i32
    %c0_i32_0 = arith.constant 0 : i32
    return %arg0, %c0_i32 : i32, i32
  }
}

</mosaic_0001>

<sc_bundles>
// kernel: kernel.12.cloned.1.call-start
scs
__scs_entry_jumppad:
0x0: {  	(pc) =	sbr.rel $0x88, $3  }
0x1: {  	(tag) =	ssettag $0x0;
	lr =	simm.s32 $0x1  }
0x2: {  	[smem:$0x3F9D] =	sst lr;
	_ =	strace $0xD0000000  }
0x3: {  	_ = 	snop  }
0x4: {  	_ = 	snop  }
0x5: {  	_ = 	snop  }
0x6: {  	_ = 	snop  }
0x7: {  	_ = 	snop  }
__scs_overlays_trampoline_lowered:
0x8: {  	[smem:$0x3FAC] =	sst s0  }
0x9: {  	[smem:$0x3FAD] =	sst s1  }
0xa: {  	[smem:$0x3FAE] =	sst s2  }
0xb: {  	[smem:$0x3FAF] =	sst s3  }
0xc: {  	[smem:$0x3FB0] =	sst s4  }
0xd: {  	[smem:$0x3FB1] =	sst s5  }
0xe: {  	[smem:$0x3FB2] =	sst s6  }
0xf: {  	[smem:$0x3FB3] =	sst s7  }
0x10: {  	[smem:$0x3FB4] =	sst s8  }
0x11: {  	[smem:$0x3FB5] =	sst s9;
	s0 =	simm.s32 @!p0 $0x0  }
0x12: {  	s1 =	sld [smem:$0x3F9B];
	s0 =	simm.s32 @p0 $0x1  }
0x13: {  	[smem:$0x3FB6] =	sst s0;
	s0 =	simm.s32 @!p1 $0x0  }
0x14: {  	s2 =	sld [smem:$0x3F9A];
	s0 =	simm.s32 @p1 $0x1  }
0x15: {  	[smem:$0x3FB7] =	sst s0;
	s0 =	simm.s32 @!p2 $0x0  }
0x16: {  	s3 =	sld [smem:$0x3FDB];
	s0 =	simm.s32 @p2 $0x1  }
0x17: {  	s4 =	simm.s32 $0x1BF5;
	[smem:$0x3FB9] =	sst s0  }
0x18: {  	s0 =	sld [smem:$0x3F9C];
	_ =	swait.ge [sflag:s4], $0x0  }
0x19: {  	s7 =	sld [smem:$0x3F9D]  }
0x1a: {  	s8 =	sadd.s32 $0xFFFFE003, lr  }
0x1b: {  	s9 =	sadd.s32 $0xFFFFFEF7, lr;
	s5 =	simm.s32 $0xFFFFFFFF;
	p2 =	slt.u32 s8, $0xFFFFF086  }
0x1c: {  	p1 =	slt.u32 s9, $0xF7A;
	s5 =	simm.s32 @!p2 $0x0  }
0x1d: {  	s5 =	simm.s32 @p1 $0x1;
	p0 =	seq.s32 s7, s2  }
0x1e: {  	s7 =	smul.u32 @!p0 $0xF7A, s2;
	p2 =	seq.s32 @!p0 s5, $0x0  }
0x1f: {  	s9 =	smul.u32 $0xF7A, s1;
	s8 =	simm.s32 @!p0 $0x1BF5;
	p2 =	por !p2, p0  }
0x20: {  	[sflag:s8] =	ssyncset.s32 @!p0 $0xFFFFF086;
	s6 =	sadd.s32 @!p0 s3, s7;
	s7 =	simm.s32 @!p0 $0x108  }
0x21: {  	s3 =	sadd.s32 s3, s9;
	s6 =	sadd.s32 @!p0 $0x88, s6;
	s7 =	simm.s32 @p2 $0x1082  }
0x22: {  	[simem:s7], [sflag:s8] =	dma.local @!p0 [hbm:s6], $0xF7A  }
0x23: {  	s9 =	sor.u32 $0xD0000000, s2;
	s6 =	simm.s32 $0x108;
	_ =	swait.ge @!p0 [sflag:s8], $0x0  }
0x24: {  	s3 =	sadd.s32 $0x88, s3;
	s6 =	simm.s32 @!p1 $0x1082;
	[sflag:s4] =	ssyncset.s32 $0xFFFFF086  }
0x25: {  	[simem:s6], [sflag:s4] =	dma.local [hbm:s3], $0xF7A  }
0x26: {  	[smem:$0x3F9D] =	sst s1;
	(tag) =	ssettag s2;
	_ =	strace s9  }
0x27: {  	s1 =	sld [smem:$0x3FAD]  }
0x28: {  	s2 =	sld [smem:$0x3FAE]  }
0x29: {  	s4 =	sld [smem:$0x3FB0]  }
0x2a: {  	p0 =	seq.s32 s5, $0x0;
	s5 =	sld [smem:$0x3FB1]  }
0x2b: {  	s6 =	sld [smem:$0x3FB2]  }
0x2c: {  	s7 =	sld [smem:$0x3FB3]  }
0x2d: {  	s3 =	simm.s32 $0x108;
	s8 =	sld [smem:$0x3FB4]  }
0x2e: {  	s3 =	simm.s32 @!p0 $0x1082;
	s9 =	sld [smem:$0x3FB5]  }
0x2f: {  	lr =	sadd.s32 s0, s3;
	s0 =	sld [smem:$0x3FAC]  }
0x30: {  	s3 =	sld [smem:$0x3FAF]  }
0x31: {  	[smem:$0x3FB8] =	sst s10  }
0x32: {  	s10 =	sld [smem:$0x3FB6];
	_ =	sdelay $0x3  }
0x33: {  	p0 =	seq.s32 s10, $0x1;
	s10 =	sld [smem:$0x3FB8];
	_ =	sdelay $0x3  }
0x34: {  	[smem:$0x3FB8] =	sst s10  }
0x35: {  	s10 =	sld [smem:$0x3FB7];
	_ =	sdelay $0x3  }
0x36: {  	p1 =	seq.s32 s10, $0x1;
	s10 =	sld [smem:$0x3FB8];
	_ =	sdelay $0x3  }
0x37: {  	[smem:$0x3FB8] =	sst s10  }
0x38: {  	s10 =	sld [smem:$0x3FB9]  }
0x39: {  	_ = 	snop;
	(pc) =	sbr.ind lr, $3  }
0x3a: {  	_ = 	snop  }
0x3b: {  	_ = 	snop  }
0x3c: {  	p2 =	seq.s32 s10, $0x1;
	s10 =	sld [smem:$0x3FB8]  }
0x3d: {  	_ =	shalt  }
0x3e: {  	_ =	shalt  }
0x3f: {  	_ =	shalt  }
0x40: {  	_ =	shalt  }
0x41: {  	_ =	shalt  }
0x42: {  	_ =	shalt  }
0x43: {  	_ =	shalt  }
0x44: {  	_ =	shalt  }
0x45: {  	_ =	shalt  }
0x46: {  	_ =	shalt  }
0x47: {  	_ =	shalt  }
0x48: {  	_ =	shalt  }
0x49: {  	_ =	shalt  }
0x4a: {  	_ =	shalt  }
0x4b: {  	_ =	shalt  }
0x4c: {  	_ =	shalt  }
0x4d: {  	_ =	shalt  }
0x4e: {  	_ =	shalt  }
0x4f: {  	_ =	shalt  }
0x50: {  	_ =	shalt  }
0x51: {  	_ =	shalt  }
0x52: {  	_ =	shalt  }
0x53: {  	_ =	shalt  }
0x54: {  	_ =	shalt  }
0x55: {  	_ =	shalt  }
0x56: {  	_ =	shalt  }
0x57: {  	_ =	shalt  }
0x58: {  	_ =	shalt  }
0x59: {  	_ =	shalt  }
0x5a: {  	_ =	shalt  }
0x5b: {  	_ =	shalt  }
0x5c: {  	_ =	shalt  }
0x5d: {  	_ =	shalt  }
0x5e: {  	_ =	shalt  }
0x5f: {  	_ =	shalt  }
0x60: {  	_ =	shalt  }
0x61: {  	_ =	shalt  }
0x62: {  	_ =	shalt  }
0x63: {  	_ =	shalt  }
0x64: {  	_ =	shalt  }
0x65: {  	_ =	shalt  }
0x66: {  	_ =	shalt  }
0x67: {  	_ =	shalt  }
0x68: {  	_ =	shalt  }
0x69: {  	_ =	shalt  }
0x6a: {  	_ =	shalt  }
0x6b: {  	_ =	shalt  }
0x6c: {  	_ =	shalt  }
0x6d: {  	_ =	shalt  }
0x6e: {  	_ =	shalt  }
0x6f: {  	_ =	shalt  }
0x70: {  	_ =	shalt  }
0x71: {  	_ =	shalt  }
0x72: {  	_ =	shalt  }
0x73: {  	_ =	shalt  }
0x74: {  	_ =	shalt  }
0x75: {  	_ =	shalt  }
0x76: {  	_ =	shalt  }
0x77: {  	_ =	shalt  }
0x78: {  	_ =	shalt  }
0x79: {  	_ =	shalt  }
0x7a: {  	_ =	shalt  }
0x7b: {  	_ =	shalt  }
0x7c: {  	_ =	shalt  }
0x7d: {  	_ =	shalt  }
0x7e: {  	_ =	shalt  }
0x7f: {  	_ =	shalt  }
0x80: {  	_ =	shalt  }
0x81: {  	_ =	shalt  }
0x82: {  	_ =	shalt  }
0x83: {  	_ =	shalt  }
0x84: {  	_ =	shalt  }
0x85: {  	_ =	shalt  }
0x86: {  	_ =	shalt  }
0x87: {  	_ =	shalt  }
.Lfunc_end0:
.L_simem_size_0:
called_computation.1_lowered:
.L_overlay_start_0:
0x88: {  	s2 =	sld [smem:$0x3FD9]  }
0x89: {  	s3 =	sld [smem:$0x3FFE];
	_ =	sdelay $0x1  }
0x8a: {  	s1 =	srdreg.scid  }
0x8b: {  	s0 =	sand.u32 $0x1, s1  }
0x8c: {  	s14 =	sshll.u32 s0, $0xA;
	s2 =	sadd.s32 s3, s2  }
0x8d: {  	s2 =	sadd.s32 s2, s14  }
0x8e: {  	[smem:$0x3FC4] =	sst s2  }
0x8f: {  	_ = 	snop  }
0x90: {  	s2 =	sld [smem:$0x3FD0];
	_ =	sdelay $0x2  }
0x91: {  	s15 =	simm.s32 $0xA;
	s4 =	simm.s32 $0x10  }
0x92: {  	[smem:s4], [sflag:s15] =	dma.local [hbm:s2], $0x1  }
0x93: {  	_ =	swait.eq [sflag:s15], $0x1  }
0x94: {  	[sflag:s15] =	ssyncset.done $0x0  }
0x95: {  	[sflag:s15] =	ssyncadd.s32 $0xFFFFFFFF  }
0x96: {  	s16 =	sld [smem:$0x10];
	(tm) =	ssettm $0x1  }
0x97: {  	s17 =	sld [smem:$0x3FFB];
	_ =	sdelay $0x3  }
0x98: {  	_ =	strace s17  }
0x99: {  	s3 =	sld [smem:$0x3FFC];
	_ =	sdelay $0x3  }
0x9a: {  	_ =	strace s3  }
0x9b: {  	s3 =	sld [smem:$0x3FFD];
	_ =	sdelay $0x3  }
0x9c: {  	_ =	strace s3  }
0x9d: {  	_ =	strace $0x8FFFFFFF  }
0x9e: {  	s18 =	sld [smem:$0x3FDB];
	_ =	sdelay $0x1  }
0x9f: {  	s19 =	simm.s32 $_scs_section_size  }
0xa0: {  	s5 =	simm.s32 $_size__tile_overlayer_lowered;
	s6 =	simm.s32 $_tile_overlayer_lowered  }
0xa1: {  	s22 =	simm.s32 $0x1BFF;
	s21 =	sshll.u32 s6, $0x1;
	s3 =	sadd.s32 s19, s18  }
0xa2: {  	s7 =	simm.s32 $0x0;
	s20 =	sshll.u32 s5, $0x1;
	s5 =	sadd.s32 s21, s3  }
0xa3: {  	[timem:s7], [sflag:s22] =	dma.local [hbm:s5], s20  }
0xa4: {  	_ =	swait.ge [sflag:s22], s20  }
0xa5: {  	s4 =	ssub.s32 $0x0, s20;
	[sflag:s22] =	ssyncset.done $0x0  }
0xa6: {  	[sflag:s22] =	ssyncadd.s32 s4;
	_ =	sdelay $0x1  }
0xa7: {  	s23 =	simm.s32 $0x1B8B  }
0xa8: {  	_ =	swait.ge [sflag:s23], $0x1  }
0xa9: {  	[sflag:s23] =	ssyncset.done $0x0  }
0xaa: {  	s25 =	simm.s32 $0x1B8E;
	s24 =	sld [smem:$0x3FFE];
	[sflag:s23] =	ssyncadd.s32 $0xFFFFFFFF  }
0xab: {  	s26 =	simm.s32 $execute0_lowered;
	[smem:$0x3FD2] =	sst s25  }
0xac: {  	s5 =	sshll.u32 s26, $0x1;
	_ =	strace $0x80000049;
	[dreg:$0x1] =	wrdreg $0xFFFFFFFF  }
0xad: {  	s28 =	simm.s32 $_size_execute0_lowered;
	s3 =	sadd.s32 s3, s5;
	[dreg:$0x0] =	wrdreg $0x0  }
0xae: {  	s5 =	sshll.u32 s28, $0x1;
	[dreg:$0x2] =	wrdreg s3  }
0xaf: {  	[dreg:$0x3] =	wrdreg s5  }
0xb0: {  	[dreg:$0x4] =	wrdreg $0xC0  }
0xb1: {  	_ =	task [dreg:s7], $0x5FFFF  }
0xb2: {  	[dreg:$0x1] =	wrdreg $0xFFFFFFFF  }
0xb3: {  	[dreg:$0x0] =	wrdreg $0x60  }
0xb4: {  	[dreg:$0x2] =	wrdreg s24  }
0xb5: {  	[dreg:$0x3] =	wrdreg s16  }
0xb6: {  	[dreg:$0x4] =	wrdreg $0xB7800  }
0xb7: {  	[dreg:$0x5] =	wrdreg $0x9  }
0xb8: {  	_ =	task.clear_ibuf [dreg:s7], $0x6FFFF;
	_ =	strace $0x90000049  }
0xb9: {  	s29 =	simm.s32 $0x9;
	_ =	strace $0x8000004B  }
0xba: {  	_ =	swait.ge [sflag:s29], $0x1  }
0xbb: {  	[sflag:s29] =	ssyncadd.s32 $0xFFFFFFFF  }
0xbc: {  	_ =	strace $0x9000004B  }
0xbd: {  	_ =	sfence  }
0xbe: {  	s30 =	sld [smem:$0x0];
	_ =	sdelay $0x2  }
0xbf: {  	s31 =	sshll.u32 s1, $0xD;
	s1 =	sshrl.u32 s1, $0x2  }
0xc0: {  	s3 =	sand.u32 $0x4000, s31;
	s1 =	sadd.s32 s1, s30  }
0xc1: {  	s0 =	sor.u32 s3, s0;
	s1 =	sshll.u32 s1, $0x11  }
0xc2: {  	s0 =	sor.u32 s1, s0  }
0xc3: {  	s0 =	sadd.s32 $0x8F2B, s0  }
0xc4: {  	[sflag:s0] =	ssyncadd.remote.s32 $0x1  }
0xc5: {  	_ =	sfence.sel $0xFFFF  }
0xc6: {  	[dreg:$0x0] =	wrdreg $0xFFFFFFFF;
	(pc) =	sbr.abs _section_cstart, $3  }
0xc7: {  	[dreg:$0x1] =	wrdreg $0xFFFFFFFF  }
0xc8: {  	_ =	task.clear_ibuf [dreg:s7], $0x2FFFF;
	_ =	strace $0x9FFFFFFF  }
0xc9: {  	(tm) =	ssettm $0x7FFFFFFF  }
tec
execute0_lowered:
.L_overlay_start_1:
0x0: {  	(tag) =	ssettag $0x1  }
0x1: {  	s0 =	rddreg [dreg:$0x0]  }
0x2: {  	s9 =	rddreg [dreg:$0x1]  }
0x3: {  	s2 =	rddreg [dreg:$0x2];
	s1 =	stileid.u32;
	s3 =	simm.s32 $0x0  }
0x4: {  	s11 =	srdreg.scid;
	s28 =	simm.s32 $0x50;
	s29 =	simm.s32 $0x1  }
0x5: {  	s30 =	simm.s32 $0x8F80;
	s31 =	simm.s32 $0x2;
	s4 =	smul.u32 $0x4E2, s1  }
0x6: {  	[smem:$0x7FF] =	sst s3;
	s21 =	sshll.u32 s1, $0xB;
	s5 =	sadd.s32 $0x8C800, s0  }
0x7: {  	s6 =	sadd.s32 $0xB3A00, s0;
	s7 =	smul.u32 $0x2780, s1;
	s8 =	sadd.s32 $0x65600, s0  }
0x8: {  	s14 =	sand.u32 $0x1, s11;
	s22 =	smul.u32 $0x4E200, s1;
	s23 =	sadd.s32 $0x101E00, s0  }
0x9: {  	_ =	strace $0x8000004A;
	s13 =	sadd.s32 s21, s0;
	[dreg:$0x4] =	wrdreg s23  }
0xa: {  	s12 =	ssub.s32 $0x2, s14;
	p0 =	seq.s32 s14, $0x1;
	s10 =	sadd.s32 s4, s0  }
0xb: {  	s4 =	sadd.s32 $0x17400, s0;
	s15 =	sadd.s32 s7, s0;
	s0 =	sadd.s32 $0x150E00, s0  }
0xc: {  	s24 =	sshrl.u32 s12, $0x1;
	s16 =	sshrl.u32 s22, $0x2;
	s13 =	sadd.s32 $0xF400, s13  }
0xd: {  	s25 =	sadd.s32 s9, s7;
	[dreg:$0x5] =	wrdreg s0;
	s0 =	ssub.s32 s12, s24  }
0xe: {  	s11 =	sadd.s32 $0x5400, s10;
	s12 =	sadd.s32 s16, s2;
	[dreg:$0x6] =	wrdreg s25  }
.Ltmp0:
0xf: {  	s26 =	sadd.s32 $0x129600, s15;
	s24 =	simm.s32 $0x3;
	(pc) =	sbr.rel .LBB2_1-.Ltmp0, $4  }
0x10: {  	s25 =	simm.s32 $0x0;
	s14 =	sadd.s32 $0x11800, s12;
	[dreg:$0x7] =	wrdreg s26  }
0x11: {  	s17 =	smax.u32 s0, $0x1;
	s18 =	sadd.s32 $0x2800, s12;
	s19 =	sadd.s32 $0x5000, s12  }
0x12: {  	s20 =	sadd.s32 $0x7800, s12;
	s21 =	sadd.s32 $0xA000, s12;
	s22 =	sadd.s32 $0xC800, s12  }
0x13: {  	v0 =	vimm.f32 $0.0e+00;
	s23 =	sadd.s32 $0xF000, s12;
	s26 =	simm.s32 $0x6780;
	s0 =	simm.s32 $0x6580  }
.LBB2_17:
0x14: {  	[sflag:s24] =	ssyncadd.s32 $0xFFFFD800;
	s10 =	rddreg [dreg:$0x5]  }
.LBB2_18:
0x15: {  	_ =	swait.ge [sflag:s29], $0x2800  }
0x16: {  	[sflag:s29] =	ssyncset.done $0x0  }
0x17: {  	[sflag:s29] =	ssyncadd.s32 $0xFFFFD800  }
0x18: {  	[spmem:s2] =	stream.indirect.scatter.add.f32 [tilespmem:s26], [sflag:$0x3], $0x80, s0, s28, $0xb8;
	[tilespmem:$0x1F000] =	vst v63  }
0x19: {  	_ =	swait.ge [sflag:s24], $0x2800  }
0x1a: {  	s25 =	sadd.s32 $0x1, s25;
	[sflag:s24] =	ssyncset.done $0x0  }
0x1b: {  	s1 =	sadd.s32 s10, s7;
	p1 =	sne.s32 s25, s17;
	[sflag:s24] =	ssyncadd.s32 $0xFFFFD800  }
.Ltmp1:
0x1c: {  	s16 =	sshrl.u32 s12, $0x3;
	[bflag:$0x0] =	sbarrier.arrive $0xFFFF;
	(pc) =	sbr.rel @!p1 .LBB2_19-.Ltmp1, $4  }
0x1d: {  	[hbm:s1], [sflag:s9] =	dma.local [spmem:s16], $0x2710  }
0x1e: {  	_ =	swait.ge [sflag:s24], $0x2710  }
0x1f: {  	[sflag:s24] =	ssyncset.done $0x0  }
0x20: {  	[sflag:s24] =	ssyncadd.s32 $0xFFFFD8F0  }
.LBB2_1:
0x21: {  	[tilespmem:s3], [sflag:$0x3] =	stream.linear.gather [hbm4b:s11+s3], $0x2710, $0x38;
	[tilespmem:$0x1F000] =	vst v63  }
0x22: {  	_ =	swait.ge [sflag:s24], $0x2710  }
0x23: {  	[sflag:s24] =	ssyncset.done $0x0  }
.Ltmp2:
0x24: {  	s1 =	simm.s32 $0x2780;
	[sflag:s24] =	ssyncadd.s32 $0xFFFFD8F0;
	(pc) =	sbr.rel @!p0 .LBB2_2-.Ltmp2, $4  }
0x25: {  	[tilespmem:s1], [sflag:$0x3] =	stream.linear.gather [hbm4b:s13+s3], $0x3E80, $0x38;
	[tilespmem:$0x1F000] =	vst v63  }
0x26: {  	_ =	swait.ge [sflag:s24], $0x3E80  }
0x27: {  	[sflag:s24] =	ssyncset.done $0x0  }
0x28: {  	s9 =	sshra.s32 s3, $0x2;
	s10 =	sadd.s32 $0x200, s3;
	[sflag:s24] =	ssyncadd.s32 $0xFFFFC180  }
.LBB2_10:
0x29: {  	p1 =	sne.s32 s10, $0x9E00;
	[tilespmem:s9+$0x67F0] =	vst v0  }
0x2a: {  	[tilespmem:s9+$0x6780] =	vst v0  }
0x2b: {  	[tilespmem:s9+$0x6790] =	vst v0  }
.Ltmp3:
0x2c: {  	[tilespmem:s9+$0x67A0] =	vst v0;
	(pc) =	sbr.rel @p1 .LBB2_10-.Ltmp3, $4  }
0x2d: {  	[tilespmem:s9+$0x67B0] =	vst v0  }
0x2e: {  	[tilespmem:s9+$0x67C0] =	vst v0  }
0x2f: {  	[tilespmem:s9+$0x67D0] =	vst v0  }
0x30: {  	[tilespmem:s9+$0x67E0] =	vst v0;
	s9 =	sshra.s32 s10, $0x2;
	s10 =	sadd.s32 $0x200, s10  }
0x31: {  	[tilespmem:s9+$0x67F0] =	vst v0  }
0x32: {  	[tilespmem:s9+$0x6780] =	vst v0  }
0x33: {  	[tilespmem:s9+$0x6790] =	vst v0  }
0x34: {  	[tilespmem:s9+$0x67A0] =	vst v0  }
0x35: {  	[tilespmem:s9+$0x67B0] =	vst v0  }
0x36: {  	[tilespmem:s9+$0x67C0] =	vst v0  }
0x37: {  	[tilespmem:s9+$0x67D0] =	vst v0  }
0x38: {  	[tilespmem:s9+$0x67E0] =	vst v0  }
0x39: {  	[spmem:s12] =	stream.linear.scatter [tilespmem:s26], [sflag:$0x3], $0x2800, $0x38;
	[tilespmem:$0x1F000] =	vst v63  }
0x3a: {  	_ =	swait.ge [sflag:s24], $0x2800  }
0x3b: {  	[sflag:s24] =	ssyncset.done $0x0  }
0x3c: {  	[sflag:s24] =	ssyncadd.s32 $0xFFFFD800  }
0x3d: {  	[spmem:s18] =	stream.linear.scatter [tilespmem:s26], [sflag:$0x3], $0x2800, $0x38;
	[tilespmem:$0x1F000] =	vst v63  }
0x3e: {  	_ =	swait.ge [sflag:s24], $0x2800  }
0x3f: {  	[sflag:s24] =	ssyncset.done $0x0  }
0x40: {  	[sflag:s24] =	ssyncadd.s32 $0xFFFFD800  }
0x41: {  	[spmem:s19] =	stream.linear.scatter [tilespmem:s26], [sflag:$0x3], $0x2800, $0x38;
	[tilespmem:$0x1F000] =	vst v63  }
0x42: {  	_ =	swait.ge [sflag:s24], $0x2800  }
0x43: {  	[sflag:s24] =	ssyncset.done $0x0  }
0x44: {  	[sflag:s24] =	ssyncadd.s32 $0xFFFFD800  }
0x45: {  	[spmem:s20] =	stream.linear.scatter [tilespmem:s26], [sflag:$0x3], $0x2800, $0x38;
	[tilespmem:$0x1F000] =	vst v63  }
0x46: {  	_ =	swait.ge [sflag:s24], $0x2800  }
0x47: {  	[sflag:s24] =	ssyncset.done $0x0  }
0x48: {  	[sflag:s24] =	ssyncadd.s32 $0xFFFFD800  }
0x49: {  	[spmem:s21] =	stream.linear.scatter [tilespmem:s26], [sflag:$0x3], $0x2800, $0x38;
	[tilespmem:$0x1F000] =	vst v63  }
0x4a: {  	_ =	swait.ge [sflag:s24], $0x2800  }
0x4b: {  	[sflag:s24] =	ssyncset.done $0x0  }
0x4c: {  	[sflag:s24] =	ssyncadd.s32 $0xFFFFD800  }
0x4d: {  	[spmem:s22] =	stream.linear.scatter [tilespmem:s26], [sflag:$0x3], $0x2800, $0x38;
	[tilespmem:$0x1F000] =	vst v63  }
0x4e: {  	_ =	swait.ge [sflag:s24], $0x2800  }
0x4f: {  	[sflag:s24] =	ssyncset.done $0x0  }
0x50: {  	[sflag:s24] =	ssyncadd.s32 $0xFFFFD800  }
0x51: {  	[spmem:s23] =	stream.linear.scatter [tilespmem:s26], [sflag:$0x3], $0x2800, $0x38;
	[tilespmem:$0x1F000] =	vst v63  }
0x52: {  	_ =	swait.ge [sflag:s24], $0x2800  }
0x53: {  	[sflag:s24] =	ssyncset.done $0x0  }
0x54: {  	[sflag:s24] =	ssyncadd.s32 $0xFFFFD800  }
0x55: {  	[spmem:s14] =	stream.linear.scatter [tilespmem:s26], [sflag:$0x3], $0x2080, $0x38;
	[tilespmem:$0x1F000] =	vst v63  }
0x56: {  	_ =	swait.ge [sflag:s24], $0x2080  }
0x57: {  	[sflag:s24] =	ssyncset.done $0x0  }
0x58: {  	[sflag:s24] =	ssyncadd.s32 $0xFFFFDF80  }
0x59: {  	s1 =	simm.s32 $0x0;
	[bflag:$0x0] =	sbarrier.arrive $0xFFFF  }
0x5a: {  	[tilespmem:s26], [sflag:$0x1] =	stream.indirect.gather [hbm4b:s6+s28], $0x80, s1, s28, $0xb8;
	[tilespmem:$0x1F000] =	vst v63  }
0x5b: {  	_ =	swait.ge [sflag:s29], $0x2800  }
0x5c: {  	[sflag:s29] =	ssyncset.done $0x0  }
0x5d: {  	s10 =	simm.s32 $0x50;
	[sflag:s29] =	ssyncadd.s32 $0xFFFFD800  }
0x5e: {  	[tilespmem:s30], [sflag:$0x2] =	stream.indirect.gather [hbm4b:s6+s28], $0x80, s10, s28, $0xb8;
	[tilespmem:$0x1F000] =	vst v63  }
0x5f: {  	s15 =	simm.s32 $0x2780  }
0x60: {  	[spmem:s2] =	stream.indirect.scatter.add.f32 [tilespmem:s26], [sflag:$0x3], $0x80, s15, s28, $0xb8;
	[tilespmem:$0x1F000] =	vst v63  }
0x61: {  	_ =	swait.ge [sflag:s24], $0x2800  }
0x62: {  	[sflag:s24] =	ssyncset.done $0x0  }
0x63: {  	s9 =	simm.s32 $0xA0;
	[sflag:s24] =	ssyncadd.s32 $0xFFFFD800  }
0x64: {  	[tilespmem:s26], [sflag:$0x1] =	stream.indirect.gather [hbm4b:s6+s28], $0x80, s9, s28, $0xb8;
	[tilespmem:$0x1F000] =	vst v63  }
0x65: {  	_ =	swait.ge [sflag:s31], $0x2800  }
0x66: {  	[sflag:s31] =	ssyncset.done $0x0  }
0x67: {  	s16 =	simm.s32 $0x2800;
	[sflag:s31] =	ssyncadd.s32 $0xFFFFD800  }
0x68: {  	[spmem:s2] =	stream.indirect.scatter.add.f32 [tilespmem:s30], [sflag:$0x3], $0x80, s16, s28, $0xb8;
	[tilespmem:$0x1F000] =	vst v63  }
0x69: {  	_ =	swait.ge [sflag:s24], $0x2800  }
0x6a: {  	s10 =	simm.s32 $0x400;
	[sflag:s24] =	ssyncset.done $0x0  }
.LBB2_12:
0x6b: {  	p1 =	sne.s32 s10, $0xF400;
	[sflag:s24] =	ssyncadd.s32 $0xFFFFD800;
	s9 =	sadd.s32 $0xA0, s9  }
0x6c: {  	s1 =	smov.u32 s10;
	s10 =	sadd.s32 $0x400, s10;
	_ =	swait.ge [sflag:s29], $0x2800  }
0x6d: {  	[sflag:s29] =	ssyncset.done $0x0  }
0x6e: {  	s15 =	sadd.s32 $0xFFFFFFB0, s9;
	s1 =	sshra.s32 s1, $0x2;
	[sflag:s29] =	ssyncadd.s32 $0xFFFFD800  }
0x6f: {  	[tilespmem:s30], [sflag:$0x2] =	stream.indirect.gather [hbm4b:s6+s28], $0x80, s15, s28, $0xb8;
	[tilespmem:$0x1F000] =	vst v63  }
0x70: {  	s15 =	sadd.s32 $0x2780, s1  }
0x71: {  	[spmem:s2] =	stream.indirect.scatter.add.f32 [tilespmem:s26], [sflag:$0x3], $0x80, s15, s28, $0xb8;
	[tilespmem:$0x1F000] =	vst v63  }
0x72: {  	_ =	swait.ge [sflag:s24], $0x2800  }
0x73: {  	[sflag:s24] =	ssyncset.done $0x0  }
0x74: {  	[sflag:s24] =	ssyncadd.s32 $0xFFFFD800  }
0x75: {  	[tilespmem:s26], [sflag:$0x1] =	stream.indirect.gather [hbm4b:s6+s28], $0x80, s9, s28, $0xb8;
	[tilespmem:$0x1F000] =	vst v63  }
0x76: {  	_ =	swait.ge [sflag:s31], $0x2800  }
.Ltmp4:
0x77: {  	[sflag:s31] =	ssyncset.done $0x0;
	(pc) =	sbr.rel @p1 .LBB2_12-.Ltmp4, $4  }
0x78: {  	s1 =	sadd.s32 $0x2800, s1;
	[sflag:s31] =	ssyncadd.s32 $0xFFFFD800  }
0x79: {  	[spmem:s2] =	stream.indirect.scatter.add.f32 [tilespmem:s30], [sflag:$0x3], $0x80, s1, s28, $0xb8;
	[tilespmem:$0x1F000] =	vst v63  }
0x7a: {  	_ =	swait.ge [sflag:s24], $0x2800  }
0x7b: {  	[sflag:s24] =	ssyncset.done $0x0  }
0x7c: {  	[sflag:s24] =	ssyncadd.s32 $0xFFFFD800  }
0x7d: {  	_ =	swait.ge [sflag:s29], $0x2800  }
0x7e: {  	[sflag:s29] =	ssyncset.done $0x0  }
0x7f: {  	[sflag:s29] =	ssyncadd.s32 $0xFFFFD800  }
0x80: {  	[spmem:s2] =	stream.indirect.scatter.add.f32 [tilespmem:s26], [sflag:$0x3], $0x80, s0, s28, $0xb8;
	[tilespmem:$0x1F000] =	vst v63  }
0x81: {  	_ =	swait.ge [sflag:s24], $0x2800  }
0x82: {  	[sflag:s24] =	ssyncset.done $0x0  }
0x83: {  	s1 =	stileid.u32;
	[sflag:s24] =	ssyncadd.s32 $0xFFFFD800  }
0x84: {  	s1 =	sshll.u32 s1, $0x6;
	[bflag:$0x0] =	sbarrier.arrive $0xFFFF  }
0x85: {  	s16 =	sshrl.u32 s12, $0x3;
	s9 =	sor.u32 $0x1C03, s1;
	s10 =	rddreg [dreg:$0x7]  }
0x86: {  	[hbm:s10], [sflag:s9] =	dma.local [spmem:s16], $0x2710  }
0x87: {  	_ =	swait.ge [sflag:s24], $0x2710  }
0x88: {  	[sflag:s24] =	ssyncset.done $0x0  }
0x89: {  	s15 =	simm.s32 $0x200;
	s10 =	simm.s32 $0x0;
	[sflag:s24] =	ssyncadd.s32 $0xFFFFD8F0  }
.LBB2_14:
0x8a: {  	p1 =	sne.s32 s15, $0x9E00;
	[tilespmem:s10+$0x67F0] =	vst v0  }
0x8b: {  	[tilespmem:s10+$0x6780] =	vst v0  }
0x8c: {  	[tilespmem:s10+$0x6790] =	vst v0  }
.Ltmp5:
0x8d: {  	[tilespmem:s10+$0x67A0] =	vst v0;
	(pc) =	sbr.rel @p1 .LBB2_14-.Ltmp5, $4  }
0x8e: {  	[tilespmem:s10+$0x67B0] =	vst v0  }
0x8f: {  	[tilespmem:s10+$0x67C0] =	vst v0  }
0x90: {  	[tilespmem:s10+$0x67D0] =	vst v0  }
0x91: {  	[tilespmem:s10+$0x67E0] =	vst v0;
	s10 =	sshra.s32 s15, $0x2;
	s15 =	sadd.s32 $0x200, s15  }
0x92: {  	[tilespmem:s10+$0x67F0] =	vst v0  }
0x93: {  	[tilespmem:s10+$0x6780] =	vst v0  }
0x94: {  	[tilespmem:s10+$0x6790] =	vst v0  }
0x95: {  	[tilespmem:s10+$0x67A0] =	vst v0  }
0x96: {  	[tilespmem:s10+$0x67B0] =	vst v0  }
0x97: {  	[tilespmem:s10+$0x67C0] =	vst v0  }
0x98: {  	[tilespmem:s10+$0x67D0] =	vst v0  }
0x99: {  	[tilespmem:s10+$0x67E0] =	vst v0  }
0x9a: {  	[spmem:s12] =	stream.linear.scatter [tilespmem:s26], [sflag:$0x3], $0x2800, $0x38;
	[tilespmem:$0x1F000] =	vst v63  }
0x9b: {  	_ =	swait.ge [sflag:s24], $0x2800  }
0x9c: {  	[sflag:s24] =	ssyncset.done $0x0  }
0x9d: {  	[sflag:s24] =	ssyncadd.s32 $0xFFFFD800  }
0x9e: {  	[spmem:s18] =	stream.linear.scatter [tilespmem:s26], [sflag:$0x3], $0x2800, $0x38;
	[tilespmem:$0x1F000] =	vst v63  }
0x9f: {  	_ =	swait.ge [sflag:s24], $0x2800  }
0xa0: {  	[sflag:s24] =	ssyncset.done $0x0  }
0xa1: {  	[sflag:s24] =	ssyncadd.s32 $0xFFFFD800  }
0xa2: {  	[spmem:s19] =	stream.linear.scatter [tilespmem:s26], [sflag:$0x3], $0x2800, $0x38;
	[tilespmem:$0x1F000] =	vst v63  }
0xa3: {  	_ =	swait.ge [sflag:s24], $0x2800  }
0xa4: {  	[sflag:s24] =	ssyncset.done $0x0  }
0xa5: {  	[sflag:s24] =	ssyncadd.s32 $0xFFFFD800  }
0xa6: {  	[spmem:s20] =	stream.linear.scatter [tilespmem:s26], [sflag:$0x3], $0x2800, $0x38;
	[tilespmem:$0x1F000] =	vst v63  }
0xa7: {  	_ =	swait.ge [sflag:s24], $0x2800  }
0xa8: {  	[sflag:s24] =	ssyncset.done $0x0  }
0xa9: {  	[sflag:s24] =	ssyncadd.s32 $0xFFFFD800  }
0xaa: {  	[spmem:s21] =	stream.linear.scatter [tilespmem:s26], [sflag:$0x3], $0x2800, $0x38;
	[tilespmem:$0x1F000] =	vst v63  }
0xab: {  	_ =	swait.ge [sflag:s24], $0x2800  }
0xac: {  	[sflag:s24] =	ssyncset.done $0x0  }
0xad: {  	[sflag:s24] =	ssyncadd.s32 $0xFFFFD800  }
0xae: {  	[spmem:s22] =	stream.linear.scatter [tilespmem:s26], [sflag:$0x3], $0x2800, $0x38;
	[tilespmem:$0x1F000] =	vst v63  }
0xaf: {  	_ =	swait.ge [sflag:s24], $0x2800  }
0xb0: {  	[sflag:s24] =	ssyncset.done $0x0  }
0xb1: {  	[sflag:s24] =	ssyncadd.s32 $0xFFFFD800  }
0xb2: {  	[spmem:s23] =	stream.linear.scatter [tilespmem:s26], [sflag:$0x3], $0x2800, $0x38;
	[tilespmem:$0x1F000] =	vst v63  }
0xb3: {  	_ =	swait.ge [sflag:s24], $0x2800  }
0xb4: {  	[sflag:s24] =	ssyncset.done $0x0  }
0xb5: {  	[sflag:s24] =	ssyncadd.s32 $0xFFFFD800  }
0xb6: {  	[spmem:s14] =	stream.linear.scatter [tilespmem:s26], [sflag:$0x3], $0x2080, $0x38;
	[tilespmem:$0x1F000] =	vst v63  }
0xb7: {  	_ =	swait.ge [sflag:s24], $0x2080  }
0xb8: {  	[sflag:s24] =	ssyncset.done $0x0  }
0xb9: {  	[sflag:s24] =	ssyncadd.s32 $0xFFFFDF80  }
0xba: {  	s1 =	simm.s32 $0x0;
	[bflag:$0x0] =	sbarrier.arrive $0xFFFF  }
0xbb: {  	[tilespmem:s26], [sflag:$0x1] =	stream.indirect.gather [hbm4b:s8+s28], $0x80, s1, s28, $0xb8;
	[tilespmem:$0x1F000] =	vst v63  }
0xbc: {  	_ =	swait.ge [sflag:s29], $0x2800  }
0xbd: {  	[sflag:s29] =	ssyncset.done $0x0  }
0xbe: {  	s10 =	simm.s32 $0x50;
	[sflag:s29] =	ssyncadd.s32 $0xFFFFD800  }
0xbf: {  	[tilespmem:s30], [sflag:$0x2] =	stream.indirect.gather [hbm4b:s8+s28], $0x80, s10, s28, $0xb8;
	[tilespmem:$0x1F000] =	vst v63  }
0xc0: {  	s15 =	simm.s32 $0x2780  }
0xc1: {  	[spmem:s2] =	stream.indirect.scatter.add.f32 [tilespmem:s26], [sflag:$0x3], $0x80, s15, s28, $0xb8;
	[tilespmem:$0x1F000] =	vst v63  }
0xc2: {  	_ =	swait.ge [sflag:s24], $0x2800  }
0xc3: {  	[sflag:s24] =	ssyncset.done $0x0  }
0xc4: {  	s10 =	simm.s32 $0xA0;
	[sflag:s24] =	ssyncadd.s32 $0xFFFFD800  }
0xc5: {  	[tilespmem:s26], [sflag:$0x1] =	stream.indirect.gather [hbm4b:s8+s28], $0x80, s10, s28, $0xb8;
	[tilespmem:$0x1F000] =	vst v63  }
0xc6: {  	_ =	swait.ge [sflag:s31], $0x2800  }
0xc7: {  	[sflag:s31] =	ssyncset.done $0x0  }
0xc8: {  	s16 =	simm.s32 $0x2800;
	[sflag:s31] =	ssyncadd.s32 $0xFFFFD800  }
0xc9: {  	[spmem:s2] =	stream.indirect.scatter.add.f32 [tilespmem:s30], [sflag:$0x3], $0x80, s16, s28, $0xb8;
	[tilespmem:$0x1F000] =	vst v63  }
0xca: {  	_ =	swait.ge [sflag:s24], $0x2800  }
0xcb: {  	s15 =	simm.s32 $0x400;
	[sflag:s24] =	ssyncset.done $0x0  }
.LBB2_16:
0xcc: {  	p1 =	sne.s32 s15, $0xF400;
	[sflag:s24] =	ssyncadd.s32 $0xFFFFD800;
	s10 =	sadd.s32 $0xA0, s10  }
0xcd: {  	s1 =	smov.u32 s15;
	s15 =	sadd.s32 $0x400, s15;
	_ =	swait.ge [sflag:s29], $0x2800  }
0xce: {  	[sflag:s29] =	ssyncset.done $0x0  }
0xcf: {  	s16 =	sadd.s32 $0xFFFFFFB0, s10;
	s1 =	sshra.s32 s1, $0x2;
	[sflag:s29] =	ssyncadd.s32 $0xFFFFD800  }
0xd0: {  	[tilespmem:s30], [sflag:$0x2] =	stream.indirect.gather [hbm4b:s8+s28], $0x80, s16, s28, $0xb8;
	[tilespmem:$0x1F000] =	vst v63  }
0xd1: {  	s16 =	sadd.s32 $0x2780, s1  }
0xd2: {  	[spmem:s2] =	stream.indirect.scatter.add.f32 [tilespmem:s26], [sflag:$0x3], $0x80, s16, s28, $0xb8;
	[tilespmem:$0x1F000] =	vst v63  }
0xd3: {  	_ =	swait.ge [sflag:s24], $0x2800  }
0xd4: {  	[sflag:s24] =	ssyncset.done $0x0  }
0xd5: {  	[sflag:s24] =	ssyncadd.s32 $0xFFFFD800  }
0xd6: {  	[tilespmem:s26], [sflag:$0x1] =	stream.indirect.gather [hbm4b:s8+s28], $0x80, s10, s28, $0xb8;
	[tilespmem:$0x1F000] =	vst v63  }
0xd7: {  	_ =	swait.ge [sflag:s31], $0x2800  }
.Ltmp6:
0xd8: {  	[sflag:s31] =	ssyncset.done $0x0;
	(pc) =	sbr.rel @p1 .LBB2_16-.Ltmp6, $4  }
0xd9: {  	s1 =	sadd.s32 $0x2800, s1;
	[sflag:s31] =	ssyncadd.s32 $0xFFFFD800  }
0xda: {  	[spmem:s2] =	stream.indirect.scatter.add.f32 [tilespmem:s30], [sflag:$0x3], $0x80, s1, s28, $0xb8;
	[tilespmem:$0x1F000] =	vst v63  }
0xdb: {  	_ =	swait.ge [sflag:s24], $0x2800  }
0xdc: {  	[sflag:s24] =	ssyncset.done $0x0  }
.Ltmp7:
0xdd: {  	_ = 	snop;
	(pc) =	sbr.rel .LBB2_17-.Ltmp7, $1  }
0xde: {  	_ =	sdelay $0x3  }
.LBB2_2:
0xdf: {  	p1 =	sne.s32 s10, $0x9E00;
	[tilespmem:s9+$0x67F0] =	vst v0  }
0xe0: {  	[tilespmem:s9+$0x6780] =	vst v0  }
0xe1: {  	[tilespmem:s9+$0x6790] =	vst v0  }
.Ltmp8:
0xe2: {  	[tilespmem:s9+$0x67A0] =	vst v0;
	(pc) =	sbr.rel @p1 .LBB2_2-.Ltmp8, $4  }
0xe3: {  	[tilespmem:s9+$0x67B0] =	vst v0  }
0xe4: {  	[tilespmem:s9+$0x67C0] =	vst v0  }
0xe5: {  	[tilespmem:s9+$0x67D0] =	vst v0  }
0xe6: {  	[tilespmem:s9+$0x67E0] =	vst v0;
	s9 =	sshra.s32 s10, $0x2;
	s10 =	sadd.s32 $0x200, s10  }
0xe7: {  	[tilespmem:s9+$0x67F0] =	vst v0  }
0xe8: {  	[tilespmem:s9+$0x6780] =	vst v0  }
0xe9: {  	[tilespmem:s9+$0x6790] =	vst v0  }
0xea: {  	[tilespmem:s9+$0x67A0] =	vst v0  }
0xeb: {  	[tilespmem:s9+$0x67B0] =	vst v0  }
0xec: {  	[tilespmem:s9+$0x67C0] =	vst v0  }
0xed: {  	[tilespmem:s9+$0x67D0] =	vst v0  }
0xee: {  	[tilespmem:s9+$0x67E0] =	vst v0  }
0xef: {  	[spmem:s12] =	stream.linear.scatter [tilespmem:s26], [sflag:$0x3], $0x2800, $0x38;
	[tilespmem:$0x1F000] =	vst v63  }
0xf0: {  	_ =	swait.ge [sflag:s24], $0x2800  }
0xf1: {  	[sflag:s24] =	ssyncset.done $0x0  }
0xf2: {  	[sflag:s24] =	ssyncadd.s32 $0xFFFFD800  }
0xf3: {  	[spmem:s18] =	stream.linear.scatter [tilespmem:s26], [sflag:$0x3], $0x2800, $0x38;
	[tilespmem:$0x1F000] =	vst v63  }
0xf4: {  	_ =	swait.ge [sflag:s24], $0x2800  }
0xf5: {  	[sflag:s24] =	ssyncset.done $0x0  }
0xf6: {  	[sflag:s24] =	ssyncadd.s32 $0xFFFFD800  }
0xf7: {  	[spmem:s19] =	stream.linear.scatter [tilespmem:s26], [sflag:$0x3], $0x2800, $0x38;
	[tilespmem:$0x1F000] =	vst v63  }
0xf8: {  	_ =	swait.ge [sflag:s24], $0x2800  }
0xf9: {  	[sflag:s24] =	ssyncset.done $0x0  }
0xfa: {  	[sflag:s24] =	ssyncadd.s32 $0xFFFFD800  }
0xfb: {  	[spmem:s20] =	stream.linear.scatter [tilespmem:s26], [sflag:$0x3], $0x2800, $0x38;
	[tilespmem:$0x1F000] =	vst v63  }
0xfc: {  	_ =	swait.ge [sflag:s24], $0x2800  }
0xfd: {  	[sflag:s24] =	ssyncset.done $0x0  }
0xfe: {  	[sflag:s24] =	ssyncadd.s32 $0xFFFFD800  }
0xff: {  	[spmem:s21] =	stream.linear.scatter [tilespmem:s26], [sflag:$0x3], $0x2800, $0x38;
	[tilespmem:$0x1F000] =	vst v63  }
0x100: {  	_ =	swait.ge [sflag:s24], $0x2800  }
0x101: {  	[sflag:s24] =	ssyncset.done $0x0  }
0x102: {  	[sflag:s24] =	ssyncadd.s32 $0xFFFFD800  }
0x103: {  	[spmem:s22] =	stream.linear.scatter [tilespmem:s26], [sflag:$0x3], $0x2800, $0x38;
	[tilespmem:$0x1F000] =	vst v63  }
0x104: {  	_ =	swait.ge [sflag:s24], $0x2800  }
0x105: {  	[sflag:s24] =	ssyncset.done $0x0  }
0x106: {  	[sflag:s24] =	ssyncadd.s32 $0xFFFFD800  }
0x107: {  	[spmem:s23] =	stream.linear.scatter [tilespmem:s26], [sflag:$0x3], $0x2800, $0x38;
	[tilespmem:$0x1F000] =	vst v63  }
0x108: {  	_ =	swait.ge [sflag:s24], $0x2800  }
0x109: {  	[sflag:s24] =	ssyncset.done $0x0  }
0x10a: {  	[sflag:s24] =	ssyncadd.s32 $0xFFFFD800  }
0x10b: {  	[spmem:s14] =	stream.linear.scatter [tilespmem:s26], [sflag:$0x3], $0x2080, $0x38;
	[tilespmem:$0x1F000] =	vst v63  }
0x10c: {  	_ =	swait.ge [sflag:s24], $0x2080  }
0x10d: {  	[sflag:s24] =	ssyncset.done $0x0  }
0x10e: {  	[sflag:s24] =	ssyncadd.s32 $0xFFFFDF80  }
0x10f: {  	s10 =	simm.s32 $0x0;
	[bflag:$0x0] =	sbarrier.arrive $0xFFFF  }
0x110: {  	[tilespmem:s26], [sflag:$0x1] =	stream.indirect.gather [hbm4b:s4+s28], $0x80, s10, s28, $0xb8;
	[tilespmem:$0x1F000] =	vst v63  }
0x111: {  	_ =	swait.ge [sflag:s29], $0x2800  }
0x112: {  	[sflag:s29] =	ssyncset.done $0x0  }
0x113: {  	s15 =	simm.s32 $0x50;
	[sflag:s29] =	ssyncadd.s32 $0xFFFFD800  }
0x114: {  	[tilespmem:s30], [sflag:$0x2] =	stream.indirect.gather [hbm4b:s4+s28], $0x80, s15, s28, $0xb8;
	[tilespmem:$0x1F000] =	vst v63  }
0x115: {  	s16 =	simm.s32 $0x2780  }
0x116: {  	[spmem:s2] =	stream.indirect.scatter.add.f32 [tilespmem:s26], [sflag:$0x3], $0x80, s16, s28, $0xb8;
	[tilespmem:$0x1F000] =	vst v63  }
0x117: {  	_ =	swait.ge [sflag:s24], $0x2800  }
0x118: {  	[sflag:s24] =	ssyncset.done $0x0  }
0x119: {  	s9 =	simm.s32 $0xA0;
	[sflag:s24] =	ssyncadd.s32 $0xFFFFD800  }
0x11a: {  	[tilespmem:s26], [sflag:$0x1] =	stream.indirect.gather [hbm4b:s4+s28], $0x80, s9, s28, $0xb8;
	[tilespmem:$0x1F000] =	vst v63  }
0x11b: {  	_ =	swait.ge [sflag:s31], $0x2800  }
0x11c: {  	[sflag:s31] =	ssyncset.done $0x0  }
0x11d: {  	s10 =	simm.s32 $0x2800;
	[sflag:s31] =	ssyncadd.s32 $0xFFFFD800  }
0x11e: {  	[spmem:s2] =	stream.indirect.scatter.add.f32 [tilespmem:s30], [sflag:$0x3], $0x80, s10, s28, $0xb8;
	[tilespmem:$0x1F000] =	vst v63  }
0x11f: {  	_ =	swait.ge [sflag:s24], $0x2800  }
0x120: {  	s10 =	simm.s32 $0x400;
	[sflag:s24] =	ssyncset.done $0x0  }
.LBB2_4:
0x121: {  	p1 =	sne.s32 s10, $0xF400;
	[sflag:s24] =	ssyncadd.s32 $0xFFFFD800;
	s9 =	sadd.s32 $0xA0, s9  }
0x122: {  	s15 =	smov.u32 s10;
	s10 =	sadd.s32 $0x400, s10;
	_ =	swait.ge [sflag:s29], $0x2800  }
0x123: {  	[sflag:s29] =	ssyncset.done $0x0  }
0x124: {  	s16 =	sadd.s32 $0xFFFFFFB0, s9;
	s15 =	sshra.s32 s15, $0x2;
	[sflag:s29] =	ssyncadd.s32 $0xFFFFD800  }
0x125: {  	[tilespmem:s30], [sflag:$0x2] =	stream.indirect.gather [hbm4b:s4+s28], $0x80, s16, s28, $0xb8;
	[tilespmem:$0x1F000] =	vst v63  }
0x126: {  	s16 =	sadd.s32 $0x2780, s15  }
0x127: {  	[spmem:s2] =	stream.indirect.scatter.add.f32 [tilespmem:s26], [sflag:$0x3], $0x80, s16, s28, $0xb8;
	[tilespmem:$0x1F000] =	vst v63  }
0x128: {  	_ =	swait.ge [sflag:s24], $0x2800  }
0x129: {  	[sflag:s24] =	ssyncset.done $0x0  }
0x12a: {  	[sflag:s24] =	ssyncadd.s32 $0xFFFFD800  }
0x12b: {  	[tilespmem:s26], [sflag:$0x1] =	stream.indirect.gather [hbm4b:s4+s28], $0x80, s9, s28, $0xb8;
	[tilespmem:$0x1F000] =	vst v63  }
0x12c: {  	_ =	swait.ge [sflag:s31], $0x2800  }
.Ltmp9:
0x12d: {  	[sflag:s31] =	ssyncset.done $0x0;
	(pc) =	sbr.rel @p1 .LBB2_4-.Ltmp9, $4  }
0x12e: {  	s15 =	sadd.s32 $0x2800, s15;
	[sflag:s31] =	ssyncadd.s32 $0xFFFFD800  }
0x12f: {  	[spmem:s2] =	stream.indirect.scatter.add.f32 [tilespmem:s30], [sflag:$0x3], $0x80, s15, s28, $0xb8;
	[tilespmem:$0x1F000] =	vst v63  }
0x130: {  	_ =	swait.ge [sflag:s24], $0x2800  }
0x131: {  	[sflag:s24] =	ssyncset.done $0x0  }
0x132: {  	[sflag:s24] =	ssyncadd.s32 $0xFFFFD800  }
0x133: {  	_ =	swait.ge [sflag:s29], $0x2800  }
0x134: {  	[sflag:s29] =	ssyncset.done $0x0  }
0x135: {  	[sflag:s29] =	ssyncadd.s32 $0xFFFFD800  }
0x136: {  	[spmem:s2] =	stream.indirect.scatter.add.f32 [tilespmem:s26], [sflag:$0x3], $0x80, s0, s28, $0xb8;
	[tilespmem:$0x1F000] =	vst v63  }
0x137: {  	_ =	swait.ge [sflag:s24], $0x2800  }
0x138: {  	[sflag:s24] =	ssyncset.done $0x0  }
0x139: {  	s1 =	stileid.u32;
	[sflag:s24] =	ssyncadd.s32 $0xFFFFD800  }
0x13a: {  	s9 =	sshll.u32 s1, $0x6;
	[bflag:$0x0] =	sbarrier.arrive $0xFFFF  }
0x13b: {  	s10 =	sshrl.u32 s12, $0x3;
	s9 =	sor.u32 $0x1C03, s9;
	s16 =	rddreg [dreg:$0x6]  }
0x13c: {  	[hbm:s16], [sflag:s9] =	dma.local [spmem:s10], $0x2710  }
0x13d: {  	_ =	swait.ge [sflag:s24], $0x2710  }
0x13e: {  	[sflag:s24] =	ssyncset.done $0x0  }
0x13f: {  	s15 =	simm.s32 $0x200;
	s10 =	simm.s32 $0x0;
	[sflag:s24] =	ssyncadd.s32 $0xFFFFD8F0  }
.LBB2_6:
0x140: {  	p1 =	sne.s32 s15, $0x9E00;
	[tilespmem:s10+$0x67F0] =	vst v0  }
0x141: {  	[tilespmem:s10+$0x6780] =	vst v0  }
0x142: {  	[tilespmem:s10+$0x6790] =	vst v0  }
.Ltmp10:
0x143: {  	[tilespmem:s10+$0x67A0] =	vst v0;
	(pc) =	sbr.rel @p1 .LBB2_6-.Ltmp10, $4  }
0x144: {  	[tilespmem:s10+$0x67B0] =	vst v0  }
0x145: {  	[tilespmem:s10+$0x67C0] =	vst v0  }
0x146: {  	[tilespmem:s10+$0x67D0] =	vst v0  }
0x147: {  	[tilespmem:s10+$0x67E0] =	vst v0;
	s10 =	sshra.s32 s15, $0x2;
	s15 =	sadd.s32 $0x200, s15  }
0x148: {  	[tilespmem:s10+$0x67F0] =	vst v0  }
0x149: {  	[tilespmem:s10+$0x6780] =	vst v0  }
0x14a: {  	[tilespmem:s10+$0x6790] =	vst v0  }
0x14b: {  	[tilespmem:s10+$0x67A0] =	vst v0  }
0x14c: {  	[tilespmem:s10+$0x67B0] =	vst v0  }
0x14d: {  	[tilespmem:s10+$0x67C0] =	vst v0  }
0x14e: {  	[tilespmem:s10+$0x67D0] =	vst v0  }
0x14f: {  	[tilespmem:s10+$0x67E0] =	vst v0  }
0x150: {  	[spmem:s12] =	stream.linear.scatter [tilespmem:s26], [sflag:$0x3], $0x2800, $0x38;
	[tilespmem:$0x1F000] =	vst v63  }
0x151: {  	_ =	swait.ge [sflag:s24], $0x2800  }
0x152: {  	[sflag:s24] =	ssyncset.done $0x0  }
0x153: {  	[sflag:s24] =	ssyncadd.s32 $0xFFFFD800  }
0x154: {  	[spmem:s18] =	stream.linear.scatter [tilespmem:s26], [sflag:$0x3], $0x2800, $0x38;
	[tilespmem:$0x1F000] =	vst v63  }
0x155: {  	_ =	swait.ge [sflag:s24], $0x2800  }
0x156: {  	[sflag:s24] =	ssyncset.done $0x0  }
0x157: {  	[sflag:s24] =	ssyncadd.s32 $0xFFFFD800  }
0x158: {  	[spmem:s19] =	stream.linear.scatter [tilespmem:s26], [sflag:$0x3], $0x2800, $0x38;
	[tilespmem:$0x1F000] =	vst v63  }
0x159: {  	_ =	swait.ge [sflag:s24], $0x2800  }
0x15a: {  	[sflag:s24] =	ssyncset.done $0x0  }
0x15b: {  	[sflag:s24] =	ssyncadd.s32 $0xFFFFD800  }
0x15c: {  	[spmem:s20] =	stream.linear.scatter [tilespmem:s26], [sflag:$0x3], $0x2800, $0x38;
	[tilespmem:$0x1F000] =	vst v63  }
0x15d: {  	_ =	swait.ge [sflag:s24], $0x2800  }
0x15e: {  	[sflag:s24] =	ssyncset.done $0x0  }
0x15f: {  	[sflag:s24] =	ssyncadd.s32 $0xFFFFD800  }
0x160: {  	[spmem:s21] =	stream.linear.scatter [tilespmem:s26], [sflag:$0x3], $0x2800, $0x38;
	[tilespmem:$0x1F000] =	vst v63  }
0x161: {  	_ =	swait.ge [sflag:s24], $0x2800  }
0x162: {  	[sflag:s24] =	ssyncset.done $0x0  }
0x163: {  	[sflag:s24] =	ssyncadd.s32 $0xFFFFD800  }
0x164: {  	[spmem:s22] =	stream.linear.scatter [tilespmem:s26], [sflag:$0x3], $0x2800, $0x38;
	[tilespmem:$0x1F000] =	vst v63  }
0x165: {  	_ =	swait.ge [sflag:s24], $0x2800  }
0x166: {  	[sflag:s24] =	ssyncset.done $0x0  }
0x167: {  	[sflag:s24] =	ssyncadd.s32 $0xFFFFD800  }
0x168: {  	[spmem:s23] =	stream.linear.scatter [tilespmem:s26], [sflag:$0x3], $0x2800, $0x38;
	[tilespmem:$0x1F000] =	vst v63  }
0x169: {  	_ =	swait.ge [sflag:s24], $0x2800  }
0x16a: {  	[sflag:s24] =	ssyncset.done $0x0  }
0x16b: {  	[sflag:s24] =	ssyncadd.s32 $0xFFFFD800  }
0x16c: {  	[spmem:s14] =	stream.linear.scatter [tilespmem:s26], [sflag:$0x3], $0x2080, $0x38;
	[tilespmem:$0x1F000] =	vst v63  }
0x16d: {  	_ =	swait.ge [sflag:s24], $0x2080  }
0x16e: {  	[sflag:s24] =	ssyncset.done $0x0  }
0x16f: {  	[sflag:s24] =	ssyncadd.s32 $0xFFFFDF80  }
0x170: {  	s1 =	simm.s32 $0x0;
	[bflag:$0x0] =	sbarrier.arrive $0xFFFF  }
0x171: {  	[tilespmem:s26], [sflag:$0x1] =	stream.indirect.gather [hbm4b:s5+s28], $0x80, s1, s28, $0xb8;
	[tilespmem:$0x1F000] =	vst v63  }
0x172: {  	_ =	swait.ge [sflag:s29], $0x2800  }
0x173: {  	[sflag:s29] =	ssyncset.done $0x0  }
0x174: {  	s15 =	simm.s32 $0x50;
	[sflag:s29] =	ssyncadd.s32 $0xFFFFD800  }
0x175: {  	[tilespmem:s30], [sflag:$0x2] =	stream.indirect.gather [hbm4b:s5+s28], $0x80, s15, s28, $0xb8;
	[tilespmem:$0x1F000] =	vst v63  }
0x176: {  	s16 =	simm.s32 $0x2780  }
0x177: {  	[spmem:s2] =	stream.indirect.scatter.add.f32 [tilespmem:s26], [sflag:$0x3], $0x80, s16, s28, $0xb8;
	[tilespmem:$0x1F000] =	vst v63  }
0x178: {  	_ =	swait.ge [sflag:s24], $0x2800  }
0x179: {  	[sflag:s24] =	ssyncset.done $0x0  }
0x17a: {  	s10 =	simm.s32 $0xA0;
	[sflag:s24] =	ssyncadd.s32 $0xFFFFD800  }
0x17b: {  	[tilespmem:s26], [sflag:$0x1] =	stream.indirect.gather [hbm4b:s5+s28], $0x80, s10, s28, $0xb8;
	[tilespmem:$0x1F000] =	vst v63  }
0x17c: {  	_ =	swait.ge [sflag:s31], $0x2800  }
0x17d: {  	[sflag:s31] =	ssyncset.done $0x0  }
0x17e: {  	s15 =	simm.s32 $0x2800;
	[sflag:s31] =	ssyncadd.s32 $0xFFFFD800  }
0x17f: {  	[spmem:s2] =	stream.indirect.scatter.add.f32 [tilespmem:s30], [sflag:$0x3], $0x80, s15, s28, $0xb8;
	[tilespmem:$0x1F000] =	vst v63  }
0x180: {  	_ =	swait.ge [sflag:s24], $0x2800  }
0x181: {  	s15 =	simm.s32 $0x400;
	[sflag:s24] =	ssyncset.done $0x0  }
.LBB2_8:
0x182: {  	p1 =	seq.s32 s15, $0xF400;
	[sflag:s24] =	ssyncadd.s32 $0xFFFFD800;
	s10 =	sadd.s32 $0xA0, s10  }
0x183: {  	s16 =	smov.u32 s15;
	s15 =	sadd.s32 $0x400, s15;
	_ =	swait.ge [sflag:s29], $0x2800  }
0x184: {  	[sflag:s29] =	ssyncset.done $0x0  }
0x185: {  	s1 =	sadd.s32 $0xFFFFFFB0, s10;
	s16 =	sshra.s32 s16, $0x2;
	[sflag:s29] =	ssyncadd.s32 $0xFFFFD800  }
0x186: {  	[tilespmem:s30], [sflag:$0x2] =	stream.indirect.gather [hbm4b:s5+s28], $0x80, s1, s28, $0xb8;
	[tilespmem:$0x1F000] =	vst v63  }
0x187: {  	s1 =	sadd.s32 $0x2780, s16  }
0x188: {  	[spmem:s2] =	stream.indirect.scatter.add.f32 [tilespmem:s26], [sflag:$0x3], $0x80, s1, s28, $0xb8;
	[tilespmem:$0x1F000] =	vst v63  }
0x189: {  	_ =	swait.ge [sflag:s24], $0x2800  }
0x18a: {  	[sflag:s24] =	ssyncset.done $0x0  }
0x18b: {  	[sflag:s24] =	ssyncadd.s32 $0xFFFFD800  }
0x18c: {  	[tilespmem:s26], [sflag:$0x1] =	stream.indirect.gather [hbm4b:s5+s28], $0x80, s10, s28, $0xb8;
	[tilespmem:$0x1F000] =	vst v63  }
0x18d: {  	_ =	swait.ge [sflag:s31], $0x2800  }
.Ltmp11:
0x18e: {  	[sflag:s31] =	ssyncset.done $0x0;
	(pc) =	sbr.rel @!p1 .LBB2_8-.Ltmp11, $4  }
0x18f: {  	s1 =	sadd.s32 $0x2800, s16;
	[sflag:s31] =	ssyncadd.s32 $0xFFFFD800  }
0x190: {  	[spmem:s2] =	stream.indirect.scatter.add.f32 [tilespmem:s30], [sflag:$0x3], $0x80, s1, s28, $0xb8;
	[tilespmem:$0x1F000] =	vst v63  }
0x191: {  	_ =	swait.ge [sflag:s24], $0x2800  }
0x192: {  	[sflag:s24] =	ssyncset.done $0x0  }
.Ltmp12:
0x193: {  	(pc) =	sbr.rel .LBB2_18-.Ltmp12, $2  }
0x194: {  	_ =	sdelay $0x2  }
0x195: {  	[sflag:s24] =	ssyncadd.s32 $0xFFFFD800;
	s10 =	rddreg [dreg:$0x4]  }
.LBB2_19:
0x196: {  	_ =	sfence.sel $0x180000  }
0x197: {  	[bflag:$0x0] =	sbarrier.arrive $0xFFFF  }
0x198: {  	_ =	strace $0x9000004A  }
0x199: {  	s0 =	stileid.u32;
	[bflag:$0x2] =	sbarrier.arrive $0xFFFF  }
0x19a: {  	p0 =	sne.s32 s0, $0x0;
	s0 =	rddreg [dreg:$0x3]  }
0x19b: {  	s0 =	sadd.s32 @!p0 $0x100000, s0  }
0x19c: {  	[sflag:s0] =	ssyncadd.tile.s32 @!p0 $0x1;
	_ =	shalt  }
.Lfunc_end2:
_tile_overlayer_lowered:
.L_overlay_start_2:
0x19d: {  	(tag) =	ssettag $0x2  }
0x19e: {  	s0 =	rddreg [dreg:$0x0];
	s2 =	stileid.u32  }
0x19f: {  	s1 =	rddreg [dreg:$0x1];
	p0 =	sne.s32 s2, $0x0  }
0x1a0: {  	s3 =	rddreg [dreg:$0x2];
	[bflag:$0x3] =	sbarrier.arrive $0xFFFF;
	s2 =	simm.s32 @!p0 $0x1C03  }
0x1a1: {  	[timem:s3], [sflag:s2] =	dma.local @!p0 [hbm:s0], s1  }
0x1a2: {  	s0 =	simm.s32 @!p0 $0x3  }
0x1a3: {  	_ =	swait.ge @!p0 [sflag:s0], s1  }
0x1a4: {  	s1 =	ssub.s32 @!p0 $0x0, s1;
	[sflag:s0] =	ssyncset.done @!p0 $0x0  }
0x1a5: {  	[sflag:s0] =	ssyncadd.s32 @!p0 s1  }
0x1a6: {  	[bflag:$0x3] =	sbarrier.arrive $0xFFFF  }
0x1a7: {  	_ =	shalt  }

// kernel: kernel.15.cloned.1.call-start
scs
__scs_entry_jumppad:
0x0: {  	(pc) =	sbr.rel $0x88, $3  }
0x1: {  	(tag) =	ssettag $0x0;
	lr =	simm.s32 $0x1  }
0x2: {  	[smem:$0x3F9D] =	sst lr;
	_ =	strace $0xD0000000  }
0x3: {  	_ = 	snop  }
0x4: {  	_ = 	snop  }
0x5: {  	_ = 	snop  }
0x6: {  	_ = 	snop  }
0x7: {  	_ = 	snop  }
__scs_overlays_trampoline_lowered:
0x8: {  	[smem:$0x3FAC] =	sst s0  }
0x9: {  	[smem:$0x3FAD] =	sst s1  }
0xa: {  	[smem:$0x3FAE] =	sst s2  }
0xb: {  	[smem:$0x3FAF] =	sst s3  }
0xc: {  	[smem:$0x3FB0] =	sst s4  }
0xd: {  	[smem:$0x3FB1] =	sst s5  }
0xe: {  	[smem:$0x3FB2] =	sst s6  }
0xf: {  	[smem:$0x3FB3] =	sst s7  }
0x10: {  	[smem:$0x3FB4] =	sst s8  }
0x11: {  	[smem:$0x3FB5] =	sst s9;
	s0 =	simm.s32 @!p0 $0x0  }
0x12: {  	s1 =	sld [smem:$0x3F9B];
	s0 =	simm.s32 @p0 $0x1  }
0x13: {  	[smem:$0x3FB6] =	sst s0;
	s0 =	simm.s32 @!p1 $0x0  }
0x14: {  	s2 =	sld [smem:$0x3F9A];
	s0 =	simm.s32 @p1 $0x1  }
0x15: {  	[smem:$0x3FB7] =	sst s0;
	s0 =	simm.s32 @!p2 $0x0  }
0x16: {  	s3 =	sld [smem:$0x3FDB];
	s0 =	simm.s32 @p2 $0x1  }
0x17: {  	s4 =	simm.s32 $0x1BF5;
	[smem:$0x3FB9] =	sst s0  }
0x18: {  	s0 =	sld [smem:$0x3F9C];
	_ =	swait.ge [sflag:s4], $0x0  }
0x19: {  	s7 =	sld [smem:$0x3F9D]  }
0x1a: {  	s8 =	sadd.s32 $0xFFFFE003, lr  }
0x1b: {  	s9 =	sadd.s32 $0xFFFFFEF7, lr;
	s5 =	simm.s32 $0xFFFFFFFF;
	p2 =	slt.u32 s8, $0xFFFFF086  }
0x1c: {  	p1 =	slt.u32 s9, $0xF7A;
	s5 =	simm.s32 @!p2 $0x0  }
0x1d: {  	s5 =	simm.s32 @p1 $0x1;
	p0 =	seq.s32 s7, s2  }
0x1e: {  	s7 =	smul.u32 @!p0 $0xF7A, s2;
	p2 =	seq.s32 @!p0 s5, $0x0  }
0x1f: {  	s9 =	smul.u32 $0xF7A, s1;
	s8 =	simm.s32 @!p0 $0x1BF5;
	p2 =	por !p2, p0  }
0x20: {  	[sflag:s8] =	ssyncset.s32 @!p0 $0xFFFFF086;
	s6 =	sadd.s32 @!p0 s3, s7;
	s7 =	simm.s32 @!p0 $0x108  }
0x21: {  	s3 =	sadd.s32 s3, s9;
	s6 =	sadd.s32 @!p0 $0x88, s6;
	s7 =	simm.s32 @p2 $0x1082  }
0x22: {  	[simem:s7], [sflag:s8] =	dma.local @!p0 [hbm:s6], $0xF7A  }
0x23: {  	s9 =	sor.u32 $0xD0000000, s2;
	s6 =	simm.s32 $0x108;
	_ =	swait.ge @!p0 [sflag:s8], $0x0  }
0x24: {  	s3 =	sadd.s32 $0x88, s3;
	s6 =	simm.s32 @!p1 $0x1082;
	[sflag:s4] =	ssyncset.s32 $0xFFFFF086  }
0x25: {  	[simem:s6], [sflag:s4] =	dma.local [hbm:s3], $0xF7A  }
0x26: {  	[smem:$0x3F9D] =	sst s1;
	(tag) =	ssettag s2;
	_ =	strace s9  }
0x27: {  	s1 =	sld [smem:$0x3FAD]  }
0x28: {  	s2 =	sld [smem:$0x3FAE]  }
0x29: {  	s4 =	sld [smem:$0x3FB0]  }
0x2a: {  	p0 =	seq.s32 s5, $0x0;
	s5 =	sld [smem:$0x3FB1]  }
0x2b: {  	s6 =	sld [smem:$0x3FB2]  }
0x2c: {  	s7 =	sld [smem:$0x3FB3]  }
0x2d: {  	s3 =	simm.s32 $0x108;
	s8 =	sld [smem:$0x3FB4]  }
0x2e: {  	s3 =	simm.s32 @!p0 $0x1082;
	s9 =	sld [smem:$0x3FB5]  }
0x2f: {  	lr =	sadd.s32 s0, s3;
	s0 =	sld [smem:$0x3FAC]  }
0x30: {  	s3 =	sld [smem:$0x3FAF]  }
0x31: {  	[smem:$0x3FB8] =	sst s10  }
0x32: {  	s10 =	sld [smem:$0x3FB6];
	_ =	sdelay $0x3  }
0x33: {  	p0 =	seq.s32 s10, $0x1;
	s10 =	sld [smem:$0x3FB8];
	_ =	sdelay $0x3  }
0x34: {  	[smem:$0x3FB8] =	sst s10  }
0x35: {  	s10 =	sld [smem:$0x3FB7];
	_ =	sdelay $0x3  }
0x36: {  	p1 =	seq.s32 s10, $0x1;
	s10 =	sld [smem:$0x3FB8];
	_ =	sdelay $0x3  }
0x37: {  	[smem:$0x3FB8] =	sst s10  }
0x38: {  	s10 =	sld [smem:$0x3FB9]  }
0x39: {  	_ = 	snop;
	(pc) =	sbr.ind lr, $3  }
0x3a: {  	_ = 	snop  }
0x3b: {  	_ = 	snop  }
0x3c: {  	p2 =	seq.s32 s10, $0x1;
	s10 =	sld [smem:$0x3FB8]  }
0x3d: {  	_ =	shalt  }
0x3e: {  	_ =	shalt  }
0x3f: {  	_ =	shalt  }
0x40: {  	_ =	shalt  }
0x41: {  	_ =	shalt  }
0x42: {  	_ =	shalt  }
0x43: {  	_ =	shalt  }
0x44: {  	_ =	shalt  }
0x45: {  	_ =	shalt  }
0x46: {  	_ =	shalt  }
0x47: {  	_ =	shalt  }
0x48: {  	_ =	shalt  }
0x49: {  	_ =	shalt  }
0x4a: {  	_ =	shalt  }
0x4b: {  	_ =	shalt  }
0x4c: {  	_ =	shalt  }
0x4d: {  	_ =	shalt  }
0x4e: {  	_ =	shalt  }
0x4f: {  	_ =	shalt  }
0x50: {  	_ =	shalt  }
0x51: {  	_ =	shalt  }
0x52: {  	_ =	shalt  }
0x53: {  	_ =	shalt  }
0x54: {  	_ =	shalt  }
0x55: {  	_ =	shalt  }
0x56: {  	_ =	shalt  }
0x57: {  	_ =	shalt  }
0x58: {  	_ =	shalt  }
0x59: {  	_ =	shalt  }
0x5a: {  	_ =	shalt  }
0x5b: {  	_ =	shalt  }
0x5c: {  	_ =	shalt  }
0x5d: {  	_ =	shalt  }
0x5e: {  	_ =	shalt  }
0x5f: {  	_ =	shalt  }
0x60: {  	_ =	shalt  }
0x61: {  	_ =	shalt  }
0x62: {  	_ =	shalt  }
0x63: {  	_ =	shalt  }
0x64: {  	_ =	shalt  }
0x65: {  	_ =	shalt  }
0x66: {  	_ =	shalt  }
0x67: {  	_ =	shalt  }
0x68: {  	_ =	shalt  }
0x69: {  	_ =	shalt  }
0x6a: {  	_ =	shalt  }
0x6b: {  	_ =	shalt  }
0x6c: {  	_ =	shalt  }
0x6d: {  	_ =	shalt  }
0x6e: {  	_ =	shalt  }
0x6f: {  	_ =	shalt  }
0x70: {  	_ =	shalt  }
0x71: {  	_ =	shalt  }
0x72: {  	_ =	shalt  }
0x73: {  	_ =	shalt  }
0x74: {  	_ =	shalt  }
0x75: {  	_ =	shalt  }
0x76: {  	_ =	shalt  }
0x77: {  	_ =	shalt  }
0x78: {  	_ =	shalt  }
0x79: {  	_ =	shalt  }
0x7a: {  	_ =	shalt  }
0x7b: {  	_ =	shalt  }
0x7c: {  	_ =	shalt  }
0x7d: {  	_ =	shalt  }
0x7e: {  	_ =	shalt  }
0x7f: {  	_ =	shalt  }
0x80: {  	_ =	shalt  }
0x81: {  	_ =	shalt  }
0x82: {  	_ =	shalt  }
0x83: {  	_ =	shalt  }
0x84: {  	_ =	shalt  }
0x85: {  	_ =	shalt  }
0x86: {  	_ =	shalt  }
0x87: {  	_ =	shalt  }
.Lfunc_end0:
.L_simem_size_0:
called_computation.2_lowered:
.L_overlay_start_0:
0x88: {  	s2 =	sld [smem:$0x3FD9]  }
0x89: {  	s3 =	sld [smem:$0x3FFE];
	_ =	sdelay $0x1  }
0x8a: {  	s1 =	srdreg.scid  }
0x8b: {  	s0 =	sand.u32 $0x1, s1  }
0x8c: {  	s14 =	sshll.u32 s0, $0xA;
	s2 =	sadd.s32 s3, s2  }
0x8d: {  	s2 =	sadd.s32 s2, s14  }
0x8e: {  	[smem:$0x3FC4] =	sst s2  }
0x8f: {  	_ = 	snop  }
0x90: {  	s2 =	sld [smem:$0x3FD0];
	_ =	sdelay $0x2  }
0x91: {  	s15 =	simm.s32 $0xA;
	s4 =	simm.s32 $0x10  }
0x92: {  	[smem:s4], [sflag:s15] =	dma.local [hbm:s2], $0x1  }
0x93: {  	_ =	swait.eq [sflag:s15], $0x1  }
0x94: {  	[sflag:s15] =	ssyncset.done $0x0  }
0x95: {  	[sflag:s15] =	ssyncadd.s32 $0xFFFFFFFF  }
0x96: {  	s16 =	sld [smem:$0x11];
	(tm) =	ssettm $0x1  }
0x97: {  	s17 =	sld [smem:$0x3FFB];
	_ =	sdelay $0x3  }
0x98: {  	_ =	strace s17  }
0x99: {  	s3 =	sld [smem:$0x3FFC];
	_ =	sdelay $0x3  }
0x9a: {  	_ =	strace s3  }
0x9b: {  	s3 =	sld [smem:$0x3FFD];
	_ =	sdelay $0x3  }
0x9c: {  	_ =	strace s3  }
0x9d: {  	_ =	strace $0x8FFFFFFF  }
0x9e: {  	s18 =	sld [smem:$0x3FDB];
	_ =	sdelay $0x1  }
0x9f: {  	s19 =	simm.s32 $_scs_section_size  }
0xa0: {  	s5 =	simm.s32 $_size__tile_overlayer_lowered;
	s6 =	simm.s32 $_tile_overlayer_lowered  }
0xa1: {  	s22 =	simm.s32 $0x1BFF;
	s21 =	sshll.u32 s6, $0x1;
	s3 =	sadd.s32 s19, s18  }
0xa2: {  	s7 =	simm.s32 $0x0;
	s20 =	sshll.u32 s5, $0x1;
	s5 =	sadd.s32 s21, s3  }
0xa3: {  	[timem:s7], [sflag:s22] =	dma.local [hbm:s5], s20  }
0xa4: {  	_ =	swait.ge [sflag:s22], s20  }
0xa5: {  	s4 =	ssub.s32 $0x0, s20;
	[sflag:s22] =	ssyncset.done $0x0  }
0xa6: {  	[sflag:s22] =	ssyncadd.s32 s4;
	_ =	sdelay $0x1  }
0xa7: {  	s23 =	simm.s32 $0x1B8B  }
0xa8: {  	_ =	swait.ge [sflag:s23], $0x1  }
0xa9: {  	[sflag:s23] =	ssyncset.done $0x0  }
0xaa: {  	s25 =	simm.s32 $0x1B8E;
	s24 =	sld [smem:$0x3FFE];
	[sflag:s23] =	ssyncadd.s32 $0xFFFFFFFF  }
0xab: {  	s26 =	simm.s32 $execute0_lowered;
	[smem:$0x3FD2] =	sst s25  }
0xac: {  	s5 =	sshll.u32 s26, $0x1;
	_ =	strace $0x8000004C;
	[dreg:$0x1] =	wrdreg $0xFFFFFFFF  }
0xad: {  	s28 =	simm.s32 $_size_execute0_lowered;
	s3 =	sadd.s32 s3, s5;
	[dreg:$0x0] =	wrdreg $0x0  }
0xae: {  	s5 =	sshll.u32 s28, $0x1;
	[dreg:$0x2] =	wrdreg s3  }
0xaf: {  	[dreg:$0x3] =	wrdreg s5  }
0xb0: {  	[dreg:$0x4] =	wrdreg $0xC0  }
0xb1: {  	_ =	task [dreg:s7], $0x5FFFF  }
0xb2: {  	[dreg:$0x1] =	wrdreg $0xFFFFFFFF  }
0xb3: {  	[dreg:$0x0] =	wrdreg $0x60  }
0xb4: {  	[dreg:$0x2] =	wrdreg s24  }
0xb5: {  	[dreg:$0x3] =	wrdreg s16  }
0xb6: {  	[dreg:$0x4] =	wrdreg $0xB7800  }
0xb7: {  	[dreg:$0x5] =	wrdreg $0x9  }
0xb8: {  	_ =	task.clear_ibuf [dreg:s7], $0x6FFFF;
	_ =	strace $0x9000004C  }
0xb9: {  	s29 =	simm.s32 $0x9;
	_ =	strace $0x8000004E  }
0xba: {  	_ =	swait.ge [sflag:s29], $0x1  }
0xbb: {  	[sflag:s29] =	ssyncadd.s32 $0xFFFFFFFF  }
0xbc: {  	_ =	strace $0x9000004E  }
0xbd: {  	_ =	sfence  }
0xbe: {  	s30 =	sld [smem:$0x0];
	_ =	sdelay $0x2  }
0xbf: {  	s31 =	sshll.u32 s1, $0xD;
	s1 =	sshrl.u32 s1, $0x2  }
0xc0: {  	s3 =	sand.u32 $0x4000, s31;
	s1 =	sadd.s32 s1, s30  }
0xc1: {  	s0 =	sor.u32 s3, s0;
	s1 =	sshll.u32 s1, $0x11  }
0xc2: {  	s0 =	sor.u32 s1, s0  }
0xc3: {  	s0 =	sadd.s32 $0x8F2B, s0  }
0xc4: {  	[sflag:s0] =	ssyncadd.remote.s32 $0x1  }
0xc5: {  	_ =	sfence.sel $0xFFFF  }
0xc6: {  	[dreg:$0x0] =	wrdreg $0xFFFFFFFF;
	(pc) =	sbr.abs _section_cstart, $3  }
0xc7: {  	[dreg:$0x1] =	wrdreg $0xFFFFFFFF  }
0xc8: {  	_ =	task.clear_ibuf [dreg:s7], $0x2FFFF;
	_ =	strace $0x9FFFFFFF  }
0xc9: {  	(tm) =	ssettm $0x7FFFFFFF  }
tec
execute0_lowered:
.L_overlay_start_1:
0x0: {  	(tag) =	ssettag $0x1  }
0x1: {  	s0 =	rddreg [dreg:$0x0]  }
0x2: {  	s9 =	rddreg [dreg:$0x1]  }
0x3: {  	s2 =	rddreg [dreg:$0x2];
	s1 =	stileid.u32;
	s3 =	simm.s32 $0x0  }
0x4: {  	s11 =	srdreg.scid;
	s28 =	simm.s32 $0x50;
	s29 =	simm.s32 $0x1  }
0x5: {  	s30 =	simm.s32 $0x8F80;
	s31 =	simm.s32 $0x2;
	s4 =	smul.u32 $0x4E2, s1  }
0x6: {  	[smem:$0x7FF] =	sst s3;
	s21 =	sshll.u32 s1, $0xB;
	s5 =	sadd.s32 $0x3E600, s0  }
0x7: {  	s6 =	sadd.s32 $0x65800, s0;
	s7 =	smul.u32 $0x2780, s1;
	s8 =	sadd.s32 $0x8CA00, s0  }
0x8: {  	s14 =	sand.u32 $0x1, s11;
	s22 =	smul.u32 $0x4E200, s1;
	s23 =	sadd.s32 $0x101E00, s0  }
0x9: {  	_ =	strace $0x8000004D;
	s13 =	sadd.s32 s21, s0;
	[dreg:$0x4] =	wrdreg s23  }
0xa: {  	s12 =	ssub.s32 $0x2, s14;
	p0 =	seq.s32 s14, $0x1;
	s10 =	sadd.s32 s4, s0  }
0xb: {  	s4 =	sadd.s32 $0x17400, s0;
	s15 =	sadd.s32 s7, s0;
	s0 =	sadd.s32 $0x150E00, s0  }
0xc: {  	s24 =	sshrl.u32 s12, $0x1;
	s16 =	sshrl.u32 s22, $0x2;
	s13 =	sadd.s32 $0xF400, s13  }
0xd: {  	s25 =	sadd.s32 s9, s7;
	[dreg:$0x5] =	wrdreg s0;
	s0 =	ssub.s32 s12, s24  }
0xe: {  	s11 =	sadd.s32 $0x5400, s10;
	s12 =	sadd.s32 s16, s2;
	[dreg:$0x6] =	wrdreg s25  }
.Ltmp0:
0xf: {  	s26 =	sadd.s32 $0x129600, s15;
	s24 =	simm.s32 $0x3;
	(pc) =	sbr.rel .LBB2_1-.Ltmp0, $4  }
0x10: {  	s25 =	simm.s32 $0x0;
	s14 =	sadd.s32 $0x11800, s12;
	[dreg:$0x7] =	wrdreg s26  }
0x11: {  	s17 =	smax.u32 s0, $0x1;
	s18 =	sadd.s32 $0x2800, s12;
	s19 =	sadd.s32 $0x5000, s12  }
0x12: {  	s20 =	sadd.s32 $0x7800, s12;
	s21 =	sadd.s32 $0xA000, s12;
	s22 =	sadd.s32 $0xC800, s12  }
0x13: {  	v0 =	vimm.f32 $0.0e+00;
	s23 =	sadd.s32 $0xF000, s12;
	s26 =	simm.s32 $0x6780;
	s0 =	simm.s32 $0x6580  }
.LBB2_17:
0x14: {  	[sflag:s24] =	ssyncadd.s32 $0xFFFFD800;
	s10 =	rddreg [dreg:$0x5]  }
.LBB2_18:
0x15: {  	_ =	swait.ge [sflag:s29], $0x2800  }
0x16: {  	[sflag:s29] =	ssyncset.done $0x0  }
0x17: {  	[sflag:s29] =	ssyncadd.s32 $0xFFFFD800  }
0x18: {  	[spmem:s2] =	stream.indirect.scatter.add.f32 [tilespmem:s26], [sflag:$0x3], $0x80, s0, s28, $0xb8;
	[tilespmem:$0x1F000] =	vst v63  }
0x19: {  	_ =	swait.ge [sflag:s24], $0x2800  }
0x1a: {  	s25 =	sadd.s32 $0x1, s25;
	[sflag:s24] =	ssyncset.done $0x0  }
0x1b: {  	s1 =	sadd.s32 s10, s7;
	p1 =	sne.s32 s25, s17;
	[sflag:s24] =	ssyncadd.s32 $0xFFFFD800  }
.Ltmp1:
0x1c: {  	s16 =	sshrl.u32 s12, $0x3;
	[bflag:$0x0] =	sbarrier.arrive $0xFFFF;
	(pc) =	sbr.rel @!p1 .LBB2_19-.Ltmp1, $4  }
0x1d: {  	[hbm:s1], [sflag:s9] =	dma.local [spmem:s16], $0x2710  }
0x1e: {  	_ =	swait.ge [sflag:s24], $0x2710  }
0x1f: {  	[sflag:s24] =	ssyncset.done $0x0  }
0x20: {  	[sflag:s24] =	ssyncadd.s32 $0xFFFFD8F0  }
.LBB2_1:
0x21: {  	[tilespmem:s3], [sflag:$0x3] =	stream.linear.gather [hbm4b:s11+s3], $0x2710, $0x38;
	[tilespmem:$0x1F000] =	vst v63  }
0x22: {  	_ =	swait.ge [sflag:s24], $0x2710  }
0x23: {  	[sflag:s24] =	ssyncset.done $0x0  }
.Ltmp2:
0x24: {  	s1 =	simm.s32 $0x2780;
	[sflag:s24] =	ssyncadd.s32 $0xFFFFD8F0;
	(pc) =	sbr.rel @!p0 .LBB2_2-.Ltmp2, $4  }
0x25: {  	[tilespmem:s1], [sflag:$0x3] =	stream.linear.gather [hbm4b:s13+s3], $0x3E80, $0x38;
	[tilespmem:$0x1F000] =	vst v63  }
0x26: {  	_ =	swait.ge [sflag:s24], $0x3E80  }
0x27: {  	[sflag:s24] =	ssyncset.done $0x0  }
0x28: {  	s9 =	sshra.s32 s3, $0x2;
	s10 =	sadd.s32 $0x200, s3;
	[sflag:s24] =	ssyncadd.s32 $0xFFFFC180  }
.LBB2_10:
0x29: {  	p1 =	sne.s32 s10, $0x9E00;
	[tilespmem:s9+$0x67F0] =	vst v0  }
0x2a: {  	[tilespmem:s9+$0x6780] =	vst v0  }
0x2b: {  	[tilespmem:s9+$0x6790] =	vst v0  }
.Ltmp3:
0x2c: {  	[tilespmem:s9+$0x67A0] =	vst v0;
	(pc) =	sbr.rel @p1 .LBB2_10-.Ltmp3, $4  }
0x2d: {  	[tilespmem:s9+$0x67B0] =	vst v0  }
0x2e: {  	[tilespmem:s9+$0x67C0] =	vst v0  }
0x2f: {  	[tilespmem:s9+$0x67D0] =	vst v0  }
0x30: {  	[tilespmem:s9+$0x67E0] =	vst v0;
	s9 =	sshra.s32 s10, $0x2;
	s10 =	sadd.s32 $0x200, s10  }
0x31: {  	[tilespmem:s9+$0x67F0] =	vst v0  }
0x32: {  	[tilespmem:s9+$0x6780] =	vst v0  }
0x33: {  	[tilespmem:s9+$0x6790] =	vst v0  }
0x34: {  	[tilespmem:s9+$0x67A0] =	vst v0  }
0x35: {  	[tilespmem:s9+$0x67B0] =	vst v0  }
0x36: {  	[tilespmem:s9+$0x67C0] =	vst v0  }
0x37: {  	[tilespmem:s9+$0x67D0] =	vst v0  }
0x38: {  	[tilespmem:s9+$0x67E0] =	vst v0  }
0x39: {  	[spmem:s12] =	stream.linear.scatter [tilespmem:s26], [sflag:$0x3], $0x2800, $0x38;
	[tilespmem:$0x1F000] =	vst v63  }
0x3a: {  	_ =	swait.ge [sflag:s24], $0x2800  }
0x3b: {  	[sflag:s24] =	ssyncset.done $0x0  }
0x3c: {  	[sflag:s24] =	ssyncadd.s32 $0xFFFFD800  }
0x3d: {  	[spmem:s18] =	stream.linear.scatter [tilespmem:s26], [sflag:$0x3], $0x2800, $0x38;
	[tilespmem:$0x1F000] =	vst v63  }
0x3e: {  	_ =	swait.ge [sflag:s24], $0x2800  }
0x3f: {  	[sflag:s24] =	ssyncset.done $0x0  }
0x40: {  	[sflag:s24] =	ssyncadd.s32 $0xFFFFD800  }
0x41: {  	[spmem:s19] =	stream.linear.scatter [tilespmem:s26], [sflag:$0x3], $0x2800, $0x38;
	[tilespmem:$0x1F000] =	vst v63  }
0x42: {  	_ =	swait.ge [sflag:s24], $0x2800  }
0x43: {  	[sflag:s24] =	ssyncset.done $0x0  }
0x44: {  	[sflag:s24] =	ssyncadd.s32 $0xFFFFD800  }
0x45: {  	[spmem:s20] =	stream.linear.scatter [tilespmem:s26], [sflag:$0x3], $0x2800, $0x38;
	[tilespmem:$0x1F000] =	vst v63  }
0x46: {  	_ =	swait.ge [sflag:s24], $0x2800  }
0x47: {  	[sflag:s24] =	ssyncset.done $0x0  }
0x48: {  	[sflag:s24] =	ssyncadd.s32 $0xFFFFD800  }
0x49: {  	[spmem:s21] =	stream.linear.scatter [tilespmem:s26], [sflag:$0x3], $0x2800, $0x38;
	[tilespmem:$0x1F000] =	vst v63  }
0x4a: {  	_ =	swait.ge [sflag:s24], $0x2800  }
0x4b: {  	[sflag:s24] =	ssyncset.done $0x0  }
0x4c: {  	[sflag:s24] =	ssyncadd.s32 $0xFFFFD800  }
0x4d: {  	[spmem:s22] =	stream.linear.scatter [tilespmem:s26], [sflag:$0x3], $0x2800, $0x38;
	[tilespmem:$0x1F000] =	vst v63  }
0x4e: {  	_ =	swait.ge [sflag:s24], $0x2800  }
0x4f: {  	[sflag:s24] =	ssyncset.done $0x0  }
0x50: {  	[sflag:s24] =	ssyncadd.s32 $0xFFFFD800  }
0x51: {  	[spmem:s23] =	stream.linear.scatter [tilespmem:s26], [sflag:$0x3], $0x2800, $0x38;
	[tilespmem:$0x1F000] =	vst v63  }
0x52: {  	_ =	swait.ge [sflag:s24], $0x2800  }
0x53: {  	[sflag:s24] =	ssyncset.done $0x0  }
0x54: {  	[sflag:s24] =	ssyncadd.s32 $0xFFFFD800  }
0x55: {  	[spmem:s14] =	stream.linear.scatter [tilespmem:s26], [sflag:$0x3], $0x2080, $0x38;
	[tilespmem:$0x1F000] =	vst v63  }
0x56: {  	_ =	swait.ge [sflag:s24], $0x2080  }
0x57: {  	[sflag:s24] =	ssyncset.done $0x0  }
0x58: {  	[sflag:s24] =	ssyncadd.s32 $0xFFFFDF80  }
0x59: {  	s1 =	simm.s32 $0x0;
	[bflag:$0x0] =	sbarrier.arrive $0xFFFF  }
0x5a: {  	[tilespmem:s26], [sflag:$0x1] =	stream.indirect.gather [hbm4b:s6+s28], $0x80, s1, s28, $0xb8;
	[tilespmem:$0x1F000] =	vst v63  }
0x5b: {  	_ =	swait.ge [sflag:s29], $0x2800  }
0x5c: {  	[sflag:s29] =	ssyncset.done $0x0  }
0x5d: {  	s10 =	simm.s32 $0x50;
	[sflag:s29] =	ssyncadd.s32 $0xFFFFD800  }
0x5e: {  	[tilespmem:s30], [sflag:$0x2] =	stream.indirect.gather [hbm4b:s6+s28], $0x80, s10, s28, $0xb8;
	[tilespmem:$0x1F000] =	vst v63  }
0x5f: {  	s15 =	simm.s32 $0x2780  }
0x60: {  	[spmem:s2] =	stream.indirect.scatter.add.f32 [tilespmem:s26], [sflag:$0x3], $0x80, s15, s28, $0xb8;
	[tilespmem:$0x1F000] =	vst v63  }
0x61: {  	_ =	swait.ge [sflag:s24], $0x2800  }
0x62: {  	[sflag:s24] =	ssyncset.done $0x0  }
0x63: {  	s9 =	simm.s32 $0xA0;
	[sflag:s24] =	ssyncadd.s32 $0xFFFFD800  }
0x64: {  	[tilespmem:s26], [sflag:$0x1] =	stream.indirect.gather [hbm4b:s6+s28], $0x80, s9, s28, $0xb8;
	[tilespmem:$0x1F000] =	vst v63  }
0x65: {  	_ =	swait.ge [sflag:s31], $0x2800  }
0x66: {  	[sflag:s31] =	ssyncset.done $0x0  }
0x67: {  	s16 =	simm.s32 $0x2800;
	[sflag:s31] =	ssyncadd.s32 $0xFFFFD800  }
0x68: {  	[spmem:s2] =	stream.indirect.scatter.add.f32 [tilespmem:s30], [sflag:$0x3], $0x80, s16, s28, $0xb8;
	[tilespmem:$0x1F000] =	vst v63  }
0x69: {  	_ =	swait.ge [sflag:s24], $0x2800  }
0x6a: {  	s10 =	simm.s32 $0x400;
	[sflag:s24] =	ssyncset.done $0x0  }
.LBB2_12:
0x6b: {  	p1 =	sne.s32 s10, $0xF400;
	[sflag:s24] =	ssyncadd.s32 $0xFFFFD800;
	s9 =	sadd.s32 $0xA0, s9  }
0x6c: {  	s1 =	smov.u32 s10;
	s10 =	sadd.s32 $0x400, s10;
	_ =	swait.ge [sflag:s29], $0x2800  }
0x6d: {  	[sflag:s29] =	ssyncset.done $0x0  }
0x6e: {  	s15 =	sadd.s32 $0xFFFFFFB0, s9;
	s1 =	sshra.s32 s1, $0x2;
	[sflag:s29] =	ssyncadd.s32 $0xFFFFD800  }
0x6f: {  	[tilespmem:s30], [sflag:$0x2] =	stream.indirect.gather [hbm4b:s6+s28], $0x80, s15, s28, $0xb8;
	[tilespmem:$0x1F000] =	vst v63  }
0x70: {  	s15 =	sadd.s32 $0x2780, s1  }
0x71: {  	[spmem:s2] =	stream.indirect.scatter.add.f32 [tilespmem:s26], [sflag:$0x3], $0x80, s15, s28, $0xb8;
	[tilespmem:$0x1F000] =	vst v63  }
0x72: {  	_ =	swait.ge [sflag:s24], $0x2800  }
0x73: {  	[sflag:s24] =	ssyncset.done $0x0  }
0x74: {  	[sflag:s24] =	ssyncadd.s32 $0xFFFFD800  }
0x75: {  	[tilespmem:s26], [sflag:$0x1] =	stream.indirect.gather [hbm4b:s6+s28], $0x80, s9, s28, $0xb8;
	[tilespmem:$0x1F000] =	vst v63  }
0x76: {  	_ =	swait.ge [sflag:s31], $0x2800  }
.Ltmp4:
0x77: {  	[sflag:s31] =	ssyncset.done $0x0;
	(pc) =	sbr.rel @p1 .LBB2_12-.Ltmp4, $4  }
0x78: {  	s1 =	sadd.s32 $0x2800, s1;
	[sflag:s31] =	ssyncadd.s32 $0xFFFFD800  }
0x79: {  	[spmem:s2] =	stream.indirect.scatter.add.f32 [tilespmem:s30], [sflag:$0x3], $0x80, s1, s28, $0xb8;
	[tilespmem:$0x1F000] =	vst v63  }
0x7a: {  	_ =	swait.ge [sflag:s24], $0x2800  }
0x7b: {  	[sflag:s24] =	ssyncset.done $0x0  }
0x7c: {  	[sflag:s24] =	ssyncadd.s32 $0xFFFFD800  }
0x7d: {  	_ =	swait.ge [sflag:s29], $0x2800  }
0x7e: {  	[sflag:s29] =	ssyncset.done $0x0  }
0x7f: {  	[sflag:s29] =	ssyncadd.s32 $0xFFFFD800  }
0x80: {  	[spmem:s2] =	stream.indirect.scatter.add.f32 [tilespmem:s26], [sflag:$0x3], $0x80, s0, s28, $0xb8;
	[tilespmem:$0x1F000] =	vst v63  }
0x81: {  	_ =	swait.ge [sflag:s24], $0x2800  }
0x82: {  	[sflag:s24] =	ssyncset.done $0x0  }
0x83: {  	s1 =	stileid.u32;
	[sflag:s24] =	ssyncadd.s32 $0xFFFFD800  }
0x84: {  	s1 =	sshll.u32 s1, $0x6;
	[bflag:$0x0] =	sbarrier.arrive $0xFFFF  }
0x85: {  	s16 =	sshrl.u32 s12, $0x3;
	s9 =	sor.u32 $0x1C03, s1;
	s10 =	rddreg [dreg:$0x7]  }
0x86: {  	[hbm:s10], [sflag:s9] =	dma.local [spmem:s16], $0x2710  }
0x87: {  	_ =	swait.ge [sflag:s24], $0x2710  }
0x88: {  	[sflag:s24] =	ssyncset.done $0x0  }
0x89: {  	s15 =	simm.s32 $0x200;
	s10 =	simm.s32 $0x0;
	[sflag:s24] =	ssyncadd.s32 $0xFFFFD8F0  }
.LBB2_14:
0x8a: {  	p1 =	sne.s32 s15, $0x9E00;
	[tilespmem:s10+$0x67F0] =	vst v0  }
0x8b: {  	[tilespmem:s10+$0x6780] =	vst v0  }
0x8c: {  	[tilespmem:s10+$0x6790] =	vst v0  }
.Ltmp5:
0x8d: {  	[tilespmem:s10+$0x67A0] =	vst v0;
	(pc) =	sbr.rel @p1 .LBB2_14-.Ltmp5, $4  }
0x8e: {  	[tilespmem:s10+$0x67B0] =	vst v0  }
0x8f: {  	[tilespmem:s10+$0x67C0] =	vst v0  }
0x90: {  	[tilespmem:s10+$0x67D0] =	vst v0  }
0x91: {  	[tilespmem:s10+$0x67E0] =	vst v0;
	s10 =	sshra.s32 s15, $0x2;
	s15 =	sadd.s32 $0x200, s15  }
0x92: {  	[tilespmem:s10+$0x67F0] =	vst v0  }
0x93: {  	[tilespmem:s10+$0x6780] =	vst v0  }
0x94: {  	[tilespmem:s10+$0x6790] =	vst v0  }
0x95: {  	[tilespmem:s10+$0x67A0] =	vst v0  }
0x96: {  	[tilespmem:s10+$0x67B0] =	vst v0  }
0x97: {  	[tilespmem:s10+$0x67C0] =	vst v0  }
0x98: {  	[tilespmem:s10+$0x67D0] =	vst v0  }
0x99: {  	[tilespmem:s10+$0x67E0] =	vst v0  }
0x9a: {  	[spmem:s12] =	stream.linear.scatter [tilespmem:s26], [sflag:$0x3], $0x2800, $0x38;
	[tilespmem:$0x1F000] =	vst v63  }
0x9b: {  	_ =	swait.ge [sflag:s24], $0x2800  }
0x9c: {  	[sflag:s24] =	ssyncset.done $0x0  }
0x9d: {  	[sflag:s24] =	ssyncadd.s32 $0xFFFFD800  }
0x9e: {  	[spmem:s18] =	stream.linear.scatter [tilespmem:s26], [sflag:$0x3], $0x2800, $0x38;
	[tilespmem:$0x1F000] =	vst v63  }
0x9f: {  	_ =	swait.ge [sflag:s24], $0x2800  }
0xa0: {  	[sflag:s24] =	ssyncset.done $0x0  }
0xa1: {  	[sflag:s24] =	ssyncadd.s32 $0xFFFFD800  }
0xa2: {  	[spmem:s19] =	stream.linear.scatter [tilespmem:s26], [sflag:$0x3], $0x2800, $0x38;
	[tilespmem:$0x1F000] =	vst v63  }
0xa3: {  	_ =	swait.ge [sflag:s24], $0x2800  }
0xa4: {  	[sflag:s24] =	ssyncset.done $0x0  }
0xa5: {  	[sflag:s24] =	ssyncadd.s32 $0xFFFFD800  }
0xa6: {  	[spmem:s20] =	stream.linear.scatter [tilespmem:s26], [sflag:$0x3], $0x2800, $0x38;
	[tilespmem:$0x1F000] =	vst v63  }
0xa7: {  	_ =	swait.ge [sflag:s24], $0x2800  }
0xa8: {  	[sflag:s24] =	ssyncset.done $0x0  }
0xa9: {  	[sflag:s24] =	ssyncadd.s32 $0xFFFFD800  }
0xaa: {  	[spmem:s21] =	stream.linear.scatter [tilespmem:s26], [sflag:$0x3], $0x2800, $0x38;
	[tilespmem:$0x1F000] =	vst v63  }
0xab: {  	_ =	swait.ge [sflag:s24], $0x2800  }
0xac: {  	[sflag:s24] =	ssyncset.done $0x0  }
0xad: {  	[sflag:s24] =	ssyncadd.s32 $0xFFFFD800  }
0xae: {  	[spmem:s22] =	stream.linear.scatter [tilespmem:s26], [sflag:$0x3], $0x2800, $0x38;
	[tilespmem:$0x1F000] =	vst v63  }
0xaf: {  	_ =	swait.ge [sflag:s24], $0x2800  }
0xb0: {  	[sflag:s24] =	ssyncset.done $0x0  }
0xb1: {  	[sflag:s24] =	ssyncadd.s32 $0xFFFFD800  }
0xb2: {  	[spmem:s23] =	stream.linear.scatter [tilespmem:s26], [sflag:$0x3], $0x2800, $0x38;
	[tilespmem:$0x1F000] =	vst v63  }
0xb3: {  	_ =	swait.ge [sflag:s24], $0x2800  }
0xb4: {  	[sflag:s24] =	ssyncset.done $0x0  }
0xb5: {  	[sflag:s24] =	ssyncadd.s32 $0xFFFFD800  }
0xb6: {  	[spmem:s14] =	stream.linear.scatter [tilespmem:s26], [sflag:$0x3], $0x2080, $0x38;
	[tilespmem:$0x1F000] =	vst v63  }
0xb7: {  	_ =	swait.ge [sflag:s24], $0x2080  }
0xb8: {  	[sflag:s24] =	ssyncset.done $0x0  }
0xb9: {  	[sflag:s24] =	ssyncadd.s32 $0xFFFFDF80  }
0xba: {  	s1 =	simm.s32 $0x0;
	[bflag:$0x0] =	sbarrier.arrive $0xFFFF  }
0xbb: {  	[tilespmem:s26], [sflag:$0x1] =	stream.indirect.gather [hbm4b:s8+s28], $0x80, s1, s28, $0xb8;
	[tilespmem:$0x1F000] =	vst v63  }
0xbc: {  	_ =	swait.ge [sflag:s29], $0x2800  }
0xbd: {  	[sflag:s29] =	ssyncset.done $0x0  }
0xbe: {  	s10 =	simm.s32 $0x50;
	[sflag:s29] =	ssyncadd.s32 $0xFFFFD800  }
0xbf: {  	[tilespmem:s30], [sflag:$0x2] =	stream.indirect.gather [hbm4b:s8+s28], $0x80, s10, s28, $0xb8;
	[tilespmem:$0x1F000] =	vst v63  }
0xc0: {  	s15 =	simm.s32 $0x2780  }
0xc1: {  	[spmem:s2] =	stream.indirect.scatter.add.f32 [tilespmem:s26], [sflag:$0x3], $0x80, s15, s28, $0xb8;
	[tilespmem:$0x1F000] =	vst v63  }
0xc2: {  	_ =	swait.ge [sflag:s24], $0x2800  }
0xc3: {  	[sflag:s24] =	ssyncset.done $0x0  }
0xc4: {  	s10 =	simm.s32 $0xA0;
	[sflag:s24] =	ssyncadd.s32 $0xFFFFD800  }
0xc5: {  	[tilespmem:s26], [sflag:$0x1] =	stream.indirect.gather [hbm4b:s8+s28], $0x80, s10, s28, $0xb8;
	[tilespmem:$0x1F000] =	vst v63  }
0xc6: {  	_ =	swait.ge [sflag:s31], $0x2800  }
0xc7: {  	[sflag:s31] =	ssyncset.done $0x0  }
0xc8: {  	s16 =	simm.s32 $0x2800;
	[sflag:s31] =	ssyncadd.s32 $0xFFFFD800  }
0xc9: {  	[spmem:s2] =	stream.indirect.scatter.add.f32 [tilespmem:s30], [sflag:$0x3], $0x80, s16, s28, $0xb8;
	[tilespmem:$0x1F000] =	vst v63  }
0xca: {  	_ =	swait.ge [sflag:s24], $0x2800  }
0xcb: {  	s15 =	simm.s32 $0x400;
	[sflag:s24] =	ssyncset.done $0x0  }
.LBB2_16:
0xcc: {  	p1 =	sne.s32 s15, $0xF400;
	[sflag:s24] =	ssyncadd.s32 $0xFFFFD800;
	s10 =	sadd.s32 $0xA0, s10  }
0xcd: {  	s1 =	smov.u32 s15;
	s15 =	sadd.s32 $0x400, s15;
	_ =	swait.ge [sflag:s29], $0x2800  }
0xce: {  	[sflag:s29] =	ssyncset.done $0x0  }
0xcf: {  	s16 =	sadd.s32 $0xFFFFFFB0, s10;
	s1 =	sshra.s32 s1, $0x2;
	[sflag:s29] =	ssyncadd.s32 $0xFFFFD800  }
0xd0: {  	[tilespmem:s30], [sflag:$0x2] =	stream.indirect.gather [hbm4b:s8+s28], $0x80, s16, s28, $0xb8;
	[tilespmem:$0x1F000] =	vst v63  }
0xd1: {  	s16 =	sadd.s32 $0x2780, s1  }
0xd2: {  	[spmem:s2] =	stream.indirect.scatter.add.f32 [tilespmem:s26], [sflag:$0x3], $0x80, s16, s28, $0xb8;
	[tilespmem:$0x1F000] =	vst v63  }
0xd3: {  	_ =	swait.ge [sflag:s24], $0x2800  }
0xd4: {  	[sflag:s24] =	ssyncset.done $0x0  }
0xd5: {  	[sflag:s24] =	ssyncadd.s32 $0xFFFFD800  }
0xd6: {  	[tilespmem:s26], [sflag:$0x1] =	stream.indirect.gather [hbm4b:s8+s28], $0x80, s10, s28, $0xb8;
	[tilespmem:$0x1F000] =	vst v63  }
0xd7: {  	_ =	swait.ge [sflag:s31], $0x2800  }
.Ltmp6:
0xd8: {  	[sflag:s31] =	ssyncset.done $0x0;
	(pc) =	sbr.rel @p1 .LBB2_16-.Ltmp6, $4  }
0xd9: {  	s1 =	sadd.s32 $0x2800, s1;
	[sflag:s31] =	ssyncadd.s32 $0xFFFFD800  }
0xda: {  	[spmem:s2] =	stream.indirect.scatter.add.f32 [tilespmem:s30], [sflag:$0x3], $0x80, s1, s28, $0xb8;
	[tilespmem:$0x1F000] =	vst v63  }
0xdb: {  	_ =	swait.ge [sflag:s24], $0x2800  }
0xdc: {  	[sflag:s24] =	ssyncset.done $0x0  }
.Ltmp7:
0xdd: {  	_ = 	snop;
	(pc) =	sbr.rel .LBB2_17-.Ltmp7, $1  }
0xde: {  	_ =	sdelay $0x3  }
.LBB2_2:
0xdf: {  	p1 =	sne.s32 s10, $0x9E00;
	[tilespmem:s9+$0x67F0] =	vst v0  }
0xe0: {  	[tilespmem:s9+$0x6780] =	vst v0  }
0xe1: {  	[tilespmem:s9+$0x6790] =	vst v0  }
.Ltmp8:
0xe2: {  	[tilespmem:s9+$0x67A0] =	vst v0;
	(pc) =	sbr.rel @p1 .LBB2_2-.Ltmp8, $4  }
0xe3: {  	[tilespmem:s9+$0x67B0] =	vst v0  }
0xe4: {  	[tilespmem:s9+$0x67C0] =	vst v0  }
0xe5: {  	[tilespmem:s9+$0x67D0] =	vst v0  }
0xe6: {  	[tilespmem:s9+$0x67E0] =	vst v0;
	s9 =	sshra.s32 s10, $0x2;
	s10 =	sadd.s32 $0x200, s10  }
0xe7: {  	[tilespmem:s9+$0x67F0] =	vst v0  }
0xe8: {  	[tilespmem:s9+$0x6780] =	vst v0  }
0xe9: {  	[tilespmem:s9+$0x6790] =	vst v0  }
0xea: {  	[tilespmem:s9+$0x67A0] =	vst v0  }
0xeb: {  	[tilespmem:s9+$0x67B0] =	vst v0  }
0xec: {  	[tilespmem:s9+$0x67C0] =	vst v0  }
0xed: {  	[tilespmem:s9+$0x67D0] =	vst v0  }
0xee: {  	[tilespmem:s9+$0x67E0] =	vst v0  }
0xef: {  	[spmem:s12] =	stream.linear.scatter [tilespmem:s26], [sflag:$0x3], $0x2800, $0x38;
	[tilespmem:$0x1F000] =	vst v63  }
0xf0: {  	_ =	swait.ge [sflag:s24], $0x2800  }
0xf1: {  	[sflag:s24] =	ssyncset.done $0x0  }
0xf2: {  	[sflag:s24] =	ssyncadd.s32 $0xFFFFD800  }
0xf3: {  	[spmem:s18] =	stream.linear.scatter [tilespmem:s26], [sflag:$0x3], $0x2800, $0x38;
	[tilespmem:$0x1F000] =	vst v63  }
0xf4: {  	_ =	swait.ge [sflag:s24], $0x2800  }
0xf5: {  	[sflag:s24] =	ssyncset.done $0x0  }
0xf6: {  	[sflag:s24] =	ssyncadd.s32 $0xFFFFD800  }
0xf7: {  	[spmem:s19] =	stream.linear.scatter [tilespmem:s26], [sflag:$0x3], $0x2800, $0x38;
	[tilespmem:$0x1F000] =	vst v63  }
0xf8: {  	_ =	swait.ge [sflag:s24], $0x2800  }
0xf9: {  	[sflag:s24] =	ssyncset.done $0x0  }
0xfa: {  	[sflag:s24] =	ssyncadd.s32 $0xFFFFD800  }
0xfb: {  	[spmem:s20] =	stream.linear.scatter [tilespmem:s26], [sflag:$0x3], $0x2800, $0x38;
	[tilespmem:$0x1F000] =	vst v63  }
0xfc: {  	_ =	swait.ge [sflag:s24], $0x2800  }
0xfd: {  	[sflag:s24] =	ssyncset.done $0x0  }
0xfe: {  	[sflag:s24] =	ssyncadd.s32 $0xFFFFD800  }
0xff: {  	[spmem:s21] =	stream.linear.scatter [tilespmem:s26], [sflag:$0x3], $0x2800, $0x38;
	[tilespmem:$0x1F000] =	vst v63  }
0x100: {  	_ =	swait.ge [sflag:s24], $0x2800  }
0x101: {  	[sflag:s24] =	ssyncset.done $0x0  }
0x102: {  	[sflag:s24] =	ssyncadd.s32 $0xFFFFD800  }
0x103: {  	[spmem:s22] =	stream.linear.scatter [tilespmem:s26], [sflag:$0x3], $0x2800, $0x38;
	[tilespmem:$0x1F000] =	vst v63  }
0x104: {  	_ =	swait.ge [sflag:s24], $0x2800  }
0x105: {  	[sflag:s24] =	ssyncset.done $0x0  }
0x106: {  	[sflag:s24] =	ssyncadd.s32 $0xFFFFD800  }
0x107: {  	[spmem:s23] =	stream.linear.scatter [tilespmem:s26], [sflag:$0x3], $0x2800, $0x38;
	[tilespmem:$0x1F000] =	vst v63  }
0x108: {  	_ =	swait.ge [sflag:s24], $0x2800  }
0x109: {  	[sflag:s24] =	ssyncset.done $0x0  }
0x10a: {  	[sflag:s24] =	ssyncadd.s32 $0xFFFFD800  }
0x10b: {  	[spmem:s14] =	stream.linear.scatter [tilespmem:s26], [sflag:$0x3], $0x2080, $0x38;
	[tilespmem:$0x1F000] =	vst v63  }
0x10c: {  	_ =	swait.ge [sflag:s24], $0x2080  }
0x10d: {  	[sflag:s24] =	ssyncset.done $0x0  }
0x10e: {  	[sflag:s24] =	ssyncadd.s32 $0xFFFFDF80  }
0x10f: {  	s10 =	simm.s32 $0x0;
	[bflag:$0x0] =	sbarrier.arrive $0xFFFF  }
0x110: {  	[tilespmem:s26], [sflag:$0x1] =	stream.indirect.gather [hbm4b:s4+s28], $0x80, s10, s28, $0xb8;
	[tilespmem:$0x1F000] =	vst v63  }
0x111: {  	_ =	swait.ge [sflag:s29], $0x2800  }
0x112: {  	[sflag:s29] =	ssyncset.done $0x0  }
0x113: {  	s15 =	simm.s32 $0x50;
	[sflag:s29] =	ssyncadd.s32 $0xFFFFD800  }
0x114: {  	[tilespmem:s30], [sflag:$0x2] =	stream.indirect.gather [hbm4b:s4+s28], $0x80, s15, s28, $0xb8;
	[tilespmem:$0x1F000] =	vst v63  }
0x115: {  	s16 =	simm.s32 $0x2780  }
0x116: {  	[spmem:s2] =	stream.indirect.scatter.add.f32 [tilespmem:s26], [sflag:$0x3], $0x80, s16, s28, $0xb8;
	[tilespmem:$0x1F000] =	vst v63  }
0x117: {  	_ =	swait.ge [sflag:s24], $0x2800  }
0x118: {  	[sflag:s24] =	ssyncset.done $0x0  }
0x119: {  	s9 =	simm.s32 $0xA0;
	[sflag:s24] =	ssyncadd.s32 $0xFFFFD800  }
0x11a: {  	[tilespmem:s26], [sflag:$0x1] =	stream.indirect.gather [hbm4b:s4+s28], $0x80, s9, s28, $0xb8;
	[tilespmem:$0x1F000] =	vst v63  }
0x11b: {  	_ =	swait.ge [sflag:s31], $0x2800  }
0x11c: {  	[sflag:s31] =	ssyncset.done $0x0  }
0x11d: {  	s10 =	simm.s32 $0x2800;
	[sflag:s31] =	ssyncadd.s32 $0xFFFFD800  }
0x11e: {  	[spmem:s2] =	stream.indirect.scatter.add.f32 [tilespmem:s30], [sflag:$0x3], $0x80, s10, s28, $0xb8;
	[tilespmem:$0x1F000] =	vst v63  }
0x11f: {  	_ =	swait.ge [sflag:s24], $0x2800  }
0x120: {  	s10 =	simm.s32 $0x400;
	[sflag:s24] =	ssyncset.done $0x0  }
.LBB2_4:
0x121: {  	p1 =	sne.s32 s10, $0xF400;
	[sflag:s24] =	ssyncadd.s32 $0xFFFFD800;
	s9 =	sadd.s32 $0xA0, s9  }
0x122: {  	s15 =	smov.u32 s10;
	s10 =	sadd.s32 $0x400, s10;
	_ =	swait.ge [sflag:s29], $0x2800  }
0x123: {  	[sflag:s29] =	ssyncset.done $0x0  }
0x124: {  	s16 =	sadd.s32 $0xFFFFFFB0, s9;
	s15 =	sshra.s32 s15, $0x2;
	[sflag:s29] =	ssyncadd.s32 $0xFFFFD800  }
0x125: {  	[tilespmem:s30], [sflag:$0x2] =	stream.indirect.gather [hbm4b:s4+s28], $0x80, s16, s28, $0xb8;
	[tilespmem:$0x1F000] =	vst v63  }
0x126: {  	s16 =	sadd.s32 $0x2780, s15  }
0x127: {  	[spmem:s2] =	stream.indirect.scatter.add.f32 [tilespmem:s26], [sflag:$0x3], $0x80, s16, s28, $0xb8;
	[tilespmem:$0x1F000] =	vst v63  }
0x128: {  	_ =	swait.ge [sflag:s24], $0x2800  }
0x129: {  	[sflag:s24] =	ssyncset.done $0x0  }
0x12a: {  	[sflag:s24] =	ssyncadd.s32 $0xFFFFD800  }
0x12b: {  	[tilespmem:s26], [sflag:$0x1] =	stream.indirect.gather [hbm4b:s4+s28], $0x80, s9, s28, $0xb8;
	[tilespmem:$0x1F000] =	vst v63  }
0x12c: {  	_ =	swait.ge [sflag:s31], $0x2800  }
.Ltmp9:
0x12d: {  	[sflag:s31] =	ssyncset.done $0x0;
	(pc) =	sbr.rel @p1 .LBB2_4-.Ltmp9, $4  }
0x12e: {  	s15 =	sadd.s32 $0x2800, s15;
	[sflag:s31] =	ssyncadd.s32 $0xFFFFD800  }
0x12f: {  	[spmem:s2] =	stream.indirect.scatter.add.f32 [tilespmem:s30], [sflag:$0x3], $0x80, s15, s28, $0xb8;
	[tilespmem:$0x1F000] =	vst v63  }
0x130: {  	_ =	swait.ge [sflag:s24], $0x2800  }
0x131: {  	[sflag:s24] =	ssyncset.done $0x0  }
0x132: {  	[sflag:s24] =	ssyncadd.s32 $0xFFFFD800  }
0x133: {  	_ =	swait.ge [sflag:s29], $0x2800  }
0x134: {  	[sflag:s29] =	ssyncset.done $0x0  }
0x135: {  	[sflag:s29] =	ssyncadd.s32 $0xFFFFD800  }
0x136: {  	[spmem:s2] =	stream.indirect.scatter.add.f32 [tilespmem:s26], [sflag:$0x3], $0x80, s0, s28, $0xb8;
	[tilespmem:$0x1F000] =	vst v63  }
0x137: {  	_ =	swait.ge [sflag:s24], $0x2800  }
0x138: {  	[sflag:s24] =	ssyncset.done $0x0  }
0x139: {  	s1 =	stileid.u32;
	[sflag:s24] =	ssyncadd.s32 $0xFFFFD800  }
0x13a: {  	s9 =	sshll.u32 s1, $0x6;
	[bflag:$0x0] =	sbarrier.arrive $0xFFFF  }
0x13b: {  	s10 =	sshrl.u32 s12, $0x3;
	s9 =	sor.u32 $0x1C03, s9;
	s16 =	rddreg [dreg:$0x6]  }
0x13c: {  	[hbm:s16], [sflag:s9] =	dma.local [spmem:s10], $0x2710  }
0x13d: {  	_ =	swait.ge [sflag:s24], $0x2710  }
0x13e: {  	[sflag:s24] =	ssyncset.done $0x0  }
0x13f: {  	s15 =	simm.s32 $0x200;
	s10 =	simm.s32 $0x0;
	[sflag:s24] =	ssyncadd.s32 $0xFFFFD8F0  }
.LBB2_6:
0x140: {  	p1 =	sne.s32 s15, $0x9E00;
	[tilespmem:s10+$0x67F0] =	vst v0  }
0x141: {  	[tilespmem:s10+$0x6780] =	vst v0  }
0x142: {  	[tilespmem:s10+$0x6790] =	vst v0  }
.Ltmp10:
0x143: {  	[tilespmem:s10+$0x67A0] =	vst v0;
	(pc) =	sbr.rel @p1 .LBB2_6-.Ltmp10, $4  }
0x144: {  	[tilespmem:s10+$0x67B0] =	vst v0  }
0x145: {  	[tilespmem:s10+$0x67C0] =	vst v0  }
0x146: {  	[tilespmem:s10+$0x67D0] =	vst v0  }
0x147: {  	[tilespmem:s10+$0x67E0] =	vst v0;
	s10 =	sshra.s32 s15, $0x2;
	s15 =	sadd.s32 $0x200, s15  }
0x148: {  	[tilespmem:s10+$0x67F0] =	vst v0  }
0x149: {  	[tilespmem:s10+$0x6780] =	vst v0  }
0x14a: {  	[tilespmem:s10+$0x6790] =	vst v0  }
0x14b: {  	[tilespmem:s10+$0x67A0] =	vst v0  }
0x14c: {  	[tilespmem:s10+$0x67B0] =	vst v0  }
0x14d: {  	[tilespmem:s10+$0x67C0] =	vst v0  }
0x14e: {  	[tilespmem:s10+$0x67D0] =	vst v0  }
0x14f: {  	[tilespmem:s10+$0x67E0] =	vst v0  }
0x150: {  	[spmem:s12] =	stream.linear.scatter [tilespmem:s26], [sflag:$0x3], $0x2800, $0x38;
	[tilespmem:$0x1F000] =	vst v63  }
0x151: {  	_ =	swait.ge [sflag:s24], $0x2800  }
0x152: {  	[sflag:s24] =	ssyncset.done $0x0  }
0x153: {  	[sflag:s24] =	ssyncadd.s32 $0xFFFFD800  }
0x154: {  	[spmem:s18] =	stream.linear.scatter [tilespmem:s26], [sflag:$0x3], $0x2800, $0x38;
	[tilespmem:$0x1F000] =	vst v63  }
0x155: {  	_ =	swait.ge [sflag:s24], $0x2800  }
0x156: {  	[sflag:s24] =	ssyncset.done $0x0  }
0x157: {  	[sflag:s24] =	ssyncadd.s32 $0xFFFFD800  }
0x158: {  	[spmem:s19] =	stream.linear.scatter [tilespmem:s26], [sflag:$0x3], $0x2800, $0x38;
	[tilespmem:$0x1F000] =	vst v63  }
0x159: {  	_ =	swait.ge [sflag:s24], $0x2800  }
0x15a: {  	[sflag:s24] =	ssyncset.done $0x0  }
0x15b: {  	[sflag:s24] =	ssyncadd.s32 $0xFFFFD800  }
0x15c: {  	[spmem:s20] =	stream.linear.scatter [tilespmem:s26], [sflag:$0x3], $0x2800, $0x38;
	[tilespmem:$0x1F000] =	vst v63  }
0x15d: {  	_ =	swait.ge [sflag:s24], $0x2800  }
0x15e: {  	[sflag:s24] =	ssyncset.done $0x0  }
0x15f: {  	[sflag:s24] =	ssyncadd.s32 $0xFFFFD800  }
0x160: {  	[spmem:s21] =	stream.linear.scatter [tilespmem:s26], [sflag:$0x3], $0x2800, $0x38;
	[tilespmem:$0x1F000] =	vst v63  }
0x161: {  	_ =	swait.ge [sflag:s24], $0x2800  }
0x162: {  	[sflag:s24] =	ssyncset.done $0x0  }
0x163: {  	[sflag:s24] =	ssyncadd.s32 $0xFFFFD800  }
0x164: {  	[spmem:s22] =	stream.linear.scatter [tilespmem:s26], [sflag:$0x3], $0x2800, $0x38;
	[tilespmem:$0x1F000] =	vst v63  }
0x165: {  	_ =	swait.ge [sflag:s24], $0x2800  }
0x166: {  	[sflag:s24] =	ssyncset.done $0x0  }
0x167: {  	[sflag:s24] =	ssyncadd.s32 $0xFFFFD800  }
0x168: {  	[spmem:s23] =	stream.linear.scatter [tilespmem:s26], [sflag:$0x3], $0x2800, $0x38;
	[tilespmem:$0x1F000] =	vst v63  }
0x169: {  	_ =	swait.ge [sflag:s24], $0x2800  }
0x16a: {  	[sflag:s24] =	ssyncset.done $0x0  }
0x16b: {  	[sflag:s24] =	ssyncadd.s32 $0xFFFFD800  }
0x16c: {  	[spmem:s14] =	stream.linear.scatter [tilespmem:s26], [sflag:$0x3], $0x2080, $0x38;
	[tilespmem:$0x1F000] =	vst v63  }
0x16d: {  	_ =	swait.ge [sflag:s24], $0x2080  }
0x16e: {  	[sflag:s24] =	ssyncset.done $0x0  }
0x16f: {  	[sflag:s24] =	ssyncadd.s32 $0xFFFFDF80  }
0x170: {  	s1 =	simm.s32 $0x0;
	[bflag:$0x0] =	sbarrier.arrive $0xFFFF  }
0x171: {  	[tilespmem:s26], [sflag:$0x1] =	stream.indirect.gather [hbm4b:s5+s28], $0x80, s1, s28, $0xb8;
	[tilespmem:$0x1F000] =	vst v63  }
0x172: {  	_ =	swait.ge [sflag:s29], $0x2800  }
0x173: {  	[sflag:s29] =	ssyncset.done $0x0  }
0x174: {  	s15 =	simm.s32 $0x50;
	[sflag:s29] =	ssyncadd.s32 $0xFFFFD800  }
0x175: {  	[tilespmem:s30], [sflag:$0x2] =	stream.indirect.gather [hbm4b:s5+s28], $0x80, s15, s28, $0xb8;
	[tilespmem:$0x1F000] =	vst v63  }
0x176: {  	s16 =	simm.s32 $0x2780  }
0x177: {  	[spmem:s2] =	stream.indirect.scatter.add.f32 [tilespmem:s26], [sflag:$0x3], $0x80, s16, s28, $0xb8;
	[tilespmem:$0x1F000] =	vst v63  }
0x178: {  	_ =	swait.ge [sflag:s24], $0x2800  }
0x179: {  	[sflag:s24] =	ssyncset.done $0x0  }
0x17a: {  	s10 =	simm.s32 $0xA0;
	[sflag:s24] =	ssyncadd.s32 $0xFFFFD800  }
0x17b: {  	[tilespmem:s26], [sflag:$0x1] =	stream.indirect.gather [hbm4b:s5+s28], $0x80, s10, s28, $0xb8;
	[tilespmem:$0x1F000] =	vst v63  }
0x17c: {  	_ =	swait.ge [sflag:s31], $0x2800  }
0x17d: {  	[sflag:s31] =	ssyncset.done $0x0  }
0x17e: {  	s15 =	simm.s32 $0x2800;
	[sflag:s31] =	ssyncadd.s32 $0xFFFFD800  }
0x17f: {  	[spmem:s2] =	stream.indirect.scatter.add.f32 [tilespmem:s30], [sflag:$0x3], $0x80, s15, s28, $0xb8;
	[tilespmem:$0x1F000] =	vst v63  }
0x180: {  	_ =	swait.ge [sflag:s24], $0x2800  }
0x181: {  	s15 =	simm.s32 $0x400;
	[sflag:s24] =	ssyncset.done $0x0  }
.LBB2_8:
0x182: {  	p1 =	seq.s32 s15, $0xF400;
	[sflag:s24] =	ssyncadd.s32 $0xFFFFD800;
	s10 =	sadd.s32 $0xA0, s10  }
0x183: {  	s16 =	smov.u32 s15;
	s15 =	sadd.s32 $0x400, s15;
	_ =	swait.ge [sflag:s29], $0x2800  }
0x184: {  	[sflag:s29] =	ssyncset.done $0x0  }
0x185: {  	s1 =	sadd.s32 $0xFFFFFFB0, s10;
	s16 =	sshra.s32 s16, $0x2;
	[sflag:s29] =	ssyncadd.s32 $0xFFFFD800  }
0x186: {  	[tilespmem:s30], [sflag:$0x2] =	stream.indirect.gather [hbm4b:s5+s28], $0x80, s1, s28, $0xb8;
	[tilespmem:$0x1F000] =	vst v63  }
0x187: {  	s1 =	sadd.s32 $0x2780, s16  }
0x188: {  	[spmem:s2] =	stream.indirect.scatter.add.f32 [tilespmem:s26], [sflag:$0x3], $0x80, s1, s28, $0xb8;
	[tilespmem:$0x1F000] =	vst v63  }
0x189: {  	_ =	swait.ge [sflag:s24], $0x2800  }
0x18a: {  	[sflag:s24] =	ssyncset.done $0x0  }
0x18b: {  	[sflag:s24] =	ssyncadd.s32 $0xFFFFD800  }
0x18c: {  	[tilespmem:s26], [sflag:$0x1] =	stream.indirect.gather [hbm4b:s5+s28], $0x80, s10, s28, $0xb8;
	[tilespmem:$0x1F000] =	vst v63  }
0x18d: {  	_ =	swait.ge [sflag:s31], $0x2800  }
.Ltmp11:
0x18e: {  	[sflag:s31] =	ssyncset.done $0x0;
	(pc) =	sbr.rel @!p1 .LBB2_8-.Ltmp11, $4  }
0x18f: {  	s1 =	sadd.s32 $0x2800, s16;
	[sflag:s31] =	ssyncadd.s32 $0xFFFFD800  }
0x190: {  	[spmem:s2] =	stream.indirect.scatter.add.f32 [tilespmem:s30], [sflag:$0x3], $0x80, s1, s28, $0xb8;
	[tilespmem:$0x1F000] =	vst v63  }
0x191: {  	_ =	swait.ge [sflag:s24], $0x2800  }
0x192: {  	[sflag:s24] =	ssyncset.done $0x0  }
.Ltmp12:
0x193: {  	(pc) =	sbr.rel .LBB2_18-.Ltmp12, $2  }
0x194: {  	_ =	sdelay $0x2  }
0x195: {  	[sflag:s24] =	ssyncadd.s32 $0xFFFFD800;
	s10 =	rddreg [dreg:$0x4]  }
.LBB2_19:
0x196: {  	_ =	sfence.sel $0x180000  }
0x197: {  	[bflag:$0x0] =	sbarrier.arrive $0xFFFF  }
0x198: {  	_ =	strace $0x9000004D  }
0x199: {  	s0 =	stileid.u32;
	[bflag:$0x2] =	sbarrier.arrive $0xFFFF  }
0x19a: {  	p0 =	sne.s32 s0, $0x0;
	s0 =	rddreg [dreg:$0x3]  }
0x19b: {  	s0 =	sadd.s32 @!p0 $0x100000, s0  }
0x19c: {  	[sflag:s0] =	ssyncadd.tile.s32 @!p0 $0x1;
	_ =	shalt  }
.Lfunc_end2:
_tile_overlayer_lowered:
.L_overlay_start_2:
0x19d: {  	(tag) =	ssettag $0x2  }
0x19e: {  	s0 =	rddreg [dreg:$0x0];
	s2 =	stileid.u32  }
0x19f: {  	s1 =	rddreg [dreg:$0x1];
	p0 =	sne.s32 s2, $0x0  }
0x1a0: {  	s3 =	rddreg [dreg:$0x2];
	[bflag:$0x3] =	sbarrier.arrive $0xFFFF;
	s2 =	simm.s32 @!p0 $0x1C03  }
0x1a1: {  	[timem:s3], [sflag:s2] =	dma.local @!p0 [hbm:s0], s1  }
0x1a2: {  	s0 =	simm.s32 @!p0 $0x3  }
0x1a3: {  	_ =	swait.ge @!p0 [sflag:s0], s1  }
0x1a4: {  	s1 =	ssub.s32 @!p0 $0x0, s1;
	[sflag:s0] =	ssyncset.done @!p0 $0x0  }
0x1a5: {  	[sflag:s0] =	ssyncadd.s32 @!p0 s1  }
0x1a6: {  	[bflag:$0x3] =	sbarrier.arrive $0xFFFF  }
0x1a7: {  	_ =	shalt  }

// kernel: kernel.9.cloned.1.call-start
scs
__scs_entry_jumppad:
0x0: {  	(pc) =	sbr.rel $0x88, $3  }
0x1: {  	(tag) =	ssettag $0x0;
	lr =	simm.s32 $0x1  }
0x2: {  	[smem:$0x3F9D] =	sst lr;
	_ =	strace $0xD0000000  }
0x3: {  	_ = 	snop  }
0x4: {  	_ = 	snop  }
0x5: {  	_ = 	snop  }
0x6: {  	_ = 	snop  }
0x7: {  	_ = 	snop  }
__scs_overlays_trampoline_lowered:
0x8: {  	[smem:$0x3FAC] =	sst s0  }
0x9: {  	[smem:$0x3FAD] =	sst s1  }
0xa: {  	[smem:$0x3FAE] =	sst s2  }
0xb: {  	[smem:$0x3FAF] =	sst s3  }
0xc: {  	[smem:$0x3FB0] =	sst s4  }
0xd: {  	[smem:$0x3FB1] =	sst s5  }
0xe: {  	[smem:$0x3FB2] =	sst s6  }
0xf: {  	[smem:$0x3FB3] =	sst s7  }
0x10: {  	[smem:$0x3FB4] =	sst s8  }
0x11: {  	[smem:$0x3FB5] =	sst s9;
	s0 =	simm.s32 @!p0 $0x0  }
0x12: {  	s1 =	sld [smem:$0x3F9B];
	s0 =	simm.s32 @p0 $0x1  }
0x13: {  	[smem:$0x3FB6] =	sst s0;
	s0 =	simm.s32 @!p1 $0x0  }
0x14: {  	s2 =	sld [smem:$0x3F9A];
	s0 =	simm.s32 @p1 $0x1  }
0x15: {  	[smem:$0x3FB7] =	sst s0;
	s0 =	simm.s32 @!p2 $0x0  }
0x16: {  	s3 =	sld [smem:$0x3FDB];
	s0 =	simm.s32 @p2 $0x1  }
0x17: {  	s4 =	simm.s32 $0x1BF5;
	[smem:$0x3FB9] =	sst s0  }
0x18: {  	s0 =	sld [smem:$0x3F9C];
	_ =	swait.ge [sflag:s4], $0x0  }
0x19: {  	s7 =	sld [smem:$0x3F9D]  }
0x1a: {  	s8 =	sadd.s32 $0xFFFFE003, lr  }
0x1b: {  	s9 =	sadd.s32 $0xFFFFFEF7, lr;
	s5 =	simm.s32 $0xFFFFFFFF;
	p2 =	slt.u32 s8, $0xFFFFF086  }
0x1c: {  	p1 =	slt.u32 s9, $0xF7A;
	s5 =	simm.s32 @!p2 $0x0  }
0x1d: {  	s5 =	simm.s32 @p1 $0x1;
	p0 =	seq.s32 s7, s2  }
0x1e: {  	s7 =	smul.u32 @!p0 $0xF7A, s2;
	p2 =	seq.s32 @!p0 s5, $0x0  }
0x1f: {  	s9 =	smul.u32 $0xF7A, s1;
	s8 =	simm.s32 @!p0 $0x1BF5;
	p2 =	por !p2, p0  }
0x20: {  	[sflag:s8] =	ssyncset.s32 @!p0 $0xFFFFF086;
	s6 =	sadd.s32 @!p0 s3, s7;
	s7 =	simm.s32 @!p0 $0x108  }
0x21: {  	s3 =	sadd.s32 s3, s9;
	s6 =	sadd.s32 @!p0 $0x88, s6;
	s7 =	simm.s32 @p2 $0x1082  }
0x22: {  	[simem:s7], [sflag:s8] =	dma.local @!p0 [hbm:s6], $0xF7A  }
0x23: {  	s9 =	sor.u32 $0xD0000000, s2;
	s6 =	simm.s32 $0x108;
	_ =	swait.ge @!p0 [sflag:s8], $0x0  }
0x24: {  	s3 =	sadd.s32 $0x88, s3;
	s6 =	simm.s32 @!p1 $0x1082;
	[sflag:s4] =	ssyncset.s32 $0xFFFFF086  }
0x25: {  	[simem:s6], [sflag:s4] =	dma.local [hbm:s3], $0xF7A  }
0x26: {  	[smem:$0x3F9D] =	sst s1;
	(tag) =	ssettag s2;
	_ =	strace s9  }
0x27: {  	s1 =	sld [smem:$0x3FAD]  }
0x28: {  	s2 =	sld [smem:$0x3FAE]  }
0x29: {  	s4 =	sld [smem:$0x3FB0]  }
0x2a: {  	p0 =	seq.s32 s5, $0x0;
	s5 =	sld [smem:$0x3FB1]  }
0x2b: {  	s6 =	sld [smem:$0x3FB2]  }
0x2c: {  	s7 =	sld [smem:$0x3FB3]  }
0x2d: {  	s3 =	simm.s32 $0x108;
	s8 =	sld [smem:$0x3FB4]  }
0x2e: {  	s3 =	simm.s32 @!p0 $0x1082;
	s9 =	sld [smem:$0x3FB5]  }
0x2f: {  	lr =	sadd.s32 s0, s3;
	s0 =	sld [smem:$0x3FAC]  }
0x30: {  	s3 =	sld [smem:$0x3FAF]  }
0x31: {  	[smem:$0x3FB8] =	sst s10  }
0x32: {  	s10 =	sld [smem:$0x3FB6];
	_ =	sdelay $0x3  }
0x33: {  	p0 =	seq.s32 s10, $0x1;
	s10 =	sld [smem:$0x3FB8];
	_ =	sdelay $0x3  }
0x34: {  	[smem:$0x3FB8] =	sst s10  }
0x35: {  	s10 =	sld [smem:$0x3FB7];
	_ =	sdelay $0x3  }
0x36: {  	p1 =	seq.s32 s10, $0x1;
	s10 =	sld [smem:$0x3FB8];
	_ =	sdelay $0x3  }
0x37: {  	[smem:$0x3FB8] =	sst s10  }
0x38: {  	s10 =	sld [smem:$0x3FB9]  }
0x39: {  	_ = 	snop;
	(pc) =	sbr.ind lr, $3  }
0x3a: {  	_ = 	snop  }
0x3b: {  	_ = 	snop  }
0x3c: {  	p2 =	seq.s32 s10, $0x1;
	s10 =	sld [smem:$0x3FB8]  }
0x3d: {  	_ =	shalt  }
0x3e: {  	_ =	shalt  }
0x3f: {  	_ =	shalt  }
0x40: {  	_ =	shalt  }
0x41: {  	_ =	shalt  }
0x42: {  	_ =	shalt  }
0x43: {  	_ =	shalt  }
0x44: {  	_ =	shalt  }
0x45: {  	_ =	shalt  }
0x46: {  	_ =	shalt  }
0x47: {  	_ =	shalt  }
0x48: {  	_ =	shalt  }
0x49: {  	_ =	shalt  }
0x4a: {  	_ =	shalt  }
0x4b: {  	_ =	shalt  }
0x4c: {  	_ =	shalt  }
0x4d: {  	_ =	shalt  }
0x4e: {  	_ =	shalt  }
0x4f: {  	_ =	shalt  }
0x50: {  	_ =	shalt  }
0x51: {  	_ =	shalt  }
0x52: {  	_ =	shalt  }
0x53: {  	_ =	shalt  }
0x54: {  	_ =	shalt  }
0x55: {  	_ =	shalt  }
0x56: {  	_ =	shalt  }
0x57: {  	_ =	shalt  }
0x58: {  	_ =	shalt  }
0x59: {  	_ =	shalt  }
0x5a: {  	_ =	shalt  }
0x5b: {  	_ =	shalt  }
0x5c: {  	_ =	shalt  }
0x5d: {  	_ =	shalt  }
0x5e: {  	_ =	shalt  }
0x5f: {  	_ =	shalt  }
0x60: {  	_ =	shalt  }
0x61: {  	_ =	shalt  }
0x62: {  	_ =	shalt  }
0x63: {  	_ =	shalt  }
0x64: {  	_ =	shalt  }
0x65: {  	_ =	shalt  }
0x66: {  	_ =	shalt  }
0x67: {  	_ =	shalt  }
0x68: {  	_ =	shalt  }
0x69: {  	_ =	shalt  }
0x6a: {  	_ =	shalt  }
0x6b: {  	_ =	shalt  }
0x6c: {  	_ =	shalt  }
0x6d: {  	_ =	shalt  }
0x6e: {  	_ =	shalt  }
0x6f: {  	_ =	shalt  }
0x70: {  	_ =	shalt  }
0x71: {  	_ =	shalt  }
0x72: {  	_ =	shalt  }
0x73: {  	_ =	shalt  }
0x74: {  	_ =	shalt  }
0x75: {  	_ =	shalt  }
0x76: {  	_ =	shalt  }
0x77: {  	_ =	shalt  }
0x78: {  	_ =	shalt  }
0x79: {  	_ =	shalt  }
0x7a: {  	_ =	shalt  }
0x7b: {  	_ =	shalt  }
0x7c: {  	_ =	shalt  }
0x7d: {  	_ =	shalt  }
0x7e: {  	_ =	shalt  }
0x7f: {  	_ =	shalt  }
0x80: {  	_ =	shalt  }
0x81: {  	_ =	shalt  }
0x82: {  	_ =	shalt  }
0x83: {  	_ =	shalt  }
0x84: {  	_ =	shalt  }
0x85: {  	_ =	shalt  }
0x86: {  	_ =	shalt  }
0x87: {  	_ =	shalt  }
.Lfunc_end0:
.L_simem_size_0:
called_computation_lowered:
.L_overlay_start_0:
0x88: {  	s2 =	sld [smem:$0x3FD9]  }
0x89: {  	s3 =	sld [smem:$0x3FFE];
	_ =	sdelay $0x1  }
0x8a: {  	s1 =	srdreg.scid  }
0x8b: {  	s0 =	sand.u32 $0x1, s1  }
0x8c: {  	s14 =	sshll.u32 s0, $0xA;
	s2 =	sadd.s32 s3, s2  }
0x8d: {  	s2 =	sadd.s32 s2, s14  }
0x8e: {  	[smem:$0x3FC4] =	sst s2  }
0x8f: {  	_ = 	snop  }
0x90: {  	s2 =	sld [smem:$0x3FD0];
	_ =	sdelay $0x2  }
0x91: {  	s15 =	simm.s32 $0xA;
	s4 =	simm.s32 $0x10  }
0x92: {  	[smem:s4], [sflag:s15] =	dma.local [hbm:s2], $0x1  }
0x93: {  	_ =	swait.eq [sflag:s15], $0x1  }
0x94: {  	[sflag:s15] =	ssyncset.done $0x0  }
0x95: {  	[sflag:s15] =	ssyncadd.s32 $0xFFFFFFFF  }
0x96: {  	s16 =	sld [smem:$0x10];
	(tm) =	ssettm $0x1  }
0x97: {  	s17 =	sld [smem:$0x3FFB];
	_ =	sdelay $0x3  }
0x98: {  	_ =	strace s17  }
0x99: {  	s3 =	sld [smem:$0x3FFC];
	_ =	sdelay $0x3  }
0x9a: {  	_ =	strace s3  }
0x9b: {  	s3 =	sld [smem:$0x3FFD];
	_ =	sdelay $0x3  }
0x9c: {  	_ =	strace s3  }
0x9d: {  	_ =	strace $0x8FFFFFFF  }
0x9e: {  	s18 =	sld [smem:$0x3FDB];
	_ =	sdelay $0x1  }
0x9f: {  	s19 =	simm.s32 $_scs_section_size  }
0xa0: {  	s5 =	simm.s32 $_size__tile_overlayer_lowered;
	s6 =	simm.s32 $_tile_overlayer_lowered  }
0xa1: {  	s22 =	simm.s32 $0x1BFF;
	s21 =	sshll.u32 s6, $0x1;
	s3 =	sadd.s32 s19, s18  }
0xa2: {  	s7 =	simm.s32 $0x0;
	s20 =	sshll.u32 s5, $0x1;
	s5 =	sadd.s32 s21, s3  }
0xa3: {  	[timem:s7], [sflag:s22] =	dma.local [hbm:s5], s20  }
0xa4: {  	_ =	swait.ge [sflag:s22], s20  }
0xa5: {  	s4 =	ssub.s32 $0x0, s20;
	[sflag:s22] =	ssyncset.done $0x0  }
0xa6: {  	[sflag:s22] =	ssyncadd.s32 s4;
	_ =	sdelay $0x1  }
0xa7: {  	s23 =	simm.s32 $0x1B8B  }
0xa8: {  	_ =	swait.ge [sflag:s23], $0x1  }
0xa9: {  	[sflag:s23] =	ssyncset.done $0x0  }
0xaa: {  	s25 =	simm.s32 $0x1B8E;
	s24 =	sld [smem:$0x3FFE];
	[sflag:s23] =	ssyncadd.s32 $0xFFFFFFFF  }
0xab: {  	s26 =	simm.s32 $execute0_lowered;
	[smem:$0x3FD2] =	sst s25  }
0xac: {  	s5 =	sshll.u32 s26, $0x1;
	_ =	strace $0x80000046;
	[dreg:$0x1] =	wrdreg $0xFFFFFFFF  }
0xad: {  	s28 =	simm.s32 $_size_execute0_lowered;
	s3 =	sadd.s32 s3, s5;
	[dreg:$0x0] =	wrdreg $0x0  }
0xae: {  	s5 =	sshll.u32 s28, $0x1;
	[dreg:$0x2] =	wrdreg s3  }
0xaf: {  	[dreg:$0x3] =	wrdreg s5  }
0xb0: {  	[dreg:$0x4] =	wrdreg $0xC0  }
0xb1: {  	_ =	task [dreg:s7], $0x5FFFF  }
0xb2: {  	[dreg:$0x1] =	wrdreg $0xFFFFFFFF  }
0xb3: {  	[dreg:$0x0] =	wrdreg $0x60  }
0xb4: {  	[dreg:$0x2] =	wrdreg s24  }
0xb5: {  	[dreg:$0x3] =	wrdreg s16  }
0xb6: {  	[dreg:$0x4] =	wrdreg $0x94000  }
0xb7: {  	[dreg:$0x5] =	wrdreg $0x9  }
0xb8: {  	_ =	task.clear_ibuf [dreg:s7], $0x6FFFF;
	_ =	strace $0x90000046  }
0xb9: {  	s29 =	simm.s32 $0x9;
	_ =	strace $0x80000048  }
0xba: {  	_ =	swait.ge [sflag:s29], $0x1  }
0xbb: {  	[sflag:s29] =	ssyncadd.s32 $0xFFFFFFFF  }
0xbc: {  	_ =	strace $0x90000048  }
0xbd: {  	_ =	sfence  }
0xbe: {  	s30 =	sld [smem:$0x0];
	_ =	sdelay $0x2  }
0xbf: {  	s31 =	sshll.u32 s1, $0xD;
	s1 =	sshrl.u32 s1, $0x2  }
0xc0: {  	s3 =	sand.u32 $0x4000, s31;
	s1 =	sadd.s32 s1, s30  }
0xc1: {  	s0 =	sor.u32 s3, s0;
	s1 =	sshll.u32 s1, $0x11  }
0xc2: {  	s0 =	sor.u32 s1, s0  }
0xc3: {  	s0 =	sadd.s32 $0x8F2B, s0  }
0xc4: {  	[sflag:s0] =	ssyncadd.remote.s32 $0x1  }
0xc5: {  	_ =	sfence.sel $0xFFFF  }
0xc6: {  	[dreg:$0x0] =	wrdreg $0xFFFFFFFF;
	(pc) =	sbr.abs _section_cstart, $3  }
0xc7: {  	[dreg:$0x1] =	wrdreg $0xFFFFFFFF  }
0xc8: {  	_ =	task.clear_ibuf [dreg:s7], $0x2FFFF;
	_ =	strace $0x9FFFFFFF  }
0xc9: {  	(tm) =	ssettm $0x7FFFFFFF  }
tec
execute0_lowered:
.L_overlay_start_1:
0x0: {  	(tag) =	ssettag $0x1  }
0x1: {  	s5 =	rddreg [dreg:$0x0]  }
0x2: {  	s0 =	srdreg.scid;
	s6 =	rddreg [dreg:$0x1]  }
0x3: {  	s2 =	rddreg [dreg:$0x2];
	s3 =	simm.s32 $0x0;
	s12 =	simm.s32 $0x1  }
0x4: {  	s13 =	simm.s32 $0x5400;
	s14 =	simm.s32 $0x7D;
	s4 =	sand.u32 $0x1, s0  }
0x5: {  	s15 =	simm.s32 $0x1400;
	s0 =	stileid.u32;
	s8 =	smul.u32 $0x13C000, s4  }
0x6: {  	s18 =	simm.s32 $0x0;
	[smem:$0x7FF] =	sst s3;
	s9 =	smul.u32 $0x13C00, s0  }
0x7: {  	s1 =	sshll.u32 s4, $0x4;
	s4 =	ssub.s32 $0x2, s4;
	s11 =	smul.u32 $0x4E200, s0  }
0x8: {  	s16 =	sshll.u32 s0, $0x6;
	s1 =	sor.u32 s0, s1;
	s10 =	sshrl.u32 s4, $0x1  }
0x9: {  	s16 =	sor.u32 $0x1C01, s16;
	s7 =	smul.u32 $0x280, s1;
	s1 =	rddreg [dreg:$0x3]  }
0xa: {  	_ =	strace $0x80000047;
	s29 =	ssub.s32 s4, s10;
	s8 =	sadd.s32 s9, s8  }
0xb: {  	s31 =	sshrl.u32 s11, $0x2;
	s30 =	sshrl.u32 s8, $0x3;
	s5 =	sadd.s32 s7, s5  }
0xc: {  	s4 =	sadd.s32 $0xA400, s5;
	s5 =	sadd.s32 s6, s30;
	s6 =	sadd.s32 s31, s2  }
0xd: {  	s7 =	smax.u32 s29, $0x1;
	s8 =	sadd.s32 $0x3E80, s6;
	s9 =	sadd.s32 $0x7D00, s6  }
0xe: {  	v0 =	vimm.f32 $1.000000000e+00;
	v1 =	vimm.f32 $0.0e+00;
	s10 =	sadd.s32 $0xBB80, s6;
	s11 =	sadd.s32 $0xFA00, s6;
	s17 =	sshrl.u32 s6, $0x3  }
.LBB2_1:
0xf: {  	[tilespmem:s3], [sflag:$0x1] =	stream.linear.gather [hbm4b:s4+s3], $0x1400, $0x38;
	[tilespmem:$0x1CC80] =	vst v63  }
0x10: {  	_ =	swait.ge [sflag:s12], $0x1400  }
0x11: {  	[sflag:s12] =	ssyncset.done $0x0  }
0x12: {  	s19 =	simm.s32 $0x0;
	s20 =	simm.s32 $0x200;
	[sflag:s12] =	ssyncadd.s32 $0xFFFFEC00  }
.LBB2_2:
0x13: {  	p0 =	sne.s32 s20, $0xF800;
	[tilespmem:s19+$0x5470] =	vst v1  }
0x14: {  	[tilespmem:s19+$0x1400] =	vst v0  }
0x15: {  	[tilespmem:s19+$0x5400] =	vst v1  }
0x16: {  	[tilespmem:s19+$0x1410] =	vst v0  }
0x17: {  	[tilespmem:s19+$0x5410] =	vst v1  }
0x18: {  	[tilespmem:s19+$0x1420] =	vst v0  }
0x19: {  	[tilespmem:s19+$0x5420] =	vst v1  }
0x1a: {  	[tilespmem:s19+$0x1430] =	vst v0  }
0x1b: {  	[tilespmem:s19+$0x5430] =	vst v1  }
0x1c: {  	[tilespmem:s19+$0x1440] =	vst v0  }
0x1d: {  	[tilespmem:s19+$0x5440] =	vst v1  }
.Ltmp0:
0x1e: {  	[tilespmem:s19+$0x1450] =	vst v0;
	(pc) =	sbr.rel @p0 .LBB2_2-.Ltmp0, $4  }
0x1f: {  	[tilespmem:s19+$0x5450] =	vst v1  }
0x20: {  	[tilespmem:s19+$0x1460] =	vst v0  }
0x21: {  	[tilespmem:s19+$0x5460] =	vst v1  }
0x22: {  	[tilespmem:s19+$0x1470] =	vst v0;
	s19 =	sshra.s32 s20, $0x2;
	s20 =	sadd.s32 $0x200, s20  }
0x23: {  	[tilespmem:s19+$0x5470] =	vst v1  }
0x24: {  	[tilespmem:s19+$0x1400] =	vst v0  }
0x25: {  	[tilespmem:s19+$0x5400] =	vst v1  }
0x26: {  	[tilespmem:s19+$0x1410] =	vst v0  }
0x27: {  	[tilespmem:s19+$0x5410] =	vst v1  }
0x28: {  	[tilespmem:s19+$0x1420] =	vst v0  }
0x29: {  	[tilespmem:s19+$0x5420] =	vst v1  }
0x2a: {  	[tilespmem:s19+$0x1430] =	vst v0  }
0x2b: {  	[tilespmem:s19+$0x5430] =	vst v1  }
0x2c: {  	[tilespmem:s19+$0x1440] =	vst v0  }
0x2d: {  	[tilespmem:s19+$0x5440] =	vst v1  }
0x2e: {  	[tilespmem:s19+$0x1450] =	vst v0  }
0x2f: {  	[tilespmem:s19+$0x5450] =	vst v1  }
0x30: {  	[tilespmem:s19+$0x1460] =	vst v0  }
0x31: {  	[tilespmem:s19+$0x5460] =	vst v1  }
0x32: {  	[tilespmem:s19+$0x1470] =	vst v0  }
0x33: {  	[spmem:s6] =	stream.linear.scatter [tilespmem:s13], [sflag:$0x1], $0x3E80, $0x38;
	[tilespmem:$0x1CC80] =	vst v63  }
0x34: {  	_ =	swait.ge [sflag:s12], $0x3E80  }
0x35: {  	[sflag:s12] =	ssyncset.done $0x0  }
0x36: {  	[sflag:s12] =	ssyncadd.s32 $0xFFFFC180  }
0x37: {  	[spmem:s8] =	stream.linear.scatter [tilespmem:s13], [sflag:$0x1], $0x3E80, $0x38;
	[tilespmem:$0x1CC80] =	vst v63  }
0x38: {  	_ =	swait.ge [sflag:s12], $0x3E80  }
0x39: {  	[sflag:s12] =	ssyncset.done $0x0  }
0x3a: {  	[sflag:s12] =	ssyncadd.s32 $0xFFFFC180  }
0x3b: {  	[spmem:s9] =	stream.linear.scatter [tilespmem:s13], [sflag:$0x1], $0x3E80, $0x38;
	[tilespmem:$0x1CC80] =	vst v63  }
0x3c: {  	_ =	swait.ge [sflag:s12], $0x3E80  }
0x3d: {  	[sflag:s12] =	ssyncset.done $0x0  }
0x3e: {  	[sflag:s12] =	ssyncadd.s32 $0xFFFFC180  }
0x3f: {  	[spmem:s10] =	stream.linear.scatter [tilespmem:s13], [sflag:$0x1], $0x3E80, $0x38;
	[tilespmem:$0x1CC80] =	vst v63  }
0x40: {  	_ =	swait.ge [sflag:s12], $0x3E80  }
0x41: {  	[sflag:s12] =	ssyncset.done $0x0  }
0x42: {  	[sflag:s12] =	ssyncadd.s32 $0xFFFFC180  }
0x43: {  	[spmem:s11] =	stream.linear.scatter [tilespmem:s13], [sflag:$0x1], $0x3E80, $0x38;
	[tilespmem:$0x1CC80] =	vst v63  }
0x44: {  	_ =	swait.ge [sflag:s12], $0x3E80  }
0x45: {  	[sflag:s12] =	ssyncset.done $0x0  }
0x46: {  	[sflag:s12] =	ssyncadd.s32 $0xFFFFC180  }
0x47: {  	s31 =	simm.s32 $0x0;
	[bflag:$0x0] =	sbarrier.arrive $0xFFFF  }
0x48: {  	[spmem:s2] =	stream.indirect.scatter.add.f32 [tilespmem:s15], [sflag:$0x1], $0x80, s31, s14, $0xb8;
	[tilespmem:$0x1CC80] =	vst v63  }
0x49: {  	_ =	swait.ge [sflag:s12], $0x3E80  }
0x4a: {  	s19 =	simm.s32 $0x200;
	[sflag:s12] =	ssyncset.done $0x0  }
.LBB2_4:
0x4b: {  	s20 =	sshra.s32 s19, $0x2;
	[sflag:s12] =	ssyncadd.s32 $0xFFFFC180;
	p0 =	sne.s32 s19, $0x4E00  }
0x4c: {  	[spmem:s2] =	stream.indirect.scatter.add.f32 [tilespmem:s15], [sflag:$0x1], $0x80, s20, s14, $0xb8;
	[tilespmem:$0x1CC80] =	vst v63  }
.Ltmp1:
0x4d: {  	_ = 	snop;
	(pc) =	sbr.rel @p0 .LBB2_4-.Ltmp1, $4  }
0x4e: {  	_ = 	snop  }
0x4f: {  	s19 =	sadd.s32 $0x200, s19  }
0x50: {  	_ =	swait.ge [sflag:s12], $0x3E80  }
0x51: {  	[sflag:s12] =	ssyncset.done $0x0  }
0x52: {  	s18 =	sadd.s32 $0x1, s18  }
0x53: {  	[sflag:s12] =	ssyncadd.s32 $0xFFFFC180;
	p0 =	sne.s32 s18, s7  }
.Ltmp2:
0x54: {  	[bflag:$0x0] =	sbarrier.arrive $0xFFFF;
	(pc) =	sbr.rel @p0 .LBB2_1-.Ltmp2, $4  }
0x55: {  	[hbm:s5], [sflag:s16] =	dma.local [spmem:s17], $0x2710  }
0x56: {  	_ =	swait.ge [sflag:s12], $0x2710  }
0x57: {  	[sflag:s12] =	ssyncset.done $0x0  }
0x58: {  	[sflag:s12] =	ssyncadd.s32 $0xFFFFD8F0  }
0x59: {  	_ =	sfence.sel $0x180000  }
0x5a: {  	[bflag:$0x0] =	sbarrier.arrive $0xFFFF  }
0x5b: {  	p0 =	sne.s32 s0, $0x0;
	_ =	strace $0x90000047  }
0x5c: {  	s0 =	sadd.s32 @!p0 $0x100000, s1;
	[bflag:$0x2] =	sbarrier.arrive $0xFFFF  }
0x5d: {  	[sflag:s0] =	ssyncadd.tile.s32 @!p0 $0x1;
	_ =	shalt  }
.Lfunc_end2:
_tile_overlayer_lowered:
.L_overlay_start_2:
0x5e: {  	(tag) =	ssettag $0x2  }
0x5f: {  	s0 =	rddreg [dreg:$0x0];
	s2 =	stileid.u32  }
0x60: {  	s1 =	rddreg [dreg:$0x1];
	p0 =	sne.s32 s2, $0x0  }
0x61: {  	s3 =	rddreg [dreg:$0x2];
	[bflag:$0x3] =	sbarrier.arrive $0xFFFF;
	s2 =	simm.s32 @!p0 $0x1C01  }
0x62: {  	[timem:s3], [sflag:s2] =	dma.local @!p0 [hbm:s0], s1  }
0x63: {  	s0 =	simm.s32 @!p0 $0x1  }
0x64: {  	_ =	swait.ge @!p0 [sflag:s0], s1  }
0x65: {  	s1 =	ssub.s32 @!p0 $0x0, s1;
	[sflag:s0] =	ssyncset.done @!p0 $0x0  }
0x66: {  	[sflag:s0] =	ssyncadd.s32 @!p0 s1  }
0x67: {  	[bflag:$0x3] =	sbarrier.arrive $0xFFFF  }
0x68: {  	_ =	shalt  }

</sc_bundles>
